<compile_context>
chip_gen: v7x
topology: tpu7x:2x2x1
jax: 0.10.2.dev20260603
libtpu: 0.0.44.dev20260713+nightly
codegen_flags: <defaults>
</compile_context>

<pallas_src>
import functools

import jax
import jax.numpy as jnp
from jax import lax
from jax.experimental import pallas as pl
from jax.experimental.pallas import tpu as pltpu
from jax.experimental.pallas import tpu_sc as plsc

NUM_NODES = 50000
N_LOCAL = 50000
E = 800000
NUM_EVENTS = 1000000
B = 4096
MSG_DIM = 16
MEM_DIM = 64
TIME_DIM = 16
EMB_DIM = 64
HEADS = 2
HEAD_DIM = EMB_DIM // HEADS
INV_SQRT_C = 1.0 / (HEAD_DIM ** 0.5)

NC = 2
NS = 16
L = 16

W = 128
EPAD = 802816
CA = EPAD // (NC * NS)
CC = EPAD // NS
NT = 50008
NACC = 50048
ZR = NACC // NS
CH = 136
AW = 32

ROW_BLK = 2000
EB = 1024

_sc_params = pltpu.CompilerParams(use_tc_tiling_on_sc=False,
                                  needs_layout_passes=False)
_mesh = plsc.VectorSubcoreMesh(core_axis_name="c", subcore_axis_name="s")


def _proj_body(z_ref, w_ref, b_ref, q_ref, kv_ref, sk_ref):
    qkvs = jnp.dot(z_ref[...], w_ref[...],
                   preferred_element_type=jnp.float32) + b_ref[...]
    q_ref[0] = qkvs[:, 0:32]
    q_ref[1] = qkvs[:, 32:64]
    kv_ref[0] = jnp.concatenate([qkvs[:, 64:96], qkvs[:, 128:160]], axis=1)
    kv_ref[1] = jnp.concatenate([qkvs[:, 96:128], qkvs[:, 160:192]], axis=1)
    sk_ref[...] = qkvs[:, 192:256]


def _projections(z, w_all_t, b_all):
    grid = (N_LOCAL // ROW_BLK,)
    return pl.pallas_call(
        _proj_body,
        grid=grid,
        in_specs=[
            pl.BlockSpec((ROW_BLK, MEM_DIM), lambda i: (i, 0)),
            pl.BlockSpec((MEM_DIM, 4 * EMB_DIM), lambda i: (0, 0)),
            pl.BlockSpec((1, 4 * EMB_DIM), lambda i: (0, 0)),
        ],
        out_specs=[
            pl.BlockSpec((2, ROW_BLK, 32), lambda i: (0, i, 0)),
            pl.BlockSpec((2, ROW_BLK, 64), lambda i: (0, i, 0)),
            pl.BlockSpec((ROW_BLK, 64), lambda i: (i, 0)),
        ],
        out_shape=[
            jax.ShapeDtypeStruct((2, N_LOCAL, 32), jnp.float32),
            jax.ShapeDtypeStruct((2, N_LOCAL, 64), jnp.float32),
            jax.ShapeDtypeStruct((N_LOCAL, 64), jnp.float32),
        ],
    )(z, w_all_t, b_all)


def _edge_gather_kernel(src_ids, e_ids, lu_hbm, t_hbm, msg_hbm,
                        lug_out, tg_out, msgg_out,
                        sidx, eidx, lub, tb, msgb, sem):
    wid = lax.axis_index("s") * NC + lax.axis_index("c")
    tile_base = wid * CA

    def body(g, _):
        base = tile_base + g * W
        pltpu.sync_copy(src_ids.at[pl.ds(base, W)], sidx)
        pltpu.sync_copy(e_ids.at[pl.ds(base, W)], eidx)
        c1 = pltpu.async_copy(lu_hbm.at[sidx], lub, sem)
        c2 = pltpu.async_copy(t_hbm.at[eidx], tb, sem)
        c3 = pltpu.async_copy(msg_hbm.at[eidx], msgb, sem)
        c1.wait(); c2.wait(); c3.wait()
        pltpu.sync_copy(lub, lug_out.at[pl.ds(base, W)])
        pltpu.sync_copy(tb, tg_out.at[pl.ds(base, W)])
        pltpu.sync_copy(msgb, msgg_out.at[pl.ds(base, W)])
        return _

    lax.fori_loop(0, CA // W, body, 0)


def _edge_gather(src_pad, eid_pad, lu, t, msg):
    f = functools.partial(
        pl.kernel, mesh=_mesh, compiler_params=_sc_params,
        out_type=[
            jax.ShapeDtypeStruct((EPAD,), jnp.float32),
            jax.ShapeDtypeStruct((EPAD,), jnp.float32),
            jax.ShapeDtypeStruct((EPAD, MSG_DIM), jnp.float32),
        ],
        scratch_types=[
            pltpu.VMEM((W,), jnp.int32),
            pltpu.VMEM((W,), jnp.int32),
            pltpu.VMEM((W,), jnp.float32),
            pltpu.VMEM((W,), jnp.float32),
            pltpu.VMEM((W, MSG_DIM), jnp.float32),
            pltpu.SemaphoreType.DMA,
        ],
    )(_edge_gather_kernel)
    return f(src_pad, eid_pad, lu, t, msg)


def _eproj_body(rel_ref, msg_ref, tw_ref, tb_ref, we0_ref, we1_ref, o_ref):
    enc = jnp.cos(rel_ref[...] * tw_ref[...] + tb_ref[...])
    ea = jnp.concatenate([enc, msg_ref[...]], axis=1)
    o_ref[0] = jnp.dot(ea, we0_ref[...], preferred_element_type=jnp.float32)
    o_ref[1] = jnp.dot(ea, we1_ref[...], preferred_element_type=jnp.float32)


def _eproj(lug, tg, msgg, time_w, time_b, We):
    rel = (lug - tg).reshape(EPAD, 1)
    we0 = We[0:32, :].T
    we1 = We[32:64, :].T
    tw = time_w[:, 0].reshape(1, TIME_DIM)
    tb = time_b.reshape(1, TIME_DIM)
    return pl.pallas_call(
        _eproj_body,
        grid=(EPAD // EB,),
        in_specs=[
            pl.BlockSpec((EB, 1), lambda i: (i, 0)),
            pl.BlockSpec((EB, MSG_DIM), lambda i: (i, 0)),
            pl.BlockSpec((1, TIME_DIM), lambda i: (0, 0)),
            pl.BlockSpec((1, TIME_DIM), lambda i: (0, 0)),
            pl.BlockSpec((32, 32), lambda i: (0, 0)),
            pl.BlockSpec((32, 32), lambda i: (0, 0)),
        ],
        out_specs=pl.BlockSpec((2, EB, 32), lambda i: (0, i, 0)),
        out_shape=jax.ShapeDtypeStruct((2, EPAD, 32), jnp.float32),
    )(rel, msgg, tw, tb, we0, we1)


def _attn_kernel(srcadj, dstadj, dst_ids, qflat, kvflat, eflat, zrows, zden,
                 acc_out, den_out,
                 sidx0, didx0, adidx0, sidx1, didx1, adidx1, qg, kvg, eg,
                 rows, exb, zb, db, acc, denacc, sem_g, sem_i, sem_s):
    c = lax.axis_index("c")
    s = lax.axis_index("s")
    c_nt = c * NT

    pltpu.sync_copy(zrows, zb)
    pltpu.sync_copy(zden, db)

    def zinit(kk, _):
        pltpu.sync_copy(zb, acc.at[pl.ds(s * ZR + kk * CH, CH)])
        pltpu.sync_copy(db, denacc.at[pl.ds(s * ZR + kk * CH, CH)])
        return _

    lax.fori_loop(0, ZR // CH, zinit, 0)
    plsc.subcore_barrier()

    iota = lax.iota(jnp.int32, L)
    m0 = iota == 0
    tile_base = s * CC
    n_it = CC // W

    ebase = c * EPAD + tile_base
    pltpu.sync_copy(srcadj.at[pl.ds(ebase, W)], sidx0)
    pltpu.sync_copy(dstadj.at[pl.ds(ebase, W)], adidx0)
    pltpu.sync_copy(dst_ids.at[pl.ds(tile_base, W)], didx0)

    def compute(qg_r, kvg_r, eg_r):
        def grp(j, _):
            base_w = j * L
            for kk in range(L):
                w = base_w + kk
                q0 = qg_r[w, pl.ds(0, L)]
                q1 = qg_r[w, pl.ds(L, L)]
                k0 = kvg_r[w, pl.ds(0, L)]
                k1 = kvg_r[w, pl.ds(L, L)]
                e0 = eg_r[w, pl.ds(0, L)]
                e1 = eg_r[w, pl.ds(L, L)]
                aw = jnp.sum(q0 * (k0 + e0) + q1 * (k1 + e1)) * INV_SQRT_C
                exv = jnp.exp(jnp.full((L,), aw, jnp.float32))
                v0 = kvg_r[w, pl.ds(2 * L, L)]
                v1 = kvg_r[w, pl.ds(3 * L, L)]
                rows[w, pl.ds(0, L)] = (v0 + e0) * exv
                rows[w, pl.ds(L, L)] = (v1 + e1) * exv
                plsc.store_scatter(exb, [jnp.full((L,), w, jnp.int32)], exv,
                                   mask=m0)
            return _

        lax.fori_loop(0, W // L, grp, 0)

    def super_body(G, _):
        for bslot in (0, 1):
            g = 2 * G + bslot
            sidx_b = sidx0 if bslot == 0 else sidx1
            didx_b = didx0 if bslot == 0 else didx1
            adidx_b = adidx0 if bslot == 0 else adidx1
            sidx_n = sidx1 if bslot == 0 else sidx0
            didx_n = didx1 if bslot == 0 else didx0
            adidx_n = adidx1 if bslot == 0 else adidx0
            base = tile_base + g * W

            c1 = pltpu.async_copy(qflat.at[adidx_b], qg, sem_g)
            c2 = pltpu.async_copy(kvflat.at[sidx_b], kvg, sem_g)
            c3 = pltpu.async_copy(eflat.at[pl.ds(c * EPAD + base, W)], eg,
                                  sem_g)

            @pl.when(G + bslot > 0)
            def _wait_prev_scatter():
                pltpu.make_async_copy(rows, acc.at[didx_n], sem_s).wait()
                pltpu.make_async_copy(exb, denacc.at[didx_n], sem_s).wait()

            @pl.when(g + 1 < n_it)
            def _prefetch():
                nbase = tile_base + (g + 1) * W
                pltpu.async_copy(srcadj.at[pl.ds(ebase + (g + 1) * W, W)],
                                 sidx_n, sem_i)
                pltpu.async_copy(dstadj.at[pl.ds(ebase + (g + 1) * W, W)],
                                 adidx_n, sem_i)
                pltpu.async_copy(dst_ids.at[pl.ds(nbase, W)], didx_n, sem_i)

            c1.wait(); c2.wait(); c3.wait()
            compute(qg, kvg, eg)
            pltpu.async_copy(rows, acc.at[didx_b], sem_s, add=True)
            pltpu.async_copy(exb, denacc.at[didx_b], sem_s, add=True)

            @pl.when(g + 1 < n_it)
            def _wait_prefetch():
                pltpu.make_async_copy(dst_ids.at[pl.ds(0, W)], sidx_n,
                                      sem_i).wait()
                pltpu.make_async_copy(dst_ids.at[pl.ds(0, W)], adidx_n,
                                      sem_i).wait()
                pltpu.make_async_copy(dst_ids.at[pl.ds(0, W)], didx_n,
                                      sem_i).wait()
        return _

    lax.fori_loop(0, n_it // 2, super_body, 0)
    pltpu.make_async_copy(rows, acc.at[didx1], sem_s).wait()
    pltpu.make_async_copy(exb, denacc.at[didx1], sem_s).wait()
    plsc.subcore_barrier()

    def wback(kk, _):
        pltpu.sync_copy(acc.at[pl.ds(s * ZR + kk * CH, CH)], zb)
        pltpu.sync_copy(zb, acc_out.at[pl.ds(c * NACC + s * ZR + kk * CH, CH)])
        pltpu.sync_copy(denacc.at[pl.ds(s * ZR + kk * CH, CH)], db)
        pltpu.sync_copy(db, den_out.at[pl.ds(c * NACC + s * ZR + kk * CH, CH)])
        return _

    lax.fori_loop(0, ZR // CH, wback, 0)


def _attention(srcadj, dstadj, dst_pad, qflat, kvflat, eflat, zrows, zden):
    f = functools.partial(
        pl.kernel, mesh=_mesh, compiler_params=_sc_params,
        out_type=[
            jax.ShapeDtypeStruct((2 * NACC, AW), jnp.float32),
            jax.ShapeDtypeStruct((2 * NACC,), jnp.float32),
        ],
        scratch_types=[
            pltpu.VMEM((W,), jnp.int32),
            pltpu.VMEM((W,), jnp.int32),
            pltpu.VMEM((W,), jnp.int32),
            pltpu.VMEM((W,), jnp.int32),
            pltpu.VMEM((W,), jnp.int32),
            pltpu.VMEM((W,), jnp.int32),
            pltpu.VMEM((W, 32), jnp.float32),
            pltpu.VMEM((W, 64), jnp.float32),
            pltpu.VMEM((W, 32), jnp.float32),
            pltpu.VMEM((W, AW), jnp.float32),
            pltpu.VMEM((W,), jnp.float32),
            pltpu.VMEM((CH, AW), jnp.float32),
            pltpu.VMEM((CH,), jnp.float32),
            pltpu.VMEM_SHARED((NACC, AW), jnp.float32),
            pltpu.VMEM_SHARED((NACC,), jnp.float32),
            pltpu.SemaphoreType.DMA,
            pltpu.SemaphoreType.DMA,
            pltpu.SemaphoreType.DMA,
        ],
    )(_attn_kernel)
    return f(srcadj, dstadj, dst_pad, qflat, kvflat, eflat, zrows, zden)


def _batch_gather_kernel(ids, accflat, denflat, skipt,
                         g0_out, g1_out, gd0_out, gd1_out, gs_out,
                         idx, aidx, a0b, a1b, d0b, d1b, skb, sem):
    wid = lax.axis_index("s") * NC + lax.axis_index("c")
    nb = (3 * B) // (NC * NS)
    tile_base = wid * nb

    def body(g, _):
        base = tile_base + g * W
        pltpu.sync_copy(ids.at[pl.ds(base, W)], idx)

        def adj(j, _):
            sl = pl.ds(j * L, L)
            aidx[sl] = idx[sl] + NACC
            return _

        lax.fori_loop(0, W // L, adj, 0)
        c1 = pltpu.async_copy(accflat.at[idx], a0b, sem)
        c2 = pltpu.async_copy(accflat.at[aidx], a1b, sem)
        c3 = pltpu.async_copy(denflat.at[idx], d0b, sem)
        c4 = pltpu.async_copy(denflat.at[aidx], d1b, sem)
        c5 = pltpu.async_copy(skipt.at[idx], skb, sem)
        c1.wait(); c2.wait(); c3.wait(); c4.wait(); c5.wait()
        pltpu.sync_copy(a0b, g0_out.at[pl.ds(base, W)])
        pltpu.sync_copy(a1b, g1_out.at[pl.ds(base, W)])
        pltpu.sync_copy(d0b, gd0_out.at[pl.ds(base, W)])
        pltpu.sync_copy(d1b, gd1_out.at[pl.ds(base, W)])
        pltpu.sync_copy(skb, gs_out.at[pl.ds(base, W)])
        return _

    lax.fori_loop(0, nb // W, body, 0)


def _batch_gather(ids, accflat, denflat, skipt):
    f = functools.partial(
        pl.kernel, mesh=_mesh, compiler_params=_sc_params,
        out_type=[
            jax.ShapeDtypeStruct((3 * B, AW), jnp.float32),
            jax.ShapeDtypeStruct((3 * B, AW), jnp.float32),
            jax.ShapeDtypeStruct((3 * B,), jnp.float32),
            jax.ShapeDtypeStruct((3 * B,), jnp.float32),
            jax.ShapeDtypeStruct((3 * B, 64), jnp.float32),
        ],
        scratch_types=[
            pltpu.VMEM((W,), jnp.int32),
            pltpu.VMEM((W,), jnp.int32),
            pltpu.VMEM((W, AW), jnp.float32),
            pltpu.VMEM((W, AW), jnp.float32),
            pltpu.VMEM((W,), jnp.float32),
            pltpu.VMEM((W,), jnp.float32),
            pltpu.VMEM((W, 64), jnp.float32),
            pltpu.SemaphoreType.DMA,
        ],
    )(_batch_gather_kernel)
    return f(ids, accflat, denflat, skipt)


def _final_body(g0_ref, g1_ref, gd0_ref, gd1_ref, gs_ref, ws_ref, wd_ref,
                bsd_ref, wf_ref, bf_ref, pos_ref, neg_ref):
    out = jnp.concatenate(
        [g0_ref[...] / (gd0_ref[...] + 1e-16),
         g1_ref[...] / (gd1_ref[...] + 1e-16)], axis=1) + gs_ref[...]
    zs = out[0:B]
    zd = out[B:2 * B]
    zn = out[2 * B:3 * B]
    sws = jnp.dot(zs, ws_ref[...], preferred_element_type=jnp.float32) + bsd_ref[...]
    hp = jnp.maximum(sws + jnp.dot(zd, wd_ref[...], preferred_element_type=jnp.float32), 0.0)
    hn = jnp.maximum(sws + jnp.dot(zn, wd_ref[...], preferred_element_type=jnp.float32), 0.0)
    pos_ref[...] = jnp.dot(hp, wf_ref[...], preferred_element_type=jnp.float32) + bf_ref[...]
    neg_ref[...] = jnp.dot(hn, wf_ref[...], preferred_element_type=jnp.float32) + bf_ref[...]


def _final(g0, g1, gd0, gd1, gs, lp_Ws, lp_bs, lp_Wd, lp_bd, lp_Wf, lp_bf):
    bsd = (lp_bs + lp_bd).reshape(1, EMB_DIM)
    nb = 3 * B
    return pl.pallas_call(
        _final_body,
        grid=(1,),
        in_specs=[
            pl.BlockSpec((nb, AW), lambda i: (0, 0)),
            pl.BlockSpec((nb, AW), lambda i: (0, 0)),
            pl.BlockSpec((nb, 1), lambda i: (0, 0)),
            pl.BlockSpec((nb, 1), lambda i: (0, 0)),
            pl.BlockSpec((nb, 64), lambda i: (0, 0)),
            pl.BlockSpec((EMB_DIM, EMB_DIM), lambda i: (0, 0)),
            pl.BlockSpec((EMB_DIM, EMB_DIM), lambda i: (0, 0)),
            pl.BlockSpec((1, EMB_DIM), lambda i: (0, 0)),
            pl.BlockSpec((EMB_DIM, 1), lambda i: (0, 0)),
            pl.BlockSpec((1, 1), lambda i: (0, 0)),
        ],
        out_specs=[
            pl.BlockSpec((B, 1), lambda i: (0, 0)),
            pl.BlockSpec((B, 1), lambda i: (0, 0)),
        ],
        out_shape=[
            jax.ShapeDtypeStruct((B, 1), jnp.float32),
            jax.ShapeDtypeStruct((B, 1), jnp.float32),
        ],
    )(g0, g1, gd0.reshape(nb, 1), gd1.reshape(nb, 1), gs,
      lp_Ws.T, lp_Wd.T, bsd, lp_Wf.T, lp_bf.reshape(1, 1))


def kernel(src, dst, neg_dst, n_id, edge_index, e_id, last_update, msg, t,
           memory_table, last_update_mem, time_w, time_b,
           Wq, bq, Wk, bk, Wv, bv, We, Wskip, bskip,
           lp_Ws, lp_bs, lp_Wd, lp_bd, lp_Wf, lp_bf):
    z = memory_table
    lu = last_update_mem

    npad = EPAD - E
    src_pad = jnp.concatenate([edge_index[0], jnp.zeros((npad,), jnp.int32)])
    dst_pad = jnp.concatenate(
        [edge_index[1], jnp.full((npad,), N_LOCAL, jnp.int32)])
    eid_pad = jnp.concatenate([e_id, jnp.zeros((npad,), jnp.int32)])

    w_all_t = jnp.concatenate([Wq, Wk, Wv, Wskip], axis=0).T
    b_all = jnp.concatenate([bq, bk, bv, bskip]).reshape(1, -1)
    qh, kvh, skipt = _projections(z, w_all_t, b_all)
    qflat = jnp.pad(qh, ((0, 0), (0, NT - N_LOCAL), (0, 0))).reshape(2 * NT, 32)
    kvflat = jnp.pad(kvh, ((0, 0), (0, NT - N_LOCAL), (0, 0))).reshape(2 * NT, 64)

    lug, tg, msgg = _edge_gather(src_pad, eid_pad, lu, t, msg)

    eproj = _eproj(lug, tg, msgg, time_w, time_b, We).reshape(2 * EPAD, 32)

    zrows = jnp.zeros((CH, AW), jnp.float32)
    zden = jnp.zeros((CH,), jnp.float32)
    srcadj = jnp.concatenate([src_pad, src_pad + NT])
    dstadj = jnp.concatenate([dst_pad, dst_pad + NT])
    accflat, denflat = _attention(srcadj, dstadj, dst_pad, qflat, kvflat,
                                  eproj, zrows, zden)

    ids = jnp.concatenate([src, dst, neg_dst]).astype(jnp.int32)
    g0, g1, gd0, gd1, gs = _batch_gather(ids, accflat, denflat, skipt)

    return _final(g0, g1, gd0, gd1, gs,
                  lp_Ws, lp_bs, lp_Wd, lp_bd, lp_Wf, lp_bf)

# --- scband reference (transcript-rebuilt; emitter-appended) ---
"""Pipeline reference for scband-tgnmodel-47493748359504 (READ-ONLY COPY).

The authoritative reference and input builder live on the scoring server;
editing this copy changes nothing except your own understanding.
"""

import jax, jax.numpy as jnp
import numpy as np

NUM_NODES = 50000
N_LOCAL = 50000
E = 800000
NUM_EVENTS = 1000000
B = 4096
MSG_DIM = 16
MEM_DIM = 64
TIME_DIM = 16
EMB_DIM = 64
HEADS = 2
HEAD_DIM = EMB_DIM // HEADS
EDGE_DIM = MSG_DIM + TIME_DIM


def setup_inputs(seed: int = 0):
    key = jax.random.key(seed)
    ks = jax.random.split(key, 32)
    s = 0.05
    inp = {}
    inp["src"] = jax.random.randint(ks[0], (B,), 0, N_LOCAL)
    inp["dst"] = jax.random.randint(ks[1], (B,), 0, N_LOCAL)
    inp["neg_dst"] = jax.random.randint(ks[2], (B,), 0, N_LOCAL)
    inp["n_id"] = jnp.arange(N_LOCAL)
    inp["edge_index"] = jax.random.randint(ks[3], (2, E), 0, N_LOCAL)
    inp["e_id"] = jax.random.randint(ks[4], (E,), 0, NUM_EVENTS)
    inp["last_update"] = jax.random.uniform(ks[5], (N_LOCAL,), dtype=jnp.float32)
    inp["msg"] = jax.random.normal(ks[6], (NUM_EVENTS, MSG_DIM), dtype=jnp.float32)
    inp["t"] = jax.random.uniform(ks[7], (NUM_EVENTS,), dtype=jnp.float32)
    # learned / state parameters
    inp["memory_table"] = jax.random.normal(ks[8], (NUM_NODES, MEM_DIM), dtype=jnp.float32)
    inp["last_update_mem"] = jax.random.uniform(ks[9], (NUM_NODES,), dtype=jnp.float32)
    inp["time_w"] = jax.random.normal(ks[10], (TIME_DIM, 1), dtype=jnp.float32) * s
    inp["time_b"] = jax.random.normal(ks[11], (TIME_DIM,), dtype=jnp.float32) * s
    inp["Wq"] = jax.random.normal(ks[12], (EMB_DIM, MEM_DIM), dtype=jnp.float32) * s
    inp["bq"] = jax.random.normal(ks[13], (EMB_DIM,), dtype=jnp.float32) * s
    inp["Wk"] = jax.random.normal(ks[14], (EMB_DIM, MEM_DIM), dtype=jnp.float32) * s
    inp["bk"] = jax.random.normal(ks[15], (EMB_DIM,), dtype=jnp.float32) * s
    inp["Wv"] = jax.random.normal(ks[16], (EMB_DIM, MEM_DIM), dtype=jnp.float32) * s
    inp["bv"] = jax.random.normal(ks[17], (EMB_DIM,), dtype=jnp.float32) * s
    inp["We"] = jax.random.normal(ks[18], (EMB_DIM, EDGE_DIM), dtype=jnp.float32) * s
    inp["Wskip"] = jax.random.normal(ks[19], (EMB_DIM, MEM_DIM), dtype=jnp.float32) * s
    inp["bskip"] = jax.random.normal(ks[20], (EMB_DIM,), dtype=jnp.float32) * s
    inp["lp_Ws"] = jax.random.normal(ks[21], (EMB_DIM, EMB_DIM), dtype=jnp.float32) * s
    inp["lp_bs"] = jax.random.normal(ks[22], (EMB_DIM,), dtype=jnp.float32) * s
    inp["lp_Wd"] = jax.random.normal(ks[23], (EMB_DIM, EMB_DIM), dtype=jnp.float32) * s
    inp["lp_bd"] = jax.random.normal(ks[24], (EMB_DIM,), dtype=jnp.float32) * s
    inp["lp_Wf"] = jax.random.normal(ks[25], (1, EMB_DIM), dtype=jnp.float32) * s
    inp["lp_bf"] = jax.random.normal(ks[26], (1,), dtype=jnp.float32) * s
    return inp


def reference(src, dst, neg_dst, n_id, edge_index, e_id, last_update, msg, t,
              memory_table, last_update_mem, time_w, time_b,
              Wq, bq, Wk, bk, Wv, bv, We, Wskip, bskip,
              lp_Ws, lp_bs, lp_Wd, lp_bd, lp_Wf, lp_bf):
    # --- TGNMemory(n_id): gather per-node memory state and last-update times ---
    z = jnp.take(memory_table, n_id, axis=0)              # [N_local, MEM_DIM]
    lu = jnp.take(last_update_mem, n_id, axis=0)          # [N_local]
    src_e = edge_index[0]
    dst_e = edge_index[1]
    # --- GraphAttentionEmbedding: relative time encoding + edge attrs ---
    rel_t = lu[src_e] - t[e_id]                           # [E]
    rel_t_enc = jnp.cos(rel_t[:, None] * time_w[:, 0][None, :] + time_b[None, :])  # [E, TIME_DIM]
    edge_attr = jnp.concatenate([rel_t_enc, msg[e_id]], axis=-1)  # [E, EDGE_DIM]
    # --- TransformerConv (heads=2, concat=True, root_weight=True, eval => no dropout) ---
    H, C = HEADS, HEAD_DIM
    n_local = z.shape[0]
    q = (z @ Wq.T + bq).reshape(n_local, H, C)
    k = (z @ Wk.T + bk).reshape(n_local, H, C)
    v = (z @ Wv.T + bv).reshape(n_local, H, C)
    e = (edge_attr @ We.T).reshape(-1, H, C)
    k_j = k[src_e] + e
    v_j = v[src_e] + e
    q_i = q[dst_e]
    alpha = jnp.sum(q_i * k_j, axis=-1) / jnp.sqrt(float(C))   # [E, H]
    amax = jax.ops.segment_max(alpha, dst_e, num_segments=n_local)
    amax = jnp.where(jnp.isfinite(amax), amax, 0.0)
    ex = jnp.exp(alpha - amax[dst_e])
    denom = jax.ops.segment_sum(ex, dst_e, num_segments=n_local)
    attn = ex / (denom[dst_e] + 1e-16)
    out_e = v_j * attn[:, :, None]
    out = jax.ops.segment_sum(out_e, dst_e, num_segments=n_local).reshape(n_local, H * C)
    out = out + (z @ Wskip.T + bskip)                     # [N_local, EMB_DIM]
    # --- assoc: global node id -> local row in z ---
    assoc = jnp.zeros((NUM_NODES,), dtype=jnp.int32).at[n_id].set(
        jnp.arange(n_local, dtype=jnp.int32))
    z_src = out[assoc[src]]
    z_dst = out[assoc[dst]]
    z_neg = out[assoc[neg_dst]]
    # --- LinkPredictor ---
    def link_pred(a, b):
        h = a @ lp_Ws.T + lp_bs + b @ lp_Wd.T + lp_bd
        h = jax.nn.relu(h)
        return h @ lp_Wf.T + lp_bf
    pos_out = link_pred(z_src, z_dst)
    neg_out = link_pred(z_src, z_neg)
    return (pos_out, neg_out)

if __name__ == "__main__":
    import jax
    _d = setup_inputs()
    print(jax.jit(kernel)(*tuple(_d.values())))

</pallas_src>

<mosaic_0001>
#map = affine_map<(d0, d1) -> (0)>
#map1 = affine_map<(d0, d1) -> (0, 0)>
module attributes {stable_mosaic.version = 14 : i64} {
  func.func @_attn_kernel(%arg0: i32, %arg1: i32, %arg2: memref<1605632xi32, #tpu.memory_space<hbm>>, %arg3: memref<1605632xi32, #tpu.memory_space<hbm>>, %arg4: memref<802816xi32, #tpu.memory_space<hbm>>, %arg5: memref<100016x32xf32, #tpu.memory_space<hbm>>, %arg6: memref<100016x64xf32, #tpu.memory_space<hbm>>, %arg7: memref<1605632x32xf32, #tpu.memory_space<hbm>>, %arg8: memref<136x32xf32, #tpu.memory_space<hbm>>, %arg9: memref<136xf32, #tpu.memory_space<hbm>>, %arg10: memref<100096x32xf32, #tpu.memory_space<hbm>>, %arg11: memref<100096xf32, #tpu.memory_space<hbm>>, %arg12: memref<128xi32, #tpu.memory_space<vmem>>, %arg13: memref<128xi32, #tpu.memory_space<vmem>>, %arg14: memref<128xi32, #tpu.memory_space<vmem>>, %arg15: memref<128xi32, #tpu.memory_space<vmem>>, %arg16: memref<128xi32, #tpu.memory_space<vmem>>, %arg17: memref<128xi32, #tpu.memory_space<vmem>>, %arg18: memref<128x32xf32, #tpu.memory_space<vmem>>, %arg19: memref<128x64xf32, #tpu.memory_space<vmem>>, %arg20: memref<128x32xf32, #tpu.memory_space<vmem>>, %arg21: memref<128x32xf32, #tpu.memory_space<vmem>>, %arg22: memref<128xf32, #tpu.memory_space<vmem>>, %arg23: memref<136x32xf32, #tpu.memory_space<vmem>>, %arg24: memref<136xf32, #tpu.memory_space<vmem>>, %arg25: memref<50048x32xf32, #tpu.memory_space<vmem_shared>>, %arg26: memref<50048xf32, #tpu.memory_space<vmem_shared>>, %arg27: memref<!tpu.dma_semaphore, #tpu.memory_space<semaphore_mem>>, %arg28: memref<!tpu.dma_semaphore, #tpu.memory_space<semaphore_mem>>, %arg29: memref<!tpu.dma_semaphore, #tpu.memory_space<semaphore_mem>>) attributes {dimension_semantics = [#tpu.dimension_semantics<core_parallel>, #tpu.dimension_semantics<subcore_parallel>], iteration_bounds = array<i64: 2, 16>, scalar_prefetch = 0 : i64, scratch_operands = 18 : i64, tpu.core_type = #tpu.core_type<sc_vector_subcore>, window_params = [{transform_indices = #map}, {transform_indices = #map}, {transform_indices = #map}, {transform_indices = #map1}, {transform_indices = #map1}, {transform_indices = #map1}, {transform_indices = #map1}, {transform_indices = #map}, {transform_indices = #map1}, {transform_indices = #map}]} {
    %mul3A = arith.constant 50008 : i32
    %mul3A_0 = arith.muli %arg0, %mul3A : i32
    "tpu.region"() ({
      %run_scoped3A = tpu.sem_alloc : memref<!tpu.dma_semaphore, #tpu.memory_space<semaphore_mem>>
      tpu.enqueue_dma source(%arg8 : memref<136x32xf32, #tpu.memory_space<hbm>>) target(%arg23 : memref<136x32xf32, #tpu.memory_space<vmem>>) target_semaphore(%run_scoped3A : memref<!tpu.dma_semaphore, #tpu.memory_space<semaphore_mem>>)
      tpu.wait_dma2 semaphore(%run_scoped3A : memref<!tpu.dma_semaphore, #tpu.memory_space<semaphore_mem>>) src(%arg8 : memref<136x32xf32, #tpu.memory_space<hbm>>) dst(%arg23 : memref<136x32xf32, #tpu.memory_space<vmem>>)
      tpu.yield
    }) : () -> ()
    "tpu.region"() ({
      %run_scoped3A = tpu.sem_alloc : memref<!tpu.dma_semaphore, #tpu.memory_space<semaphore_mem>>
      tpu.enqueue_dma source(%arg9 : memref<136xf32, #tpu.memory_space<hbm>>) target(%arg24 : memref<136xf32, #tpu.memory_space<vmem>>) target_semaphore(%run_scoped3A : memref<!tpu.dma_semaphore, #tpu.memory_space<semaphore_mem>>)
      tpu.wait_dma2 semaphore(%run_scoped3A : memref<!tpu.dma_semaphore, #tpu.memory_space<semaphore_mem>>) src(%arg9 : memref<136xf32, #tpu.memory_space<hbm>>) dst(%arg24 : memref<136xf32, #tpu.memory_space<vmem>>)
      tpu.yield
    }) : () -> ()
    %scan3A = arith.constant 0 : i32
    %scan3A_1 = arith.constant 0 : i32
    %scan3A_2 = arith.constant 23 : i32
    %scan3A_3 = arith.addi %scan3A_1, %scan3A_2 : i32
    %scan3A_4 = arith.constant 1 : i32
    scf.for %scan3A_29 = %scan3A_1 to %scan3A_3 step %scan3A_4  : i32 {
      %mul3A_30 = arith.constant 3128 : i32
      %mul3A_31 = arith.muli %arg1, %mul3A_30 : i32
      %mul3A_32 = arith.constant 136 : i32
      %mul3A_33 = arith.muli %scan3A_29, %mul3A_32 : i32
      %add3A_34 = arith.addi %mul3A_31, %mul3A_33 : i32
      "tpu.region"() ({
        %run_scoped3A = tpu.sem_alloc : memref<!tpu.dma_semaphore, #tpu.memory_space<semaphore_mem>>
        %dma_start3A = arith.constant 0 : i32
        %dma_start3A_40 = tpu.memref_slice %arg25[%add3A_34, %dma_start3A] : memref<50048x32xf32, #tpu.memory_space<vmem_shared>> -> memref<136x32xf32, #tpu.memory_space<vmem_shared>>
        %dma_start3A_41 = arith.constant 0 : i32
        %dma_start3A_42 = tpu.memref_slice %arg25[%add3A_34, %dma_start3A_41] : memref<50048x32xf32, #tpu.memory_space<vmem_shared>> -> memref<136x32xf32, #tpu.memory_space<vmem_shared>>
        tpu.enqueue_dma source(%arg23 : memref<136x32xf32, #tpu.memory_space<vmem>>) target(%dma_start3A_42 : memref<136x32xf32, #tpu.memory_space<vmem_shared>>) target_semaphore(%run_scoped3A : memref<!tpu.dma_semaphore, #tpu.memory_space<semaphore_mem>>)
        %dma_wait3A_43 = arith.constant 0 : i32
        %dma_wait3A_44 = tpu.memref_slice %arg25[%add3A_34, %dma_wait3A_43] : memref<50048x32xf32, #tpu.memory_space<vmem_shared>> -> memref<136x32xf32, #tpu.memory_space<vmem_shared>>
        %dma_wait3A_45 = arith.constant 0 : i32
        %dma_wait3A_46 = tpu.memref_slice %arg25[%add3A_34, %dma_wait3A_45] : memref<50048x32xf32, #tpu.memory_space<vmem_shared>> -> memref<136x32xf32, #tpu.memory_space<vmem_shared>>
        tpu.wait_dma2 semaphore(%run_scoped3A : memref<!tpu.dma_semaphore, #tpu.memory_space<semaphore_mem>>) src(%arg23 : memref<136x32xf32, #tpu.memory_space<vmem>>) dst(%dma_wait3A_46 : memref<136x32xf32, #tpu.memory_space<vmem_shared>>)
        tpu.yield
      }) : () -> ()
      %mul3A_35 = arith.constant 3128 : i32
      %mul3A_36 = arith.muli %arg1, %mul3A_35 : i32
      %mul3A_37 = arith.constant 136 : i32
      %mul3A_38 = arith.muli %scan3A_29, %mul3A_37 : i32
      %add3A_39 = arith.addi %mul3A_36, %mul3A_38 : i32
      "tpu.region"() ({
        %run_scoped3A = tpu.sem_alloc : memref<!tpu.dma_semaphore, #tpu.memory_space<semaphore_mem>>
        %dma_start3A = tpu.memref_slice %arg26[%add3A_39] : memref<50048xf32, #tpu.memory_space<vmem_shared>> -> memref<136xf32, #tpu.memory_space<vmem_shared>>
        %dma_start3A_40 = tpu.memref_slice %arg26[%add3A_39] : memref<50048xf32, #tpu.memory_space<vmem_shared>> -> memref<136xf32, #tpu.memory_space<vmem_shared>>
        tpu.enqueue_dma source(%arg24 : memref<136xf32, #tpu.memory_space<vmem>>) target(%dma_start3A_40 : memref<136xf32, #tpu.memory_space<vmem_shared>>) target_semaphore(%run_scoped3A : memref<!tpu.dma_semaphore, #tpu.memory_space<semaphore_mem>>)
        %dma_wait3A_41 = tpu.memref_slice %arg26[%add3A_39] : memref<50048xf32, #tpu.memory_space<vmem_shared>> -> memref<136xf32, #tpu.memory_space<vmem_shared>>
        %dma_wait3A_42 = tpu.memref_slice %arg26[%add3A_39] : memref<50048xf32, #tpu.memory_space<vmem_shared>> -> memref<136xf32, #tpu.memory_space<vmem_shared>>
        tpu.wait_dma2 semaphore(%run_scoped3A : memref<!tpu.dma_semaphore, #tpu.memory_space<semaphore_mem>>) src(%arg24 : memref<136xf32, #tpu.memory_space<vmem>>) dst(%dma_wait3A_42 : memref<136xf32, #tpu.memory_space<vmem_shared>>)
        tpu.yield
      }) : () -> ()
    }
    %scan3A_5 = arith.constant 23 : i32
    %barrier3A = arith.constant 0 : index
    tpu.barrier barrier_id(%barrier3A)
    %iota3A = tpu.iota {dimensions = array<i32: 0>} : vector<16xi32>
    %eq3A = arith.constant 0 : i32
    %eq3A_6 = vector.broadcast %eq3A : i32 to vector<16xi32>
    %eq3A_7 = arith.cmpi eq, %iota3A, %eq3A_6 : vector<16xi32>
    %mul3A_8 = arith.constant 50176 : i32
    %mul3A_9 = arith.muli %arg1, %mul3A_8 : i32
    %mul3A_10 = arith.constant 802816 : i32
    %mul3A_11 = arith.muli %arg0, %mul3A_10 : i32
    %add3A = arith.addi %mul3A_11, %mul3A_9 : i32
    "tpu.region"() ({
      %run_scoped3A = tpu.sem_alloc : memref<!tpu.dma_semaphore, #tpu.memory_space<semaphore_mem>>
      %dma_start3A = tpu.memref_slice %arg2[%add3A] : memref<1605632xi32, #tpu.memory_space<hbm>> -> memref<128xi32, #tpu.memory_space<hbm>>
      %dma_start3A_29 = tpu.memref_slice %arg2[%add3A] : memref<1605632xi32, #tpu.memory_space<hbm>> -> memref<128xi32, #tpu.memory_space<hbm>>
      tpu.enqueue_dma source(%dma_start3A_29 : memref<128xi32, #tpu.memory_space<hbm>>) target(%arg12 : memref<128xi32, #tpu.memory_space<vmem>>) target_semaphore(%run_scoped3A : memref<!tpu.dma_semaphore, #tpu.memory_space<semaphore_mem>>)
      %dma_wait3A_30 = tpu.memref_slice %arg2[%add3A] : memref<1605632xi32, #tpu.memory_space<hbm>> -> memref<128xi32, #tpu.memory_space<hbm>>
      %dma_wait3A_31 = tpu.memref_slice %arg2[%add3A] : memref<1605632xi32, #tpu.memory_space<hbm>> -> memref<128xi32, #tpu.memory_space<hbm>>
      tpu.wait_dma2 semaphore(%run_scoped3A : memref<!tpu.dma_semaphore, #tpu.memory_space<semaphore_mem>>) src(%dma_wait3A_31 : memref<128xi32, #tpu.memory_space<hbm>>) dst(%arg12 : memref<128xi32, #tpu.memory_space<vmem>>)
      tpu.yield
    }) : () -> ()
    "tpu.region"() ({
      %run_scoped3A = tpu.sem_alloc : memref<!tpu.dma_semaphore, #tpu.memory_space<semaphore_mem>>
      %dma_start3A = tpu.memref_slice %arg3[%add3A] : memref<1605632xi32, #tpu.memory_space<hbm>> -> memref<128xi32, #tpu.memory_space<hbm>>
      %dma_start3A_29 = tpu.memref_slice %arg3[%add3A] : memref<1605632xi32, #tpu.memory_space<hbm>> -> memref<128xi32, #tpu.memory_space<hbm>>
      tpu.enqueue_dma source(%dma_start3A_29 : memref<128xi32, #tpu.memory_space<hbm>>) target(%arg14 : memref<128xi32, #tpu.memory_space<vmem>>) target_semaphore(%run_scoped3A : memref<!tpu.dma_semaphore, #tpu.memory_space<semaphore_mem>>)
      %dma_wait3A_30 = tpu.memref_slice %arg3[%add3A] : memref<1605632xi32, #tpu.memory_space<hbm>> -> memref<128xi32, #tpu.memory_space<hbm>>
      %dma_wait3A_31 = tpu.memref_slice %arg3[%add3A] : memref<1605632xi32, #tpu.memory_space<hbm>> -> memref<128xi32, #tpu.memory_space<hbm>>
      tpu.wait_dma2 semaphore(%run_scoped3A : memref<!tpu.dma_semaphore, #tpu.memory_space<semaphore_mem>>) src(%dma_wait3A_31 : memref<128xi32, #tpu.memory_space<hbm>>) dst(%arg14 : memref<128xi32, #tpu.memory_space<vmem>>)
      tpu.yield
    }) : () -> ()
    "tpu.region"() ({
      %run_scoped3A = tpu.sem_alloc : memref<!tpu.dma_semaphore, #tpu.memory_space<semaphore_mem>>
      %dma_start3A = tpu.memref_slice %arg4[%mul3A_9] : memref<802816xi32, #tpu.memory_space<hbm>> -> memref<128xi32, #tpu.memory_space<hbm>>
      %dma_start3A_29 = tpu.memref_slice %arg4[%mul3A_9] : memref<802816xi32, #tpu.memory_space<hbm>> -> memref<128xi32, #tpu.memory_space<hbm>>
      tpu.enqueue_dma source(%dma_start3A_29 : memref<128xi32, #tpu.memory_space<hbm>>) target(%arg13 : memref<128xi32, #tpu.memory_space<vmem>>) target_semaphore(%run_scoped3A : memref<!tpu.dma_semaphore, #tpu.memory_space<semaphore_mem>>)
      %dma_wait3A_30 = tpu.memref_slice %arg4[%mul3A_9] : memref<802816xi32, #tpu.memory_space<hbm>> -> memref<128xi32, #tpu.memory_space<hbm>>
      %dma_wait3A_31 = tpu.memref_slice %arg4[%mul3A_9] : memref<802816xi32, #tpu.memory_space<hbm>> -> memref<128xi32, #tpu.memory_space<hbm>>
      tpu.wait_dma2 semaphore(%run_scoped3A : memref<!tpu.dma_semaphore, #tpu.memory_space<semaphore_mem>>) src(%dma_wait3A_31 : memref<128xi32, #tpu.memory_space<hbm>>) dst(%arg13 : memref<128xi32, #tpu.memory_space<vmem>>)
      tpu.yield
    }) : () -> ()
    %scan3A_12 = arith.constant 0 : i32
    %scan3A_13 = arith.constant 0 : i32
    %scan3A_14 = arith.constant 196 : i32
    %scan3A_15 = arith.addi %scan3A_13, %scan3A_14 : i32
    %scan3A_16 = arith.constant 1 : i32
    scf.for %scan3A_29 = %scan3A_13 to %scan3A_15 step %scan3A_16  : i32 {
      %mul3A_30 = arith.constant 2 : i32
      %mul3A_31 = arith.muli %mul3A_30, %scan3A_29 : i32
      %add3A_32 = arith.constant 0 : i32
      %add3A_33 = arith.addi %mul3A_31, %add3A_32 : i32
      %mul3A_34 = arith.constant 128 : i32
      %mul3A_35 = arith.muli %add3A_33, %mul3A_34 : i32
      %add3A_36 = arith.addi %mul3A_9, %mul3A_35 : i32
      %dma_start3A = arith.constant 0 : i32
      %dma_start3A_37 = arith.constant 0 : i32
      %dma_start3A_38 = tpu.memref_slice %arg5[%dma_start3A, %dma_start3A_37] : memref<100016x32xf32, #tpu.memory_space<hbm>> -> memref<100016x32xf32, #tpu.memory_space<hbm>>
      tpu.enqueue_indirect_dma source(%dma_start3A_38 : memref<100016x32xf32, #tpu.memory_space<hbm>>) target(%arg18 : memref<128x32xf32, #tpu.memory_space<vmem>>) offsets(%arg14 : memref<128xi32, #tpu.memory_space<vmem>>) semaphore(%arg27 : memref<!tpu.dma_semaphore, #tpu.memory_space<semaphore_mem>>)
      %dma_start3A_39 = arith.constant 0 : i32
      %dma_start3A_40 = arith.constant 0 : i32
      %dma_start3A_41 = tpu.memref_slice %arg6[%dma_start3A_39, %dma_start3A_40] : memref<100016x64xf32, #tpu.memory_space<hbm>> -> memref<100016x64xf32, #tpu.memory_space<hbm>>
      tpu.enqueue_indirect_dma source(%dma_start3A_41 : memref<100016x64xf32, #tpu.memory_space<hbm>>) target(%arg19 : memref<128x64xf32, #tpu.memory_space<vmem>>) offsets(%arg12 : memref<128xi32, #tpu.memory_space<vmem>>) semaphore(%arg27 : memref<!tpu.dma_semaphore, #tpu.memory_space<semaphore_mem>>)
      %mul3A_42 = arith.constant 802816 : i32
      %mul3A_43 = arith.muli %arg0, %mul3A_42 : i32
      %add3A_44 = arith.addi %mul3A_43, %add3A_36 : i32
      %dma_start3A_45 = arith.constant 0 : i32
      %dma_start3A_46 = tpu.memref_slice %arg7[%add3A_44, %dma_start3A_45] : memref<1605632x32xf32, #tpu.memory_space<hbm>> -> memref<128x32xf32, #tpu.memory_space<hbm>>
      %dma_start3A_47 = arith.constant 0 : i32
      %dma_start3A_48 = tpu.memref_slice %arg7[%add3A_44, %dma_start3A_47] : memref<1605632x32xf32, #tpu.memory_space<hbm>> -> memref<128x32xf32, #tpu.memory_space<hbm>>
      tpu.enqueue_dma source(%dma_start3A_48 : memref<128x32xf32, #tpu.memory_space<hbm>>) target(%arg20 : memref<128x32xf32, #tpu.memory_space<vmem>>) target_semaphore(%arg27 : memref<!tpu.dma_semaphore, #tpu.memory_space<semaphore_mem>>)
      %add3A_49 = arith.constant 0 : i32
      %add3A_50 = arith.addi %scan3A_29, %add3A_49 : i32
      %gt3A = arith.constant 0 : i32
      %gt3A_51 = arith.cmpi sgt, %add3A_50, %gt3A : i32
      %convert_element_type3A = arith.extui %gt3A_51 : i1 to i32
      %cond3A = arith.constant 0 : i32
      %cond3A_52 = arith.cmpi ne, %convert_element_type3A, %cond3A : i32
      scf.if %cond3A_52 {
        %dma_wait3A_149 = arith.constant 0 : i32
        %dma_wait3A_150 = arith.constant 0 : i32
        %dma_wait3A_151 = tpu.memref_slice %arg25[%dma_wait3A_149, %dma_wait3A_150] : memref<50048x32xf32, #tpu.memory_space<vmem_shared>> -> memref<50048x32xf32, #tpu.memory_space<vmem_shared>>
        tpu.wait_indirect_dma semaphore(%arg29 : memref<!tpu.dma_semaphore, #tpu.memory_space<semaphore_mem>>) src(%arg21 : memref<128x32xf32, #tpu.memory_space<vmem>>) dst(%dma_wait3A_151 : memref<50048x32xf32, #tpu.memory_space<vmem_shared>>)
        %dma_wait3A_152 = arith.constant 0 : i32
        %dma_wait3A_153 = tpu.memref_slice %arg26[%dma_wait3A_152] : memref<50048xf32, #tpu.memory_space<vmem_shared>> -> memref<50048xf32, #tpu.memory_space<vmem_shared>>
        tpu.wait_indirect_dma semaphore(%arg29 : memref<!tpu.dma_semaphore, #tpu.memory_space<semaphore_mem>>) src(%arg22 : memref<128xf32, #tpu.memory_space<vmem>>) dst(%dma_wait3A_153 : memref<50048xf32, #tpu.memory_space<vmem_shared>>)
      } else {
      }
      %add3A_53 = arith.constant 1 : i32
      %add3A_54 = arith.addi %add3A_33, %add3A_53 : i32
      %lt3A = arith.constant 392 : i32
      %lt3A_55 = arith.cmpi slt, %add3A_54, %lt3A : i32
      %convert_element_type3A_56 = arith.extui %lt3A_55 : i1 to i32
      %cond3A_57 = arith.constant 0 : i32
      %cond3A_58 = arith.cmpi ne, %convert_element_type3A_56, %cond3A_57 : i32
      scf.if %cond3A_58 {
        %add3A_149 = arith.constant 1 : i32
        %add3A_150 = arith.addi %add3A_33, %add3A_149 : i32
        %mul3A_151 = arith.constant 128 : i32
        %mul3A_152 = arith.muli %add3A_150, %mul3A_151 : i32
        %add3A_153 = arith.addi %mul3A_9, %mul3A_152 : i32
        %add3A_154 = arith.constant 1 : i32
        %add3A_155 = arith.addi %add3A_33, %add3A_154 : i32
        %mul3A_156 = arith.constant 128 : i32
        %mul3A_157 = arith.muli %add3A_155, %mul3A_156 : i32
        %add3A_158 = arith.addi %add3A, %mul3A_157 : i32
        %dma_start3A_159 = tpu.memref_slice %arg2[%add3A_158] : memref<1605632xi32, #tpu.memory_space<hbm>> -> memref<128xi32, #tpu.memory_space<hbm>>
        %dma_start3A_160 = tpu.memref_slice %arg2[%add3A_158] : memref<1605632xi32, #tpu.memory_space<hbm>> -> memref<128xi32, #tpu.memory_space<hbm>>
        tpu.enqueue_dma source(%dma_start3A_160 : memref<128xi32, #tpu.memory_space<hbm>>) target(%arg15 : memref<128xi32, #tpu.memory_space<vmem>>) target_semaphore(%arg28 : memref<!tpu.dma_semaphore, #tpu.memory_space<semaphore_mem>>)
        %add3A_161 = arith.constant 1 : i32
        %add3A_162 = arith.addi %add3A_33, %add3A_161 : i32
        %mul3A_163 = arith.constant 128 : i32
        %mul3A_164 = arith.muli %add3A_162, %mul3A_163 : i32
        %add3A_165 = arith.addi %add3A, %mul3A_164 : i32
        %dma_start3A_166 = tpu.memref_slice %arg3[%add3A_165] : memref<1605632xi32, #tpu.memory_space<hbm>> -> memref<128xi32, #tpu.memory_space<hbm>>
        %dma_start3A_167 = tpu.memref_slice %arg3[%add3A_165] : memref<1605632xi32, #tpu.memory_space<hbm>> -> memref<128xi32, #tpu.memory_space<hbm>>
        tpu.enqueue_dma source(%dma_start3A_167 : memref<128xi32, #tpu.memory_space<hbm>>) target(%arg17 : memref<128xi32, #tpu.memory_space<vmem>>) target_semaphore(%arg28 : memref<!tpu.dma_semaphore, #tpu.memory_space<semaphore_mem>>)
        %dma_start3A_168 = tpu.memref_slice %arg4[%add3A_153] : memref<802816xi32, #tpu.memory_space<hbm>> -> memref<128xi32, #tpu.memory_space<hbm>>
        %dma_start3A_169 = tpu.memref_slice %arg4[%add3A_153] : memref<802816xi32, #tpu.memory_space<hbm>> -> memref<128xi32, #tpu.memory_space<hbm>>
        tpu.enqueue_dma source(%dma_start3A_169 : memref<128xi32, #tpu.memory_space<hbm>>) target(%arg16 : memref<128xi32, #tpu.memory_space<vmem>>) target_semaphore(%arg28 : memref<!tpu.dma_semaphore, #tpu.memory_space<semaphore_mem>>)
      } else {
      }
      %dma_wait3A_59 = arith.constant 0 : i32
      %dma_wait3A_60 = arith.constant 0 : i32
      %dma_wait3A_61 = tpu.memref_slice %arg5[%dma_wait3A_59, %dma_wait3A_60] : memref<100016x32xf32, #tpu.memory_space<hbm>> -> memref<100016x32xf32, #tpu.memory_space<hbm>>
      tpu.wait_indirect_dma semaphore(%arg27 : memref<!tpu.dma_semaphore, #tpu.memory_space<semaphore_mem>>) src(%dma_wait3A_61 : memref<100016x32xf32, #tpu.memory_space<hbm>>) dst(%arg18 : memref<128x32xf32, #tpu.memory_space<vmem>>)
      %dma_wait3A_62 = arith.constant 0 : i32
      %dma_wait3A_63 = arith.constant 0 : i32
      %dma_wait3A_64 = tpu.memref_slice %arg6[%dma_wait3A_62, %dma_wait3A_63] : memref<100016x64xf32, #tpu.memory_space<hbm>> -> memref<100016x64xf32, #tpu.memory_space<hbm>>
      tpu.wait_indirect_dma semaphore(%arg27 : memref<!tpu.dma_semaphore, #tpu.memory_space<semaphore_mem>>) src(%dma_wait3A_64 : memref<100016x64xf32, #tpu.memory_space<hbm>>) dst(%arg19 : memref<128x64xf32, #tpu.memory_space<vmem>>)
      %dma_wait3A_65 = arith.constant 0 : i32
      %dma_wait3A_66 = tpu.memref_slice %arg7[%add3A_44, %dma_wait3A_65] : memref<1605632x32xf32, #tpu.memory_space<hbm>> -> memref<128x32xf32, #tpu.memory_space<hbm>>
      %dma_wait3A_67 = arith.constant 0 : i32
      %dma_wait3A_68 = tpu.memref_slice %arg7[%add3A_44, %dma_wait3A_67] : memref<1605632x32xf32, #tpu.memory_space<hbm>> -> memref<128x32xf32, #tpu.memory_space<hbm>>
      tpu.wait_dma2 semaphore(%arg27 : memref<!tpu.dma_semaphore, #tpu.memory_space<semaphore_mem>>) src(%dma_wait3A_68 : memref<128x32xf32, #tpu.memory_space<hbm>>) dst(%arg20 : memref<128x32xf32, #tpu.memory_space<vmem>>)
      %scan3A_69 = arith.constant 0 : i32
      %scan3A_70 = arith.constant 0 : i32
      %scan3A_71 = arith.constant 8 : i32
      %scan3A_72 = arith.addi %scan3A_70, %scan3A_71 : i32
      %scan3A_73 = arith.constant 1 : i32
      scf.for %scan3A_149 = %scan3A_70 to %scan3A_72 step %scan3A_73  : i32 {
        %mul3A_150 = arith.constant 16 : i32
        %mul3A_151 = arith.muli %scan3A_149, %mul3A_150 : i32
        %add3A_152 = arith.constant 0 : i32
        %add3A_153 = arith.addi %mul3A_151, %add3A_152 : i32
        %get3A = arith.index_cast %add3A_153 : i32 to index
        %get3A_154 = arith.constant 0 : index
        %get3A_155 = tpu.vector_load %arg18[%get3A, %get3A_154] {strides = array<i32>} : memref<128x32xf32, #tpu.memory_space<vmem>>, vector<16xf32>,
        %get3A_156 = arith.index_cast %add3A_153 : i32 to index
        %get3A_157 = arith.constant 16 : index
        %get3A_158 = tpu.vector_load %arg18[%get3A_156, %get3A_157] {strides = array<i32>} : memref<128x32xf32, #tpu.memory_space<vmem>>, vector<16xf32>,
        %get3A_159 = arith.index_cast %add3A_153 : i32 to index
        %get3A_160 = arith.constant 0 : index
        %get3A_161 = tpu.vector_load %arg19[%get3A_159, %get3A_160] {strides = array<i32>} : memref<128x64xf32, #tpu.memory_space<vmem>>, vector<16xf32>,
        %get3A_162 = arith.index_cast %add3A_153 : i32 to index
        %get3A_163 = arith.constant 16 : index
        %get3A_164 = tpu.vector_load %arg19[%get3A_162, %get3A_163] {strides = array<i32>} : memref<128x64xf32, #tpu.memory_space<vmem>>, vector<16xf32>,
        %get3A_165 = arith.index_cast %add3A_153 : i32 to index
        %get3A_166 = arith.constant 0 : index
        %get3A_167 = tpu.vector_load %arg20[%get3A_165, %get3A_166] {strides = array<i32>} : memref<128x32xf32, #tpu.memory_space<vmem>>, vector<16xf32>,
        %get3A_168 = arith.index_cast %add3A_153 : i32 to index
        %get3A_169 = arith.constant 16 : index
        %get3A_170 = tpu.vector_load %arg20[%get3A_168, %get3A_169] {strides = array<i32>} : memref<128x32xf32, #tpu.memory_space<vmem>>, vector<16xf32>,
        %add3A_171 = arith.addf %get3A_161, %get3A_167 : vector<16xf32>
        %mul3A_172 = arith.mulf %get3A_155, %add3A_171 : vector<16xf32>
        %add3A_173 = arith.addf %get3A_164, %get3A_170 : vector<16xf32>
        %mul3A_174 = arith.mulf %get3A_158, %add3A_173 : vector<16xf32>
        %add3A_175 = arith.addf %mul3A_172, %mul3A_174 : vector<16xf32>
        %reduce_sum3A = arith.constant true
        %reduce_sum3A_176 = vector.broadcast %reduce_sum3A : i1 to vector<16xi1>
        %reduce_sum3A_177 = tpu.scan <sum>, %add3A_175 masked %reduce_sum3A_176 : vector<16xf32>, vector<16xi1> -> vector<16xf32>
        %reduce_sum3A_178 = vector.extract %reduce_sum3A_177[15] : f32 from vector<16xf32>
        %mul3A_179 = arith.constant 0.176776692 : f32
        %mul3A_180 = arith.mulf %reduce_sum3A_178, %mul3A_179 : f32
        %broadcast_in_dim3A = vector.broadcast %mul3A_180 : f32 to vector<16xf32>
        %exp3A = math.exp %broadcast_in_dim3A : vector<16xf32>
        %get3A_181 = arith.index_cast %add3A_153 : i32 to index
        %get3A_182 = arith.constant 32 : index
        %get3A_183 = tpu.vector_load %arg19[%get3A_181, %get3A_182] {strides = array<i32>} : memref<128x64xf32, #tpu.memory_space<vmem>>, vector<16xf32>,
        %get3A_184 = arith.index_cast %add3A_153 : i32 to index
        %get3A_185 = arith.constant 48 : index
        %get3A_186 = tpu.vector_load %arg19[%get3A_184, %get3A_185] {strides = array<i32>} : memref<128x64xf32, #tpu.memory_space<vmem>>, vector<16xf32>,
        %add3A_187 = arith.addf %get3A_183, %get3A_167 : vector<16xf32>
        %mul3A_188 = arith.mulf %add3A_187, %exp3A : vector<16xf32>
        %swap3A = arith.index_cast %add3A_153 : i32 to index
        %swap3A_189 = arith.constant 0 : index
        %swap3A_190 = tpu.vector_load %arg21[%swap3A, %swap3A_189] {strides = array<i32>} : memref<128x32xf32, #tpu.memory_space<vmem>>, vector<16xf32>,
        tpu.vector_store %arg21[%swap3A, %swap3A_189], %mul3A_188 {strides = array<i32>} : memref<128x32xf32, #tpu.memory_space<vmem>>, vector<16xf32>,
        %add3A_191 = arith.addf %get3A_186, %get3A_170 : vector<16xf32>
        %mul3A_192 = arith.mulf %add3A_191, %exp3A : vector<16xf32>
        %swap3A_193 = arith.index_cast %add3A_153 : i32 to index
        %swap3A_194 = arith.constant 16 : index
        %swap3A_195 = tpu.vector_load %arg21[%swap3A_193, %swap3A_194] {strides = array<i32>} : memref<128x32xf32, #tpu.memory_space<vmem>>, vector<16xf32>,
        tpu.vector_store %arg21[%swap3A_193, %swap3A_194], %mul3A_192 {strides = array<i32>} : memref<128x32xf32, #tpu.memory_space<vmem>>, vector<16xf32>,
        %broadcast_in_dim3A_196 = vector.broadcast %add3A_153 : i32 to vector<16xi32>
        tpu.vector_store_idx %arg22[%broadcast_in_dim3A_196], %exp3A masked %eq3A_7 : memref<128xf32, #tpu.memory_space<vmem>>[vector<16xi32>], vector<16xf32>, vector<16xi1>
        %add3A_197 = arith.constant 1 : i32
        %add3A_198 = arith.addi %mul3A_151, %add3A_197 : i32
        %get3A_199 = arith.index_cast %add3A_198 : i32 to index
        %get3A_200 = arith.constant 0 : index
        %get3A_201 = tpu.vector_load %arg18[%get3A_199, %get3A_200] {strides = array<i32>} : memref<128x32xf32, #tpu.memory_space<vmem>>, vector<16xf32>,
        %get3A_202 = arith.index_cast %add3A_198 : i32 to index
        %get3A_203 = arith.constant 16 : index
        %get3A_204 = tpu.vector_load %arg18[%get3A_202, %get3A_203] {strides = array<i32>} : memref<128x32xf32, #tpu.memory_space<vmem>>, vector<16xf32>,
        %get3A_205 = arith.index_cast %add3A_198 : i32 to index
        %get3A_206 = arith.constant 0 : index
        %get3A_207 = tpu.vector_load %arg19[%get3A_205, %get3A_206] {strides = array<i32>} : memref<128x64xf32, #tpu.memory_space<vmem>>, vector<16xf32>,
        %get3A_208 = arith.index_cast %add3A_198 : i32 to index
        %get3A_209 = arith.constant 16 : index
        %get3A_210 = tpu.vector_load %arg19[%get3A_208, %get3A_209] {strides = array<i32>} : memref<128x64xf32, #tpu.memory_space<vmem>>, vector<16xf32>,
        %get3A_211 = arith.index_cast %add3A_198 : i32 to index
        %get3A_212 = arith.constant 0 : index
        %get3A_213 = tpu.vector_load %arg20[%get3A_211, %get3A_212] {strides = array<i32>} : memref<128x32xf32, #tpu.memory_space<vmem>>, vector<16xf32>,
        %get3A_214 = arith.index_cast %add3A_198 : i32 to index
        %get3A_215 = arith.constant 16 : index
        %get3A_216 = tpu.vector_load %arg20[%get3A_214, %get3A_215] {strides = array<i32>} : memref<128x32xf32, #tpu.memory_space<vmem>>, vector<16xf32>,
        %add3A_217 = arith.addf %get3A_207, %get3A_213 : vector<16xf32>
        %mul3A_218 = arith.mulf %get3A_201, %add3A_217 : vector<16xf32>
        %add3A_219 = arith.addf %get3A_210, %get3A_216 : vector<16xf32>
        %mul3A_220 = arith.mulf %get3A_204, %add3A_219 : vector<16xf32>
        %add3A_221 = arith.addf %mul3A_218, %mul3A_220 : vector<16xf32>
        %reduce_sum3A_222 = arith.constant true
        %reduce_sum3A_223 = vector.broadcast %reduce_sum3A_222 : i1 to vector<16xi1>
        %reduce_sum3A_224 = tpu.scan <sum>, %add3A_221 masked %reduce_sum3A_223 : vector<16xf32>, vector<16xi1> -> vector<16xf32>
        %reduce_sum3A_225 = vector.extract %reduce_sum3A_224[15] : f32 from vector<16xf32>
        %mul3A_226 = arith.constant 0.176776692 : f32
        %mul3A_227 = arith.mulf %reduce_sum3A_225, %mul3A_226 : f32
        %broadcast_in_dim3A_228 = vector.broadcast %mul3A_227 : f32 to vector<16xf32>
        %exp3A_229 = math.exp %broadcast_in_dim3A_228 : vector<16xf32>
        %get3A_230 = arith.index_cast %add3A_198 : i32 to index
        %get3A_231 = arith.constant 32 : index
        %get3A_232 = tpu.vector_load %arg19[%get3A_230, %get3A_231] {strides = array<i32>} : memref<128x64xf32, #tpu.memory_space<vmem>>, vector<16xf32>,
        %get3A_233 = arith.index_cast %add3A_198 : i32 to index
        %get3A_234 = arith.constant 48 : index
        %get3A_235 = tpu.vector_load %arg19[%get3A_233, %get3A_234] {strides = array<i32>} : memref<128x64xf32, #tpu.memory_space<vmem>>, vector<16xf32>,
        %add3A_236 = arith.addf %get3A_232, %get3A_213 : vector<16xf32>
        %mul3A_237 = arith.mulf %add3A_236, %exp3A_229 : vector<16xf32>
        %swap3A_238 = arith.index_cast %add3A_198 : i32 to index
        %swap3A_239 = arith.constant 0 : index
        %swap3A_240 = tpu.vector_load %arg21[%swap3A_238, %swap3A_239] {strides = array<i32>} : memref<128x32xf32, #tpu.memory_space<vmem>>, vector<16xf32>,
        tpu.vector_store %arg21[%swap3A_238, %swap3A_239], %mul3A_237 {strides = array<i32>} : memref<128x32xf32, #tpu.memory_space<vmem>>, vector<16xf32>,
        %add3A_241 = arith.addf %get3A_235, %get3A_216 : vector<16xf32>
        %mul3A_242 = arith.mulf %add3A_241, %exp3A_229 : vector<16xf32>
        %swap3A_243 = arith.index_cast %add3A_198 : i32 to index
        %swap3A_244 = arith.constant 16 : index
        %swap3A_245 = tpu.vector_load %arg21[%swap3A_243, %swap3A_244] {strides = array<i32>} : memref<128x32xf32, #tpu.memory_space<vmem>>, vector<16xf32>,
        tpu.vector_store %arg21[%swap3A_243, %swap3A_244], %mul3A_242 {strides = array<i32>} : memref<128x32xf32, #tpu.memory_space<vmem>>, vector<16xf32>,
        %broadcast_in_dim3A_246 = vector.broadcast %add3A_198 : i32 to vector<16xi32>
        tpu.vector_store_idx %arg22[%broadcast_in_dim3A_246], %exp3A_229 masked %eq3A_7 : memref<128xf32, #tpu.memory_space<vmem>>[vector<16xi32>], vector<16xf32>, vector<16xi1>
        %add3A_247 = arith.constant 2 : i32
        %add3A_248 = arith.addi %mul3A_151, %add3A_247 : i32
        %get3A_249 = arith.index_cast %add3A_248 : i32 to index
        %get3A_250 = arith.constant 0 : index
        %get3A_251 = tpu.vector_load %arg18[%get3A_249, %get3A_250] {strides = array<i32>} : memref<128x32xf32, #tpu.memory_space<vmem>>, vector<16xf32>,
        %get3A_252 = arith.index_cast %add3A_248 : i32 to index
        %get3A_253 = arith.constant 16 : index
        %get3A_254 = tpu.vector_load %arg18[%get3A_252, %get3A_253] {strides = array<i32>} : memref<128x32xf32, #tpu.memory_space<vmem>>, vector<16xf32>,
        %get3A_255 = arith.index_cast %add3A_248 : i32 to index
        %get3A_256 = arith.constant 0 : index
        %get3A_257 = tpu.vector_load %arg19[%get3A_255, %get3A_256] {strides = array<i32>} : memref<128x64xf32, #tpu.memory_space<vmem>>, vector<16xf32>,
        %get3A_258 = arith.index_cast %add3A_248 : i32 to index
        %get3A_259 = arith.constant 16 : index
        %get3A_260 = tpu.vector_load %arg19[%get3A_258, %get3A_259] {strides = array<i32>} : memref<128x64xf32, #tpu.memory_space<vmem>>, vector<16xf32>,
        %get3A_261 = arith.index_cast %add3A_248 : i32 to index
        %get3A_262 = arith.constant 0 : index
        %get3A_263 = tpu.vector_load %arg20[%get3A_261, %get3A_262] {strides = array<i32>} : memref<128x32xf32, #tpu.memory_space<vmem>>, vector<16xf32>,
        %get3A_264 = arith.index_cast %add3A_248 : i32 to index
        %get3A_265 = arith.constant 16 : index
        %get3A_266 = tpu.vector_load %arg20[%get3A_264, %get3A_265] {strides = array<i32>} : memref<128x32xf32, #tpu.memory_space<vmem>>, vector<16xf32>,
        %add3A_267 = arith.addf %get3A_257, %get3A_263 : vector<16xf32>
        %mul3A_268 = arith.mulf %get3A_251, %add3A_267 : vector<16xf32>
        %add3A_269 = arith.addf %get3A_260, %get3A_266 : vector<16xf32>
        %mul3A_270 = arith.mulf %get3A_254, %add3A_269 : vector<16xf32>
        %add3A_271 = arith.addf %mul3A_268, %mul3A_270 : vector<16xf32>
        %reduce_sum3A_272 = arith.constant true
        %reduce_sum3A_273 = vector.broadcast %reduce_sum3A_272 : i1 to vector<16xi1>
        %reduce_sum3A_274 = tpu.scan <sum>, %add3A_271 masked %reduce_sum3A_273 : vector<16xf32>, vector<16xi1> -> vector<16xf32>
        %reduce_sum3A_275 = vector.extract %reduce_sum3A_274[15] : f32 from vector<16xf32>
        %mul3A_276 = arith.constant 0.176776692 : f32
        %mul3A_277 = arith.mulf %reduce_sum3A_275, %mul3A_276 : f32
        %broadcast_in_dim3A_278 = vector.broadcast %mul3A_277 : f32 to vector<16xf32>
        %exp3A_279 = math.exp %broadcast_in_dim3A_278 : vector<16xf32>
        %get3A_280 = arith.index_cast %add3A_248 : i32 to index
        %get3A_281 = arith.constant 32 : index
        %get3A_282 = tpu.vector_load %arg19[%get3A_280, %get3A_281] {strides = array<i32>} : memref<128x64xf32, #tpu.memory_space<vmem>>, vector<16xf32>,
        %get3A_283 = arith.index_cast %add3A_248 : i32 to index
        %get3A_284 = arith.constant 48 : index
        %get3A_285 = tpu.vector_load %arg19[%get3A_283, %get3A_284] {strides = array<i32>} : memref<128x64xf32, #tpu.memory_space<vmem>>, vector<16xf32>,
        %add3A_286 = arith.addf %get3A_282, %get3A_263 : vector<16xf32>
        %mul3A_287 = arith.mulf %add3A_286, %exp3A_279 : vector<16xf32>
        %swap3A_288 = arith.index_cast %add3A_248 : i32 to index
        %swap3A_289 = arith.constant 0 : index
        %swap3A_290 = tpu.vector_load %arg21[%swap3A_288, %swap3A_289] {strides = array<i32>} : memref<128x32xf32, #tpu.memory_space<vmem>>, vector<16xf32>,
        tpu.vector_store %arg21[%swap3A_288, %swap3A_289], %mul3A_287 {strides = array<i32>} : memref<128x32xf32, #tpu.memory_space<vmem>>, vector<16xf32>,
        %add3A_291 = arith.addf %get3A_285, %get3A_266 : vector<16xf32>
        %mul3A_292 = arith.mulf %add3A_291, %exp3A_279 : vector<16xf32>
        %swap3A_293 = arith.index_cast %add3A_248 : i32 to index
        %swap3A_294 = arith.constant 16 : index
        %swap3A_295 = tpu.vector_load %arg21[%swap3A_293, %swap3A_294] {strides = array<i32>} : memref<128x32xf32, #tpu.memory_space<vmem>>, vector<16xf32>,
        tpu.vector_store %arg21[%swap3A_293, %swap3A_294], %mul3A_292 {strides = array<i32>} : memref<128x32xf32, #tpu.memory_space<vmem>>, vector<16xf32>,
        %broadcast_in_dim3A_296 = vector.broadcast %add3A_248 : i32 to vector<16xi32>
        tpu.vector_store_idx %arg22[%broadcast_in_dim3A_296], %exp3A_279 masked %eq3A_7 : memref<128xf32, #tpu.memory_space<vmem>>[vector<16xi32>], vector<16xf32>, vector<16xi1>
        %add3A_297 = arith.constant 3 : i32
        %add3A_298 = arith.addi %mul3A_151, %add3A_297 : i32
        %get3A_299 = arith.index_cast %add3A_298 : i32 to index
        %get3A_300 = arith.constant 0 : index
        %get3A_301 = tpu.vector_load %arg18[%get3A_299, %get3A_300] {strides = array<i32>} : memref<128x32xf32, #tpu.memory_space<vmem>>, vector<16xf32>,
        %get3A_302 = arith.index_cast %add3A_298 : i32 to index
        %get3A_303 = arith.constant 16 : index
        %get3A_304 = tpu.vector_load %arg18[%get3A_302, %get3A_303] {strides = array<i32>} : memref<128x32xf32, #tpu.memory_space<vmem>>, vector<16xf32>,
        %get3A_305 = arith.index_cast %add3A_298 : i32 to index
        %get3A_306 = arith.constant 0 : index
        %get3A_307 = tpu.vector_load %arg19[%get3A_305, %get3A_306] {strides = array<i32>} : memref<128x64xf32, #tpu.memory_space<vmem>>, vector<16xf32>,
        %get3A_308 = arith.index_cast %add3A_298 : i32 to index
        %get3A_309 = arith.constant 16 : index
        %get3A_310 = tpu.vector_load %arg19[%get3A_308, %get3A_309] {strides = array<i32>} : memref<128x64xf32, #tpu.memory_space<vmem>>, vector<16xf32>,
        %get3A_311 = arith.index_cast %add3A_298 : i32 to index
        %get3A_312 = arith.constant 0 : index
        %get3A_313 = tpu.vector_load %arg20[%get3A_311, %get3A_312] {strides = array<i32>} : memref<128x32xf32, #tpu.memory_space<vmem>>, vector<16xf32>,
        %get3A_314 = arith.index_cast %add3A_298 : i32 to index
        %get3A_315 = arith.constant 16 : index
        %get3A_316 = tpu.vector_load %arg20[%get3A_314, %get3A_315] {strides = array<i32>} : memref<128x32xf32, #tpu.memory_space<vmem>>, vector<16xf32>,
        %add3A_317 = arith.addf %get3A_307, %get3A_313 : vector<16xf32>
        %mul3A_318 = arith.mulf %get3A_301, %add3A_317 : vector<16xf32>
        %add3A_319 = arith.addf %get3A_310, %get3A_316 : vector<16xf32>
        %mul3A_320 = arith.mulf %get3A_304, %add3A_319 : vector<16xf32>
        %add3A_321 = arith.addf %mul3A_318, %mul3A_320 : vector<16xf32>
        %reduce_sum3A_322 = arith.constant true
        %reduce_sum3A_323 = vector.broadcast %reduce_sum3A_322 : i1 to vector<16xi1>
        %reduce_sum3A_324 = tpu.scan <sum>, %add3A_321 masked %reduce_sum3A_323 : vector<16xf32>, vector<16xi1> -> vector<16xf32>
        %reduce_sum3A_325 = vector.extract %reduce_sum3A_324[15] : f32 from vector<16xf32>
        %mul3A_326 = arith.constant 0.176776692 : f32
        %mul3A_327 = arith.mulf %reduce_sum3A_325, %mul3A_326 : f32
        %broadcast_in_dim3A_328 = vector.broadcast %mul3A_327 : f32 to vector<16xf32>
        %exp3A_329 = math.exp %broadcast_in_dim3A_328 : vector<16xf32>
        %get3A_330 = arith.index_cast %add3A_298 : i32 to index
        %get3A_331 = arith.constant 32 : index
        %get3A_332 = tpu.vector_load %arg19[%get3A_330, %get3A_331] {strides = array<i32>} : memref<128x64xf32, #tpu.memory_space<vmem>>, vector<16xf32>,
        %get3A_333 = arith.index_cast %add3A_298 : i32 to index
        %get3A_334 = arith.constant 48 : index
        %get3A_335 = tpu.vector_load %arg19[%get3A_333, %get3A_334] {strides = array<i32>} : memref<128x64xf32, #tpu.memory_space<vmem>>, vector<16xf32>,
        %add3A_336 = arith.addf %get3A_332, %get3A_313 : vector<16xf32>
        %mul3A_337 = arith.mulf %add3A_336, %exp3A_329 : vector<16xf32>
        %swap3A_338 = arith.index_cast %add3A_298 : i32 to index
        %swap3A_339 = arith.constant 0 : index
        %swap3A_340 = tpu.vector_load %arg21[%swap3A_338, %swap3A_339] {strides = array<i32>} : memref<128x32xf32, #tpu.memory_space<vmem>>, vector<16xf32>,
        tpu.vector_store %arg21[%swap3A_338, %swap3A_339], %mul3A_337 {strides = array<i32>} : memref<128x32xf32, #tpu.memory_space<vmem>>, vector<16xf32>,
        %add3A_341 = arith.addf %get3A_335, %get3A_316 : vector<16xf32>
        %mul3A_342 = arith.mulf %add3A_341, %exp3A_329 : vector<16xf32>
        %swap3A_343 = arith.index_cast %add3A_298 : i32 to index
        %swap3A_344 = arith.constant 16 : index
        %swap3A_345 = tpu.vector_load %arg21[%swap3A_343, %swap3A_344] {strides = array<i32>} : memref<128x32xf32, #tpu.memory_space<vmem>>, vector<16xf32>,
        tpu.vector_store %arg21[%swap3A_343, %swap3A_344], %mul3A_342 {strides = array<i32>} : memref<128x32xf32, #tpu.memory_space<vmem>>, vector<16xf32>,
        %broadcast_in_dim3A_346 = vector.broadcast %add3A_298 : i32 to vector<16xi32>
        tpu.vector_store_idx %arg22[%broadcast_in_dim3A_346], %exp3A_329 masked %eq3A_7 : memref<128xf32, #tpu.memory_space<vmem>>[vector<16xi32>], vector<16xf32>, vector<16xi1>
        %add3A_347 = arith.constant 4 : i32
        %add3A_348 = arith.addi %mul3A_151, %add3A_347 : i32
        %get3A_349 = arith.index_cast %add3A_348 : i32 to index
        %get3A_350 = arith.constant 0 : index
        %get3A_351 = tpu.vector_load %arg18[%get3A_349, %get3A_350] {strides = array<i32>} : memref<128x32xf32, #tpu.memory_space<vmem>>, vector<16xf32>,
        %get3A_352 = arith.index_cast %add3A_348 : i32 to index
        %get3A_353 = arith.constant 16 : index
        %get3A_354 = tpu.vector_load %arg18[%get3A_352, %get3A_353] {strides = array<i32>} : memref<128x32xf32, #tpu.memory_space<vmem>>, vector<16xf32>,
        %get3A_355 = arith.index_cast %add3A_348 : i32 to index
        %get3A_356 = arith.constant 0 : index
        %get3A_357 = tpu.vector_load %arg19[%get3A_355, %get3A_356] {strides = array<i32>} : memref<128x64xf32, #tpu.memory_space<vmem>>, vector<16xf32>,
        %get3A_358 = arith.index_cast %add3A_348 : i32 to index
        %get3A_359 = arith.constant 16 : index
        %get3A_360 = tpu.vector_load %arg19[%get3A_358, %get3A_359] {strides = array<i32>} : memref<128x64xf32, #tpu.memory_space<vmem>>, vector<16xf32>,
        %get3A_361 = arith.index_cast %add3A_348 : i32 to index
        %get3A_362 = arith.constant 0 : index
        %get3A_363 = tpu.vector_load %arg20[%get3A_361, %get3A_362] {strides = array<i32>} : memref<128x32xf32, #tpu.memory_space<vmem>>, vector<16xf32>,
        %get3A_364 = arith.index_cast %add3A_348 : i32 to index
        %get3A_365 = arith.constant 16 : index
        %get3A_366 = tpu.vector_load %arg20[%get3A_364, %get3A_365] {strides = array<i32>} : memref<128x32xf32, #tpu.memory_space<vmem>>, vector<16xf32>,
        %add3A_367 = arith.addf %get3A_357, %get3A_363 : vector<16xf32>
        %mul3A_368 = arith.mulf %get3A_351, %add3A_367 : vector<16xf32>
        %add3A_369 = arith.addf %get3A_360, %get3A_366 : vector<16xf32>
        %mul3A_370 = arith.mulf %get3A_354, %add3A_369 : vector<16xf32>
        %add3A_371 = arith.addf %mul3A_368, %mul3A_370 : vector<16xf32>
        %reduce_sum3A_372 = arith.constant true
        %reduce_sum3A_373 = vector.broadcast %reduce_sum3A_372 : i1 to vector<16xi1>
        %reduce_sum3A_374 = tpu.scan <sum>, %add3A_371 masked %reduce_sum3A_373 : vector<16xf32>, vector<16xi1> -> vector<16xf32>
        %reduce_sum3A_375 = vector.extract %reduce_sum3A_374[15] : f32 from vector<16xf32>
        %mul3A_376 = arith.constant 0.176776692 : f32
        %mul3A_377 = arith.mulf %reduce_sum3A_375, %mul3A_376 : f32
        %broadcast_in_dim3A_378 = vector.broadcast %mul3A_377 : f32 to vector<16xf32>
        %exp3A_379 = math.exp %broadcast_in_dim3A_378 : vector<16xf32>
        %get3A_380 = arith.index_cast %add3A_348 : i32 to index
        %get3A_381 = arith.constant 32 : index
        %get3A_382 = tpu.vector_load %arg19[%get3A_380, %get3A_381] {strides = array<i32>} : memref<128x64xf32, #tpu.memory_space<vmem>>, vector<16xf32>,
        %get3A_383 = arith.index_cast %add3A_348 : i32 to index
        %get3A_384 = arith.constant 48 : index
        %get3A_385 = tpu.vector_load %arg19[%get3A_383, %get3A_384] {strides = array<i32>} : memref<128x64xf32, #tpu.memory_space<vmem>>, vector<16xf32>,
        %add3A_386 = arith.addf %get3A_382, %get3A_363 : vector<16xf32>
        %mul3A_387 = arith.mulf %add3A_386, %exp3A_379 : vector<16xf32>
        %swap3A_388 = arith.index_cast %add3A_348 : i32 to index
        %swap3A_389 = arith.constant 0 : index
        %swap3A_390 = tpu.vector_load %arg21[%swap3A_388, %swap3A_389] {strides = array<i32>} : memref<128x32xf32, #tpu.memory_space<vmem>>, vector<16xf32>,
        tpu.vector_store %arg21[%swap3A_388, %swap3A_389], %mul3A_387 {strides = array<i32>} : memref<128x32xf32, #tpu.memory_space<vmem>>, vector<16xf32>,
        %add3A_391 = arith.addf %get3A_385, %get3A_366 : vector<16xf32>
        %mul3A_392 = arith.mulf %add3A_391, %exp3A_379 : vector<16xf32>
        %swap3A_393 = arith.index_cast %add3A_348 : i32 to index
        %swap3A_394 = arith.constant 16 : index
        %swap3A_395 = tpu.vector_load %arg21[%swap3A_393, %swap3A_394] {strides = array<i32>} : memref<128x32xf32, #tpu.memory_space<vmem>>, vector<16xf32>,
        tpu.vector_store %arg21[%swap3A_393, %swap3A_394], %mul3A_392 {strides = array<i32>} : memref<128x32xf32, #tpu.memory_space<vmem>>, vector<16xf32>,
        %broadcast_in_dim3A_396 = vector.broadcast %add3A_348 : i32 to vector<16xi32>
        tpu.vector_store_idx %arg22[%broadcast_in_dim3A_396], %exp3A_379 masked %eq3A_7 : memref<128xf32, #tpu.memory_space<vmem>>[vector<16xi32>], vector<16xf32>, vector<16xi1>
        %add3A_397 = arith.constant 5 : i32
        %add3A_398 = arith.addi %mul3A_151, %add3A_397 : i32
        %get3A_399 = arith.index_cast %add3A_398 : i32 to index
        %get3A_400 = arith.constant 0 : index
        %get3A_401 = tpu.vector_load %arg18[%get3A_399, %get3A_400] {strides = array<i32>} : memref<128x32xf32, #tpu.memory_space<vmem>>, vector<16xf32>,
        %get3A_402 = arith.index_cast %add3A_398 : i32 to index
        %get3A_403 = arith.constant 16 : index
        %get3A_404 = tpu.vector_load %arg18[%get3A_402, %get3A_403] {strides = array<i32>} : memref<128x32xf32, #tpu.memory_space<vmem>>, vector<16xf32>,
        %get3A_405 = arith.index_cast %add3A_398 : i32 to index
        %get3A_406 = arith.constant 0 : index
        %get3A_407 = tpu.vector_load %arg19[%get3A_405, %get3A_406] {strides = array<i32>} : memref<128x64xf32, #tpu.memory_space<vmem>>, vector<16xf32>,
        %get3A_408 = arith.index_cast %add3A_398 : i32 to index
        %get3A_409 = arith.constant 16 : index
        %get3A_410 = tpu.vector_load %arg19[%get3A_408, %get3A_409] {strides = array<i32>} : memref<128x64xf32, #tpu.memory_space<vmem>>, vector<16xf32>,
        %get3A_411 = arith.index_cast %add3A_398 : i32 to index
        %get3A_412 = arith.constant 0 : index
        %get3A_413 = tpu.vector_load %arg20[%get3A_411, %get3A_412] {strides = array<i32>} : memref<128x32xf32, #tpu.memory_space<vmem>>, vector<16xf32>,
        %get3A_414 = arith.index_cast %add3A_398 : i32 to index
        %get3A_415 = arith.constant 16 : index
        %get3A_416 = tpu.vector_load %arg20[%get3A_414, %get3A_415] {strides = array<i32>} : memref<128x32xf32, #tpu.memory_space<vmem>>, vector<16xf32>,
        %add3A_417 = arith.addf %get3A_407, %get3A_413 : vector<16xf32>
        %mul3A_418 = arith.mulf %get3A_401, %add3A_417 : vector<16xf32>
        %add3A_419 = arith.addf %get3A_410, %get3A_416 : vector<16xf32>
        %mul3A_420 = arith.mulf %get3A_404, %add3A_419 : vector<16xf32>
        %add3A_421 = arith.addf %mul3A_418, %mul3A_420 : vector<16xf32>
        %reduce_sum3A_422 = arith.constant true
        %reduce_sum3A_423 = vector.broadcast %reduce_sum3A_422 : i1 to vector<16xi1>
        %reduce_sum3A_424 = tpu.scan <sum>, %add3A_421 masked %reduce_sum3A_423 : vector<16xf32>, vector<16xi1> -> vector<16xf32>
        %reduce_sum3A_425 = vector.extract %reduce_sum3A_424[15] : f32 from vector<16xf32>
        %mul3A_426 = arith.constant 0.176776692 : f32
        %mul3A_427 = arith.mulf %reduce_sum3A_425, %mul3A_426 : f32
        %broadcast_in_dim3A_428 = vector.broadcast %mul3A_427 : f32 to vector<16xf32>
        %exp3A_429 = math.exp %broadcast_in_dim3A_428 : vector<16xf32>
        %get3A_430 = arith.index_cast %add3A_398 : i32 to index
        %get3A_431 = arith.constant 32 : index
        %get3A_432 = tpu.vector_load %arg19[%get3A_430, %get3A_431] {strides = array<i32>} : memref<128x64xf32, #tpu.memory_space<vmem>>, vector<16xf32>,
        %get3A_433 = arith.index_cast %add3A_398 : i32 to index
        %get3A_434 = arith.constant 48 : index
        %get3A_435 = tpu.vector_load %arg19[%get3A_433, %get3A_434] {strides = array<i32>} : memref<128x64xf32, #tpu.memory_space<vmem>>, vector<16xf32>,
        %add3A_436 = arith.addf %get3A_432, %get3A_413 : vector<16xf32>
        %mul3A_437 = arith.mulf %add3A_436, %exp3A_429 : vector<16xf32>
        %swap3A_438 = arith.index_cast %add3A_398 : i32 to index
        %swap3A_439 = arith.constant 0 : index
        %swap3A_440 = tpu.vector_load %arg21[%swap3A_438, %swap3A_439] {strides = array<i32>} : memref<128x32xf32, #tpu.memory_space<vmem>>, vector<16xf32>,
        tpu.vector_store %arg21[%swap3A_438, %swap3A_439], %mul3A_437 {strides = array<i32>} : memref<128x32xf32, #tpu.memory_space<vmem>>, vector<16xf32>,
        %add3A_441 = arith.addf %get3A_435, %get3A_416 : vector<16xf32>
        %mul3A_442 = arith.mulf %add3A_441, %exp3A_429 : vector<16xf32>
        %swap3A_443 = arith.index_cast %add3A_398 : i32 to index
        %swap3A_444 = arith.constant 16 : index
        %swap3A_445 = tpu.vector_load %arg21[%swap3A_443, %swap3A_444] {strides = array<i32>} : memref<128x32xf32, #tpu.memory_space<vmem>>, vector<16xf32>,
        tpu.vector_store %arg21[%swap3A_443, %swap3A_444], %mul3A_442 {strides = array<i32>} : memref<128x32xf32, #tpu.memory_space<vmem>>, vector<16xf32>,
        %broadcast_in_dim3A_446 = vector.broadcast %add3A_398 : i32 to vector<16xi32>
        tpu.vector_store_idx %arg22[%broadcast_in_dim3A_446], %exp3A_429 masked %eq3A_7 : memref<128xf32, #tpu.memory_space<vmem>>[vector<16xi32>], vector<16xf32>, vector<16xi1>
        %add3A_447 = arith.constant 6 : i32
        %add3A_448 = arith.addi %mul3A_151, %add3A_447 : i32
        %get3A_449 = arith.index_cast %add3A_448 : i32 to index
        %get3A_450 = arith.constant 0 : index
        %get3A_451 = tpu.vector_load %arg18[%get3A_449, %get3A_450] {strides = array<i32>} : memref<128x32xf32, #tpu.memory_space<vmem>>, vector<16xf32>,
        %get3A_452 = arith.index_cast %add3A_448 : i32 to index
        %get3A_453 = arith.constant 16 : index
        %get3A_454 = tpu.vector_load %arg18[%get3A_452, %get3A_453] {strides = array<i32>} : memref<128x32xf32, #tpu.memory_space<vmem>>, vector<16xf32>,
        %get3A_455 = arith.index_cast %add3A_448 : i32 to index
        %get3A_456 = arith.constant 0 : index
        %get3A_457 = tpu.vector_load %arg19[%get3A_455, %get3A_456] {strides = array<i32>} : memref<128x64xf32, #tpu.memory_space<vmem>>, vector<16xf32>,
        %get3A_458 = arith.index_cast %add3A_448 : i32 to index
        %get3A_459 = arith.constant 16 : index
        %get3A_460 = tpu.vector_load %arg19[%get3A_458, %get3A_459] {strides = array<i32>} : memref<128x64xf32, #tpu.memory_space<vmem>>, vector<16xf32>,
        %get3A_461 = arith.index_cast %add3A_448 : i32 to index
        %get3A_462 = arith.constant 0 : index
        %get3A_463 = tpu.vector_load %arg20[%get3A_461, %get3A_462] {strides = array<i32>} : memref<128x32xf32, #tpu.memory_space<vmem>>, vector<16xf32>,
        %get3A_464 = arith.index_cast %add3A_448 : i32 to index
        %get3A_465 = arith.constant 16 : index
        %get3A_466 = tpu.vector_load %arg20[%get3A_464, %get3A_465] {strides = array<i32>} : memref<128x32xf32, #tpu.memory_space<vmem>>, vector<16xf32>,
        %add3A_467 = arith.addf %get3A_457, %get3A_463 : vector<16xf32>
        %mul3A_468 = arith.mulf %get3A_451, %add3A_467 : vector<16xf32>
        %add3A_469 = arith.addf %get3A_460, %get3A_466 : vector<16xf32>
        %mul3A_470 = arith.mulf %get3A_454, %add3A_469 : vector<16xf32>
        %add3A_471 = arith.addf %mul3A_468, %mul3A_470 : vector<16xf32>
        %reduce_sum3A_472 = arith.constant true
        %reduce_sum3A_473 = vector.broadcast %reduce_sum3A_472 : i1 to vector<16xi1>
        %reduce_sum3A_474 = tpu.scan <sum>, %add3A_471 masked %reduce_sum3A_473 : vector<16xf32>, vector<16xi1> -> vector<16xf32>
        %reduce_sum3A_475 = vector.extract %reduce_sum3A_474[15] : f32 from vector<16xf32>
        %mul3A_476 = arith.constant 0.176776692 : f32
        %mul3A_477 = arith.mulf %reduce_sum3A_475, %mul3A_476 : f32
        %broadcast_in_dim3A_478 = vector.broadcast %mul3A_477 : f32 to vector<16xf32>
        %exp3A_479 = math.exp %broadcast_in_dim3A_478 : vector<16xf32>
        %get3A_480 = arith.index_cast %add3A_448 : i32 to index
        %get3A_481 = arith.constant 32 : index
        %get3A_482 = tpu.vector_load %arg19[%get3A_480, %get3A_481] {strides = array<i32>} : memref<128x64xf32, #tpu.memory_space<vmem>>, vector<16xf32>,
        %get3A_483 = arith.index_cast %add3A_448 : i32 to index
        %get3A_484 = arith.constant 48 : index
        %get3A_485 = tpu.vector_load %arg19[%get3A_483, %get3A_484] {strides = array<i32>} : memref<128x64xf32, #tpu.memory_space<vmem>>, vector<16xf32>,
        %add3A_486 = arith.addf %get3A_482, %get3A_463 : vector<16xf32>
        %mul3A_487 = arith.mulf %add3A_486, %exp3A_479 : vector<16xf32>
        %swap3A_488 = arith.index_cast %add3A_448 : i32 to index
        %swap3A_489 = arith.constant 0 : index
        %swap3A_490 = tpu.vector_load %arg21[%swap3A_488, %swap3A_489] {strides = array<i32>} : memref<128x32xf32, #tpu.memory_space<vmem>>, vector<16xf32>,
        tpu.vector_store %arg21[%swap3A_488, %swap3A_489], %mul3A_487 {strides = array<i32>} : memref<128x32xf32, #tpu.memory_space<vmem>>, vector<16xf32>,
        %add3A_491 = arith.addf %get3A_485, %get3A_466 : vector<16xf32>
        %mul3A_492 = arith.mulf %add3A_491, %exp3A_479 : vector<16xf32>
        %swap3A_493 = arith.index_cast %add3A_448 : i32 to index
        %swap3A_494 = arith.constant 16 : index
        %swap3A_495 = tpu.vector_load %arg21[%swap3A_493, %swap3A_494] {strides = array<i32>} : memref<128x32xf32, #tpu.memory_space<vmem>>, vector<16xf32>,
        tpu.vector_store %arg21[%swap3A_493, %swap3A_494], %mul3A_492 {strides = array<i32>} : memref<128x32xf32, #tpu.memory_space<vmem>>, vector<16xf32>,
        %broadcast_in_dim3A_496 = vector.broadcast %add3A_448 : i32 to vector<16xi32>
        tpu.vector_store_idx %arg22[%broadcast_in_dim3A_496], %exp3A_479 masked %eq3A_7 : memref<128xf32, #tpu.memory_space<vmem>>[vector<16xi32>], vector<16xf32>, vector<16xi1>
        %add3A_497 = arith.constant 7 : i32
        %add3A_498 = arith.addi %mul3A_151, %add3A_497 : i32
        %get3A_499 = arith.index_cast %add3A_498 : i32 to index
        %get3A_500 = arith.constant 0 : index
        %get3A_501 = tpu.vector_load %arg18[%get3A_499, %get3A_500] {strides = array<i32>} : memref<128x32xf32, #tpu.memory_space<vmem>>, vector<16xf32>,
        %get3A_502 = arith.index_cast %add3A_498 : i32 to index
        %get3A_503 = arith.constant 16 : index
        %get3A_504 = tpu.vector_load %arg18[%get3A_502, %get3A_503] {strides = array<i32>} : memref<128x32xf32, #tpu.memory_space<vmem>>, vector<16xf32>,
        %get3A_505 = arith.index_cast %add3A_498 : i32 to index
        %get3A_506 = arith.constant 0 : index
        %get3A_507 = tpu.vector_load %arg19[%get3A_505, %get3A_506] {strides = array<i32>} : memref<128x64xf32, #tpu.memory_space<vmem>>, vector<16xf32>,
        %get3A_508 = arith.index_cast %add3A_498 : i32 to index
        %get3A_509 = arith.constant 16 : index
        %get3A_510 = tpu.vector_load %arg19[%get3A_508, %get3A_509] {strides = array<i32>} : memref<128x64xf32, #tpu.memory_space<vmem>>, vector<16xf32>,
        %get3A_511 = arith.index_cast %add3A_498 : i32 to index
        %get3A_512 = arith.constant 0 : index
        %get3A_513 = tpu.vector_load %arg20[%get3A_511, %get3A_512] {strides = array<i32>} : memref<128x32xf32, #tpu.memory_space<vmem>>, vector<16xf32>,
        %get3A_514 = arith.index_cast %add3A_498 : i32 to index
        %get3A_515 = arith.constant 16 : index
        %get3A_516 = tpu.vector_load %arg20[%get3A_514, %get3A_515] {strides = array<i32>} : memref<128x32xf32, #tpu.memory_space<vmem>>, vector<16xf32>,
        %add3A_517 = arith.addf %get3A_507, %get3A_513 : vector<16xf32>
        %mul3A_518 = arith.mulf %get3A_501, %add3A_517 : vector<16xf32>
        %add3A_519 = arith.addf %get3A_510, %get3A_516 : vector<16xf32>
        %mul3A_520 = arith.mulf %get3A_504, %add3A_519 : vector<16xf32>
        %add3A_521 = arith.addf %mul3A_518, %mul3A_520 : vector<16xf32>
        %reduce_sum3A_522 = arith.constant true
        %reduce_sum3A_523 = vector.broadcast %reduce_sum3A_522 : i1 to vector<16xi1>
        %reduce_sum3A_524 = tpu.scan <sum>, %add3A_521 masked %reduce_sum3A_523 : vector<16xf32>, vector<16xi1> -> vector<16xf32>
        %reduce_sum3A_525 = vector.extract %reduce_sum3A_524[15] : f32 from vector<16xf32>
        %mul3A_526 = arith.constant 0.176776692 : f32
        %mul3A_527 = arith.mulf %reduce_sum3A_525, %mul3A_526 : f32
        %broadcast_in_dim3A_528 = vector.broadcast %mul3A_527 : f32 to vector<16xf32>
        %exp3A_529 = math.exp %broadcast_in_dim3A_528 : vector<16xf32>
        %get3A_530 = arith.index_cast %add3A_498 : i32 to index
        %get3A_531 = arith.constant 32 : index
        %get3A_532 = tpu.vector_load %arg19[%get3A_530, %get3A_531] {strides = array<i32>} : memref<128x64xf32, #tpu.memory_space<vmem>>, vector<16xf32>,
        %get3A_533 = arith.index_cast %add3A_498 : i32 to index
        %get3A_534 = arith.constant 48 : index
        %get3A_535 = tpu.vector_load %arg19[%get3A_533, %get3A_534] {strides = array<i32>} : memref<128x64xf32, #tpu.memory_space<vmem>>, vector<16xf32>,
        %add3A_536 = arith.addf %get3A_532, %get3A_513 : vector<16xf32>
        %mul3A_537 = arith.mulf %add3A_536, %exp3A_529 : vector<16xf32>
        %swap3A_538 = arith.index_cast %add3A_498 : i32 to index
        %swap3A_539 = arith.constant 0 : index
        %swap3A_540 = tpu.vector_load %arg21[%swap3A_538, %swap3A_539] {strides = array<i32>} : memref<128x32xf32, #tpu.memory_space<vmem>>, vector<16xf32>,
        tpu.vector_store %arg21[%swap3A_538, %swap3A_539], %mul3A_537 {strides = array<i32>} : memref<128x32xf32, #tpu.memory_space<vmem>>, vector<16xf32>,
        %add3A_541 = arith.addf %get3A_535, %get3A_516 : vector<16xf32>
        %mul3A_542 = arith.mulf %add3A_541, %exp3A_529 : vector<16xf32>
        %swap3A_543 = arith.index_cast %add3A_498 : i32 to index
        %swap3A_544 = arith.constant 16 : index
        %swap3A_545 = tpu.vector_load %arg21[%swap3A_543, %swap3A_544] {strides = array<i32>} : memref<128x32xf32, #tpu.memory_space<vmem>>, vector<16xf32>,
        tpu.vector_store %arg21[%swap3A_543, %swap3A_544], %mul3A_542 {strides = array<i32>} : memref<128x32xf32, #tpu.memory_space<vmem>>, vector<16xf32>,
        %broadcast_in_dim3A_546 = vector.broadcast %add3A_498 : i32 to vector<16xi32>
        tpu.vector_store_idx %arg22[%broadcast_in_dim3A_546], %exp3A_529 masked %eq3A_7 : memref<128xf32, #tpu.memory_space<vmem>>[vector<16xi32>], vector<16xf32>, vector<16xi1>
        %add3A_547 = arith.constant 8 : i32
        %add3A_548 = arith.addi %mul3A_151, %add3A_547 : i32
        %get3A_549 = arith.index_cast %add3A_548 : i32 to index
        %get3A_550 = arith.constant 0 : index
        %get3A_551 = tpu.vector_load %arg18[%get3A_549, %get3A_550] {strides = array<i32>} : memref<128x32xf32, #tpu.memory_space<vmem>>, vector<16xf32>,
        %get3A_552 = arith.index_cast %add3A_548 : i32 to index
        %get3A_553 = arith.constant 16 : index
        %get3A_554 = tpu.vector_load %arg18[%get3A_552, %get3A_553] {strides = array<i32>} : memref<128x32xf32, #tpu.memory_space<vmem>>, vector<16xf32>,
        %get3A_555 = arith.index_cast %add3A_548 : i32 to index
        %get3A_556 = arith.constant 0 : index
        %get3A_557 = tpu.vector_load %arg19[%get3A_555, %get3A_556] {strides = array<i32>} : memref<128x64xf32, #tpu.memory_space<vmem>>, vector<16xf32>,
        %get3A_558 = arith.index_cast %add3A_548 : i32 to index
        %get3A_559 = arith.constant 16 : index
        %get3A_560 = tpu.vector_load %arg19[%get3A_558, %get3A_559] {strides = array<i32>} : memref<128x64xf32, #tpu.memory_space<vmem>>, vector<16xf32>,
        %get3A_561 = arith.index_cast %add3A_548 : i32 to index
        %get3A_562 = arith.constant 0 : index
        %get3A_563 = tpu.vector_load %arg20[%get3A_561, %get3A_562] {strides = array<i32>} : memref<128x32xf32, #tpu.memory_space<vmem>>, vector<16xf32>,
        %get3A_564 = arith.index_cast %add3A_548 : i32 to index
        %get3A_565 = arith.constant 16 : index
        %get3A_566 = tpu.vector_load %arg20[%get3A_564, %get3A_565] {strides = array<i32>} : memref<128x32xf32, #tpu.memory_space<vmem>>, vector<16xf32>,
        %add3A_567 = arith.addf %get3A_557, %get3A_563 : vector<16xf32>
        %mul3A_568 = arith.mulf %get3A_551, %add3A_567 : vector<16xf32>
        %add3A_569 = arith.addf %get3A_560, %get3A_566 : vector<16xf32>
        %mul3A_570 = arith.mulf %get3A_554, %add3A_569 : vector<16xf32>
        %add3A_571 = arith.addf %mul3A_568, %mul3A_570 : vector<16xf32>
        %reduce_sum3A_572 = arith.constant true
        %reduce_sum3A_573 = vector.broadcast %reduce_sum3A_572 : i1 to vector<16xi1>
        %reduce_sum3A_574 = tpu.scan <sum>, %add3A_571 masked %reduce_sum3A_573 : vector<16xf32>, vector<16xi1> -> vector<16xf32>
        %reduce_sum3A_575 = vector.extract %reduce_sum3A_574[15] : f32 from vector<16xf32>
        %mul3A_576 = arith.constant 0.176776692 : f32
        %mul3A_577 = arith.mulf %reduce_sum3A_575, %mul3A_576 : f32
        %broadcast_in_dim3A_578 = vector.broadcast %mul3A_577 : f32 to vector<16xf32>
        %exp3A_579 = math.exp %broadcast_in_dim3A_578 : vector<16xf32>
        %get3A_580 = arith.index_cast %add3A_548 : i32 to index
        %get3A_581 = arith.constant 32 : index
        %get3A_582 = tpu.vector_load %arg19[%get3A_580, %get3A_581] {strides = array<i32>} : memref<128x64xf32, #tpu.memory_space<vmem>>, vector<16xf32>,
        %get3A_583 = arith.index_cast %add3A_548 : i32 to index
        %get3A_584 = arith.constant 48 : index
        %get3A_585 = tpu.vector_load %arg19[%get3A_583, %get3A_584] {strides = array<i32>} : memref<128x64xf32, #tpu.memory_space<vmem>>, vector<16xf32>,
        %add3A_586 = arith.addf %get3A_582, %get3A_563 : vector<16xf32>
        %mul3A_587 = arith.mulf %add3A_586, %exp3A_579 : vector<16xf32>
        %swap3A_588 = arith.index_cast %add3A_548 : i32 to index
        %swap3A_589 = arith.constant 0 : index
        %swap3A_590 = tpu.vector_load %arg21[%swap3A_588, %swap3A_589] {strides = array<i32>} : memref<128x32xf32, #tpu.memory_space<vmem>>, vector<16xf32>,
        tpu.vector_store %arg21[%swap3A_588, %swap3A_589], %mul3A_587 {strides = array<i32>} : memref<128x32xf32, #tpu.memory_space<vmem>>, vector<16xf32>,
        %add3A_591 = arith.addf %get3A_585, %get3A_566 : vector<16xf32>
        %mul3A_592 = arith.mulf %add3A_591, %exp3A_579 : vector<16xf32>
        %swap3A_593 = arith.index_cast %add3A_548 : i32 to index
        %swap3A_594 = arith.constant 16 : index
        %swap3A_595 = tpu.vector_load %arg21[%swap3A_593, %swap3A_594] {strides = array<i32>} : memref<128x32xf32, #tpu.memory_space<vmem>>, vector<16xf32>,
        tpu.vector_store %arg21[%swap3A_593, %swap3A_594], %mul3A_592 {strides = array<i32>} : memref<128x32xf32, #tpu.memory_space<vmem>>, vector<16xf32>,
        %broadcast_in_dim3A_596 = vector.broadcast %add3A_548 : i32 to vector<16xi32>
        tpu.vector_store_idx %arg22[%broadcast_in_dim3A_596], %exp3A_579 masked %eq3A_7 : memref<128xf32, #tpu.memory_space<vmem>>[vector<16xi32>], vector<16xf32>, vector<16xi1>
        %add3A_597 = arith.constant 9 : i32
        %add3A_598 = arith.addi %mul3A_151, %add3A_597 : i32
        %get3A_599 = arith.index_cast %add3A_598 : i32 to index
        %get3A_600 = arith.constant 0 : index
        %get3A_601 = tpu.vector_load %arg18[%get3A_599, %get3A_600] {strides = array<i32>} : memref<128x32xf32, #tpu.memory_space<vmem>>, vector<16xf32>,
        %get3A_602 = arith.index_cast %add3A_598 : i32 to index
        %get3A_603 = arith.constant 16 : index
        %get3A_604 = tpu.vector_load %arg18[%get3A_602, %get3A_603] {strides = array<i32>} : memref<128x32xf32, #tpu.memory_space<vmem>>, vector<16xf32>,
        %get3A_605 = arith.index_cast %add3A_598 : i32 to index
        %get3A_606 = arith.constant 0 : index
        %get3A_607 = tpu.vector_load %arg19[%get3A_605, %get3A_606] {strides = array<i32>} : memref<128x64xf32, #tpu.memory_space<vmem>>, vector<16xf32>,
        %get3A_608 = arith.index_cast %add3A_598 : i32 to index
        %get3A_609 = arith.constant 16 : index
        %get3A_610 = tpu.vector_load %arg19[%get3A_608, %get3A_609] {strides = array<i32>} : memref<128x64xf32, #tpu.memory_space<vmem>>, vector<16xf32>,
        %get3A_611 = arith.index_cast %add3A_598 : i32 to index
        %get3A_612 = arith.constant 0 : index
        %get3A_613 = tpu.vector_load %arg20[%get3A_611, %get3A_612] {strides = array<i32>} : memref<128x32xf32, #tpu.memory_space<vmem>>, vector<16xf32>,
        %get3A_614 = arith.index_cast %add3A_598 : i32 to index
        %get3A_615 = arith.constant 16 : index
        %get3A_616 = tpu.vector_load %arg20[%get3A_614, %get3A_615] {strides = array<i32>} : memref<128x32xf32, #tpu.memory_space<vmem>>, vector<16xf32>,
        %add3A_617 = arith.addf %get3A_607, %get3A_613 : vector<16xf32>
        %mul3A_618 = arith.mulf %get3A_601, %add3A_617 : vector<16xf32>
        %add3A_619 = arith.addf %get3A_610, %get3A_616 : vector<16xf32>
        %mul3A_620 = arith.mulf %get3A_604, %add3A_619 : vector<16xf32>
        %add3A_621 = arith.addf %mul3A_618, %mul3A_620 : vector<16xf32>
        %reduce_sum3A_622 = arith.constant true
        %reduce_sum3A_623 = vector.broadcast %reduce_sum3A_622 : i1 to vector<16xi1>
        %reduce_sum3A_624 = tpu.scan <sum>, %add3A_621 masked %reduce_sum3A_623 : vector<16xf32>, vector<16xi1> -> vector<16xf32>
        %reduce_sum3A_625 = vector.extract %reduce_sum3A_624[15] : f32 from vector<16xf32>
        %mul3A_626 = arith.constant 0.176776692 : f32
        %mul3A_627 = arith.mulf %reduce_sum3A_625, %mul3A_626 : f32
        %broadcast_in_dim3A_628 = vector.broadcast %mul3A_627 : f32 to vector<16xf32>
        %exp3A_629 = math.exp %broadcast_in_dim3A_628 : vector<16xf32>
        %get3A_630 = arith.index_cast %add3A_598 : i32 to index
        %get3A_631 = arith.constant 32 : index
        %get3A_632 = tpu.vector_load %arg19[%get3A_630, %get3A_631] {strides = array<i32>} : memref<128x64xf32, #tpu.memory_space<vmem>>, vector<16xf32>,
        %get3A_633 = arith.index_cast %add3A_598 : i32 to index
        %get3A_634 = arith.constant 48 : index
        %get3A_635 = tpu.vector_load %arg19[%get3A_633, %get3A_634] {strides = array<i32>} : memref<128x64xf32, #tpu.memory_space<vmem>>, vector<16xf32>,
        %add3A_636 = arith.addf %get3A_632, %get3A_613 : vector<16xf32>
        %mul3A_637 = arith.mulf %add3A_636, %exp3A_629 : vector<16xf32>
        %swap3A_638 = arith.index_cast %add3A_598 : i32 to index
        %swap3A_639 = arith.constant 0 : index
        %swap3A_640 = tpu.vector_load %arg21[%swap3A_638, %swap3A_639] {strides = array<i32>} : memref<128x32xf32, #tpu.memory_space<vmem>>, vector<16xf32>,
        tpu.vector_store %arg21[%swap3A_638, %swap3A_639], %mul3A_637 {strides = array<i32>} : memref<128x32xf32, #tpu.memory_space<vmem>>, vector<16xf32>,
        %add3A_641 = arith.addf %get3A_635, %get3A_616 : vector<16xf32>
        %mul3A_642 = arith.mulf %add3A_641, %exp3A_629 : vector<16xf32>
        %swap3A_643 = arith.index_cast %add3A_598 : i32 to index
        %swap3A_644 = arith.constant 16 : index
        %swap3A_645 = tpu.vector_load %arg21[%swap3A_643, %swap3A_644] {strides = array<i32>} : memref<128x32xf32, #tpu.memory_space<vmem>>, vector<16xf32>,
        tpu.vector_store %arg21[%swap3A_643, %swap3A_644], %mul3A_642 {strides = array<i32>} : memref<128x32xf32, #tpu.memory_space<vmem>>, vector<16xf32>,
        %broadcast_in_dim3A_646 = vector.broadcast %add3A_598 : i32 to vector<16xi32>
        tpu.vector_store_idx %arg22[%broadcast_in_dim3A_646], %exp3A_629 masked %eq3A_7 : memref<128xf32, #tpu.memory_space<vmem>>[vector<16xi32>], vector<16xf32>, vector<16xi1>
        %add3A_647 = arith.constant 10 : i32
        %add3A_648 = arith.addi %mul3A_151, %add3A_647 : i32
        %get3A_649 = arith.index_cast %add3A_648 : i32 to index
        %get3A_650 = arith.constant 0 : index
        %get3A_651 = tpu.vector_load %arg18[%get3A_649, %get3A_650] {strides = array<i32>} : memref<128x32xf32, #tpu.memory_space<vmem>>, vector<16xf32>,
        %get3A_652 = arith.index_cast %add3A_648 : i32 to index
        %get3A_653 = arith.constant 16 : index
        %get3A_654 = tpu.vector_load %arg18[%get3A_652, %get3A_653] {strides = array<i32>} : memref<128x32xf32, #tpu.memory_space<vmem>>, vector<16xf32>,
        %get3A_655 = arith.index_cast %add3A_648 : i32 to index
        %get3A_656 = arith.constant 0 : index
        %get3A_657 = tpu.vector_load %arg19[%get3A_655, %get3A_656] {strides = array<i32>} : memref<128x64xf32, #tpu.memory_space<vmem>>, vector<16xf32>,
        %get3A_658 = arith.index_cast %add3A_648 : i32 to index
        %get3A_659 = arith.constant 16 : index
        %get3A_660 = tpu.vector_load %arg19[%get3A_658, %get3A_659] {strides = array<i32>} : memref<128x64xf32, #tpu.memory_space<vmem>>, vector<16xf32>,
        %get3A_661 = arith.index_cast %add3A_648 : i32 to index
        %get3A_662 = arith.constant 0 : index
        %get3A_663 = tpu.vector_load %arg20[%get3A_661, %get3A_662] {strides = array<i32>} : memref<128x32xf32, #tpu.memory_space<vmem>>, vector<16xf32>,
        %get3A_664 = arith.index_cast %add3A_648 : i32 to index
        %get3A_665 = arith.constant 16 : index
        %get3A_666 = tpu.vector_load %arg20[%get3A_664, %get3A_665] {strides = array<i32>} : memref<128x32xf32, #tpu.memory_space<vmem>>, vector<16xf32>,
        %add3A_667 = arith.addf %get3A_657, %get3A_663 : vector<16xf32>
        %mul3A_668 = arith.mulf %get3A_651, %add3A_667 : vector<16xf32>
        %add3A_669 = arith.addf %get3A_660, %get3A_666 : vector<16xf32>
        %mul3A_670 = arith.mulf %get3A_654, %add3A_669 : vector<16xf32>
        %add3A_671 = arith.addf %mul3A_668, %mul3A_670 : vector<16xf32>
        %reduce_sum3A_672 = arith.constant true
        %reduce_sum3A_673 = vector.broadcast %reduce_sum3A_672 : i1 to vector<16xi1>
        %reduce_sum3A_674 = tpu.scan <sum>, %add3A_671 masked %reduce_sum3A_673 : vector<16xf32>, vector<16xi1> -> vector<16xf32>
        %reduce_sum3A_675 = vector.extract %reduce_sum3A_674[15] : f32 from vector<16xf32>
        %mul3A_676 = arith.constant 0.176776692 : f32
        %mul3A_677 = arith.mulf %reduce_sum3A_675, %mul3A_676 : f32
        %broadcast_in_dim3A_678 = vector.broadcast %mul3A_677 : f32 to vector<16xf32>
        %exp3A_679 = math.exp %broadcast_in_dim3A_678 : vector<16xf32>
        %get3A_680 = arith.index_cast %add3A_648 : i32 to index
        %get3A_681 = arith.constant 32 : index
        %get3A_682 = tpu.vector_load %arg19[%get3A_680, %get3A_681] {strides = array<i32>} : memref<128x64xf32, #tpu.memory_space<vmem>>, vector<16xf32>,
        %get3A_683 = arith.index_cast %add3A_648 : i32 to index
        %get3A_684 = arith.constant 48 : index
        %get3A_685 = tpu.vector_load %arg19[%get3A_683, %get3A_684] {strides = array<i32>} : memref<128x64xf32, #tpu.memory_space<vmem>>, vector<16xf32>,
        %add3A_686 = arith.addf %get3A_682, %get3A_663 : vector<16xf32>
        %mul3A_687 = arith.mulf %add3A_686, %exp3A_679 : vector<16xf32>
        %swap3A_688 = arith.index_cast %add3A_648 : i32 to index
        %swap3A_689 = arith.constant 0 : index
        %swap3A_690 = tpu.vector_load %arg21[%swap3A_688, %swap3A_689] {strides = array<i32>} : memref<128x32xf32, #tpu.memory_space<vmem>>, vector<16xf32>,
        tpu.vector_store %arg21[%swap3A_688, %swap3A_689], %mul3A_687 {strides = array<i32>} : memref<128x32xf32, #tpu.memory_space<vmem>>, vector<16xf32>,
        %add3A_691 = arith.addf %get3A_685, %get3A_666 : vector<16xf32>
        %mul3A_692 = arith.mulf %add3A_691, %exp3A_679 : vector<16xf32>
        %swap3A_693 = arith.index_cast %add3A_648 : i32 to index
        %swap3A_694 = arith.constant 16 : index
        %swap3A_695 = tpu.vector_load %arg21[%swap3A_693, %swap3A_694] {strides = array<i32>} : memref<128x32xf32, #tpu.memory_space<vmem>>, vector<16xf32>,
        tpu.vector_store %arg21[%swap3A_693, %swap3A_694], %mul3A_692 {strides = array<i32>} : memref<128x32xf32, #tpu.memory_space<vmem>>, vector<16xf32>,
        %broadcast_in_dim3A_696 = vector.broadcast %add3A_648 : i32 to vector<16xi32>
        tpu.vector_store_idx %arg22[%broadcast_in_dim3A_696], %exp3A_679 masked %eq3A_7 : memref<128xf32, #tpu.memory_space<vmem>>[vector<16xi32>], vector<16xf32>, vector<16xi1>
        %add3A_697 = arith.constant 11 : i32
        %add3A_698 = arith.addi %mul3A_151, %add3A_697 : i32
        %get3A_699 = arith.index_cast %add3A_698 : i32 to index
        %get3A_700 = arith.constant 0 : index
        %get3A_701 = tpu.vector_load %arg18[%get3A_699, %get3A_700] {strides = array<i32>} : memref<128x32xf32, #tpu.memory_space<vmem>>, vector<16xf32>,
        %get3A_702 = arith.index_cast %add3A_698 : i32 to index
        %get3A_703 = arith.constant 16 : index
        %get3A_704 = tpu.vector_load %arg18[%get3A_702, %get3A_703] {strides = array<i32>} : memref<128x32xf32, #tpu.memory_space<vmem>>, vector<16xf32>,
        %get3A_705 = arith.index_cast %add3A_698 : i32 to index
        %get3A_706 = arith.constant 0 : index
        %get3A_707 = tpu.vector_load %arg19[%get3A_705, %get3A_706] {strides = array<i32>} : memref<128x64xf32, #tpu.memory_space<vmem>>, vector<16xf32>,
        %get3A_708 = arith.index_cast %add3A_698 : i32 to index
        %get3A_709 = arith.constant 16 : index
        %get3A_710 = tpu.vector_load %arg19[%get3A_708, %get3A_709] {strides = array<i32>} : memref<128x64xf32, #tpu.memory_space<vmem>>, vector<16xf32>,
        %get3A_711 = arith.index_cast %add3A_698 : i32 to index
        %get3A_712 = arith.constant 0 : index
        %get3A_713 = tpu.vector_load %arg20[%get3A_711, %get3A_712] {strides = array<i32>} : memref<128x32xf32, #tpu.memory_space<vmem>>, vector<16xf32>,
        %get3A_714 = arith.index_cast %add3A_698 : i32 to index
        %get3A_715 = arith.constant 16 : index
        %get3A_716 = tpu.vector_load %arg20[%get3A_714, %get3A_715] {strides = array<i32>} : memref<128x32xf32, #tpu.memory_space<vmem>>, vector<16xf32>,
        %add3A_717 = arith.addf %get3A_707, %get3A_713 : vector<16xf32>
        %mul3A_718 = arith.mulf %get3A_701, %add3A_717 : vector<16xf32>
        %add3A_719 = arith.addf %get3A_710, %get3A_716 : vector<16xf32>
        %mul3A_720 = arith.mulf %get3A_704, %add3A_719 : vector<16xf32>
        %add3A_721 = arith.addf %mul3A_718, %mul3A_720 : vector<16xf32>
        %reduce_sum3A_722 = arith.constant true
        %reduce_sum3A_723 = vector.broadcast %reduce_sum3A_722 : i1 to vector<16xi1>
        %reduce_sum3A_724 = tpu.scan <sum>, %add3A_721 masked %reduce_sum3A_723 : vector<16xf32>, vector<16xi1> -> vector<16xf32>
        %reduce_sum3A_725 = vector.extract %reduce_sum3A_724[15] : f32 from vector<16xf32>
        %mul3A_726 = arith.constant 0.176776692 : f32
        %mul3A_727 = arith.mulf %reduce_sum3A_725, %mul3A_726 : f32
        %broadcast_in_dim3A_728 = vector.broadcast %mul3A_727 : f32 to vector<16xf32>
        %exp3A_729 = math.exp %broadcast_in_dim3A_728 : vector<16xf32>
        %get3A_730 = arith.index_cast %add3A_698 : i32 to index
        %get3A_731 = arith.constant 32 : index
        %get3A_732 = tpu.vector_load %arg19[%get3A_730, %get3A_731] {strides = array<i32>} : memref<128x64xf32, #tpu.memory_space<vmem>>, vector<16xf32>,
        %get3A_733 = arith.index_cast %add3A_698 : i32 to index
        %get3A_734 = arith.constant 48 : index
        %get3A_735 = tpu.vector_load %arg19[%get3A_733, %get3A_734] {strides = array<i32>} : memref<128x64xf32, #tpu.memory_space<vmem>>, vector<16xf32>,
        %add3A_736 = arith.addf %get3A_732, %get3A_713 : vector<16xf32>
        %mul3A_737 = arith.mulf %add3A_736, %exp3A_729 : vector<16xf32>
        %swap3A_738 = arith.index_cast %add3A_698 : i32 to index
        %swap3A_739 = arith.constant 0 : index
        %swap3A_740 = tpu.vector_load %arg21[%swap3A_738, %swap3A_739] {strides = array<i32>} : memref<128x32xf32, #tpu.memory_space<vmem>>, vector<16xf32>,
        tpu.vector_store %arg21[%swap3A_738, %swap3A_739], %mul3A_737 {strides = array<i32>} : memref<128x32xf32, #tpu.memory_space<vmem>>, vector<16xf32>,
        %add3A_741 = arith.addf %get3A_735, %get3A_716 : vector<16xf32>
        %mul3A_742 = arith.mulf %add3A_741, %exp3A_729 : vector<16xf32>
        %swap3A_743 = arith.index_cast %add3A_698 : i32 to index
        %swap3A_744 = arith.constant 16 : index
        %swap3A_745 = tpu.vector_load %arg21[%swap3A_743, %swap3A_744] {strides = array<i32>} : memref<128x32xf32, #tpu.memory_space<vmem>>, vector<16xf32>,
        tpu.vector_store %arg21[%swap3A_743, %swap3A_744], %mul3A_742 {strides = array<i32>} : memref<128x32xf32, #tpu.memory_space<vmem>>, vector<16xf32>,
        %broadcast_in_dim3A_746 = vector.broadcast %add3A_698 : i32 to vector<16xi32>
        tpu.vector_store_idx %arg22[%broadcast_in_dim3A_746], %exp3A_729 masked %eq3A_7 : memref<128xf32, #tpu.memory_space<vmem>>[vector<16xi32>], vector<16xf32>, vector<16xi1>
        %add3A_747 = arith.constant 12 : i32
        %add3A_748 = arith.addi %mul3A_151, %add3A_747 : i32
        %get3A_749 = arith.index_cast %add3A_748 : i32 to index
        %get3A_750 = arith.constant 0 : index
        %get3A_751 = tpu.vector_load %arg18[%get3A_749, %get3A_750] {strides = array<i32>} : memref<128x32xf32, #tpu.memory_space<vmem>>, vector<16xf32>,
        %get3A_752 = arith.index_cast %add3A_748 : i32 to index
        %get3A_753 = arith.constant 16 : index
        %get3A_754 = tpu.vector_load %arg18[%get3A_752, %get3A_753] {strides = array<i32>} : memref<128x32xf32, #tpu.memory_space<vmem>>, vector<16xf32>,
        %get3A_755 = arith.index_cast %add3A_748 : i32 to index
        %get3A_756 = arith.constant 0 : index
        %get3A_757 = tpu.vector_load %arg19[%get3A_755, %get3A_756] {strides = array<i32>} : memref<128x64xf32, #tpu.memory_space<vmem>>, vector<16xf32>,
        %get3A_758 = arith.index_cast %add3A_748 : i32 to index
        %get3A_759 = arith.constant 16 : index
        %get3A_760 = tpu.vector_load %arg19[%get3A_758, %get3A_759] {strides = array<i32>} : memref<128x64xf32, #tpu.memory_space<vmem>>, vector<16xf32>,
        %get3A_761 = arith.index_cast %add3A_748 : i32 to index
        %get3A_762 = arith.constant 0 : index
        %get3A_763 = tpu.vector_load %arg20[%get3A_761, %get3A_762] {strides = array<i32>} : memref<128x32xf32, #tpu.memory_space<vmem>>, vector<16xf32>,
        %get3A_764 = arith.index_cast %add3A_748 : i32 to index
        %get3A_765 = arith.constant 16 : index
        %get3A_766 = tpu.vector_load %arg20[%get3A_764, %get3A_765] {strides = array<i32>} : memref<128x32xf32, #tpu.memory_space<vmem>>, vector<16xf32>,
        %add3A_767 = arith.addf %get3A_757, %get3A_763 : vector<16xf32>
        %mul3A_768 = arith.mulf %get3A_751, %add3A_767 : vector<16xf32>
        %add3A_769 = arith.addf %get3A_760, %get3A_766 : vector<16xf32>
        %mul3A_770 = arith.mulf %get3A_754, %add3A_769 : vector<16xf32>
        %add3A_771 = arith.addf %mul3A_768, %mul3A_770 : vector<16xf32>
        %reduce_sum3A_772 = arith.constant true
        %reduce_sum3A_773 = vector.broadcast %reduce_sum3A_772 : i1 to vector<16xi1>
        %reduce_sum3A_774 = tpu.scan <sum>, %add3A_771 masked %reduce_sum3A_773 : vector<16xf32>, vector<16xi1> -> vector<16xf32>
        %reduce_sum3A_775 = vector.extract %reduce_sum3A_774[15] : f32 from vector<16xf32>
        %mul3A_776 = arith.constant 0.176776692 : f32
        %mul3A_777 = arith.mulf %reduce_sum3A_775, %mul3A_776 : f32
        %broadcast_in_dim3A_778 = vector.broadcast %mul3A_777 : f32 to vector<16xf32>
        %exp3A_779 = math.exp %broadcast_in_dim3A_778 : vector<16xf32>
        %get3A_780 = arith.index_cast %add3A_748 : i32 to index
        %get3A_781 = arith.constant 32 : index
        %get3A_782 = tpu.vector_load %arg19[%get3A_780, %get3A_781] {strides = array<i32>} : memref<128x64xf32, #tpu.memory_space<vmem>>, vector<16xf32>,
        %get3A_783 = arith.index_cast %add3A_748 : i32 to index
        %get3A_784 = arith.constant 48 : index
        %get3A_785 = tpu.vector_load %arg19[%get3A_783, %get3A_784] {strides = array<i32>} : memref<128x64xf32, #tpu.memory_space<vmem>>, vector<16xf32>,
        %add3A_786 = arith.addf %get3A_782, %get3A_763 : vector<16xf32>
        %mul3A_787 = arith.mulf %add3A_786, %exp3A_779 : vector<16xf32>
        %swap3A_788 = arith.index_cast %add3A_748 : i32 to index
        %swap3A_789 = arith.constant 0 : index
        %swap3A_790 = tpu.vector_load %arg21[%swap3A_788, %swap3A_789] {strides = array<i32>} : memref<128x32xf32, #tpu.memory_space<vmem>>, vector<16xf32>,
        tpu.vector_store %arg21[%swap3A_788, %swap3A_789], %mul3A_787 {strides = array<i32>} : memref<128x32xf32, #tpu.memory_space<vmem>>, vector<16xf32>,
        %add3A_791 = arith.addf %get3A_785, %get3A_766 : vector<16xf32>
        %mul3A_792 = arith.mulf %add3A_791, %exp3A_779 : vector<16xf32>
        %swap3A_793 = arith.index_cast %add3A_748 : i32 to index
        %swap3A_794 = arith.constant 16 : index
        %swap3A_795 = tpu.vector_load %arg21[%swap3A_793, %swap3A_794] {strides = array<i32>} : memref<128x32xf32, #tpu.memory_space<vmem>>, vector<16xf32>,
        tpu.vector_store %arg21[%swap3A_793, %swap3A_794], %mul3A_792 {strides = array<i32>} : memref<128x32xf32, #tpu.memory_space<vmem>>, vector<16xf32>,
        %broadcast_in_dim3A_796 = vector.broadcast %add3A_748 : i32 to vector<16xi32>
        tpu.vector_store_idx %arg22[%broadcast_in_dim3A_796], %exp3A_779 masked %eq3A_7 : memref<128xf32, #tpu.memory_space<vmem>>[vector<16xi32>], vector<16xf32>, vector<16xi1>
        %add3A_797 = arith.constant 13 : i32
        %add3A_798 = arith.addi %mul3A_151, %add3A_797 : i32
        %get3A_799 = arith.index_cast %add3A_798 : i32 to index
        %get3A_800 = arith.constant 0 : index
        %get3A_801 = tpu.vector_load %arg18[%get3A_799, %get3A_800] {strides = array<i32>} : memref<128x32xf32, #tpu.memory_space<vmem>>, vector<16xf32>,
        %get3A_802 = arith.index_cast %add3A_798 : i32 to index
        %get3A_803 = arith.constant 16 : index
        %get3A_804 = tpu.vector_load %arg18[%get3A_802, %get3A_803] {strides = array<i32>} : memref<128x32xf32, #tpu.memory_space<vmem>>, vector<16xf32>,
        %get3A_805 = arith.index_cast %add3A_798 : i32 to index
        %get3A_806 = arith.constant 0 : index
        %get3A_807 = tpu.vector_load %arg19[%get3A_805, %get3A_806] {strides = array<i32>} : memref<128x64xf32, #tpu.memory_space<vmem>>, vector<16xf32>,
        %get3A_808 = arith.index_cast %add3A_798 : i32 to index
        %get3A_809 = arith.constant 16 : index
        %get3A_810 = tpu.vector_load %arg19[%get3A_808, %get3A_809] {strides = array<i32>} : memref<128x64xf32, #tpu.memory_space<vmem>>, vector<16xf32>,
        %get3A_811 = arith.index_cast %add3A_798 : i32 to index
        %get3A_812 = arith.constant 0 : index
        %get3A_813 = tpu.vector_load %arg20[%get3A_811, %get3A_812] {strides = array<i32>} : memref<128x32xf32, #tpu.memory_space<vmem>>, vector<16xf32>,
        %get3A_814 = arith.index_cast %add3A_798 : i32 to index
        %get3A_815 = arith.constant 16 : index
        %get3A_816 = tpu.vector_load %arg20[%get3A_814, %get3A_815] {strides = array<i32>} : memref<128x32xf32, #tpu.memory_space<vmem>>, vector<16xf32>,
        %add3A_817 = arith.addf %get3A_807, %get3A_813 : vector<16xf32>
        %mul3A_818 = arith.mulf %get3A_801, %add3A_817 : vector<16xf32>
        %add3A_819 = arith.addf %get3A_810, %get3A_816 : vector<16xf32>
        %mul3A_820 = arith.mulf %get3A_804, %add3A_819 : vector<16xf32>
        %add3A_821 = arith.addf %mul3A_818, %mul3A_820 : vector<16xf32>
        %reduce_sum3A_822 = arith.constant true
        %reduce_sum3A_823 = vector.broadcast %reduce_sum3A_822 : i1 to vector<16xi1>
        %reduce_sum3A_824 = tpu.scan <sum>, %add3A_821 masked %reduce_sum3A_823 : vector<16xf32>, vector<16xi1> -> vector<16xf32>
        %reduce_sum3A_825 = vector.extract %reduce_sum3A_824[15] : f32 from vector<16xf32>
        %mul3A_826 = arith.constant 0.176776692 : f32
        %mul3A_827 = arith.mulf %reduce_sum3A_825, %mul3A_826 : f32
        %broadcast_in_dim3A_828 = vector.broadcast %mul3A_827 : f32 to vector<16xf32>
        %exp3A_829 = math.exp %broadcast_in_dim3A_828 : vector<16xf32>
        %get3A_830 = arith.index_cast %add3A_798 : i32 to index
        %get3A_831 = arith.constant 32 : index
        %get3A_832 = tpu.vector_load %arg19[%get3A_830, %get3A_831] {strides = array<i32>} : memref<128x64xf32, #tpu.memory_space<vmem>>, vector<16xf32>,
        %get3A_833 = arith.index_cast %add3A_798 : i32 to index
        %get3A_834 = arith.constant 48 : index
        %get3A_835 = tpu.vector_load %arg19[%get3A_833, %get3A_834] {strides = array<i32>} : memref<128x64xf32, #tpu.memory_space<vmem>>, vector<16xf32>,
        %add3A_836 = arith.addf %get3A_832, %get3A_813 : vector<16xf32>
        %mul3A_837 = arith.mulf %add3A_836, %exp3A_829 : vector<16xf32>
        %swap3A_838 = arith.index_cast %add3A_798 : i32 to index
        %swap3A_839 = arith.constant 0 : index
        %swap3A_840 = tpu.vector_load %arg21[%swap3A_838, %swap3A_839] {strides = array<i32>} : memref<128x32xf32, #tpu.memory_space<vmem>>, vector<16xf32>,
        tpu.vector_store %arg21[%swap3A_838, %swap3A_839], %mul3A_837 {strides = array<i32>} : memref<128x32xf32, #tpu.memory_space<vmem>>, vector<16xf32>,
        %add3A_841 = arith.addf %get3A_835, %get3A_816 : vector<16xf32>
        %mul3A_842 = arith.mulf %add3A_841, %exp3A_829 : vector<16xf32>
        %swap3A_843 = arith.index_cast %add3A_798 : i32 to index
        %swap3A_844 = arith.constant 16 : index
        %swap3A_845 = tpu.vector_load %arg21[%swap3A_843, %swap3A_844] {strides = array<i32>} : memref<128x32xf32, #tpu.memory_space<vmem>>, vector<16xf32>,
        tpu.vector_store %arg21[%swap3A_843, %swap3A_844], %mul3A_842 {strides = array<i32>} : memref<128x32xf32, #tpu.memory_space<vmem>>, vector<16xf32>,
        %broadcast_in_dim3A_846 = vector.broadcast %add3A_798 : i32 to vector<16xi32>
        tpu.vector_store_idx %arg22[%broadcast_in_dim3A_846], %exp3A_829 masked %eq3A_7 : memref<128xf32, #tpu.memory_space<vmem>>[vector<16xi32>], vector<16xf32>, vector<16xi1>
        %add3A_847 = arith.constant 14 : i32
        %add3A_848 = arith.addi %mul3A_151, %add3A_847 : i32
        %get3A_849 = arith.index_cast %add3A_848 : i32 to index
        %get3A_850 = arith.constant 0 : index
        %get3A_851 = tpu.vector_load %arg18[%get3A_849, %get3A_850] {strides = array<i32>} : memref<128x32xf32, #tpu.memory_space<vmem>>, vector<16xf32>,
        %get3A_852 = arith.index_cast %add3A_848 : i32 to index
        %get3A_853 = arith.constant 16 : index
        %get3A_854 = tpu.vector_load %arg18[%get3A_852, %get3A_853] {strides = array<i32>} : memref<128x32xf32, #tpu.memory_space<vmem>>, vector<16xf32>,
        %get3A_855 = arith.index_cast %add3A_848 : i32 to index
        %get3A_856 = arith.constant 0 : index
        %get3A_857 = tpu.vector_load %arg19[%get3A_855, %get3A_856] {strides = array<i32>} : memref<128x64xf32, #tpu.memory_space<vmem>>, vector<16xf32>,
        %get3A_858 = arith.index_cast %add3A_848 : i32 to index
        %get3A_859 = arith.constant 16 : index
        %get3A_860 = tpu.vector_load %arg19[%get3A_858, %get3A_859] {strides = array<i32>} : memref<128x64xf32, #tpu.memory_space<vmem>>, vector<16xf32>,
        %get3A_861 = arith.index_cast %add3A_848 : i32 to index
        %get3A_862 = arith.constant 0 : index
        %get3A_863 = tpu.vector_load %arg20[%get3A_861, %get3A_862] {strides = array<i32>} : memref<128x32xf32, #tpu.memory_space<vmem>>, vector<16xf32>,
        %get3A_864 = arith.index_cast %add3A_848 : i32 to index
        %get3A_865 = arith.constant 16 : index
        %get3A_866 = tpu.vector_load %arg20[%get3A_864, %get3A_865] {strides = array<i32>} : memref<128x32xf32, #tpu.memory_space<vmem>>, vector<16xf32>,
        %add3A_867 = arith.addf %get3A_857, %get3A_863 : vector<16xf32>
        %mul3A_868 = arith.mulf %get3A_851, %add3A_867 : vector<16xf32>
        %add3A_869 = arith.addf %get3A_860, %get3A_866 : vector<16xf32>
        %mul3A_870 = arith.mulf %get3A_854, %add3A_869 : vector<16xf32>
        %add3A_871 = arith.addf %mul3A_868, %mul3A_870 : vector<16xf32>
        %reduce_sum3A_872 = arith.constant true
        %reduce_sum3A_873 = vector.broadcast %reduce_sum3A_872 : i1 to vector<16xi1>
        %reduce_sum3A_874 = tpu.scan <sum>, %add3A_871 masked %reduce_sum3A_873 : vector<16xf32>, vector<16xi1> -> vector<16xf32>
        %reduce_sum3A_875 = vector.extract %reduce_sum3A_874[15] : f32 from vector<16xf32>
        %mul3A_876 = arith.constant 0.176776692 : f32
        %mul3A_877 = arith.mulf %reduce_sum3A_875, %mul3A_876 : f32
        %broadcast_in_dim3A_878 = vector.broadcast %mul3A_877 : f32 to vector<16xf32>
        %exp3A_879 = math.exp %broadcast_in_dim3A_878 : vector<16xf32>
        %get3A_880 = arith.index_cast %add3A_848 : i32 to index
        %get3A_881 = arith.constant 32 : index
        %get3A_882 = tpu.vector_load %arg19[%get3A_880, %get3A_881] {strides = array<i32>} : memref<128x64xf32, #tpu.memory_space<vmem>>, vector<16xf32>,
        %get3A_883 = arith.index_cast %add3A_848 : i32 to index
        %get3A_884 = arith.constant 48 : index
        %get3A_885 = tpu.vector_load %arg19[%get3A_883, %get3A_884] {strides = array<i32>} : memref<128x64xf32, #tpu.memory_space<vmem>>, vector<16xf32>,
        %add3A_886 = arith.addf %get3A_882, %get3A_863 : vector<16xf32>
        %mul3A_887 = arith.mulf %add3A_886, %exp3A_879 : vector<16xf32>
        %swap3A_888 = arith.index_cast %add3A_848 : i32 to index
        %swap3A_889 = arith.constant 0 : index
        %swap3A_890 = tpu.vector_load %arg21[%swap3A_888, %swap3A_889] {strides = array<i32>} : memref<128x32xf32, #tpu.memory_space<vmem>>, vector<16xf32>,
        tpu.vector_store %arg21[%swap3A_888, %swap3A_889], %mul3A_887 {strides = array<i32>} : memref<128x32xf32, #tpu.memory_space<vmem>>, vector<16xf32>,
        %add3A_891 = arith.addf %get3A_885, %get3A_866 : vector<16xf32>
        %mul3A_892 = arith.mulf %add3A_891, %exp3A_879 : vector<16xf32>
        %swap3A_893 = arith.index_cast %add3A_848 : i32 to index
        %swap3A_894 = arith.constant 16 : index
        %swap3A_895 = tpu.vector_load %arg21[%swap3A_893, %swap3A_894] {strides = array<i32>} : memref<128x32xf32, #tpu.memory_space<vmem>>, vector<16xf32>,
        tpu.vector_store %arg21[%swap3A_893, %swap3A_894], %mul3A_892 {strides = array<i32>} : memref<128x32xf32, #tpu.memory_space<vmem>>, vector<16xf32>,
        %broadcast_in_dim3A_896 = vector.broadcast %add3A_848 : i32 to vector<16xi32>
        tpu.vector_store_idx %arg22[%broadcast_in_dim3A_896], %exp3A_879 masked %eq3A_7 : memref<128xf32, #tpu.memory_space<vmem>>[vector<16xi32>], vector<16xf32>, vector<16xi1>
        %add3A_897 = arith.constant 15 : i32
        %add3A_898 = arith.addi %mul3A_151, %add3A_897 : i32
        %get3A_899 = arith.index_cast %add3A_898 : i32 to index
        %get3A_900 = arith.constant 0 : index
        %get3A_901 = tpu.vector_load %arg18[%get3A_899, %get3A_900] {strides = array<i32>} : memref<128x32xf32, #tpu.memory_space<vmem>>, vector<16xf32>,
        %get3A_902 = arith.index_cast %add3A_898 : i32 to index
        %get3A_903 = arith.constant 16 : index
        %get3A_904 = tpu.vector_load %arg18[%get3A_902, %get3A_903] {strides = array<i32>} : memref<128x32xf32, #tpu.memory_space<vmem>>, vector<16xf32>,
        %get3A_905 = arith.index_cast %add3A_898 : i32 to index
        %get3A_906 = arith.constant 0 : index
        %get3A_907 = tpu.vector_load %arg19[%get3A_905, %get3A_906] {strides = array<i32>} : memref<128x64xf32, #tpu.memory_space<vmem>>, vector<16xf32>,
        %get3A_908 = arith.index_cast %add3A_898 : i32 to index
        %get3A_909 = arith.constant 16 : index
        %get3A_910 = tpu.vector_load %arg19[%get3A_908, %get3A_909] {strides = array<i32>} : memref<128x64xf32, #tpu.memory_space<vmem>>, vector<16xf32>,
        %get3A_911 = arith.index_cast %add3A_898 : i32 to index
        %get3A_912 = arith.constant 0 : index
        %get3A_913 = tpu.vector_load %arg20[%get3A_911, %get3A_912] {strides = array<i32>} : memref<128x32xf32, #tpu.memory_space<vmem>>, vector<16xf32>,
        %get3A_914 = arith.index_cast %add3A_898 : i32 to index
        %get3A_915 = arith.constant 16 : index
        %get3A_916 = tpu.vector_load %arg20[%get3A_914, %get3A_915] {strides = array<i32>} : memref<128x32xf32, #tpu.memory_space<vmem>>, vector<16xf32>,
        %add3A_917 = arith.addf %get3A_907, %get3A_913 : vector<16xf32>
        %mul3A_918 = arith.mulf %get3A_901, %add3A_917 : vector<16xf32>
        %add3A_919 = arith.addf %get3A_910, %get3A_916 : vector<16xf32>
        %mul3A_920 = arith.mulf %get3A_904, %add3A_919 : vector<16xf32>
        %add3A_921 = arith.addf %mul3A_918, %mul3A_920 : vector<16xf32>
        %reduce_sum3A_922 = arith.constant true
        %reduce_sum3A_923 = vector.broadcast %reduce_sum3A_922 : i1 to vector<16xi1>
        %reduce_sum3A_924 = tpu.scan <sum>, %add3A_921 masked %reduce_sum3A_923 : vector<16xf32>, vector<16xi1> -> vector<16xf32>
        %reduce_sum3A_925 = vector.extract %reduce_sum3A_924[15] : f32 from vector<16xf32>
        %mul3A_926 = arith.constant 0.176776692 : f32
        %mul3A_927 = arith.mulf %reduce_sum3A_925, %mul3A_926 : f32
        %broadcast_in_dim3A_928 = vector.broadcast %mul3A_927 : f32 to vector<16xf32>
        %exp3A_929 = math.exp %broadcast_in_dim3A_928 : vector<16xf32>
        %get3A_930 = arith.index_cast %add3A_898 : i32 to index
        %get3A_931 = arith.constant 32 : index
        %get3A_932 = tpu.vector_load %arg19[%get3A_930, %get3A_931] {strides = array<i32>} : memref<128x64xf32, #tpu.memory_space<vmem>>, vector<16xf32>,
        %get3A_933 = arith.index_cast %add3A_898 : i32 to index
        %get3A_934 = arith.constant 48 : index
        %get3A_935 = tpu.vector_load %arg19[%get3A_933, %get3A_934] {strides = array<i32>} : memref<128x64xf32, #tpu.memory_space<vmem>>, vector<16xf32>,
        %add3A_936 = arith.addf %get3A_932, %get3A_913 : vector<16xf32>
        %mul3A_937 = arith.mulf %add3A_936, %exp3A_929 : vector<16xf32>
        %swap3A_938 = arith.index_cast %add3A_898 : i32 to index
        %swap3A_939 = arith.constant 0 : index
        %swap3A_940 = tpu.vector_load %arg21[%swap3A_938, %swap3A_939] {strides = array<i32>} : memref<128x32xf32, #tpu.memory_space<vmem>>, vector<16xf32>,
        tpu.vector_store %arg21[%swap3A_938, %swap3A_939], %mul3A_937 {strides = array<i32>} : memref<128x32xf32, #tpu.memory_space<vmem>>, vector<16xf32>,
        %add3A_941 = arith.addf %get3A_935, %get3A_916 : vector<16xf32>
        %mul3A_942 = arith.mulf %add3A_941, %exp3A_929 : vector<16xf32>
        %swap3A_943 = arith.index_cast %add3A_898 : i32 to index
        %swap3A_944 = arith.constant 16 : index
        %swap3A_945 = tpu.vector_load %arg21[%swap3A_943, %swap3A_944] {strides = array<i32>} : memref<128x32xf32, #tpu.memory_space<vmem>>, vector<16xf32>,
        tpu.vector_store %arg21[%swap3A_943, %swap3A_944], %mul3A_942 {strides = array<i32>} : memref<128x32xf32, #tpu.memory_space<vmem>>, vector<16xf32>,
        %broadcast_in_dim3A_946 = vector.broadcast %add3A_898 : i32 to vector<16xi32>
        tpu.vector_store_idx %arg22[%broadcast_in_dim3A_946], %exp3A_929 masked %eq3A_7 : memref<128xf32, #tpu.memory_space<vmem>>[vector<16xi32>], vector<16xf32>, vector<16xi1>
      }
      %scan3A_74 = arith.constant 8 : i32
      %dma_start3A_75 = arith.constant 0 : i32
      %dma_start3A_76 = arith.constant 0 : i32
      %dma_start3A_77 = tpu.memref_slice %arg25[%dma_start3A_75, %dma_start3A_76] : memref<50048x32xf32, #tpu.memory_space<vmem_shared>> -> memref<50048x32xf32, #tpu.memory_space<vmem_shared>>
      tpu.enqueue_indirect_dma source(%arg21 : memref<128x32xf32, #tpu.memory_space<vmem>>) target(%dma_start3A_77 : memref<50048x32xf32, #tpu.memory_space<vmem_shared>>) offsets(%arg13 : memref<128xi32, #tpu.memory_space<vmem>>) semaphore(%arg29 : memref<!tpu.dma_semaphore, #tpu.memory_space<semaphore_mem>>) {add = true}
      %dma_start3A_78 = arith.constant 0 : i32
      %dma_start3A_79 = tpu.memref_slice %arg26[%dma_start3A_78] : memref<50048xf32, #tpu.memory_space<vmem_shared>> -> memref<50048xf32, #tpu.memory_space<vmem_shared>>
      tpu.enqueue_indirect_dma source(%arg22 : memref<128xf32, #tpu.memory_space<vmem>>) target(%dma_start3A_79 : memref<50048xf32, #tpu.memory_space<vmem_shared>>) offsets(%arg13 : memref<128xi32, #tpu.memory_space<vmem>>) semaphore(%arg29 : memref<!tpu.dma_semaphore, #tpu.memory_space<semaphore_mem>>) {add = true}
      %add3A_80 = arith.constant 1 : i32
      %add3A_81 = arith.addi %add3A_33, %add3A_80 : i32
      %lt3A_82 = arith.constant 392 : i32
      %lt3A_83 = arith.cmpi slt, %add3A_81, %lt3A_82 : i32
      %convert_element_type3A_84 = arith.extui %lt3A_83 : i1 to i32
      %cond3A_85 = arith.constant 0 : i32
      %cond3A_86 = arith.cmpi ne, %convert_element_type3A_84, %cond3A_85 : i32
      scf.if %cond3A_86 {
        %dma_wait3A_149 = arith.constant 0 : i32
        %dma_wait3A_150 = tpu.memref_slice %arg4[%dma_wait3A_149] : memref<802816xi32, #tpu.memory_space<hbm>> -> memref<128xi32, #tpu.memory_space<hbm>>
        %dma_wait3A_151 = arith.constant 0 : i32
        %dma_wait3A_152 = tpu.memref_slice %arg4[%dma_wait3A_151] : memref<802816xi32, #tpu.memory_space<hbm>> -> memref<128xi32, #tpu.memory_space<hbm>>
        tpu.wait_dma2 semaphore(%arg28 : memref<!tpu.dma_semaphore, #tpu.memory_space<semaphore_mem>>) src(%dma_wait3A_152 : memref<128xi32, #tpu.memory_space<hbm>>) dst(%arg15 : memref<128xi32, #tpu.memory_space<vmem>>)
        %dma_wait3A_153 = arith.constant 0 : i32
        %dma_wait3A_154 = tpu.memref_slice %arg4[%dma_wait3A_153] : memref<802816xi32, #tpu.memory_space<hbm>> -> memref<128xi32, #tpu.memory_space<hbm>>
        %dma_wait3A_155 = arith.constant 0 : i32
        %dma_wait3A_156 = tpu.memref_slice %arg4[%dma_wait3A_155] : memref<802816xi32, #tpu.memory_space<hbm>> -> memref<128xi32, #tpu.memory_space<hbm>>
        tpu.wait_dma2 semaphore(%arg28 : memref<!tpu.dma_semaphore, #tpu.memory_space<semaphore_mem>>) src(%dma_wait3A_156 : memref<128xi32, #tpu.memory_space<hbm>>) dst(%arg17 : memref<128xi32, #tpu.memory_space<vmem>>)
        %dma_wait3A_157 = arith.constant 0 : i32
        %dma_wait3A_158 = tpu.memref_slice %arg4[%dma_wait3A_157] : memref<802816xi32, #tpu.memory_space<hbm>> -> memref<128xi32, #tpu.memory_space<hbm>>
        %dma_wait3A_159 = arith.constant 0 : i32
        %dma_wait3A_160 = tpu.memref_slice %arg4[%dma_wait3A_159] : memref<802816xi32, #tpu.memory_space<hbm>> -> memref<128xi32, #tpu.memory_space<hbm>>
        tpu.wait_dma2 semaphore(%arg28 : memref<!tpu.dma_semaphore, #tpu.memory_space<semaphore_mem>>) src(%dma_wait3A_160 : memref<128xi32, #tpu.memory_space<hbm>>) dst(%arg16 : memref<128xi32, #tpu.memory_space<vmem>>)
      } else {
      }
      %mul3A_87 = arith.constant 2 : i32
      %mul3A_88 = arith.muli %mul3A_87, %scan3A_29 : i32
      %add3A_89 = arith.constant 1 : i32
      %add3A_90 = arith.addi %mul3A_88, %add3A_89 : i32
      %mul3A_91 = arith.constant 128 : i32
      %mul3A_92 = arith.muli %add3A_90, %mul3A_91 : i32
      %add3A_93 = arith.addi %mul3A_9, %mul3A_92 : i32
      %dma_start3A_94 = arith.constant 0 : i32
      %dma_start3A_95 = arith.constant 0 : i32
      %dma_start3A_96 = tpu.memref_slice %arg5[%dma_start3A_94, %dma_start3A_95] : memref<100016x32xf32, #tpu.memory_space<hbm>> -> memref<100016x32xf32, #tpu.memory_space<hbm>>
      tpu.enqueue_indirect_dma source(%dma_start3A_96 : memref<100016x32xf32, #tpu.memory_space<hbm>>) target(%arg18 : memref<128x32xf32, #tpu.memory_space<vmem>>) offsets(%arg17 : memref<128xi32, #tpu.memory_space<vmem>>) semaphore(%arg27 : memref<!tpu.dma_semaphore, #tpu.memory_space<semaphore_mem>>)
      %dma_start3A_97 = arith.constant 0 : i32
      %dma_start3A_98 = arith.constant 0 : i32
      %dma_start3A_99 = tpu.memref_slice %arg6[%dma_start3A_97, %dma_start3A_98] : memref<100016x64xf32, #tpu.memory_space<hbm>> -> memref<100016x64xf32, #tpu.memory_space<hbm>>
      tpu.enqueue_indirect_dma source(%dma_start3A_99 : memref<100016x64xf32, #tpu.memory_space<hbm>>) target(%arg19 : memref<128x64xf32, #tpu.memory_space<vmem>>) offsets(%arg15 : memref<128xi32, #tpu.memory_space<vmem>>) semaphore(%arg27 : memref<!tpu.dma_semaphore, #tpu.memory_space<semaphore_mem>>)
      %mul3A_100 = arith.constant 802816 : i32
      %mul3A_101 = arith.muli %arg0, %mul3A_100 : i32
      %add3A_102 = arith.addi %mul3A_101, %add3A_93 : i32
      %dma_start3A_103 = arith.constant 0 : i32
      %dma_start3A_104 = tpu.memref_slice %arg7[%add3A_102, %dma_start3A_103] : memref<1605632x32xf32, #tpu.memory_space<hbm>> -> memref<128x32xf32, #tpu.memory_space<hbm>>
      %dma_start3A_105 = arith.constant 0 : i32
      %dma_start3A_106 = tpu.memref_slice %arg7[%add3A_102, %dma_start3A_105] : memref<1605632x32xf32, #tpu.memory_space<hbm>> -> memref<128x32xf32, #tpu.memory_space<hbm>>
      tpu.enqueue_dma source(%dma_start3A_106 : memref<128x32xf32, #tpu.memory_space<hbm>>) target(%arg20 : memref<128x32xf32, #tpu.memory_space<vmem>>) target_semaphore(%arg27 : memref<!tpu.dma_semaphore, #tpu.memory_space<semaphore_mem>>)
      %add3A_107 = arith.constant 1 : i32
      %add3A_108 = arith.addi %scan3A_29, %add3A_107 : i32
      %gt3A_109 = arith.constant 0 : i32
      %gt3A_110 = arith.cmpi sgt, %add3A_108, %gt3A_109 : i32
      %convert_element_type3A_111 = arith.extui %gt3A_110 : i1 to i32
      %cond3A_112 = arith.constant 0 : i32
      %cond3A_113 = arith.cmpi ne, %convert_element_type3A_111, %cond3A_112 : i32
      scf.if %cond3A_113 {
        %dma_wait3A_149 = arith.constant 0 : i32
        %dma_wait3A_150 = arith.constant 0 : i32
        %dma_wait3A_151 = tpu.memref_slice %arg25[%dma_wait3A_149, %dma_wait3A_150] : memref<50048x32xf32, #tpu.memory_space<vmem_shared>> -> memref<50048x32xf32, #tpu.memory_space<vmem_shared>>
        tpu.wait_indirect_dma semaphore(%arg29 : memref<!tpu.dma_semaphore, #tpu.memory_space<semaphore_mem>>) src(%arg21 : memref<128x32xf32, #tpu.memory_space<vmem>>) dst(%dma_wait3A_151 : memref<50048x32xf32, #tpu.memory_space<vmem_shared>>)
        %dma_wait3A_152 = arith.constant 0 : i32
        %dma_wait3A_153 = tpu.memref_slice %arg26[%dma_wait3A_152] : memref<50048xf32, #tpu.memory_space<vmem_shared>> -> memref<50048xf32, #tpu.memory_space<vmem_shared>>
        tpu.wait_indirect_dma semaphore(%arg29 : memref<!tpu.dma_semaphore, #tpu.memory_space<semaphore_mem>>) src(%arg22 : memref<128xf32, #tpu.memory_space<vmem>>) dst(%dma_wait3A_153 : memref<50048xf32, #tpu.memory_space<vmem_shared>>)
      } else {
      }
      %add3A_114 = arith.constant 1 : i32
      %add3A_115 = arith.addi %add3A_90, %add3A_114 : i32
      %lt3A_116 = arith.constant 392 : i32
      %lt3A_117 = arith.cmpi slt, %add3A_115, %lt3A_116 : i32
      %convert_element_type3A_118 = arith.extui %lt3A_117 : i1 to i32
      %cond3A_119 = arith.constant 0 : i32
      %cond3A_120 = arith.cmpi ne, %convert_element_type3A_118, %cond3A_119 : i32
      scf.if %cond3A_120 {
        %add3A_149 = arith.constant 1 : i32
        %add3A_150 = arith.addi %add3A_90, %add3A_149 : i32
        %mul3A_151 = arith.constant 128 : i32
        %mul3A_152 = arith.muli %add3A_150, %mul3A_151 : i32
        %add3A_153 = arith.addi %mul3A_9, %mul3A_152 : i32
        %add3A_154 = arith.constant 1 : i32
        %add3A_155 = arith.addi %add3A_90, %add3A_154 : i32
        %mul3A_156 = arith.constant 128 : i32
        %mul3A_157 = arith.muli %add3A_155, %mul3A_156 : i32
        %add3A_158 = arith.addi %add3A, %mul3A_157 : i32
        %dma_start3A_159 = tpu.memref_slice %arg2[%add3A_158] : memref<1605632xi32, #tpu.memory_space<hbm>> -> memref<128xi32, #tpu.memory_space<hbm>>
        %dma_start3A_160 = tpu.memref_slice %arg2[%add3A_158] : memref<1605632xi32, #tpu.memory_space<hbm>> -> memref<128xi32, #tpu.memory_space<hbm>>
        tpu.enqueue_dma source(%dma_start3A_160 : memref<128xi32, #tpu.memory_space<hbm>>) target(%arg12 : memref<128xi32, #tpu.memory_space<vmem>>) target_semaphore(%arg28 : memref<!tpu.dma_semaphore, #tpu.memory_space<semaphore_mem>>)
        %add3A_161 = arith.constant 1 : i32
        %add3A_162 = arith.addi %add3A_90, %add3A_161 : i32
        %mul3A_163 = arith.constant 128 : i32
        %mul3A_164 = arith.muli %add3A_162, %mul3A_163 : i32
        %add3A_165 = arith.addi %add3A, %mul3A_164 : i32
        %dma_start3A_166 = tpu.memref_slice %arg3[%add3A_165] : memref<1605632xi32, #tpu.memory_space<hbm>> -> memref<128xi32, #tpu.memory_space<hbm>>
        %dma_start3A_167 = tpu.memref_slice %arg3[%add3A_165] : memref<1605632xi32, #tpu.memory_space<hbm>> -> memref<128xi32, #tpu.memory_space<hbm>>
        tpu.enqueue_dma source(%dma_start3A_167 : memref<128xi32, #tpu.memory_space<hbm>>) target(%arg14 : memref<128xi32, #tpu.memory_space<vmem>>) target_semaphore(%arg28 : memref<!tpu.dma_semaphore, #tpu.memory_space<semaphore_mem>>)
        %dma_start3A_168 = tpu.memref_slice %arg4[%add3A_153] : memref<802816xi32, #tpu.memory_space<hbm>> -> memref<128xi32, #tpu.memory_space<hbm>>
        %dma_start3A_169 = tpu.memref_slice %arg4[%add3A_153] : memref<802816xi32, #tpu.memory_space<hbm>> -> memref<128xi32, #tpu.memory_space<hbm>>
        tpu.enqueue_dma source(%dma_start3A_169 : memref<128xi32, #tpu.memory_space<hbm>>) target(%arg13 : memref<128xi32, #tpu.memory_space<vmem>>) target_semaphore(%arg28 : memref<!tpu.dma_semaphore, #tpu.memory_space<semaphore_mem>>)
      } else {
      }
      %dma_wait3A_121 = arith.constant 0 : i32
      %dma_wait3A_122 = arith.constant 0 : i32
      %dma_wait3A_123 = tpu.memref_slice %arg5[%dma_wait3A_121, %dma_wait3A_122] : memref<100016x32xf32, #tpu.memory_space<hbm>> -> memref<100016x32xf32, #tpu.memory_space<hbm>>
      tpu.wait_indirect_dma semaphore(%arg27 : memref<!tpu.dma_semaphore, #tpu.memory_space<semaphore_mem>>) src(%dma_wait3A_123 : memref<100016x32xf32, #tpu.memory_space<hbm>>) dst(%arg18 : memref<128x32xf32, #tpu.memory_space<vmem>>)
      %dma_wait3A_124 = arith.constant 0 : i32
      %dma_wait3A_125 = arith.constant 0 : i32
      %dma_wait3A_126 = tpu.memref_slice %arg6[%dma_wait3A_124, %dma_wait3A_125] : memref<100016x64xf32, #tpu.memory_space<hbm>> -> memref<100016x64xf32, #tpu.memory_space<hbm>>
      tpu.wait_indirect_dma semaphore(%arg27 : memref<!tpu.dma_semaphore, #tpu.memory_space<semaphore_mem>>) src(%dma_wait3A_126 : memref<100016x64xf32, #tpu.memory_space<hbm>>) dst(%arg19 : memref<128x64xf32, #tpu.memory_space<vmem>>)
      %dma_wait3A_127 = arith.constant 0 : i32
      %dma_wait3A_128 = tpu.memref_slice %arg7[%add3A_102, %dma_wait3A_127] : memref<1605632x32xf32, #tpu.memory_space<hbm>> -> memref<128x32xf32, #tpu.memory_space<hbm>>
      %dma_wait3A_129 = arith.constant 0 : i32
      %dma_wait3A_130 = tpu.memref_slice %arg7[%add3A_102, %dma_wait3A_129] : memref<1605632x32xf32, #tpu.memory_space<hbm>> -> memref<128x32xf32, #tpu.memory_space<hbm>>
      tpu.wait_dma2 semaphore(%arg27 : memref<!tpu.dma_semaphore, #tpu.memory_space<semaphore_mem>>) src(%dma_wait3A_130 : memref<128x32xf32, #tpu.memory_space<hbm>>) dst(%arg20 : memref<128x32xf32, #tpu.memory_space<vmem>>)
      %scan3A_131 = arith.constant 0 : i32
      %scan3A_132 = arith.constant 0 : i32
      %scan3A_133 = arith.constant 8 : i32
      %scan3A_134 = arith.addi %scan3A_132, %scan3A_133 : i32
      %scan3A_135 = arith.constant 1 : i32
      scf.for %scan3A_149 = %scan3A_132 to %scan3A_134 step %scan3A_135  : i32 {
        %mul3A_150 = arith.constant 16 : i32
        %mul3A_151 = arith.muli %scan3A_149, %mul3A_150 : i32
        %add3A_152 = arith.constant 0 : i32
        %add3A_153 = arith.addi %mul3A_151, %add3A_152 : i32
        %get3A = arith.index_cast %add3A_153 : i32 to index
        %get3A_154 = arith.constant 0 : index
        %get3A_155 = tpu.vector_load %arg18[%get3A, %get3A_154] {strides = array<i32>} : memref<128x32xf32, #tpu.memory_space<vmem>>, vector<16xf32>,
        %get3A_156 = arith.index_cast %add3A_153 : i32 to index
        %get3A_157 = arith.constant 16 : index
        %get3A_158 = tpu.vector_load %arg18[%get3A_156, %get3A_157] {strides = array<i32>} : memref<128x32xf32, #tpu.memory_space<vmem>>, vector<16xf32>,
        %get3A_159 = arith.index_cast %add3A_153 : i32 to index
        %get3A_160 = arith.constant 0 : index
        %get3A_161 = tpu.vector_load %arg19[%get3A_159, %get3A_160] {strides = array<i32>} : memref<128x64xf32, #tpu.memory_space<vmem>>, vector<16xf32>,
        %get3A_162 = arith.index_cast %add3A_153 : i32 to index
        %get3A_163 = arith.constant 16 : index
        %get3A_164 = tpu.vector_load %arg19[%get3A_162, %get3A_163] {strides = array<i32>} : memref<128x64xf32, #tpu.memory_space<vmem>>, vector<16xf32>,
        %get3A_165 = arith.index_cast %add3A_153 : i32 to index
        %get3A_166 = arith.constant 0 : index
        %get3A_167 = tpu.vector_load %arg20[%get3A_165, %get3A_166] {strides = array<i32>} : memref<128x32xf32, #tpu.memory_space<vmem>>, vector<16xf32>,
        %get3A_168 = arith.index_cast %add3A_153 : i32 to index
        %get3A_169 = arith.constant 16 : index
        %get3A_170 = tpu.vector_load %arg20[%get3A_168, %get3A_169] {strides = array<i32>} : memref<128x32xf32, #tpu.memory_space<vmem>>, vector<16xf32>,
        %add3A_171 = arith.addf %get3A_161, %get3A_167 : vector<16xf32>
        %mul3A_172 = arith.mulf %get3A_155, %add3A_171 : vector<16xf32>
        %add3A_173 = arith.addf %get3A_164, %get3A_170 : vector<16xf32>
        %mul3A_174 = arith.mulf %get3A_158, %add3A_173 : vector<16xf32>
        %add3A_175 = arith.addf %mul3A_172, %mul3A_174 : vector<16xf32>
        %reduce_sum3A = arith.constant true
        %reduce_sum3A_176 = vector.broadcast %reduce_sum3A : i1 to vector<16xi1>
        %reduce_sum3A_177 = tpu.scan <sum>, %add3A_175 masked %reduce_sum3A_176 : vector<16xf32>, vector<16xi1> -> vector<16xf32>
        %reduce_sum3A_178 = vector.extract %reduce_sum3A_177[15] : f32 from vector<16xf32>
        %mul3A_179 = arith.constant 0.176776692 : f32
        %mul3A_180 = arith.mulf %reduce_sum3A_178, %mul3A_179 : f32
        %broadcast_in_dim3A = vector.broadcast %mul3A_180 : f32 to vector<16xf32>
        %exp3A = math.exp %broadcast_in_dim3A : vector<16xf32>
        %get3A_181 = arith.index_cast %add3A_153 : i32 to index
        %get3A_182 = arith.constant 32 : index
        %get3A_183 = tpu.vector_load %arg19[%get3A_181, %get3A_182] {strides = array<i32>} : memref<128x64xf32, #tpu.memory_space<vmem>>, vector<16xf32>,
        %get3A_184 = arith.index_cast %add3A_153 : i32 to index
        %get3A_185 = arith.constant 48 : index
        %get3A_186 = tpu.vector_load %arg19[%get3A_184, %get3A_185] {strides = array<i32>} : memref<128x64xf32, #tpu.memory_space<vmem>>, vector<16xf32>,
        %add3A_187 = arith.addf %get3A_183, %get3A_167 : vector<16xf32>
        %mul3A_188 = arith.mulf %add3A_187, %exp3A : vector<16xf32>
        %swap3A = arith.index_cast %add3A_153 : i32 to index
        %swap3A_189 = arith.constant 0 : index
        %swap3A_190 = tpu.vector_load %arg21[%swap3A, %swap3A_189] {strides = array<i32>} : memref<128x32xf32, #tpu.memory_space<vmem>>, vector<16xf32>,
        tpu.vector_store %arg21[%swap3A, %swap3A_189], %mul3A_188 {strides = array<i32>} : memref<128x32xf32, #tpu.memory_space<vmem>>, vector<16xf32>,
        %add3A_191 = arith.addf %get3A_186, %get3A_170 : vector<16xf32>
        %mul3A_192 = arith.mulf %add3A_191, %exp3A : vector<16xf32>
        %swap3A_193 = arith.index_cast %add3A_153 : i32 to index
        %swap3A_194 = arith.constant 16 : index
        %swap3A_195 = tpu.vector_load %arg21[%swap3A_193, %swap3A_194] {strides = array<i32>} : memref<128x32xf32, #tpu.memory_space<vmem>>, vector<16xf32>,
        tpu.vector_store %arg21[%swap3A_193, %swap3A_194], %mul3A_192 {strides = array<i32>} : memref<128x32xf32, #tpu.memory_space<vmem>>, vector<16xf32>,
        %broadcast_in_dim3A_196 = vector.broadcast %add3A_153 : i32 to vector<16xi32>
        tpu.vector_store_idx %arg22[%broadcast_in_dim3A_196], %exp3A masked %eq3A_7 : memref<128xf32, #tpu.memory_space<vmem>>[vector<16xi32>], vector<16xf32>, vector<16xi1>
        %add3A_197 = arith.constant 1 : i32
        %add3A_198 = arith.addi %mul3A_151, %add3A_197 : i32
        %get3A_199 = arith.index_cast %add3A_198 : i32 to index
        %get3A_200 = arith.constant 0 : index
        %get3A_201 = tpu.vector_load %arg18[%get3A_199, %get3A_200] {strides = array<i32>} : memref<128x32xf32, #tpu.memory_space<vmem>>, vector<16xf32>,
        %get3A_202 = arith.index_cast %add3A_198 : i32 to index
        %get3A_203 = arith.constant 16 : index
        %get3A_204 = tpu.vector_load %arg18[%get3A_202, %get3A_203] {strides = array<i32>} : memref<128x32xf32, #tpu.memory_space<vmem>>, vector<16xf32>,
        %get3A_205 = arith.index_cast %add3A_198 : i32 to index
        %get3A_206 = arith.constant 0 : index
        %get3A_207 = tpu.vector_load %arg19[%get3A_205, %get3A_206] {strides = array<i32>} : memref<128x64xf32, #tpu.memory_space<vmem>>, vector<16xf32>,
        %get3A_208 = arith.index_cast %add3A_198 : i32 to index
        %get3A_209 = arith.constant 16 : index
        %get3A_210 = tpu.vector_load %arg19[%get3A_208, %get3A_209] {strides = array<i32>} : memref<128x64xf32, #tpu.memory_space<vmem>>, vector<16xf32>,
        %get3A_211 = arith.index_cast %add3A_198 : i32 to index
        %get3A_212 = arith.constant 0 : index
        %get3A_213 = tpu.vector_load %arg20[%get3A_211, %get3A_212] {strides = array<i32>} : memref<128x32xf32, #tpu.memory_space<vmem>>, vector<16xf32>,
        %get3A_214 = arith.index_cast %add3A_198 : i32 to index
        %get3A_215 = arith.constant 16 : index
        %get3A_216 = tpu.vector_load %arg20[%get3A_214, %get3A_215] {strides = array<i32>} : memref<128x32xf32, #tpu.memory_space<vmem>>, vector<16xf32>,
        %add3A_217 = arith.addf %get3A_207, %get3A_213 : vector<16xf32>
        %mul3A_218 = arith.mulf %get3A_201, %add3A_217 : vector<16xf32>
        %add3A_219 = arith.addf %get3A_210, %get3A_216 : vector<16xf32>
        %mul3A_220 = arith.mulf %get3A_204, %add3A_219 : vector<16xf32>
        %add3A_221 = arith.addf %mul3A_218, %mul3A_220 : vector<16xf32>
        %reduce_sum3A_222 = arith.constant true
        %reduce_sum3A_223 = vector.broadcast %reduce_sum3A_222 : i1 to vector<16xi1>
        %reduce_sum3A_224 = tpu.scan <sum>, %add3A_221 masked %reduce_sum3A_223 : vector<16xf32>, vector<16xi1> -> vector<16xf32>
        %reduce_sum3A_225 = vector.extract %reduce_sum3A_224[15] : f32 from vector<16xf32>
        %mul3A_226 = arith.constant 0.176776692 : f32
        %mul3A_227 = arith.mulf %reduce_sum3A_225, %mul3A_226 : f32
        %broadcast_in_dim3A_228 = vector.broadcast %mul3A_227 : f32 to vector<16xf32>
        %exp3A_229 = math.exp %broadcast_in_dim3A_228 : vector<16xf32>
        %get3A_230 = arith.index_cast %add3A_198 : i32 to index
        %get3A_231 = arith.constant 32 : index
        %get3A_232 = tpu.vector_load %arg19[%get3A_230, %get3A_231] {strides = array<i32>} : memref<128x64xf32, #tpu.memory_space<vmem>>, vector<16xf32>,
        %get3A_233 = arith.index_cast %add3A_198 : i32 to index
        %get3A_234 = arith.constant 48 : index
        %get3A_235 = tpu.vector_load %arg19[%get3A_233, %get3A_234] {strides = array<i32>} : memref<128x64xf32, #tpu.memory_space<vmem>>, vector<16xf32>,
        %add3A_236 = arith.addf %get3A_232, %get3A_213 : vector<16xf32>
        %mul3A_237 = arith.mulf %add3A_236, %exp3A_229 : vector<16xf32>
        %swap3A_238 = arith.index_cast %add3A_198 : i32 to index
        %swap3A_239 = arith.constant 0 : index
        %swap3A_240 = tpu.vector_load %arg21[%swap3A_238, %swap3A_239] {strides = array<i32>} : memref<128x32xf32, #tpu.memory_space<vmem>>, vector<16xf32>,
        tpu.vector_store %arg21[%swap3A_238, %swap3A_239], %mul3A_237 {strides = array<i32>} : memref<128x32xf32, #tpu.memory_space<vmem>>, vector<16xf32>,
        %add3A_241 = arith.addf %get3A_235, %get3A_216 : vector<16xf32>
        %mul3A_242 = arith.mulf %add3A_241, %exp3A_229 : vector<16xf32>
        %swap3A_243 = arith.index_cast %add3A_198 : i32 to index
        %swap3A_244 = arith.constant 16 : index
        %swap3A_245 = tpu.vector_load %arg21[%swap3A_243, %swap3A_244] {strides = array<i32>} : memref<128x32xf32, #tpu.memory_space<vmem>>, vector<16xf32>,
        tpu.vector_store %arg21[%swap3A_243, %swap3A_244], %mul3A_242 {strides = array<i32>} : memref<128x32xf32, #tpu.memory_space<vmem>>, vector<16xf32>,
        %broadcast_in_dim3A_246 = vector.broadcast %add3A_198 : i32 to vector<16xi32>
        tpu.vector_store_idx %arg22[%broadcast_in_dim3A_246], %exp3A_229 masked %eq3A_7 : memref<128xf32, #tpu.memory_space<vmem>>[vector<16xi32>], vector<16xf32>, vector<16xi1>
        %add3A_247 = arith.constant 2 : i32
        %add3A_248 = arith.addi %mul3A_151, %add3A_247 : i32
        %get3A_249 = arith.index_cast %add3A_248 : i32 to index
        %get3A_250 = arith.constant 0 : index
        %get3A_251 = tpu.vector_load %arg18[%get3A_249, %get3A_250] {strides = array<i32>} : memref<128x32xf32, #tpu.memory_space<vmem>>, vector<16xf32>,
        %get3A_252 = arith.index_cast %add3A_248 : i32 to index
        %get3A_253 = arith.constant 16 : index
        %get3A_254 = tpu.vector_load %arg18[%get3A_252, %get3A_253] {strides = array<i32>} : memref<128x32xf32, #tpu.memory_space<vmem>>, vector<16xf32>,
        %get3A_255 = arith.index_cast %add3A_248 : i32 to index
        %get3A_256 = arith.constant 0 : index
        %get3A_257 = tpu.vector_load %arg19[%get3A_255, %get3A_256] {strides = array<i32>} : memref<128x64xf32, #tpu.memory_space<vmem>>, vector<16xf32>,
        %get3A_258 = arith.index_cast %add3A_248 : i32 to index
        %get3A_259 = arith.constant 16 : index
        %get3A_260 = tpu.vector_load %arg19[%get3A_258, %get3A_259] {strides = array<i32>} : memref<128x64xf32, #tpu.memory_space<vmem>>, vector<16xf32>,
        %get3A_261 = arith.index_cast %add3A_248 : i32 to index
        %get3A_262 = arith.constant 0 : index
        %get3A_263 = tpu.vector_load %arg20[%get3A_261, %get3A_262] {strides = array<i32>} : memref<128x32xf32, #tpu.memory_space<vmem>>, vector<16xf32>,
        %get3A_264 = arith.index_cast %add3A_248 : i32 to index
        %get3A_265 = arith.constant 16 : index
        %get3A_266 = tpu.vector_load %arg20[%get3A_264, %get3A_265] {strides = array<i32>} : memref<128x32xf32, #tpu.memory_space<vmem>>, vector<16xf32>,
        %add3A_267 = arith.addf %get3A_257, %get3A_263 : vector<16xf32>
        %mul3A_268 = arith.mulf %get3A_251, %add3A_267 : vector<16xf32>
        %add3A_269 = arith.addf %get3A_260, %get3A_266 : vector<16xf32>
        %mul3A_270 = arith.mulf %get3A_254, %add3A_269 : vector<16xf32>
        %add3A_271 = arith.addf %mul3A_268, %mul3A_270 : vector<16xf32>
        %reduce_sum3A_272 = arith.constant true
        %reduce_sum3A_273 = vector.broadcast %reduce_sum3A_272 : i1 to vector<16xi1>
        %reduce_sum3A_274 = tpu.scan <sum>, %add3A_271 masked %reduce_sum3A_273 : vector<16xf32>, vector<16xi1> -> vector<16xf32>
        %reduce_sum3A_275 = vector.extract %reduce_sum3A_274[15] : f32 from vector<16xf32>
        %mul3A_276 = arith.constant 0.176776692 : f32
        %mul3A_277 = arith.mulf %reduce_sum3A_275, %mul3A_276 : f32
        %broadcast_in_dim3A_278 = vector.broadcast %mul3A_277 : f32 to vector<16xf32>
        %exp3A_279 = math.exp %broadcast_in_dim3A_278 : vector<16xf32>
        %get3A_280 = arith.index_cast %add3A_248 : i32 to index
        %get3A_281 = arith.constant 32 : index
        %get3A_282 = tpu.vector_load %arg19[%get3A_280, %get3A_281] {strides = array<i32>} : memref<128x64xf32, #tpu.memory_space<vmem>>, vector<16xf32>,
        %get3A_283 = arith.index_cast %add3A_248 : i32 to index
        %get3A_284 = arith.constant 48 : index
        %get3A_285 = tpu.vector_load %arg19[%get3A_283, %get3A_284] {strides = array<i32>} : memref<128x64xf32, #tpu.memory_space<vmem>>, vector<16xf32>,
        %add3A_286 = arith.addf %get3A_282, %get3A_263 : vector<16xf32>
        %mul3A_287 = arith.mulf %add3A_286, %exp3A_279 : vector<16xf32>
        %swap3A_288 = arith.index_cast %add3A_248 : i32 to index
        %swap3A_289 = arith.constant 0 : index
        %swap3A_290 = tpu.vector_load %arg21[%swap3A_288, %swap3A_289] {strides = array<i32>} : memref<128x32xf32, #tpu.memory_space<vmem>>, vector<16xf32>,
        tpu.vector_store %arg21[%swap3A_288, %swap3A_289], %mul3A_287 {strides = array<i32>} : memref<128x32xf32, #tpu.memory_space<vmem>>, vector<16xf32>,
        %add3A_291 = arith.addf %get3A_285, %get3A_266 : vector<16xf32>
        %mul3A_292 = arith.mulf %add3A_291, %exp3A_279 : vector<16xf32>
        %swap3A_293 = arith.index_cast %add3A_248 : i32 to index
        %swap3A_294 = arith.constant 16 : index
        %swap3A_295 = tpu.vector_load %arg21[%swap3A_293, %swap3A_294] {strides = array<i32>} : memref<128x32xf32, #tpu.memory_space<vmem>>, vector<16xf32>,
        tpu.vector_store %arg21[%swap3A_293, %swap3A_294], %mul3A_292 {strides = array<i32>} : memref<128x32xf32, #tpu.memory_space<vmem>>, vector<16xf32>,
        %broadcast_in_dim3A_296 = vector.broadcast %add3A_248 : i32 to vector<16xi32>
        tpu.vector_store_idx %arg22[%broadcast_in_dim3A_296], %exp3A_279 masked %eq3A_7 : memref<128xf32, #tpu.memory_space<vmem>>[vector<16xi32>], vector<16xf32>, vector<16xi1>
        %add3A_297 = arith.constant 3 : i32
        %add3A_298 = arith.addi %mul3A_151, %add3A_297 : i32
        %get3A_299 = arith.index_cast %add3A_298 : i32 to index
        %get3A_300 = arith.constant 0 : index
        %get3A_301 = tpu.vector_load %arg18[%get3A_299, %get3A_300] {strides = array<i32>} : memref<128x32xf32, #tpu.memory_space<vmem>>, vector<16xf32>,
        %get3A_302 = arith.index_cast %add3A_298 : i32 to index
        %get3A_303 = arith.constant 16 : index
        %get3A_304 = tpu.vector_load %arg18[%get3A_302, %get3A_303] {strides = array<i32>} : memref<128x32xf32, #tpu.memory_space<vmem>>, vector<16xf32>,
        %get3A_305 = arith.index_cast %add3A_298 : i32 to index
        %get3A_306 = arith.constant 0 : index
        %get3A_307 = tpu.vector_load %arg19[%get3A_305, %get3A_306] {strides = array<i32>} : memref<128x64xf32, #tpu.memory_space<vmem>>, vector<16xf32>,
        %get3A_308 = arith.index_cast %add3A_298 : i32 to index
        %get3A_309 = arith.constant 16 : index
        %get3A_310 = tpu.vector_load %arg19[%get3A_308, %get3A_309] {strides = array<i32>} : memref<128x64xf32, #tpu.memory_space<vmem>>, vector<16xf32>,
        %get3A_311 = arith.index_cast %add3A_298 : i32 to index
        %get3A_312 = arith.constant 0 : index
        %get3A_313 = tpu.vector_load %arg20[%get3A_311, %get3A_312] {strides = array<i32>} : memref<128x32xf32, #tpu.memory_space<vmem>>, vector<16xf32>,
        %get3A_314 = arith.index_cast %add3A_298 : i32 to index
        %get3A_315 = arith.constant 16 : index
        %get3A_316 = tpu.vector_load %arg20[%get3A_314, %get3A_315] {strides = array<i32>} : memref<128x32xf32, #tpu.memory_space<vmem>>, vector<16xf32>,
        %add3A_317 = arith.addf %get3A_307, %get3A_313 : vector<16xf32>
        %mul3A_318 = arith.mulf %get3A_301, %add3A_317 : vector<16xf32>
        %add3A_319 = arith.addf %get3A_310, %get3A_316 : vector<16xf32>
        %mul3A_320 = arith.mulf %get3A_304, %add3A_319 : vector<16xf32>
        %add3A_321 = arith.addf %mul3A_318, %mul3A_320 : vector<16xf32>
        %reduce_sum3A_322 = arith.constant true
        %reduce_sum3A_323 = vector.broadcast %reduce_sum3A_322 : i1 to vector<16xi1>
        %reduce_sum3A_324 = tpu.scan <sum>, %add3A_321 masked %reduce_sum3A_323 : vector<16xf32>, vector<16xi1> -> vector<16xf32>
        %reduce_sum3A_325 = vector.extract %reduce_sum3A_324[15] : f32 from vector<16xf32>
        %mul3A_326 = arith.constant 0.176776692 : f32
        %mul3A_327 = arith.mulf %reduce_sum3A_325, %mul3A_326 : f32
        %broadcast_in_dim3A_328 = vector.broadcast %mul3A_327 : f32 to vector<16xf32>
        %exp3A_329 = math.exp %broadcast_in_dim3A_328 : vector<16xf32>
        %get3A_330 = arith.index_cast %add3A_298 : i32 to index
        %get3A_331 = arith.constant 32 : index
        %get3A_332 = tpu.vector_load %arg19[%get3A_330, %get3A_331] {strides = array<i32>} : memref<128x64xf32, #tpu.memory_space<vmem>>, vector<16xf32>,
        %get3A_333 = arith.index_cast %add3A_298 : i32 to index
        %get3A_334 = arith.constant 48 : index
        %get3A_335 = tpu.vector_load %arg19[%get3A_333, %get3A_334] {strides = array<i32>} : memref<128x64xf32, #tpu.memory_space<vmem>>, vector<16xf32>,
        %add3A_336 = arith.addf %get3A_332, %get3A_313 : vector<16xf32>
        %mul3A_337 = arith.mulf %add3A_336, %exp3A_329 : vector<16xf32>
        %swap3A_338 = arith.index_cast %add3A_298 : i32 to index
        %swap3A_339 = arith.constant 0 : index
        %swap3A_340 = tpu.vector_load %arg21[%swap3A_338, %swap3A_339] {strides = array<i32>} : memref<128x32xf32, #tpu.memory_space<vmem>>, vector<16xf32>,
        tpu.vector_store %arg21[%swap3A_338, %swap3A_339], %mul3A_337 {strides = array<i32>} : memref<128x32xf32, #tpu.memory_space<vmem>>, vector<16xf32>,
        %add3A_341 = arith.addf %get3A_335, %get3A_316 : vector<16xf32>
        %mul3A_342 = arith.mulf %add3A_341, %exp3A_329 : vector<16xf32>
        %swap3A_343 = arith.index_cast %add3A_298 : i32 to index
        %swap3A_344 = arith.constant 16 : index
        %swap3A_345 = tpu.vector_load %arg21[%swap3A_343, %swap3A_344] {strides = array<i32>} : memref<128x32xf32, #tpu.memory_space<vmem>>, vector<16xf32>,
        tpu.vector_store %arg21[%swap3A_343, %swap3A_344], %mul3A_342 {strides = array<i32>} : memref<128x32xf32, #tpu.memory_space<vmem>>, vector<16xf32>,
        %broadcast_in_dim3A_346 = vector.broadcast %add3A_298 : i32 to vector<16xi32>
        tpu.vector_store_idx %arg22[%broadcast_in_dim3A_346], %exp3A_329 masked %eq3A_7 : memref<128xf32, #tpu.memory_space<vmem>>[vector<16xi32>], vector<16xf32>, vector<16xi1>
        %add3A_347 = arith.constant 4 : i32
        %add3A_348 = arith.addi %mul3A_151, %add3A_347 : i32
        %get3A_349 = arith.index_cast %add3A_348 : i32 to index
        %get3A_350 = arith.constant 0 : index
        %get3A_351 = tpu.vector_load %arg18[%get3A_349, %get3A_350] {strides = array<i32>} : memref<128x32xf32, #tpu.memory_space<vmem>>, vector<16xf32>,
        %get3A_352 = arith.index_cast %add3A_348 : i32 to index
        %get3A_353 = arith.constant 16 : index
        %get3A_354 = tpu.vector_load %arg18[%get3A_352, %get3A_353] {strides = array<i32>} : memref<128x32xf32, #tpu.memory_space<vmem>>, vector<16xf32>,
        %get3A_355 = arith.index_cast %add3A_348 : i32 to index
        %get3A_356 = arith.constant 0 : index
        %get3A_357 = tpu.vector_load %arg19[%get3A_355, %get3A_356] {strides = array<i32>} : memref<128x64xf32, #tpu.memory_space<vmem>>, vector<16xf32>,
        %get3A_358 = arith.index_cast %add3A_348 : i32 to index
        %get3A_359 = arith.constant 16 : index
        %get3A_360 = tpu.vector_load %arg19[%get3A_358, %get3A_359] {strides = array<i32>} : memref<128x64xf32, #tpu.memory_space<vmem>>, vector<16xf32>,
        %get3A_361 = arith.index_cast %add3A_348 : i32 to index
        %get3A_362 = arith.constant 0 : index
        %get3A_363 = tpu.vector_load %arg20[%get3A_361, %get3A_362] {strides = array<i32>} : memref<128x32xf32, #tpu.memory_space<vmem>>, vector<16xf32>,
        %get3A_364 = arith.index_cast %add3A_348 : i32 to index
        %get3A_365 = arith.constant 16 : index
        %get3A_366 = tpu.vector_load %arg20[%get3A_364, %get3A_365] {strides = array<i32>} : memref<128x32xf32, #tpu.memory_space<vmem>>, vector<16xf32>,
        %add3A_367 = arith.addf %get3A_357, %get3A_363 : vector<16xf32>
        %mul3A_368 = arith.mulf %get3A_351, %add3A_367 : vector<16xf32>
        %add3A_369 = arith.addf %get3A_360, %get3A_366 : vector<16xf32>
        %mul3A_370 = arith.mulf %get3A_354, %add3A_369 : vector<16xf32>
        %add3A_371 = arith.addf %mul3A_368, %mul3A_370 : vector<16xf32>
        %reduce_sum3A_372 = arith.constant true
        %reduce_sum3A_373 = vector.broadcast %reduce_sum3A_372 : i1 to vector<16xi1>
        %reduce_sum3A_374 = tpu.scan <sum>, %add3A_371 masked %reduce_sum3A_373 : vector<16xf32>, vector<16xi1> -> vector<16xf32>
        %reduce_sum3A_375 = vector.extract %reduce_sum3A_374[15] : f32 from vector<16xf32>
        %mul3A_376 = arith.constant 0.176776692 : f32
        %mul3A_377 = arith.mulf %reduce_sum3A_375, %mul3A_376 : f32
        %broadcast_in_dim3A_378 = vector.broadcast %mul3A_377 : f32 to vector<16xf32>
        %exp3A_379 = math.exp %broadcast_in_dim3A_378 : vector<16xf32>
        %get3A_380 = arith.index_cast %add3A_348 : i32 to index
        %get3A_381 = arith.constant 32 : index
        %get3A_382 = tpu.vector_load %arg19[%get3A_380, %get3A_381] {strides = array<i32>} : memref<128x64xf32, #tpu.memory_space<vmem>>, vector<16xf32>,
        %get3A_383 = arith.index_cast %add3A_348 : i32 to index
        %get3A_384 = arith.constant 48 : index
        %get3A_385 = tpu.vector_load %arg19[%get3A_383, %get3A_384] {strides = array<i32>} : memref<128x64xf32, #tpu.memory_space<vmem>>, vector<16xf32>,
        %add3A_386 = arith.addf %get3A_382, %get3A_363 : vector<16xf32>
        %mul3A_387 = arith.mulf %add3A_386, %exp3A_379 : vector<16xf32>
        %swap3A_388 = arith.index_cast %add3A_348 : i32 to index
        %swap3A_389 = arith.constant 0 : index
        %swap3A_390 = tpu.vector_load %arg21[%swap3A_388, %swap3A_389] {strides = array<i32>} : memref<128x32xf32, #tpu.memory_space<vmem>>, vector<16xf32>,
        tpu.vector_store %arg21[%swap3A_388, %swap3A_389], %mul3A_387 {strides = array<i32>} : memref<128x32xf32, #tpu.memory_space<vmem>>, vector<16xf32>,
        %add3A_391 = arith.addf %get3A_385, %get3A_366 : vector<16xf32>
        %mul3A_392 = arith.mulf %add3A_391, %exp3A_379 : vector<16xf32>
        %swap3A_393 = arith.index_cast %add3A_348 : i32 to index
        %swap3A_394 = arith.constant 16 : index
        %swap3A_395 = tpu.vector_load %arg21[%swap3A_393, %swap3A_394] {strides = array<i32>} : memref<128x32xf32, #tpu.memory_space<vmem>>, vector<16xf32>,
        tpu.vector_store %arg21[%swap3A_393, %swap3A_394], %mul3A_392 {strides = array<i32>} : memref<128x32xf32, #tpu.memory_space<vmem>>, vector<16xf32>,
        %broadcast_in_dim3A_396 = vector.broadcast %add3A_348 : i32 to vector<16xi32>
        tpu.vector_store_idx %arg22[%broadcast_in_dim3A_396], %exp3A_379 masked %eq3A_7 : memref<128xf32, #tpu.memory_space<vmem>>[vector<16xi32>], vector<16xf32>, vector<16xi1>
        %add3A_397 = arith.constant 5 : i32
        %add3A_398 = arith.addi %mul3A_151, %add3A_397 : i32
        %get3A_399 = arith.index_cast %add3A_398 : i32 to index
        %get3A_400 = arith.constant 0 : index
        %get3A_401 = tpu.vector_load %arg18[%get3A_399, %get3A_400] {strides = array<i32>} : memref<128x32xf32, #tpu.memory_space<vmem>>, vector<16xf32>,
        %get3A_402 = arith.index_cast %add3A_398 : i32 to index
        %get3A_403 = arith.constant 16 : index
        %get3A_404 = tpu.vector_load %arg18[%get3A_402, %get3A_403] {strides = array<i32>} : memref<128x32xf32, #tpu.memory_space<vmem>>, vector<16xf32>,
        %get3A_405 = arith.index_cast %add3A_398 : i32 to index
        %get3A_406 = arith.constant 0 : index
        %get3A_407 = tpu.vector_load %arg19[%get3A_405, %get3A_406] {strides = array<i32>} : memref<128x64xf32, #tpu.memory_space<vmem>>, vector<16xf32>,
        %get3A_408 = arith.index_cast %add3A_398 : i32 to index
        %get3A_409 = arith.constant 16 : index
        %get3A_410 = tpu.vector_load %arg19[%get3A_408, %get3A_409] {strides = array<i32>} : memref<128x64xf32, #tpu.memory_space<vmem>>, vector<16xf32>,
        %get3A_411 = arith.index_cast %add3A_398 : i32 to index
        %get3A_412 = arith.constant 0 : index
        %get3A_413 = tpu.vector_load %arg20[%get3A_411, %get3A_412] {strides = array<i32>} : memref<128x32xf32, #tpu.memory_space<vmem>>, vector<16xf32>,
        %get3A_414 = arith.index_cast %add3A_398 : i32 to index
        %get3A_415 = arith.constant 16 : index
        %get3A_416 = tpu.vector_load %arg20[%get3A_414, %get3A_415] {strides = array<i32>} : memref<128x32xf32, #tpu.memory_space<vmem>>, vector<16xf32>,
        %add3A_417 = arith.addf %get3A_407, %get3A_413 : vector<16xf32>
        %mul3A_418 = arith.mulf %get3A_401, %add3A_417 : vector<16xf32>
        %add3A_419 = arith.addf %get3A_410, %get3A_416 : vector<16xf32>
        %mul3A_420 = arith.mulf %get3A_404, %add3A_419 : vector<16xf32>
        %add3A_421 = arith.addf %mul3A_418, %mul3A_420 : vector<16xf32>
        %reduce_sum3A_422 = arith.constant true
        %reduce_sum3A_423 = vector.broadcast %reduce_sum3A_422 : i1 to vector<16xi1>
        %reduce_sum3A_424 = tpu.scan <sum>, %add3A_421 masked %reduce_sum3A_423 : vector<16xf32>, vector<16xi1> -> vector<16xf32>
        %reduce_sum3A_425 = vector.extract %reduce_sum3A_424[15] : f32 from vector<16xf32>
        %mul3A_426 = arith.constant 0.176776692 : f32
        %mul3A_427 = arith.mulf %reduce_sum3A_425, %mul3A_426 : f32
        %broadcast_in_dim3A_428 = vector.broadcast %mul3A_427 : f32 to vector<16xf32>
        %exp3A_429 = math.exp %broadcast_in_dim3A_428 : vector<16xf32>
        %get3A_430 = arith.index_cast %add3A_398 : i32 to index
        %get3A_431 = arith.constant 32 : index
        %get3A_432 = tpu.vector_load %arg19[%get3A_430, %get3A_431] {strides = array<i32>} : memref<128x64xf32, #tpu.memory_space<vmem>>, vector<16xf32>,
        %get3A_433 = arith.index_cast %add3A_398 : i32 to index
        %get3A_434 = arith.constant 48 : index
        %get3A_435 = tpu.vector_load %arg19[%get3A_433, %get3A_434] {strides = array<i32>} : memref<128x64xf32, #tpu.memory_space<vmem>>, vector<16xf32>,
        %add3A_436 = arith.addf %get3A_432, %get3A_413 : vector<16xf32>
        %mul3A_437 = arith.mulf %add3A_436, %exp3A_429 : vector<16xf32>
        %swap3A_438 = arith.index_cast %add3A_398 : i32 to index
        %swap3A_439 = arith.constant 0 : index
        %swap3A_440 = tpu.vector_load %arg21[%swap3A_438, %swap3A_439] {strides = array<i32>} : memref<128x32xf32, #tpu.memory_space<vmem>>, vector<16xf32>,
        tpu.vector_store %arg21[%swap3A_438, %swap3A_439], %mul3A_437 {strides = array<i32>} : memref<128x32xf32, #tpu.memory_space<vmem>>, vector<16xf32>,
        %add3A_441 = arith.addf %get3A_435, %get3A_416 : vector<16xf32>
        %mul3A_442 = arith.mulf %add3A_441, %exp3A_429 : vector<16xf32>
        %swap3A_443 = arith.index_cast %add3A_398 : i32 to index
        %swap3A_444 = arith.constant 16 : index
        %swap3A_445 = tpu.vector_load %arg21[%swap3A_443, %swap3A_444] {strides = array<i32>} : memref<128x32xf32, #tpu.memory_space<vmem>>, vector<16xf32>,
        tpu.vector_store %arg21[%swap3A_443, %swap3A_444], %mul3A_442 {strides = array<i32>} : memref<128x32xf32, #tpu.memory_space<vmem>>, vector<16xf32>,
        %broadcast_in_dim3A_446 = vector.broadcast %add3A_398 : i32 to vector<16xi32>
        tpu.vector_store_idx %arg22[%broadcast_in_dim3A_446], %exp3A_429 masked %eq3A_7 : memref<128xf32, #tpu.memory_space<vmem>>[vector<16xi32>], vector<16xf32>, vector<16xi1>
        %add3A_447 = arith.constant 6 : i32
        %add3A_448 = arith.addi %mul3A_151, %add3A_447 : i32
        %get3A_449 = arith.index_cast %add3A_448 : i32 to index
        %get3A_450 = arith.constant 0 : index
        %get3A_451 = tpu.vector_load %arg18[%get3A_449, %get3A_450] {strides = array<i32>} : memref<128x32xf32, #tpu.memory_space<vmem>>, vector<16xf32>,
        %get3A_452 = arith.index_cast %add3A_448 : i32 to index
        %get3A_453 = arith.constant 16 : index
        %get3A_454 = tpu.vector_load %arg18[%get3A_452, %get3A_453] {strides = array<i32>} : memref<128x32xf32, #tpu.memory_space<vmem>>, vector<16xf32>,
        %get3A_455 = arith.index_cast %add3A_448 : i32 to index
        %get3A_456 = arith.constant 0 : index
        %get3A_457 = tpu.vector_load %arg19[%get3A_455, %get3A_456] {strides = array<i32>} : memref<128x64xf32, #tpu.memory_space<vmem>>, vector<16xf32>,
        %get3A_458 = arith.index_cast %add3A_448 : i32 to index
        %get3A_459 = arith.constant 16 : index
        %get3A_460 = tpu.vector_load %arg19[%get3A_458, %get3A_459] {strides = array<i32>} : memref<128x64xf32, #tpu.memory_space<vmem>>, vector<16xf32>,
        %get3A_461 = arith.index_cast %add3A_448 : i32 to index
        %get3A_462 = arith.constant 0 : index
        %get3A_463 = tpu.vector_load %arg20[%get3A_461, %get3A_462] {strides = array<i32>} : memref<128x32xf32, #tpu.memory_space<vmem>>, vector<16xf32>,
        %get3A_464 = arith.index_cast %add3A_448 : i32 to index
        %get3A_465 = arith.constant 16 : index
        %get3A_466 = tpu.vector_load %arg20[%get3A_464, %get3A_465] {strides = array<i32>} : memref<128x32xf32, #tpu.memory_space<vmem>>, vector<16xf32>,
        %add3A_467 = arith.addf %get3A_457, %get3A_463 : vector<16xf32>
        %mul3A_468 = arith.mulf %get3A_451, %add3A_467 : vector<16xf32>
        %add3A_469 = arith.addf %get3A_460, %get3A_466 : vector<16xf32>
        %mul3A_470 = arith.mulf %get3A_454, %add3A_469 : vector<16xf32>
        %add3A_471 = arith.addf %mul3A_468, %mul3A_470 : vector<16xf32>
        %reduce_sum3A_472 = arith.constant true
        %reduce_sum3A_473 = vector.broadcast %reduce_sum3A_472 : i1 to vector<16xi1>
        %reduce_sum3A_474 = tpu.scan <sum>, %add3A_471 masked %reduce_sum3A_473 : vector<16xf32>, vector<16xi1> -> vector<16xf32>
        %reduce_sum3A_475 = vector.extract %reduce_sum3A_474[15] : f32 from vector<16xf32>
        %mul3A_476 = arith.constant 0.176776692 : f32
        %mul3A_477 = arith.mulf %reduce_sum3A_475, %mul3A_476 : f32
        %broadcast_in_dim3A_478 = vector.broadcast %mul3A_477 : f32 to vector<16xf32>
        %exp3A_479 = math.exp %broadcast_in_dim3A_478 : vector<16xf32>
        %get3A_480 = arith.index_cast %add3A_448 : i32 to index
        %get3A_481 = arith.constant 32 : index
        %get3A_482 = tpu.vector_load %arg19[%get3A_480, %get3A_481] {strides = array<i32>} : memref<128x64xf32, #tpu.memory_space<vmem>>, vector<16xf32>,
        %get3A_483 = arith.index_cast %add3A_448 : i32 to index
        %get3A_484 = arith.constant 48 : index
        %get3A_485 = tpu.vector_load %arg19[%get3A_483, %get3A_484] {strides = array<i32>} : memref<128x64xf32, #tpu.memory_space<vmem>>, vector<16xf32>,
        %add3A_486 = arith.addf %get3A_482, %get3A_463 : vector<16xf32>
        %mul3A_487 = arith.mulf %add3A_486, %exp3A_479 : vector<16xf32>
        %swap3A_488 = arith.index_cast %add3A_448 : i32 to index
        %swap3A_489 = arith.constant 0 : index
        %swap3A_490 = tpu.vector_load %arg21[%swap3A_488, %swap3A_489] {strides = array<i32>} : memref<128x32xf32, #tpu.memory_space<vmem>>, vector<16xf32>,
        tpu.vector_store %arg21[%swap3A_488, %swap3A_489], %mul3A_487 {strides = array<i32>} : memref<128x32xf32, #tpu.memory_space<vmem>>, vector<16xf32>,
        %add3A_491 = arith.addf %get3A_485, %get3A_466 : vector<16xf32>
        %mul3A_492 = arith.mulf %add3A_491, %exp3A_479 : vector<16xf32>
        %swap3A_493 = arith.index_cast %add3A_448 : i32 to index
        %swap3A_494 = arith.constant 16 : index
        %swap3A_495 = tpu.vector_load %arg21[%swap3A_493, %swap3A_494] {strides = array<i32>} : memref<128x32xf32, #tpu.memory_space<vmem>>, vector<16xf32>,
        tpu.vector_store %arg21[%swap3A_493, %swap3A_494], %mul3A_492 {strides = array<i32>} : memref<128x32xf32, #tpu.memory_space<vmem>>, vector<16xf32>,
        %broadcast_in_dim3A_496 = vector.broadcast %add3A_448 : i32 to vector<16xi32>
        tpu.vector_store_idx %arg22[%broadcast_in_dim3A_496], %exp3A_479 masked %eq3A_7 : memref<128xf32, #tpu.memory_space<vmem>>[vector<16xi32>], vector<16xf32>, vector<16xi1>
        %add3A_497 = arith.constant 7 : i32
        %add3A_498 = arith.addi %mul3A_151, %add3A_497 : i32
        %get3A_499 = arith.index_cast %add3A_498 : i32 to index
        %get3A_500 = arith.constant 0 : index
        %get3A_501 = tpu.vector_load %arg18[%get3A_499, %get3A_500] {strides = array<i32>} : memref<128x32xf32, #tpu.memory_space<vmem>>, vector<16xf32>,
        %get3A_502 = arith.index_cast %add3A_498 : i32 to index
        %get3A_503 = arith.constant 16 : index
        %get3A_504 = tpu.vector_load %arg18[%get3A_502, %get3A_503] {strides = array<i32>} : memref<128x32xf32, #tpu.memory_space<vmem>>, vector<16xf32>,
        %get3A_505 = arith.index_cast %add3A_498 : i32 to index
        %get3A_506 = arith.constant 0 : index
        %get3A_507 = tpu.vector_load %arg19[%get3A_505, %get3A_506] {strides = array<i32>} : memref<128x64xf32, #tpu.memory_space<vmem>>, vector<16xf32>,
        %get3A_508 = arith.index_cast %add3A_498 : i32 to index
        %get3A_509 = arith.constant 16 : index
        %get3A_510 = tpu.vector_load %arg19[%get3A_508, %get3A_509] {strides = array<i32>} : memref<128x64xf32, #tpu.memory_space<vmem>>, vector<16xf32>,
        %get3A_511 = arith.index_cast %add3A_498 : i32 to index
        %get3A_512 = arith.constant 0 : index
        %get3A_513 = tpu.vector_load %arg20[%get3A_511, %get3A_512] {strides = array<i32>} : memref<128x32xf32, #tpu.memory_space<vmem>>, vector<16xf32>,
        %get3A_514 = arith.index_cast %add3A_498 : i32 to index
        %get3A_515 = arith.constant 16 : index
        %get3A_516 = tpu.vector_load %arg20[%get3A_514, %get3A_515] {strides = array<i32>} : memref<128x32xf32, #tpu.memory_space<vmem>>, vector<16xf32>,
        %add3A_517 = arith.addf %get3A_507, %get3A_513 : vector<16xf32>
        %mul3A_518 = arith.mulf %get3A_501, %add3A_517 : vector<16xf32>
        %add3A_519 = arith.addf %get3A_510, %get3A_516 : vector<16xf32>
        %mul3A_520 = arith.mulf %get3A_504, %add3A_519 : vector<16xf32>
        %add3A_521 = arith.addf %mul3A_518, %mul3A_520 : vector<16xf32>
        %reduce_sum3A_522 = arith.constant true
        %reduce_sum3A_523 = vector.broadcast %reduce_sum3A_522 : i1 to vector<16xi1>
        %reduce_sum3A_524 = tpu.scan <sum>, %add3A_521 masked %reduce_sum3A_523 : vector<16xf32>, vector<16xi1> -> vector<16xf32>
        %reduce_sum3A_525 = vector.extract %reduce_sum3A_524[15] : f32 from vector<16xf32>
        %mul3A_526 = arith.constant 0.176776692 : f32
        %mul3A_527 = arith.mulf %reduce_sum3A_525, %mul3A_526 : f32
        %broadcast_in_dim3A_528 = vector.broadcast %mul3A_527 : f32 to vector<16xf32>
        %exp3A_529 = math.exp %broadcast_in_dim3A_528 : vector<16xf32>
        %get3A_530 = arith.index_cast %add3A_498 : i32 to index
        %get3A_531 = arith.constant 32 : index
        %get3A_532 = tpu.vector_load %arg19[%get3A_530, %get3A_531] {strides = array<i32>} : memref<128x64xf32, #tpu.memory_space<vmem>>, vector<16xf32>,
        %get3A_533 = arith.index_cast %add3A_498 : i32 to index
        %get3A_534 = arith.constant 48 : index
        %get3A_535 = tpu.vector_load %arg19[%get3A_533, %get3A_534] {strides = array<i32>} : memref<128x64xf32, #tpu.memory_space<vmem>>, vector<16xf32>,
        %add3A_536 = arith.addf %get3A_532, %get3A_513 : vector<16xf32>
        %mul3A_537 = arith.mulf %add3A_536, %exp3A_529 : vector<16xf32>
        %swap3A_538 = arith.index_cast %add3A_498 : i32 to index
        %swap3A_539 = arith.constant 0 : index
        %swap3A_540 = tpu.vector_load %arg21[%swap3A_538, %swap3A_539] {strides = array<i32>} : memref<128x32xf32, #tpu.memory_space<vmem>>, vector<16xf32>,
        tpu.vector_store %arg21[%swap3A_538, %swap3A_539], %mul3A_537 {strides = array<i32>} : memref<128x32xf32, #tpu.memory_space<vmem>>, vector<16xf32>,
        %add3A_541 = arith.addf %get3A_535, %get3A_516 : vector<16xf32>
        %mul3A_542 = arith.mulf %add3A_541, %exp3A_529 : vector<16xf32>
        %swap3A_543 = arith.index_cast %add3A_498 : i32 to index
        %swap3A_544 = arith.constant 16 : index
        %swap3A_545 = tpu.vector_load %arg21[%swap3A_543, %swap3A_544] {strides = array<i32>} : memref<128x32xf32, #tpu.memory_space<vmem>>, vector<16xf32>,
        tpu.vector_store %arg21[%swap3A_543, %swap3A_544], %mul3A_542 {strides = array<i32>} : memref<128x32xf32, #tpu.memory_space<vmem>>, vector<16xf32>,
        %broadcast_in_dim3A_546 = vector.broadcast %add3A_498 : i32 to vector<16xi32>
        tpu.vector_store_idx %arg22[%broadcast_in_dim3A_546], %exp3A_529 masked %eq3A_7 : memref<128xf32, #tpu.memory_space<vmem>>[vector<16xi32>], vector<16xf32>, vector<16xi1>
        %add3A_547 = arith.constant 8 : i32
        %add3A_548 = arith.addi %mul3A_151, %add3A_547 : i32
        %get3A_549 = arith.index_cast %add3A_548 : i32 to index
        %get3A_550 = arith.constant 0 : index
        %get3A_551 = tpu.vector_load %arg18[%get3A_549, %get3A_550] {strides = array<i32>} : memref<128x32xf32, #tpu.memory_space<vmem>>, vector<16xf32>,
        %get3A_552 = arith.index_cast %add3A_548 : i32 to index
        %get3A_553 = arith.constant 16 : index
        %get3A_554 = tpu.vector_load %arg18[%get3A_552, %get3A_553] {strides = array<i32>} : memref<128x32xf32, #tpu.memory_space<vmem>>, vector<16xf32>,
        %get3A_555 = arith.index_cast %add3A_548 : i32 to index
        %get3A_556 = arith.constant 0 : index
        %get3A_557 = tpu.vector_load %arg19[%get3A_555, %get3A_556] {strides = array<i32>} : memref<128x64xf32, #tpu.memory_space<vmem>>, vector<16xf32>,
        %get3A_558 = arith.index_cast %add3A_548 : i32 to index
        %get3A_559 = arith.constant 16 : index
        %get3A_560 = tpu.vector_load %arg19[%get3A_558, %get3A_559] {strides = array<i32>} : memref<128x64xf32, #tpu.memory_space<vmem>>, vector<16xf32>,
        %get3A_561 = arith.index_cast %add3A_548 : i32 to index
        %get3A_562 = arith.constant 0 : index
        %get3A_563 = tpu.vector_load %arg20[%get3A_561, %get3A_562] {strides = array<i32>} : memref<128x32xf32, #tpu.memory_space<vmem>>, vector<16xf32>,
        %get3A_564 = arith.index_cast %add3A_548 : i32 to index
        %get3A_565 = arith.constant 16 : index
        %get3A_566 = tpu.vector_load %arg20[%get3A_564, %get3A_565] {strides = array<i32>} : memref<128x32xf32, #tpu.memory_space<vmem>>, vector<16xf32>,
        %add3A_567 = arith.addf %get3A_557, %get3A_563 : vector<16xf32>
        %mul3A_568 = arith.mulf %get3A_551, %add3A_567 : vector<16xf32>
        %add3A_569 = arith.addf %get3A_560, %get3A_566 : vector<16xf32>
        %mul3A_570 = arith.mulf %get3A_554, %add3A_569 : vector<16xf32>
        %add3A_571 = arith.addf %mul3A_568, %mul3A_570 : vector<16xf32>
        %reduce_sum3A_572 = arith.constant true
        %reduce_sum3A_573 = vector.broadcast %reduce_sum3A_572 : i1 to vector<16xi1>
        %reduce_sum3A_574 = tpu.scan <sum>, %add3A_571 masked %reduce_sum3A_573 : vector<16xf32>, vector<16xi1> -> vector<16xf32>
        %reduce_sum3A_575 = vector.extract %reduce_sum3A_574[15] : f32 from vector<16xf32>
        %mul3A_576 = arith.constant 0.176776692 : f32
        %mul3A_577 = arith.mulf %reduce_sum3A_575, %mul3A_576 : f32
        %broadcast_in_dim3A_578 = vector.broadcast %mul3A_577 : f32 to vector<16xf32>
        %exp3A_579 = math.exp %broadcast_in_dim3A_578 : vector<16xf32>
        %get3A_580 = arith.index_cast %add3A_548 : i32 to index
        %get3A_581 = arith.constant 32 : index
        %get3A_582 = tpu.vector_load %arg19[%get3A_580, %get3A_581] {strides = array<i32>} : memref<128x64xf32, #tpu.memory_space<vmem>>, vector<16xf32>,
        %get3A_583 = arith.index_cast %add3A_548 : i32 to index
        %get3A_584 = arith.constant 48 : index
        %get3A_585 = tpu.vector_load %arg19[%get3A_583, %get3A_584] {strides = array<i32>} : memref<128x64xf32, #tpu.memory_space<vmem>>, vector<16xf32>,
        %add3A_586 = arith.addf %get3A_582, %get3A_563 : vector<16xf32>
        %mul3A_587 = arith.mulf %add3A_586, %exp3A_579 : vector<16xf32>
        %swap3A_588 = arith.index_cast %add3A_548 : i32 to index
        %swap3A_589 = arith.constant 0 : index
        %swap3A_590 = tpu.vector_load %arg21[%swap3A_588, %swap3A_589] {strides = array<i32>} : memref<128x32xf32, #tpu.memory_space<vmem>>, vector<16xf32>,
        tpu.vector_store %arg21[%swap3A_588, %swap3A_589], %mul3A_587 {strides = array<i32>} : memref<128x32xf32, #tpu.memory_space<vmem>>, vector<16xf32>,
        %add3A_591 = arith.addf %get3A_585, %get3A_566 : vector<16xf32>
        %mul3A_592 = arith.mulf %add3A_591, %exp3A_579 : vector<16xf32>
        %swap3A_593 = arith.index_cast %add3A_548 : i32 to index
        %swap3A_594 = arith.constant 16 : index
        %swap3A_595 = tpu.vector_load %arg21[%swap3A_593, %swap3A_594] {strides = array<i32>} : memref<128x32xf32, #tpu.memory_space<vmem>>, vector<16xf32>,
        tpu.vector_store %arg21[%swap3A_593, %swap3A_594], %mul3A_592 {strides = array<i32>} : memref<128x32xf32, #tpu.memory_space<vmem>>, vector<16xf32>,
        %broadcast_in_dim3A_596 = vector.broadcast %add3A_548 : i32 to vector<16xi32>
        tpu.vector_store_idx %arg22[%broadcast_in_dim3A_596], %exp3A_579 masked %eq3A_7 : memref<128xf32, #tpu.memory_space<vmem>>[vector<16xi32>], vector<16xf32>, vector<16xi1>
        %add3A_597 = arith.constant 9 : i32
        %add3A_598 = arith.addi %mul3A_151, %add3A_597 : i32
        %get3A_599 = arith.index_cast %add3A_598 : i32 to index
        %get3A_600 = arith.constant 0 : index
        %get3A_601 = tpu.vector_load %arg18[%get3A_599, %get3A_600] {strides = array<i32>} : memref<128x32xf32, #tpu.memory_space<vmem>>, vector<16xf32>,
        %get3A_602 = arith.index_cast %add3A_598 : i32 to index
        %get3A_603 = arith.constant 16 : index
        %get3A_604 = tpu.vector_load %arg18[%get3A_602, %get3A_603] {strides = array<i32>} : memref<128x32xf32, #tpu.memory_space<vmem>>, vector<16xf32>,
        %get3A_605 = arith.index_cast %add3A_598 : i32 to index
        %get3A_606 = arith.constant 0 : index
        %get3A_607 = tpu.vector_load %arg19[%get3A_605, %get3A_606] {strides = array<i32>} : memref<128x64xf32, #tpu.memory_space<vmem>>, vector<16xf32>,
        %get3A_608 = arith.index_cast %add3A_598 : i32 to index
        %get3A_609 = arith.constant 16 : index
        %get3A_610 = tpu.vector_load %arg19[%get3A_608, %get3A_609] {strides = array<i32>} : memref<128x64xf32, #tpu.memory_space<vmem>>, vector<16xf32>,
        %get3A_611 = arith.index_cast %add3A_598 : i32 to index
        %get3A_612 = arith.constant 0 : index
        %get3A_613 = tpu.vector_load %arg20[%get3A_611, %get3A_612] {strides = array<i32>} : memref<128x32xf32, #tpu.memory_space<vmem>>, vector<16xf32>,
        %get3A_614 = arith.index_cast %add3A_598 : i32 to index
        %get3A_615 = arith.constant 16 : index
        %get3A_616 = tpu.vector_load %arg20[%get3A_614, %get3A_615] {strides = array<i32>} : memref<128x32xf32, #tpu.memory_space<vmem>>, vector<16xf32>,
        %add3A_617 = arith.addf %get3A_607, %get3A_613 : vector<16xf32>
        %mul3A_618 = arith.mulf %get3A_601, %add3A_617 : vector<16xf32>
        %add3A_619 = arith.addf %get3A_610, %get3A_616 : vector<16xf32>
        %mul3A_620 = arith.mulf %get3A_604, %add3A_619 : vector<16xf32>
        %add3A_621 = arith.addf %mul3A_618, %mul3A_620 : vector<16xf32>
        %reduce_sum3A_622 = arith.constant true
        %reduce_sum3A_623 = vector.broadcast %reduce_sum3A_622 : i1 to vector<16xi1>
        %reduce_sum3A_624 = tpu.scan <sum>, %add3A_621 masked %reduce_sum3A_623 : vector<16xf32>, vector<16xi1> -> vector<16xf32>
        %reduce_sum3A_625 = vector.extract %reduce_sum3A_624[15] : f32 from vector<16xf32>
        %mul3A_626 = arith.constant 0.176776692 : f32
        %mul3A_627 = arith.mulf %reduce_sum3A_625, %mul3A_626 : f32
        %broadcast_in_dim3A_628 = vector.broadcast %mul3A_627 : f32 to vector<16xf32>
        %exp3A_629 = math.exp %broadcast_in_dim3A_628 : vector<16xf32>
        %get3A_630 = arith.index_cast %add3A_598 : i32 to index
        %get3A_631 = arith.constant 32 : index
        %get3A_632 = tpu.vector_load %arg19[%get3A_630, %get3A_631] {strides = array<i32>} : memref<128x64xf32, #tpu.memory_space<vmem>>, vector<16xf32>,
        %get3A_633 = arith.index_cast %add3A_598 : i32 to index
        %get3A_634 = arith.constant 48 : index
        %get3A_635 = tpu.vector_load %arg19[%get3A_633, %get3A_634] {strides = array<i32>} : memref<128x64xf32, #tpu.memory_space<vmem>>, vector<16xf32>,
        %add3A_636 = arith.addf %get3A_632, %get3A_613 : vector<16xf32>
        %mul3A_637 = arith.mulf %add3A_636, %exp3A_629 : vector<16xf32>
        %swap3A_638 = arith.index_cast %add3A_598 : i32 to index
        %swap3A_639 = arith.constant 0 : index
        %swap3A_640 = tpu.vector_load %arg21[%swap3A_638, %swap3A_639] {strides = array<i32>} : memref<128x32xf32, #tpu.memory_space<vmem>>, vector<16xf32>,
        tpu.vector_store %arg21[%swap3A_638, %swap3A_639], %mul3A_637 {strides = array<i32>} : memref<128x32xf32, #tpu.memory_space<vmem>>, vector<16xf32>,
        %add3A_641 = arith.addf %get3A_635, %get3A_616 : vector<16xf32>
        %mul3A_642 = arith.mulf %add3A_641, %exp3A_629 : vector<16xf32>
        %swap3A_643 = arith.index_cast %add3A_598 : i32 to index
        %swap3A_644 = arith.constant 16 : index
        %swap3A_645 = tpu.vector_load %arg21[%swap3A_643, %swap3A_644] {strides = array<i32>} : memref<128x32xf32, #tpu.memory_space<vmem>>, vector<16xf32>,
        tpu.vector_store %arg21[%swap3A_643, %swap3A_644], %mul3A_642 {strides = array<i32>} : memref<128x32xf32, #tpu.memory_space<vmem>>, vector<16xf32>,
        %broadcast_in_dim3A_646 = vector.broadcast %add3A_598 : i32 to vector<16xi32>
        tpu.vector_store_idx %arg22[%broadcast_in_dim3A_646], %exp3A_629 masked %eq3A_7 : memref<128xf32, #tpu.memory_space<vmem>>[vector<16xi32>], vector<16xf32>, vector<16xi1>
        %add3A_647 = arith.constant 10 : i32
        %add3A_648 = arith.addi %mul3A_151, %add3A_647 : i32
        %get3A_649 = arith.index_cast %add3A_648 : i32 to index
        %get3A_650 = arith.constant 0 : index
        %get3A_651 = tpu.vector_load %arg18[%get3A_649, %get3A_650] {strides = array<i32>} : memref<128x32xf32, #tpu.memory_space<vmem>>, vector<16xf32>,
        %get3A_652 = arith.index_cast %add3A_648 : i32 to index
        %get3A_653 = arith.constant 16 : index
        %get3A_654 = tpu.vector_load %arg18[%get3A_652, %get3A_653] {strides = array<i32>} : memref<128x32xf32, #tpu.memory_space<vmem>>, vector<16xf32>,
        %get3A_655 = arith.index_cast %add3A_648 : i32 to index
        %get3A_656 = arith.constant 0 : index
        %get3A_657 = tpu.vector_load %arg19[%get3A_655, %get3A_656] {strides = array<i32>} : memref<128x64xf32, #tpu.memory_space<vmem>>, vector<16xf32>,
        %get3A_658 = arith.index_cast %add3A_648 : i32 to index
        %get3A_659 = arith.constant 16 : index
        %get3A_660 = tpu.vector_load %arg19[%get3A_658, %get3A_659] {strides = array<i32>} : memref<128x64xf32, #tpu.memory_space<vmem>>, vector<16xf32>,
        %get3A_661 = arith.index_cast %add3A_648 : i32 to index
        %get3A_662 = arith.constant 0 : index
        %get3A_663 = tpu.vector_load %arg20[%get3A_661, %get3A_662] {strides = array<i32>} : memref<128x32xf32, #tpu.memory_space<vmem>>, vector<16xf32>,
        %get3A_664 = arith.index_cast %add3A_648 : i32 to index
        %get3A_665 = arith.constant 16 : index
        %get3A_666 = tpu.vector_load %arg20[%get3A_664, %get3A_665] {strides = array<i32>} : memref<128x32xf32, #tpu.memory_space<vmem>>, vector<16xf32>,
        %add3A_667 = arith.addf %get3A_657, %get3A_663 : vector<16xf32>
        %mul3A_668 = arith.mulf %get3A_651, %add3A_667 : vector<16xf32>
        %add3A_669 = arith.addf %get3A_660, %get3A_666 : vector<16xf32>
        %mul3A_670 = arith.mulf %get3A_654, %add3A_669 : vector<16xf32>
        %add3A_671 = arith.addf %mul3A_668, %mul3A_670 : vector<16xf32>
        %reduce_sum3A_672 = arith.constant true
        %reduce_sum3A_673 = vector.broadcast %reduce_sum3A_672 : i1 to vector<16xi1>
        %reduce_sum3A_674 = tpu.scan <sum>, %add3A_671 masked %reduce_sum3A_673 : vector<16xf32>, vector<16xi1> -> vector<16xf32>
        %reduce_sum3A_675 = vector.extract %reduce_sum3A_674[15] : f32 from vector<16xf32>
        %mul3A_676 = arith.constant 0.176776692 : f32
        %mul3A_677 = arith.mulf %reduce_sum3A_675, %mul3A_676 : f32
        %broadcast_in_dim3A_678 = vector.broadcast %mul3A_677 : f32 to vector<16xf32>
        %exp3A_679 = math.exp %broadcast_in_dim3A_678 : vector<16xf32>
        %get3A_680 = arith.index_cast %add3A_648 : i32 to index
        %get3A_681 = arith.constant 32 : index
        %get3A_682 = tpu.vector_load %arg19[%get3A_680, %get3A_681] {strides = array<i32>} : memref<128x64xf32, #tpu.memory_space<vmem>>, vector<16xf32>,
        %get3A_683 = arith.index_cast %add3A_648 : i32 to index
        %get3A_684 = arith.constant 48 : index
        %get3A_685 = tpu.vector_load %arg19[%get3A_683, %get3A_684] {strides = array<i32>} : memref<128x64xf32, #tpu.memory_space<vmem>>, vector<16xf32>,
        %add3A_686 = arith.addf %get3A_682, %get3A_663 : vector<16xf32>
        %mul3A_687 = arith.mulf %add3A_686, %exp3A_679 : vector<16xf32>
        %swap3A_688 = arith.index_cast %add3A_648 : i32 to index
        %swap3A_689 = arith.constant 0 : index
        %swap3A_690 = tpu.vector_load %arg21[%swap3A_688, %swap3A_689] {strides = array<i32>} : memref<128x32xf32, #tpu.memory_space<vmem>>, vector<16xf32>,
        tpu.vector_store %arg21[%swap3A_688, %swap3A_689], %mul3A_687 {strides = array<i32>} : memref<128x32xf32, #tpu.memory_space<vmem>>, vector<16xf32>,
        %add3A_691 = arith.addf %get3A_685, %get3A_666 : vector<16xf32>
        %mul3A_692 = arith.mulf %add3A_691, %exp3A_679 : vector<16xf32>
        %swap3A_693 = arith.index_cast %add3A_648 : i32 to index
        %swap3A_694 = arith.constant 16 : index
        %swap3A_695 = tpu.vector_load %arg21[%swap3A_693, %swap3A_694] {strides = array<i32>} : memref<128x32xf32, #tpu.memory_space<vmem>>, vector<16xf32>,
        tpu.vector_store %arg21[%swap3A_693, %swap3A_694], %mul3A_692 {strides = array<i32>} : memref<128x32xf32, #tpu.memory_space<vmem>>, vector<16xf32>,
        %broadcast_in_dim3A_696 = vector.broadcast %add3A_648 : i32 to vector<16xi32>
        tpu.vector_store_idx %arg22[%broadcast_in_dim3A_696], %exp3A_679 masked %eq3A_7 : memref<128xf32, #tpu.memory_space<vmem>>[vector<16xi32>], vector<16xf32>, vector<16xi1>
        %add3A_697 = arith.constant 11 : i32
        %add3A_698 = arith.addi %mul3A_151, %add3A_697 : i32
        %get3A_699 = arith.index_cast %add3A_698 : i32 to index
        %get3A_700 = arith.constant 0 : index
        %get3A_701 = tpu.vector_load %arg18[%get3A_699, %get3A_700] {strides = array<i32>} : memref<128x32xf32, #tpu.memory_space<vmem>>, vector<16xf32>,
        %get3A_702 = arith.index_cast %add3A_698 : i32 to index
        %get3A_703 = arith.constant 16 : index
        %get3A_704 = tpu.vector_load %arg18[%get3A_702, %get3A_703] {strides = array<i32>} : memref<128x32xf32, #tpu.memory_space<vmem>>, vector<16xf32>,
        %get3A_705 = arith.index_cast %add3A_698 : i32 to index
        %get3A_706 = arith.constant 0 : index
        %get3A_707 = tpu.vector_load %arg19[%get3A_705, %get3A_706] {strides = array<i32>} : memref<128x64xf32, #tpu.memory_space<vmem>>, vector<16xf32>,
        %get3A_708 = arith.index_cast %add3A_698 : i32 to index
        %get3A_709 = arith.constant 16 : index
        %get3A_710 = tpu.vector_load %arg19[%get3A_708, %get3A_709] {strides = array<i32>} : memref<128x64xf32, #tpu.memory_space<vmem>>, vector<16xf32>,
        %get3A_711 = arith.index_cast %add3A_698 : i32 to index
        %get3A_712 = arith.constant 0 : index
        %get3A_713 = tpu.vector_load %arg20[%get3A_711, %get3A_712] {strides = array<i32>} : memref<128x32xf32, #tpu.memory_space<vmem>>, vector<16xf32>,
        %get3A_714 = arith.index_cast %add3A_698 : i32 to index
        %get3A_715 = arith.constant 16 : index
        %get3A_716 = tpu.vector_load %arg20[%get3A_714, %get3A_715] {strides = array<i32>} : memref<128x32xf32, #tpu.memory_space<vmem>>, vector<16xf32>,
        %add3A_717 = arith.addf %get3A_707, %get3A_713 : vector<16xf32>
        %mul3A_718 = arith.mulf %get3A_701, %add3A_717 : vector<16xf32>
        %add3A_719 = arith.addf %get3A_710, %get3A_716 : vector<16xf32>
        %mul3A_720 = arith.mulf %get3A_704, %add3A_719 : vector<16xf32>
        %add3A_721 = arith.addf %mul3A_718, %mul3A_720 : vector<16xf32>
        %reduce_sum3A_722 = arith.constant true
        %reduce_sum3A_723 = vector.broadcast %reduce_sum3A_722 : i1 to vector<16xi1>
        %reduce_sum3A_724 = tpu.scan <sum>, %add3A_721 masked %reduce_sum3A_723 : vector<16xf32>, vector<16xi1> -> vector<16xf32>
        %reduce_sum3A_725 = vector.extract %reduce_sum3A_724[15] : f32 from vector<16xf32>
        %mul3A_726 = arith.constant 0.176776692 : f32
        %mul3A_727 = arith.mulf %reduce_sum3A_725, %mul3A_726 : f32
        %broadcast_in_dim3A_728 = vector.broadcast %mul3A_727 : f32 to vector<16xf32>
        %exp3A_729 = math.exp %broadcast_in_dim3A_728 : vector<16xf32>
        %get3A_730 = arith.index_cast %add3A_698 : i32 to index
        %get3A_731 = arith.constant 32 : index
        %get3A_732 = tpu.vector_load %arg19[%get3A_730, %get3A_731] {strides = array<i32>} : memref<128x64xf32, #tpu.memory_space<vmem>>, vector<16xf32>,
        %get3A_733 = arith.index_cast %add3A_698 : i32 to index
        %get3A_734 = arith.constant 48 : index
        %get3A_735 = tpu.vector_load %arg19[%get3A_733, %get3A_734] {strides = array<i32>} : memref<128x64xf32, #tpu.memory_space<vmem>>, vector<16xf32>,
        %add3A_736 = arith.addf %get3A_732, %get3A_713 : vector<16xf32>
        %mul3A_737 = arith.mulf %add3A_736, %exp3A_729 : vector<16xf32>
        %swap3A_738 = arith.index_cast %add3A_698 : i32 to index
        %swap3A_739 = arith.constant 0 : index
        %swap3A_740 = tpu.vector_load %arg21[%swap3A_738, %swap3A_739] {strides = array<i32>} : memref<128x32xf32, #tpu.memory_space<vmem>>, vector<16xf32>,
        tpu.vector_store %arg21[%swap3A_738, %swap3A_739], %mul3A_737 {strides = array<i32>} : memref<128x32xf32, #tpu.memory_space<vmem>>, vector<16xf32>,
        %add3A_741 = arith.addf %get3A_735, %get3A_716 : vector<16xf32>
        %mul3A_742 = arith.mulf %add3A_741, %exp3A_729 : vector<16xf32>
        %swap3A_743 = arith.index_cast %add3A_698 : i32 to index
        %swap3A_744 = arith.constant 16 : index
        %swap3A_745 = tpu.vector_load %arg21[%swap3A_743, %swap3A_744] {strides = array<i32>} : memref<128x32xf32, #tpu.memory_space<vmem>>, vector<16xf32>,
        tpu.vector_store %arg21[%swap3A_743, %swap3A_744], %mul3A_742 {strides = array<i32>} : memref<128x32xf32, #tpu.memory_space<vmem>>, vector<16xf32>,
        %broadcast_in_dim3A_746 = vector.broadcast %add3A_698 : i32 to vector<16xi32>
        tpu.vector_store_idx %arg22[%broadcast_in_dim3A_746], %exp3A_729 masked %eq3A_7 : memref<128xf32, #tpu.memory_space<vmem>>[vector<16xi32>], vector<16xf32>, vector<16xi1>
        %add3A_747 = arith.constant 12 : i32
        %add3A_748 = arith.addi %mul3A_151, %add3A_747 : i32
        %get3A_749 = arith.index_cast %add3A_748 : i32 to index
        %get3A_750 = arith.constant 0 : index
        %get3A_751 = tpu.vector_load %arg18[%get3A_749, %get3A_750] {strides = array<i32>} : memref<128x32xf32, #tpu.memory_space<vmem>>, vector<16xf32>,
        %get3A_752 = arith.index_cast %add3A_748 : i32 to index
        %get3A_753 = arith.constant 16 : index
        %get3A_754 = tpu.vector_load %arg18[%get3A_752, %get3A_753] {strides = array<i32>} : memref<128x32xf32, #tpu.memory_space<vmem>>, vector<16xf32>,
        %get3A_755 = arith.index_cast %add3A_748 : i32 to index
        %get3A_756 = arith.constant 0 : index
        %get3A_757 = tpu.vector_load %arg19[%get3A_755, %get3A_756] {strides = array<i32>} : memref<128x64xf32, #tpu.memory_space<vmem>>, vector<16xf32>,
        %get3A_758 = arith.index_cast %add3A_748 : i32 to index
        %get3A_759 = arith.constant 16 : index
        %get3A_760 = tpu.vector_load %arg19[%get3A_758, %get3A_759] {strides = array<i32>} : memref<128x64xf32, #tpu.memory_space<vmem>>, vector<16xf32>,
        %get3A_761 = arith.index_cast %add3A_748 : i32 to index
        %get3A_762 = arith.constant 0 : index
        %get3A_763 = tpu.vector_load %arg20[%get3A_761, %get3A_762] {strides = array<i32>} : memref<128x32xf32, #tpu.memory_space<vmem>>, vector<16xf32>,
        %get3A_764 = arith.index_cast %add3A_748 : i32 to index
        %get3A_765 = arith.constant 16 : index
        %get3A_766 = tpu.vector_load %arg20[%get3A_764, %get3A_765] {strides = array<i32>} : memref<128x32xf32, #tpu.memory_space<vmem>>, vector<16xf32>,
        %add3A_767 = arith.addf %get3A_757, %get3A_763 : vector<16xf32>
        %mul3A_768 = arith.mulf %get3A_751, %add3A_767 : vector<16xf32>
        %add3A_769 = arith.addf %get3A_760, %get3A_766 : vector<16xf32>
        %mul3A_770 = arith.mulf %get3A_754, %add3A_769 : vector<16xf32>
        %add3A_771 = arith.addf %mul3A_768, %mul3A_770 : vector<16xf32>
        %reduce_sum3A_772 = arith.constant true
        %reduce_sum3A_773 = vector.broadcast %reduce_sum3A_772 : i1 to vector<16xi1>
        %reduce_sum3A_774 = tpu.scan <sum>, %add3A_771 masked %reduce_sum3A_773 : vector<16xf32>, vector<16xi1> -> vector<16xf32>
        %reduce_sum3A_775 = vector.extract %reduce_sum3A_774[15] : f32 from vector<16xf32>
        %mul3A_776 = arith.constant 0.176776692 : f32
        %mul3A_777 = arith.mulf %reduce_sum3A_775, %mul3A_776 : f32
        %broadcast_in_dim3A_778 = vector.broadcast %mul3A_777 : f32 to vector<16xf32>
        %exp3A_779 = math.exp %broadcast_in_dim3A_778 : vector<16xf32>
        %get3A_780 = arith.index_cast %add3A_748 : i32 to index
        %get3A_781 = arith.constant 32 : index
        %get3A_782 = tpu.vector_load %arg19[%get3A_780, %get3A_781] {strides = array<i32>} : memref<128x64xf32, #tpu.memory_space<vmem>>, vector<16xf32>,
        %get3A_783 = arith.index_cast %add3A_748 : i32 to index
        %get3A_784 = arith.constant 48 : index
        %get3A_785 = tpu.vector_load %arg19[%get3A_783, %get3A_784] {strides = array<i32>} : memref<128x64xf32, #tpu.memory_space<vmem>>, vector<16xf32>,
        %add3A_786 = arith.addf %get3A_782, %get3A_763 : vector<16xf32>
        %mul3A_787 = arith.mulf %add3A_786, %exp3A_779 : vector<16xf32>
        %swap3A_788 = arith.index_cast %add3A_748 : i32 to index
        %swap3A_789 = arith.constant 0 : index
        %swap3A_790 = tpu.vector_load %arg21[%swap3A_788, %swap3A_789] {strides = array<i32>} : memref<128x32xf32, #tpu.memory_space<vmem>>, vector<16xf32>,
        tpu.vector_store %arg21[%swap3A_788, %swap3A_789], %mul3A_787 {strides = array<i32>} : memref<128x32xf32, #tpu.memory_space<vmem>>, vector<16xf32>,
        %add3A_791 = arith.addf %get3A_785, %get3A_766 : vector<16xf32>
        %mul3A_792 = arith.mulf %add3A_791, %exp3A_779 : vector<16xf32>
        %swap3A_793 = arith.index_cast %add3A_748 : i32 to index
        %swap3A_794 = arith.constant 16 : index
        %swap3A_795 = tpu.vector_load %arg21[%swap3A_793, %swap3A_794] {strides = array<i32>} : memref<128x32xf32, #tpu.memory_space<vmem>>, vector<16xf32>,
        tpu.vector_store %arg21[%swap3A_793, %swap3A_794], %mul3A_792 {strides = array<i32>} : memref<128x32xf32, #tpu.memory_space<vmem>>, vector<16xf32>,
        %broadcast_in_dim3A_796 = vector.broadcast %add3A_748 : i32 to vector<16xi32>
        tpu.vector_store_idx %arg22[%broadcast_in_dim3A_796], %exp3A_779 masked %eq3A_7 : memref<128xf32, #tpu.memory_space<vmem>>[vector<16xi32>], vector<16xf32>, vector<16xi1>
        %add3A_797 = arith.constant 13 : i32
        %add3A_798 = arith.addi %mul3A_151, %add3A_797 : i32
        %get3A_799 = arith.index_cast %add3A_798 : i32 to index
        %get3A_800 = arith.constant 0 : index
        %get3A_801 = tpu.vector_load %arg18[%get3A_799, %get3A_800] {strides = array<i32>} : memref<128x32xf32, #tpu.memory_space<vmem>>, vector<16xf32>,
        %get3A_802 = arith.index_cast %add3A_798 : i32 to index
        %get3A_803 = arith.constant 16 : index
        %get3A_804 = tpu.vector_load %arg18[%get3A_802, %get3A_803] {strides = array<i32>} : memref<128x32xf32, #tpu.memory_space<vmem>>, vector<16xf32>,
        %get3A_805 = arith.index_cast %add3A_798 : i32 to index
        %get3A_806 = arith.constant 0 : index
        %get3A_807 = tpu.vector_load %arg19[%get3A_805, %get3A_806] {strides = array<i32>} : memref<128x64xf32, #tpu.memory_space<vmem>>, vector<16xf32>,
        %get3A_808 = arith.index_cast %add3A_798 : i32 to index
        %get3A_809 = arith.constant 16 : index
        %get3A_810 = tpu.vector_load %arg19[%get3A_808, %get3A_809] {strides = array<i32>} : memref<128x64xf32, #tpu.memory_space<vmem>>, vector<16xf32>,
        %get3A_811 = arith.index_cast %add3A_798 : i32 to index
        %get3A_812 = arith.constant 0 : index
        %get3A_813 = tpu.vector_load %arg20[%get3A_811, %get3A_812] {strides = array<i32>} : memref<128x32xf32, #tpu.memory_space<vmem>>, vector<16xf32>,
        %get3A_814 = arith.index_cast %add3A_798 : i32 to index
        %get3A_815 = arith.constant 16 : index
        %get3A_816 = tpu.vector_load %arg20[%get3A_814, %get3A_815] {strides = array<i32>} : memref<128x32xf32, #tpu.memory_space<vmem>>, vector<16xf32>,
        %add3A_817 = arith.addf %get3A_807, %get3A_813 : vector<16xf32>
        %mul3A_818 = arith.mulf %get3A_801, %add3A_817 : vector<16xf32>
        %add3A_819 = arith.addf %get3A_810, %get3A_816 : vector<16xf32>
        %mul3A_820 = arith.mulf %get3A_804, %add3A_819 : vector<16xf32>
        %add3A_821 = arith.addf %mul3A_818, %mul3A_820 : vector<16xf32>
        %reduce_sum3A_822 = arith.constant true
        %reduce_sum3A_823 = vector.broadcast %reduce_sum3A_822 : i1 to vector<16xi1>
        %reduce_sum3A_824 = tpu.scan <sum>, %add3A_821 masked %reduce_sum3A_823 : vector<16xf32>, vector<16xi1> -> vector<16xf32>
        %reduce_sum3A_825 = vector.extract %reduce_sum3A_824[15] : f32 from vector<16xf32>
        %mul3A_826 = arith.constant 0.176776692 : f32
        %mul3A_827 = arith.mulf %reduce_sum3A_825, %mul3A_826 : f32
        %broadcast_in_dim3A_828 = vector.broadcast %mul3A_827 : f32 to vector<16xf32>
        %exp3A_829 = math.exp %broadcast_in_dim3A_828 : vector<16xf32>
        %get3A_830 = arith.index_cast %add3A_798 : i32 to index
        %get3A_831 = arith.constant 32 : index
        %get3A_832 = tpu.vector_load %arg19[%get3A_830, %get3A_831] {strides = array<i32>} : memref<128x64xf32, #tpu.memory_space<vmem>>, vector<16xf32>,
        %get3A_833 = arith.index_cast %add3A_798 : i32 to index
        %get3A_834 = arith.constant 48 : index
        %get3A_835 = tpu.vector_load %arg19[%get3A_833, %get3A_834] {strides = array<i32>} : memref<128x64xf32, #tpu.memory_space<vmem>>, vector<16xf32>,
        %add3A_836 = arith.addf %get3A_832, %get3A_813 : vector<16xf32>
        %mul3A_837 = arith.mulf %add3A_836, %exp3A_829 : vector<16xf32>
        %swap3A_838 = arith.index_cast %add3A_798 : i32 to index
        %swap3A_839 = arith.constant 0 : index
        %swap3A_840 = tpu.vector_load %arg21[%swap3A_838, %swap3A_839] {strides = array<i32>} : memref<128x32xf32, #tpu.memory_space<vmem>>, vector<16xf32>,
        tpu.vector_store %arg21[%swap3A_838, %swap3A_839], %mul3A_837 {strides = array<i32>} : memref<128x32xf32, #tpu.memory_space<vmem>>, vector<16xf32>,
        %add3A_841 = arith.addf %get3A_835, %get3A_816 : vector<16xf32>
        %mul3A_842 = arith.mulf %add3A_841, %exp3A_829 : vector<16xf32>
        %swap3A_843 = arith.index_cast %add3A_798 : i32 to index
        %swap3A_844 = arith.constant 16 : index
        %swap3A_845 = tpu.vector_load %arg21[%swap3A_843, %swap3A_844] {strides = array<i32>} : memref<128x32xf32, #tpu.memory_space<vmem>>, vector<16xf32>,
        tpu.vector_store %arg21[%swap3A_843, %swap3A_844], %mul3A_842 {strides = array<i32>} : memref<128x32xf32, #tpu.memory_space<vmem>>, vector<16xf32>,
        %broadcast_in_dim3A_846 = vector.broadcast %add3A_798 : i32 to vector<16xi32>
        tpu.vector_store_idx %arg22[%broadcast_in_dim3A_846], %exp3A_829 masked %eq3A_7 : memref<128xf32, #tpu.memory_space<vmem>>[vector<16xi32>], vector<16xf32>, vector<16xi1>
        %add3A_847 = arith.constant 14 : i32
        %add3A_848 = arith.addi %mul3A_151, %add3A_847 : i32
        %get3A_849 = arith.index_cast %add3A_848 : i32 to index
        %get3A_850 = arith.constant 0 : index
        %get3A_851 = tpu.vector_load %arg18[%get3A_849, %get3A_850] {strides = array<i32>} : memref<128x32xf32, #tpu.memory_space<vmem>>, vector<16xf32>,
        %get3A_852 = arith.index_cast %add3A_848 : i32 to index
        %get3A_853 = arith.constant 16 : index
        %get3A_854 = tpu.vector_load %arg18[%get3A_852, %get3A_853] {strides = array<i32>} : memref<128x32xf32, #tpu.memory_space<vmem>>, vector<16xf32>,
        %get3A_855 = arith.index_cast %add3A_848 : i32 to index
        %get3A_856 = arith.constant 0 : index
        %get3A_857 = tpu.vector_load %arg19[%get3A_855, %get3A_856] {strides = array<i32>} : memref<128x64xf32, #tpu.memory_space<vmem>>, vector<16xf32>,
        %get3A_858 = arith.index_cast %add3A_848 : i32 to index
        %get3A_859 = arith.constant 16 : index
        %get3A_860 = tpu.vector_load %arg19[%get3A_858, %get3A_859] {strides = array<i32>} : memref<128x64xf32, #tpu.memory_space<vmem>>, vector<16xf32>,
        %get3A_861 = arith.index_cast %add3A_848 : i32 to index
        %get3A_862 = arith.constant 0 : index
        %get3A_863 = tpu.vector_load %arg20[%get3A_861, %get3A_862] {strides = array<i32>} : memref<128x32xf32, #tpu.memory_space<vmem>>, vector<16xf32>,
        %get3A_864 = arith.index_cast %add3A_848 : i32 to index
        %get3A_865 = arith.constant 16 : index
        %get3A_866 = tpu.vector_load %arg20[%get3A_864, %get3A_865] {strides = array<i32>} : memref<128x32xf32, #tpu.memory_space<vmem>>, vector<16xf32>,
        %add3A_867 = arith.addf %get3A_857, %get3A_863 : vector<16xf32>
        %mul3A_868 = arith.mulf %get3A_851, %add3A_867 : vector<16xf32>
        %add3A_869 = arith.addf %get3A_860, %get3A_866 : vector<16xf32>
        %mul3A_870 = arith.mulf %get3A_854, %add3A_869 : vector<16xf32>
        %add3A_871 = arith.addf %mul3A_868, %mul3A_870 : vector<16xf32>
        %reduce_sum3A_872 = arith.constant true
        %reduce_sum3A_873 = vector.broadcast %reduce_sum3A_872 : i1 to vector<16xi1>
        %reduce_sum3A_874 = tpu.scan <sum>, %add3A_871 masked %reduce_sum3A_873 : vector<16xf32>, vector<16xi1> -> vector<16xf32>
        %reduce_sum3A_875 = vector.extract %reduce_sum3A_874[15] : f32 from vector<16xf32>
        %mul3A_876 = arith.constant 0.176776692 : f32
        %mul3A_877 = arith.mulf %reduce_sum3A_875, %mul3A_876 : f32
        %broadcast_in_dim3A_878 = vector.broadcast %mul3A_877 : f32 to vector<16xf32>
        %exp3A_879 = math.exp %broadcast_in_dim3A_878 : vector<16xf32>
        %get3A_880 = arith.index_cast %add3A_848 : i32 to index
        %get3A_881 = arith.constant 32 : index
        %get3A_882 = tpu.vector_load %arg19[%get3A_880, %get3A_881] {strides = array<i32>} : memref<128x64xf32, #tpu.memory_space<vmem>>, vector<16xf32>,
        %get3A_883 = arith.index_cast %add3A_848 : i32 to index
        %get3A_884 = arith.constant 48 : index
        %get3A_885 = tpu.vector_load %arg19[%get3A_883, %get3A_884] {strides = array<i32>} : memref<128x64xf32, #tpu.memory_space<vmem>>, vector<16xf32>,
        %add3A_886 = arith.addf %get3A_882, %get3A_863 : vector<16xf32>
        %mul3A_887 = arith.mulf %add3A_886, %exp3A_879 : vector<16xf32>
        %swap3A_888 = arith.index_cast %add3A_848 : i32 to index
        %swap3A_889 = arith.constant 0 : index
        %swap3A_890 = tpu.vector_load %arg21[%swap3A_888, %swap3A_889] {strides = array<i32>} : memref<128x32xf32, #tpu.memory_space<vmem>>, vector<16xf32>,
        tpu.vector_store %arg21[%swap3A_888, %swap3A_889], %mul3A_887 {strides = array<i32>} : memref<128x32xf32, #tpu.memory_space<vmem>>, vector<16xf32>,
        %add3A_891 = arith.addf %get3A_885, %get3A_866 : vector<16xf32>
        %mul3A_892 = arith.mulf %add3A_891, %exp3A_879 : vector<16xf32>
        %swap3A_893 = arith.index_cast %add3A_848 : i32 to index
        %swap3A_894 = arith.constant 16 : index
        %swap3A_895 = tpu.vector_load %arg21[%swap3A_893, %swap3A_894] {strides = array<i32>} : memref<128x32xf32, #tpu.memory_space<vmem>>, vector<16xf32>,
        tpu.vector_store %arg21[%swap3A_893, %swap3A_894], %mul3A_892 {strides = array<i32>} : memref<128x32xf32, #tpu.memory_space<vmem>>, vector<16xf32>,
        %broadcast_in_dim3A_896 = vector.broadcast %add3A_848 : i32 to vector<16xi32>
        tpu.vector_store_idx %arg22[%broadcast_in_dim3A_896], %exp3A_879 masked %eq3A_7 : memref<128xf32, #tpu.memory_space<vmem>>[vector<16xi32>], vector<16xf32>, vector<16xi1>
        %add3A_897 = arith.constant 15 : i32
        %add3A_898 = arith.addi %mul3A_151, %add3A_897 : i32
        %get3A_899 = arith.index_cast %add3A_898 : i32 to index
        %get3A_900 = arith.constant 0 : index
        %get3A_901 = tpu.vector_load %arg18[%get3A_899, %get3A_900] {strides = array<i32>} : memref<128x32xf32, #tpu.memory_space<vmem>>, vector<16xf32>,
        %get3A_902 = arith.index_cast %add3A_898 : i32 to index
        %get3A_903 = arith.constant 16 : index
        %get3A_904 = tpu.vector_load %arg18[%get3A_902, %get3A_903] {strides = array<i32>} : memref<128x32xf32, #tpu.memory_space<vmem>>, vector<16xf32>,
        %get3A_905 = arith.index_cast %add3A_898 : i32 to index
        %get3A_906 = arith.constant 0 : index
        %get3A_907 = tpu.vector_load %arg19[%get3A_905, %get3A_906] {strides = array<i32>} : memref<128x64xf32, #tpu.memory_space<vmem>>, vector<16xf32>,
        %get3A_908 = arith.index_cast %add3A_898 : i32 to index
        %get3A_909 = arith.constant 16 : index
        %get3A_910 = tpu.vector_load %arg19[%get3A_908, %get3A_909] {strides = array<i32>} : memref<128x64xf32, #tpu.memory_space<vmem>>, vector<16xf32>,
        %get3A_911 = arith.index_cast %add3A_898 : i32 to index
        %get3A_912 = arith.constant 0 : index
        %get3A_913 = tpu.vector_load %arg20[%get3A_911, %get3A_912] {strides = array<i32>} : memref<128x32xf32, #tpu.memory_space<vmem>>, vector<16xf32>,
        %get3A_914 = arith.index_cast %add3A_898 : i32 to index
        %get3A_915 = arith.constant 16 : index
        %get3A_916 = tpu.vector_load %arg20[%get3A_914, %get3A_915] {strides = array<i32>} : memref<128x32xf32, #tpu.memory_space<vmem>>, vector<16xf32>,
        %add3A_917 = arith.addf %get3A_907, %get3A_913 : vector<16xf32>
        %mul3A_918 = arith.mulf %get3A_901, %add3A_917 : vector<16xf32>
        %add3A_919 = arith.addf %get3A_910, %get3A_916 : vector<16xf32>
        %mul3A_920 = arith.mulf %get3A_904, %add3A_919 : vector<16xf32>
        %add3A_921 = arith.addf %mul3A_918, %mul3A_920 : vector<16xf32>
        %reduce_sum3A_922 = arith.constant true
        %reduce_sum3A_923 = vector.broadcast %reduce_sum3A_922 : i1 to vector<16xi1>
        %reduce_sum3A_924 = tpu.scan <sum>, %add3A_921 masked %reduce_sum3A_923 : vector<16xf32>, vector<16xi1> -> vector<16xf32>
        %reduce_sum3A_925 = vector.extract %reduce_sum3A_924[15] : f32 from vector<16xf32>
        %mul3A_926 = arith.constant 0.176776692 : f32
        %mul3A_927 = arith.mulf %reduce_sum3A_925, %mul3A_926 : f32
        %broadcast_in_dim3A_928 = vector.broadcast %mul3A_927 : f32 to vector<16xf32>
        %exp3A_929 = math.exp %broadcast_in_dim3A_928 : vector<16xf32>
        %get3A_930 = arith.index_cast %add3A_898 : i32 to index
        %get3A_931 = arith.constant 32 : index
        %get3A_932 = tpu.vector_load %arg19[%get3A_930, %get3A_931] {strides = array<i32>} : memref<128x64xf32, #tpu.memory_space<vmem>>, vector<16xf32>,
        %get3A_933 = arith.index_cast %add3A_898 : i32 to index
        %get3A_934 = arith.constant 48 : index
        %get3A_935 = tpu.vector_load %arg19[%get3A_933, %get3A_934] {strides = array<i32>} : memref<128x64xf32, #tpu.memory_space<vmem>>, vector<16xf32>,
        %add3A_936 = arith.addf %get3A_932, %get3A_913 : vector<16xf32>
        %mul3A_937 = arith.mulf %add3A_936, %exp3A_929 : vector<16xf32>
        %swap3A_938 = arith.index_cast %add3A_898 : i32 to index
        %swap3A_939 = arith.constant 0 : index
        %swap3A_940 = tpu.vector_load %arg21[%swap3A_938, %swap3A_939] {strides = array<i32>} : memref<128x32xf32, #tpu.memory_space<vmem>>, vector<16xf32>,
        tpu.vector_store %arg21[%swap3A_938, %swap3A_939], %mul3A_937 {strides = array<i32>} : memref<128x32xf32, #tpu.memory_space<vmem>>, vector<16xf32>,
        %add3A_941 = arith.addf %get3A_935, %get3A_916 : vector<16xf32>
        %mul3A_942 = arith.mulf %add3A_941, %exp3A_929 : vector<16xf32>
        %swap3A_943 = arith.index_cast %add3A_898 : i32 to index
        %swap3A_944 = arith.constant 16 : index
        %swap3A_945 = tpu.vector_load %arg21[%swap3A_943, %swap3A_944] {strides = array<i32>} : memref<128x32xf32, #tpu.memory_space<vmem>>, vector<16xf32>,
        tpu.vector_store %arg21[%swap3A_943, %swap3A_944], %mul3A_942 {strides = array<i32>} : memref<128x32xf32, #tpu.memory_space<vmem>>, vector<16xf32>,
        %broadcast_in_dim3A_946 = vector.broadcast %add3A_898 : i32 to vector<16xi32>
        tpu.vector_store_idx %arg22[%broadcast_in_dim3A_946], %exp3A_929 masked %eq3A_7 : memref<128xf32, #tpu.memory_space<vmem>>[vector<16xi32>], vector<16xf32>, vector<16xi1>
      }
      %scan3A_136 = arith.constant 8 : i32
      %dma_start3A_137 = arith.constant 0 : i32
      %dma_start3A_138 = arith.constant 0 : i32
      %dma_start3A_139 = tpu.memref_slice %arg25[%dma_start3A_137, %dma_start3A_138] : memref<50048x32xf32, #tpu.memory_space<vmem_shared>> -> memref<50048x32xf32, #tpu.memory_space<vmem_shared>>
      tpu.enqueue_indirect_dma source(%arg21 : memref<128x32xf32, #tpu.memory_space<vmem>>) target(%dma_start3A_139 : memref<50048x32xf32, #tpu.memory_space<vmem_shared>>) offsets(%arg16 : memref<128xi32, #tpu.memory_space<vmem>>) semaphore(%arg29 : memref<!tpu.dma_semaphore, #tpu.memory_space<semaphore_mem>>) {add = true}
      %dma_start3A_140 = arith.constant 0 : i32
      %dma_start3A_141 = tpu.memref_slice %arg26[%dma_start3A_140] : memref<50048xf32, #tpu.memory_space<vmem_shared>> -> memref<50048xf32, #tpu.memory_space<vmem_shared>>
      tpu.enqueue_indirect_dma source(%arg22 : memref<128xf32, #tpu.memory_space<vmem>>) target(%dma_start3A_141 : memref<50048xf32, #tpu.memory_space<vmem_shared>>) offsets(%arg16 : memref<128xi32, #tpu.memory_space<vmem>>) semaphore(%arg29 : memref<!tpu.dma_semaphore, #tpu.memory_space<semaphore_mem>>) {add = true}
      %add3A_142 = arith.constant 1 : i32
      %add3A_143 = arith.addi %add3A_90, %add3A_142 : i32
      %lt3A_144 = arith.constant 392 : i32
      %lt3A_145 = arith.cmpi slt, %add3A_143, %lt3A_144 : i32
      %convert_element_type3A_146 = arith.extui %lt3A_145 : i1 to i32
      %cond3A_147 = arith.constant 0 : i32
      %cond3A_148 = arith.cmpi ne, %convert_element_type3A_146, %cond3A_147 : i32
      scf.if %cond3A_148 {
        %dma_wait3A_149 = arith.constant 0 : i32
        %dma_wait3A_150 = tpu.memref_slice %arg4[%dma_wait3A_149] : memref<802816xi32, #tpu.memory_space<hbm>> -> memref<128xi32, #tpu.memory_space<hbm>>
        %dma_wait3A_151 = arith.constant 0 : i32
        %dma_wait3A_152 = tpu.memref_slice %arg4[%dma_wait3A_151] : memref<802816xi32, #tpu.memory_space<hbm>> -> memref<128xi32, #tpu.memory_space<hbm>>
        tpu.wait_dma2 semaphore(%arg28 : memref<!tpu.dma_semaphore, #tpu.memory_space<semaphore_mem>>) src(%dma_wait3A_152 : memref<128xi32, #tpu.memory_space<hbm>>) dst(%arg12 : memref<128xi32, #tpu.memory_space<vmem>>)
        %dma_wait3A_153 = arith.constant 0 : i32
        %dma_wait3A_154 = tpu.memref_slice %arg4[%dma_wait3A_153] : memref<802816xi32, #tpu.memory_space<hbm>> -> memref<128xi32, #tpu.memory_space<hbm>>
        %dma_wait3A_155 = arith.constant 0 : i32
        %dma_wait3A_156 = tpu.memref_slice %arg4[%dma_wait3A_155] : memref<802816xi32, #tpu.memory_space<hbm>> -> memref<128xi32, #tpu.memory_space<hbm>>
        tpu.wait_dma2 semaphore(%arg28 : memref<!tpu.dma_semaphore, #tpu.memory_space<semaphore_mem>>) src(%dma_wait3A_156 : memref<128xi32, #tpu.memory_space<hbm>>) dst(%arg14 : memref<128xi32, #tpu.memory_space<vmem>>)
        %dma_wait3A_157 = arith.constant 0 : i32
        %dma_wait3A_158 = tpu.memref_slice %arg4[%dma_wait3A_157] : memref<802816xi32, #tpu.memory_space<hbm>> -> memref<128xi32, #tpu.memory_space<hbm>>
        %dma_wait3A_159 = arith.constant 0 : i32
        %dma_wait3A_160 = tpu.memref_slice %arg4[%dma_wait3A_159] : memref<802816xi32, #tpu.memory_space<hbm>> -> memref<128xi32, #tpu.memory_space<hbm>>
        tpu.wait_dma2 semaphore(%arg28 : memref<!tpu.dma_semaphore, #tpu.memory_space<semaphore_mem>>) src(%dma_wait3A_160 : memref<128xi32, #tpu.memory_space<hbm>>) dst(%arg13 : memref<128xi32, #tpu.memory_space<vmem>>)
      } else {
      }
    }
    %scan3A_17 = arith.constant 196 : i32
    %dma_wait3A = arith.constant 0 : i32
    %dma_wait3A_18 = arith.constant 0 : i32
    %dma_wait3A_19 = tpu.memref_slice %arg25[%dma_wait3A, %dma_wait3A_18] : memref<50048x32xf32, #tpu.memory_space<vmem_shared>> -> memref<50048x32xf32, #tpu.memory_space<vmem_shared>>
    tpu.wait_indirect_dma semaphore(%arg29 : memref<!tpu.dma_semaphore, #tpu.memory_space<semaphore_mem>>) src(%arg21 : memref<128x32xf32, #tpu.memory_space<vmem>>) dst(%dma_wait3A_19 : memref<50048x32xf32, #tpu.memory_space<vmem_shared>>)
    %dma_wait3A_20 = arith.constant 0 : i32
    %dma_wait3A_21 = tpu.memref_slice %arg26[%dma_wait3A_20] : memref<50048xf32, #tpu.memory_space<vmem_shared>> -> memref<50048xf32, #tpu.memory_space<vmem_shared>>
    tpu.wait_indirect_dma semaphore(%arg29 : memref<!tpu.dma_semaphore, #tpu.memory_space<semaphore_mem>>) src(%arg22 : memref<128xf32, #tpu.memory_space<vmem>>) dst(%dma_wait3A_21 : memref<50048xf32, #tpu.memory_space<vmem_shared>>)
    %barrier3A_22 = arith.constant 0 : index
    tpu.barrier barrier_id(%barrier3A_22)
    %scan3A_23 = arith.constant 0 : i32
    %scan3A_24 = arith.constant 0 : i32
    %scan3A_25 = arith.constant 23 : i32
    %scan3A_26 = arith.addi %scan3A_24, %scan3A_25 : i32
    %scan3A_27 = arith.constant 1 : i32
    scf.for %scan3A_29 = %scan3A_24 to %scan3A_26 step %scan3A_27  : i32 {
      %mul3A_30 = arith.constant 3128 : i32
      %mul3A_31 = arith.muli %arg1, %mul3A_30 : i32
      %mul3A_32 = arith.constant 136 : i32
      %mul3A_33 = arith.muli %scan3A_29, %mul3A_32 : i32
      %add3A_34 = arith.addi %mul3A_31, %mul3A_33 : i32
      "tpu.region"() ({
        %run_scoped3A = tpu.sem_alloc : memref<!tpu.dma_semaphore, #tpu.memory_space<semaphore_mem>>
        %dma_start3A = arith.constant 0 : i32
        %dma_start3A_56 = tpu.memref_slice %arg25[%add3A_34, %dma_start3A] : memref<50048x32xf32, #tpu.memory_space<vmem_shared>> -> memref<136x32xf32, #tpu.memory_space<vmem_shared>>
        %dma_start3A_57 = arith.constant 0 : i32
        %dma_start3A_58 = tpu.memref_slice %arg25[%add3A_34, %dma_start3A_57] : memref<50048x32xf32, #tpu.memory_space<vmem_shared>> -> memref<136x32xf32, #tpu.memory_space<vmem_shared>>
        tpu.enqueue_dma source(%dma_start3A_58 : memref<136x32xf32, #tpu.memory_space<vmem_shared>>) target(%arg23 : memref<136x32xf32, #tpu.memory_space<vmem>>) target_semaphore(%run_scoped3A : memref<!tpu.dma_semaphore, #tpu.memory_space<semaphore_mem>>)
        %dma_wait3A_59 = arith.constant 0 : i32
        %dma_wait3A_60 = tpu.memref_slice %arg25[%add3A_34, %dma_wait3A_59] : memref<50048x32xf32, #tpu.memory_space<vmem_shared>> -> memref<136x32xf32, #tpu.memory_space<vmem_shared>>
        %dma_wait3A_61 = arith.constant 0 : i32
        %dma_wait3A_62 = tpu.memref_slice %arg25[%add3A_34, %dma_wait3A_61] : memref<50048x32xf32, #tpu.memory_space<vmem_shared>> -> memref<136x32xf32, #tpu.memory_space<vmem_shared>>
        tpu.wait_dma2 semaphore(%run_scoped3A : memref<!tpu.dma_semaphore, #tpu.memory_space<semaphore_mem>>) src(%dma_wait3A_62 : memref<136x32xf32, #tpu.memory_space<vmem_shared>>) dst(%arg23 : memref<136x32xf32, #tpu.memory_space<vmem>>)
        tpu.yield
      }) : () -> ()
      %mul3A_35 = arith.constant 50048 : i32
      %mul3A_36 = arith.muli %arg0, %mul3A_35 : i32
      %mul3A_37 = arith.constant 3128 : i32
      %mul3A_38 = arith.muli %arg1, %mul3A_37 : i32
      %add3A_39 = arith.addi %mul3A_36, %mul3A_38 : i32
      %mul3A_40 = arith.constant 136 : i32
      %mul3A_41 = arith.muli %scan3A_29, %mul3A_40 : i32
      %add3A_42 = arith.addi %add3A_39, %mul3A_41 : i32
      "tpu.region"() ({
        %run_scoped3A = tpu.sem_alloc : memref<!tpu.dma_semaphore, #tpu.memory_space<semaphore_mem>>
        %dma_start3A = arith.constant 0 : i32
        %dma_start3A_56 = tpu.memref_slice %arg10[%add3A_42, %dma_start3A] : memref<100096x32xf32, #tpu.memory_space<hbm>> -> memref<136x32xf32, #tpu.memory_space<hbm>>
        %dma_start3A_57 = arith.constant 0 : i32
        %dma_start3A_58 = tpu.memref_slice %arg10[%add3A_42, %dma_start3A_57] : memref<100096x32xf32, #tpu.memory_space<hbm>> -> memref<136x32xf32, #tpu.memory_space<hbm>>
        tpu.enqueue_dma source(%arg23 : memref<136x32xf32, #tpu.memory_space<vmem>>) target(%dma_start3A_58 : memref<136x32xf32, #tpu.memory_space<hbm>>) target_semaphore(%run_scoped3A : memref<!tpu.dma_semaphore, #tpu.memory_space<semaphore_mem>>)
        %dma_wait3A_59 = arith.constant 0 : i32
        %dma_wait3A_60 = tpu.memref_slice %arg10[%add3A_42, %dma_wait3A_59] : memref<100096x32xf32, #tpu.memory_space<hbm>> -> memref<136x32xf32, #tpu.memory_space<hbm>>
        %dma_wait3A_61 = arith.constant 0 : i32
        %dma_wait3A_62 = tpu.memref_slice %arg10[%add3A_42, %dma_wait3A_61] : memref<100096x32xf32, #tpu.memory_space<hbm>> -> memref<136x32xf32, #tpu.memory_space<hbm>>
        tpu.wait_dma2 semaphore(%run_scoped3A : memref<!tpu.dma_semaphore, #tpu.memory_space<semaphore_mem>>) src(%arg23 : memref<136x32xf32, #tpu.memory_space<vmem>>) dst(%dma_wait3A_62 : memref<136x32xf32, #tpu.memory_space<hbm>>)
        tpu.yield
      }) : () -> ()
      %mul3A_43 = arith.constant 3128 : i32
      %mul3A_44 = arith.muli %arg1, %mul3A_43 : i32
      %mul3A_45 = arith.constant 136 : i32
      %mul3A_46 = arith.muli %scan3A_29, %mul3A_45 : i32
      %add3A_47 = arith.addi %mul3A_44, %mul3A_46 : i32
      "tpu.region"() ({
        %run_scoped3A = tpu.sem_alloc : memref<!tpu.dma_semaphore, #tpu.memory_space<semaphore_mem>>
        %dma_start3A = tpu.memref_slice %arg26[%add3A_47] : memref<50048xf32, #tpu.memory_space<vmem_shared>> -> memref<136xf32, #tpu.memory_space<vmem_shared>>
        %dma_start3A_56 = tpu.memref_slice %arg26[%add3A_47] : memref<50048xf32, #tpu.memory_space<vmem_shared>> -> memref<136xf32, #tpu.memory_space<vmem_shared>>
        tpu.enqueue_dma source(%dma_start3A_56 : memref<136xf32, #tpu.memory_space<vmem_shared>>) target(%arg24 : memref<136xf32, #tpu.memory_space<vmem>>) target_semaphore(%run_scoped3A : memref<!tpu.dma_semaphore, #tpu.memory_space<semaphore_mem>>)
        %dma_wait3A_57 = tpu.memref_slice %arg26[%add3A_47] : memref<50048xf32, #tpu.memory_space<vmem_shared>> -> memref<136xf32, #tpu.memory_space<vmem_shared>>
        %dma_wait3A_58 = tpu.memref_slice %arg26[%add3A_47] : memref<50048xf32, #tpu.memory_space<vmem_shared>> -> memref<136xf32, #tpu.memory_space<vmem_shared>>
        tpu.wait_dma2 semaphore(%run_scoped3A : memref<!tpu.dma_semaphore, #tpu.memory_space<semaphore_mem>>) src(%dma_wait3A_58 : memref<136xf32, #tpu.memory_space<vmem_shared>>) dst(%arg24 : memref<136xf32, #tpu.memory_space<vmem>>)
        tpu.yield
      }) : () -> ()
      %mul3A_48 = arith.constant 50048 : i32
      %mul3A_49 = arith.muli %arg0, %mul3A_48 : i32
      %mul3A_50 = arith.constant 3128 : i32
      %mul3A_51 = arith.muli %arg1, %mul3A_50 : i32
      %add3A_52 = arith.addi %mul3A_49, %mul3A_51 : i32
      %mul3A_53 = arith.constant 136 : i32
      %mul3A_54 = arith.muli %scan3A_29, %mul3A_53 : i32
      %add3A_55 = arith.addi %add3A_52, %mul3A_54 : i32
      "tpu.region"() ({
        %run_scoped3A = tpu.sem_alloc : memref<!tpu.dma_semaphore, #tpu.memory_space<semaphore_mem>>
        %dma_start3A = tpu.memref_slice %arg11[%add3A_55] : memref<100096xf32, #tpu.memory_space<hbm>> -> memref<136xf32, #tpu.memory_space<hbm>>
        %dma_start3A_56 = tpu.memref_slice %arg11[%add3A_55] : memref<100096xf32, #tpu.memory_space<hbm>> -> memref<136xf32, #tpu.memory_space<hbm>>
        tpu.enqueue_dma source(%arg24 : memref<136xf32, #tpu.memory_space<vmem>>) target(%dma_start3A_56 : memref<136xf32, #tpu.memory_space<hbm>>) target_semaphore(%run_scoped3A : memref<!tpu.dma_semaphore, #tpu.memory_space<semaphore_mem>>)
        %dma_wait3A_57 = tpu.memref_slice %arg11[%add3A_55] : memref<100096xf32, #tpu.memory_space<hbm>> -> memref<136xf32, #tpu.memory_space<hbm>>
        %dma_wait3A_58 = tpu.memref_slice %arg11[%add3A_55] : memref<100096xf32, #tpu.memory_space<hbm>> -> memref<136xf32, #tpu.memory_space<hbm>>
        tpu.wait_dma2 semaphore(%run_scoped3A : memref<!tpu.dma_semaphore, #tpu.memory_space<semaphore_mem>>) src(%arg24 : memref<136xf32, #tpu.memory_space<vmem>>) dst(%dma_wait3A_58 : memref<136xf32, #tpu.memory_space<hbm>>)
        tpu.yield
      }) : () -> ()
    }
    %scan3A_28 = arith.constant 23 : i32
    return
  }
}

#map = affine_map<(d0, d1) -> (0)>
#map1 = affine_map<(d0, d1) -> (0, 0)>
module attributes {stable_mosaic.version = 14 : i64} {
  func.func @_edge_gather_kernel(%arg0: i32, %arg1: i32, %arg2: memref<802816xi32, #tpu.memory_space<hbm>>, %arg3: memref<802816xi32, #tpu.memory_space<hbm>>, %arg4: memref<50000xf32, #tpu.memory_space<hbm>>, %arg5: memref<1000000xf32, #tpu.memory_space<hbm>>, %arg6: memref<1000000x16xf32, #tpu.memory_space<hbm>>, %arg7: memref<802816xf32, #tpu.memory_space<hbm>>, %arg8: memref<802816xf32, #tpu.memory_space<hbm>>, %arg9: memref<802816x16xf32, #tpu.memory_space<hbm>>, %arg10: memref<128xi32, #tpu.memory_space<vmem>>, %arg11: memref<128xi32, #tpu.memory_space<vmem>>, %arg12: memref<128xf32, #tpu.memory_space<vmem>>, %arg13: memref<128xf32, #tpu.memory_space<vmem>>, %arg14: memref<128x16xf32, #tpu.memory_space<vmem>>, %arg15: memref<!tpu.dma_semaphore, #tpu.memory_space<semaphore_mem>>) attributes {dimension_semantics = [#tpu.dimension_semantics<core_parallel>, #tpu.dimension_semantics<subcore_parallel>], iteration_bounds = array<i64: 2, 16>, scalar_prefetch = 0 : i64, scratch_operands = 6 : i64, tpu.core_type = #tpu.core_type<sc_vector_subcore>, window_params = [{transform_indices = #map}, {transform_indices = #map}, {transform_indices = #map}, {transform_indices = #map}, {transform_indices = #map1}, {transform_indices = #map}, {transform_indices = #map}, {transform_indices = #map1}]} {
    %mul3A = arith.constant 2 : i32
    %mul3A_0 = arith.muli %arg1, %mul3A : i32
    %add3A = arith.addi %mul3A_0, %arg0 : i32
    %mul3A_1 = arith.constant 25088 : i32
    %mul3A_2 = arith.muli %add3A, %mul3A_1 : i32
    %scan3A = arith.constant 0 : i32
    %scan3A_3 = arith.constant 0 : i32
    %scan3A_4 = arith.constant 196 : i32
    %scan3A_5 = arith.addi %scan3A_3, %scan3A_4 : i32
    %scan3A_6 = arith.constant 1 : i32
    scf.for %scan3A_8 = %scan3A_3 to %scan3A_5 step %scan3A_6  : i32 {
      %mul3A_9 = arith.constant 128 : i32
      %mul3A_10 = arith.muli %scan3A_8, %mul3A_9 : i32
      %add3A_11 = arith.addi %mul3A_2, %mul3A_10 : i32
      "tpu.region"() ({
        %run_scoped3A = tpu.sem_alloc : memref<!tpu.dma_semaphore, #tpu.memory_space<semaphore_mem>>
        %dma_start3A_24 = tpu.memref_slice %arg2[%add3A_11] : memref<802816xi32, #tpu.memory_space<hbm>> -> memref<128xi32, #tpu.memory_space<hbm>>
        %dma_start3A_25 = tpu.memref_slice %arg2[%add3A_11] : memref<802816xi32, #tpu.memory_space<hbm>> -> memref<128xi32, #tpu.memory_space<hbm>>
        tpu.enqueue_dma source(%dma_start3A_25 : memref<128xi32, #tpu.memory_space<hbm>>) target(%arg10 : memref<128xi32, #tpu.memory_space<vmem>>) target_semaphore(%run_scoped3A : memref<!tpu.dma_semaphore, #tpu.memory_space<semaphore_mem>>)
        %dma_wait3A_26 = tpu.memref_slice %arg2[%add3A_11] : memref<802816xi32, #tpu.memory_space<hbm>> -> memref<128xi32, #tpu.memory_space<hbm>>
        %dma_wait3A_27 = tpu.memref_slice %arg2[%add3A_11] : memref<802816xi32, #tpu.memory_space<hbm>> -> memref<128xi32, #tpu.memory_space<hbm>>
        tpu.wait_dma2 semaphore(%run_scoped3A : memref<!tpu.dma_semaphore, #tpu.memory_space<semaphore_mem>>) src(%dma_wait3A_27 : memref<128xi32, #tpu.memory_space<hbm>>) dst(%arg10 : memref<128xi32, #tpu.memory_space<vmem>>)
        tpu.yield
      }) : () -> ()
      "tpu.region"() ({
        %run_scoped3A = tpu.sem_alloc : memref<!tpu.dma_semaphore, #tpu.memory_space<semaphore_mem>>
        %dma_start3A_24 = tpu.memref_slice %arg3[%add3A_11] : memref<802816xi32, #tpu.memory_space<hbm>> -> memref<128xi32, #tpu.memory_space<hbm>>
        %dma_start3A_25 = tpu.memref_slice %arg3[%add3A_11] : memref<802816xi32, #tpu.memory_space<hbm>> -> memref<128xi32, #tpu.memory_space<hbm>>
        tpu.enqueue_dma source(%dma_start3A_25 : memref<128xi32, #tpu.memory_space<hbm>>) target(%arg11 : memref<128xi32, #tpu.memory_space<vmem>>) target_semaphore(%run_scoped3A : memref<!tpu.dma_semaphore, #tpu.memory_space<semaphore_mem>>)
        %dma_wait3A_26 = tpu.memref_slice %arg3[%add3A_11] : memref<802816xi32, #tpu.memory_space<hbm>> -> memref<128xi32, #tpu.memory_space<hbm>>
        %dma_wait3A_27 = tpu.memref_slice %arg3[%add3A_11] : memref<802816xi32, #tpu.memory_space<hbm>> -> memref<128xi32, #tpu.memory_space<hbm>>
        tpu.wait_dma2 semaphore(%run_scoped3A : memref<!tpu.dma_semaphore, #tpu.memory_space<semaphore_mem>>) src(%dma_wait3A_27 : memref<128xi32, #tpu.memory_space<hbm>>) dst(%arg11 : memref<128xi32, #tpu.memory_space<vmem>>)
        tpu.yield
      }) : () -> ()
      %dma_start3A = arith.constant 0 : i32
      %dma_start3A_12 = tpu.memref_slice %arg4[%dma_start3A] : memref<50000xf32, #tpu.memory_space<hbm>> -> memref<50000xf32, #tpu.memory_space<hbm>>
      tpu.enqueue_indirect_dma source(%dma_start3A_12 : memref<50000xf32, #tpu.memory_space<hbm>>) target(%arg12 : memref<128xf32, #tpu.memory_space<vmem>>) offsets(%arg10 : memref<128xi32, #tpu.memory_space<vmem>>) semaphore(%arg15 : memref<!tpu.dma_semaphore, #tpu.memory_space<semaphore_mem>>)
      %dma_start3A_13 = arith.constant 0 : i32
      %dma_start3A_14 = tpu.memref_slice %arg5[%dma_start3A_13] : memref<1000000xf32, #tpu.memory_space<hbm>> -> memref<1000000xf32, #tpu.memory_space<hbm>>
      tpu.enqueue_indirect_dma source(%dma_start3A_14 : memref<1000000xf32, #tpu.memory_space<hbm>>) target(%arg13 : memref<128xf32, #tpu.memory_space<vmem>>) offsets(%arg11 : memref<128xi32, #tpu.memory_space<vmem>>) semaphore(%arg15 : memref<!tpu.dma_semaphore, #tpu.memory_space<semaphore_mem>>)
      %dma_start3A_15 = arith.constant 0 : i32
      %dma_start3A_16 = arith.constant 0 : i32
      %dma_start3A_17 = tpu.memref_slice %arg6[%dma_start3A_15, %dma_start3A_16] : memref<1000000x16xf32, #tpu.memory_space<hbm>> -> memref<1000000x16xf32, #tpu.memory_space<hbm>>
      tpu.enqueue_indirect_dma source(%dma_start3A_17 : memref<1000000x16xf32, #tpu.memory_space<hbm>>) target(%arg14 : memref<128x16xf32, #tpu.memory_space<vmem>>) offsets(%arg11 : memref<128xi32, #tpu.memory_space<vmem>>) semaphore(%arg15 : memref<!tpu.dma_semaphore, #tpu.memory_space<semaphore_mem>>)
      %dma_wait3A = arith.constant 0 : i32
      %dma_wait3A_18 = tpu.memref_slice %arg4[%dma_wait3A] : memref<50000xf32, #tpu.memory_space<hbm>> -> memref<50000xf32, #tpu.memory_space<hbm>>
      tpu.wait_indirect_dma semaphore(%arg15 : memref<!tpu.dma_semaphore, #tpu.memory_space<semaphore_mem>>) src(%dma_wait3A_18 : memref<50000xf32, #tpu.memory_space<hbm>>) dst(%arg12 : memref<128xf32, #tpu.memory_space<vmem>>)
      %dma_wait3A_19 = arith.constant 0 : i32
      %dma_wait3A_20 = tpu.memref_slice %arg5[%dma_wait3A_19] : memref<1000000xf32, #tpu.memory_space<hbm>> -> memref<1000000xf32, #tpu.memory_space<hbm>>
      tpu.wait_indirect_dma semaphore(%arg15 : memref<!tpu.dma_semaphore, #tpu.memory_space<semaphore_mem>>) src(%dma_wait3A_20 : memref<1000000xf32, #tpu.memory_space<hbm>>) dst(%arg13 : memref<128xf32, #tpu.memory_space<vmem>>)
      %dma_wait3A_21 = arith.constant 0 : i32
      %dma_wait3A_22 = arith.constant 0 : i32
      %dma_wait3A_23 = tpu.memref_slice %arg6[%dma_wait3A_21, %dma_wait3A_22] : memref<1000000x16xf32, #tpu.memory_space<hbm>> -> memref<1000000x16xf32, #tpu.memory_space<hbm>>
      tpu.wait_indirect_dma semaphore(%arg15 : memref<!tpu.dma_semaphore, #tpu.memory_space<semaphore_mem>>) src(%dma_wait3A_23 : memref<1000000x16xf32, #tpu.memory_space<hbm>>) dst(%arg14 : memref<128x16xf32, #tpu.memory_space<vmem>>)
      "tpu.region"() ({
        %run_scoped3A = tpu.sem_alloc : memref<!tpu.dma_semaphore, #tpu.memory_space<semaphore_mem>>
        %dma_start3A_24 = tpu.memref_slice %arg7[%add3A_11] : memref<802816xf32, #tpu.memory_space<hbm>> -> memref<128xf32, #tpu.memory_space<hbm>>
        %dma_start3A_25 = tpu.memref_slice %arg7[%add3A_11] : memref<802816xf32, #tpu.memory_space<hbm>> -> memref<128xf32, #tpu.memory_space<hbm>>
        tpu.enqueue_dma source(%arg12 : memref<128xf32, #tpu.memory_space<vmem>>) target(%dma_start3A_25 : memref<128xf32, #tpu.memory_space<hbm>>) target_semaphore(%run_scoped3A : memref<!tpu.dma_semaphore, #tpu.memory_space<semaphore_mem>>)
        %dma_wait3A_26 = tpu.memref_slice %arg7[%add3A_11] : memref<802816xf32, #tpu.memory_space<hbm>> -> memref<128xf32, #tpu.memory_space<hbm>>
        %dma_wait3A_27 = tpu.memref_slice %arg7[%add3A_11] : memref<802816xf32, #tpu.memory_space<hbm>> -> memref<128xf32, #tpu.memory_space<hbm>>
        tpu.wait_dma2 semaphore(%run_scoped3A : memref<!tpu.dma_semaphore, #tpu.memory_space<semaphore_mem>>) src(%arg12 : memref<128xf32, #tpu.memory_space<vmem>>) dst(%dma_wait3A_27 : memref<128xf32, #tpu.memory_space<hbm>>)
        tpu.yield
      }) : () -> ()
      "tpu.region"() ({
        %run_scoped3A = tpu.sem_alloc : memref<!tpu.dma_semaphore, #tpu.memory_space<semaphore_mem>>
        %dma_start3A_24 = tpu.memref_slice %arg8[%add3A_11] : memref<802816xf32, #tpu.memory_space<hbm>> -> memref<128xf32, #tpu.memory_space<hbm>>
        %dma_start3A_25 = tpu.memref_slice %arg8[%add3A_11] : memref<802816xf32, #tpu.memory_space<hbm>> -> memref<128xf32, #tpu.memory_space<hbm>>
        tpu.enqueue_dma source(%arg13 : memref<128xf32, #tpu.memory_space<vmem>>) target(%dma_start3A_25 : memref<128xf32, #tpu.memory_space<hbm>>) target_semaphore(%run_scoped3A : memref<!tpu.dma_semaphore, #tpu.memory_space<semaphore_mem>>)
        %dma_wait3A_26 = tpu.memref_slice %arg8[%add3A_11] : memref<802816xf32, #tpu.memory_space<hbm>> -> memref<128xf32, #tpu.memory_space<hbm>>
        %dma_wait3A_27 = tpu.memref_slice %arg8[%add3A_11] : memref<802816xf32, #tpu.memory_space<hbm>> -> memref<128xf32, #tpu.memory_space<hbm>>
        tpu.wait_dma2 semaphore(%run_scoped3A : memref<!tpu.dma_semaphore, #tpu.memory_space<semaphore_mem>>) src(%arg13 : memref<128xf32, #tpu.memory_space<vmem>>) dst(%dma_wait3A_27 : memref<128xf32, #tpu.memory_space<hbm>>)
        tpu.yield
      }) : () -> ()
      "tpu.region"() ({
        %run_scoped3A = tpu.sem_alloc : memref<!tpu.dma_semaphore, #tpu.memory_space<semaphore_mem>>
        %dma_start3A_24 = arith.constant 0 : i32
        %dma_start3A_25 = tpu.memref_slice %arg9[%add3A_11, %dma_start3A_24] : memref<802816x16xf32, #tpu.memory_space<hbm>> -> memref<128x16xf32, #tpu.memory_space<hbm>>
        %dma_start3A_26 = arith.constant 0 : i32
        %dma_start3A_27 = tpu.memref_slice %arg9[%add3A_11, %dma_start3A_26] : memref<802816x16xf32, #tpu.memory_space<hbm>> -> memref<128x16xf32, #tpu.memory_space<hbm>>
        tpu.enqueue_dma source(%arg14 : memref<128x16xf32, #tpu.memory_space<vmem>>) target(%dma_start3A_27 : memref<128x16xf32, #tpu.memory_space<hbm>>) target_semaphore(%run_scoped3A : memref<!tpu.dma_semaphore, #tpu.memory_space<semaphore_mem>>)
        %dma_wait3A_28 = arith.constant 0 : i32
        %dma_wait3A_29 = tpu.memref_slice %arg9[%add3A_11, %dma_wait3A_28] : memref<802816x16xf32, #tpu.memory_space<hbm>> -> memref<128x16xf32, #tpu.memory_space<hbm>>
        %dma_wait3A_30 = arith.constant 0 : i32
        %dma_wait3A_31 = tpu.memref_slice %arg9[%add3A_11, %dma_wait3A_30] : memref<802816x16xf32, #tpu.memory_space<hbm>> -> memref<128x16xf32, #tpu.memory_space<hbm>>
        tpu.wait_dma2 semaphore(%run_scoped3A : memref<!tpu.dma_semaphore, #tpu.memory_space<semaphore_mem>>) src(%arg14 : memref<128x16xf32, #tpu.memory_space<vmem>>) dst(%dma_wait3A_31 : memref<128x16xf32, #tpu.memory_space<hbm>>)
        tpu.yield
      }) : () -> ()
    }
    %scan3A_7 = arith.constant 196 : i32
    return
  }
}

#map = affine_map<(d0, d1) -> (0)>
#map1 = affine_map<(d0, d1) -> (0, 0)>
module attributes {stable_mosaic.version = 14 : i64} {
  func.func @_batch_gather_kernel(%arg0: i32, %arg1: i32, %arg2: memref<12288xi32, #tpu.memory_space<hbm>>, %arg3: memref<100096x32xf32, #tpu.memory_space<hbm>>, %arg4: memref<100096xf32, #tpu.memory_space<hbm>>, %arg5: memref<50000x64xf32, #tpu.memory_space<hbm>>, %arg6: memref<12288x32xf32, #tpu.memory_space<hbm>>, %arg7: memref<12288x32xf32, #tpu.memory_space<hbm>>, %arg8: memref<12288xf32, #tpu.memory_space<hbm>>, %arg9: memref<12288xf32, #tpu.memory_space<hbm>>, %arg10: memref<12288x64xf32, #tpu.memory_space<hbm>>, %arg11: memref<128xi32, #tpu.memory_space<vmem>>, %arg12: memref<128xi32, #tpu.memory_space<vmem>>, %arg13: memref<128x32xf32, #tpu.memory_space<vmem>>, %arg14: memref<128x32xf32, #tpu.memory_space<vmem>>, %arg15: memref<128xf32, #tpu.memory_space<vmem>>, %arg16: memref<128xf32, #tpu.memory_space<vmem>>, %arg17: memref<128x64xf32, #tpu.memory_space<vmem>>, %arg18: memref<!tpu.dma_semaphore, #tpu.memory_space<semaphore_mem>>) attributes {dimension_semantics = [#tpu.dimension_semantics<core_parallel>, #tpu.dimension_semantics<subcore_parallel>], iteration_bounds = array<i64: 2, 16>, scalar_prefetch = 0 : i64, scratch_operands = 8 : i64, tpu.core_type = #tpu.core_type<sc_vector_subcore>, window_params = [{transform_indices = #map}, {transform_indices = #map1}, {transform_indices = #map}, {transform_indices = #map1}, {transform_indices = #map1}, {transform_indices = #map1}, {transform_indices = #map}, {transform_indices = #map}, {transform_indices = #map1}]} {
    %mul3A = arith.constant 2 : i32
    %mul3A_0 = arith.muli %arg1, %mul3A : i32
    %add3A = arith.addi %mul3A_0, %arg0 : i32
    %mul3A_1 = arith.constant 384 : i32
    %mul3A_2 = arith.muli %add3A, %mul3A_1 : i32
    %scan3A = arith.constant 0 : i32
    %scan3A_3 = arith.constant 0 : i32
    %scan3A_4 = arith.constant 3 : i32
    %scan3A_5 = arith.addi %scan3A_3, %scan3A_4 : i32
    %scan3A_6 = arith.constant 1 : i32
    scf.for %scan3A_8 = %scan3A_3 to %scan3A_5 step %scan3A_6  : i32 {
      %mul3A_9 = arith.constant 128 : i32
      %mul3A_10 = arith.muli %scan3A_8, %mul3A_9 : i32
      %add3A_11 = arith.addi %mul3A_2, %mul3A_10 : i32
      "tpu.region"() ({
        %run_scoped3A = tpu.sem_alloc : memref<!tpu.dma_semaphore, #tpu.memory_space<semaphore_mem>>
        %dma_start3A_42 = tpu.memref_slice %arg2[%add3A_11] : memref<12288xi32, #tpu.memory_space<hbm>> -> memref<128xi32, #tpu.memory_space<hbm>>
        %dma_start3A_43 = tpu.memref_slice %arg2[%add3A_11] : memref<12288xi32, #tpu.memory_space<hbm>> -> memref<128xi32, #tpu.memory_space<hbm>>
        tpu.enqueue_dma source(%dma_start3A_43 : memref<128xi32, #tpu.memory_space<hbm>>) target(%arg11 : memref<128xi32, #tpu.memory_space<vmem>>) target_semaphore(%run_scoped3A : memref<!tpu.dma_semaphore, #tpu.memory_space<semaphore_mem>>)
        %dma_wait3A_44 = tpu.memref_slice %arg2[%add3A_11] : memref<12288xi32, #tpu.memory_space<hbm>> -> memref<128xi32, #tpu.memory_space<hbm>>
        %dma_wait3A_45 = tpu.memref_slice %arg2[%add3A_11] : memref<12288xi32, #tpu.memory_space<hbm>> -> memref<128xi32, #tpu.memory_space<hbm>>
        tpu.wait_dma2 semaphore(%run_scoped3A : memref<!tpu.dma_semaphore, #tpu.memory_space<semaphore_mem>>) src(%dma_wait3A_45 : memref<128xi32, #tpu.memory_space<hbm>>) dst(%arg11 : memref<128xi32, #tpu.memory_space<vmem>>)
        tpu.yield
      }) : () -> ()
      %scan3A_12 = arith.constant 0 : i32
      %scan3A_13 = arith.constant 0 : i32
      %scan3A_14 = arith.constant 8 : i32
      %scan3A_15 = arith.addi %scan3A_13, %scan3A_14 : i32
      %scan3A_16 = arith.constant 1 : i32
      scf.for %scan3A_42 = %scan3A_13 to %scan3A_15 step %scan3A_16  : i32 {
        %mul3A_43 = arith.constant 16 : i32
        %mul3A_44 = arith.muli %scan3A_42, %mul3A_43 : i32
        %get3A = arith.index_cast %mul3A_44 : i32 to index
        %get3A_45 = tpu.vector_load %arg11[%get3A] {strides = array<i32>} : memref<128xi32, #tpu.memory_space<vmem>>, vector<16xi32>,
        %add3A_46 = arith.constant 50048 : i32
        %add3A_47 = vector.broadcast %add3A_46 : i32 to vector<16xi32>
        %add3A_48 = arith.addi %get3A_45, %add3A_47 : vector<16xi32>
        %swap3A = arith.index_cast %mul3A_44 : i32 to index
        %swap3A_49 = tpu.vector_load %arg12[%swap3A] {strides = array<i32>} : memref<128xi32, #tpu.memory_space<vmem>>, vector<16xi32>,
        tpu.vector_store %arg12[%swap3A], %add3A_48 {strides = array<i32>} : memref<128xi32, #tpu.memory_space<vmem>>, vector<16xi32>,
      }
      %scan3A_17 = arith.constant 8 : i32
      %dma_start3A = arith.constant 0 : i32
      %dma_start3A_18 = arith.constant 0 : i32
      %dma_start3A_19 = tpu.memref_slice %arg3[%dma_start3A, %dma_start3A_18] : memref<100096x32xf32, #tpu.memory_space<hbm>> -> memref<100096x32xf32, #tpu.memory_space<hbm>>
      tpu.enqueue_indirect_dma source(%dma_start3A_19 : memref<100096x32xf32, #tpu.memory_space<hbm>>) target(%arg13 : memref<128x32xf32, #tpu.memory_space<vmem>>) offsets(%arg11 : memref<128xi32, #tpu.memory_space<vmem>>) semaphore(%arg18 : memref<!tpu.dma_semaphore, #tpu.memory_space<semaphore_mem>>)
      %dma_start3A_20 = arith.constant 0 : i32
      %dma_start3A_21 = arith.constant 0 : i32
      %dma_start3A_22 = tpu.memref_slice %arg3[%dma_start3A_20, %dma_start3A_21] : memref<100096x32xf32, #tpu.memory_space<hbm>> -> memref<100096x32xf32, #tpu.memory_space<hbm>>
      tpu.enqueue_indirect_dma source(%dma_start3A_22 : memref<100096x32xf32, #tpu.memory_space<hbm>>) target(%arg14 : memref<128x32xf32, #tpu.memory_space<vmem>>) offsets(%arg12 : memref<128xi32, #tpu.memory_space<vmem>>) semaphore(%arg18 : memref<!tpu.dma_semaphore, #tpu.memory_space<semaphore_mem>>)
      %dma_start3A_23 = arith.constant 0 : i32
      %dma_start3A_24 = tpu.memref_slice %arg4[%dma_start3A_23] : memref<100096xf32, #tpu.memory_space<hbm>> -> memref<100096xf32, #tpu.memory_space<hbm>>
      tpu.enqueue_indirect_dma source(%dma_start3A_24 : memref<100096xf32, #tpu.memory_space<hbm>>) target(%arg15 : memref<128xf32, #tpu.memory_space<vmem>>) offsets(%arg11 : memref<128xi32, #tpu.memory_space<vmem>>) semaphore(%arg18 : memref<!tpu.dma_semaphore, #tpu.memory_space<semaphore_mem>>)
      %dma_start3A_25 = arith.constant 0 : i32
      %dma_start3A_26 = tpu.memref_slice %arg4[%dma_start3A_25] : memref<100096xf32, #tpu.memory_space<hbm>> -> memref<100096xf32, #tpu.memory_space<hbm>>
      tpu.enqueue_indirect_dma source(%dma_start3A_26 : memref<100096xf32, #tpu.memory_space<hbm>>) target(%arg16 : memref<128xf32, #tpu.memory_space<vmem>>) offsets(%arg12 : memref<128xi32, #tpu.memory_space<vmem>>) semaphore(%arg18 : memref<!tpu.dma_semaphore, #tpu.memory_space<semaphore_mem>>)
      %dma_start3A_27 = arith.constant 0 : i32
      %dma_start3A_28 = arith.constant 0 : i32
      %dma_start3A_29 = tpu.memref_slice %arg5[%dma_start3A_27, %dma_start3A_28] : memref<50000x64xf32, #tpu.memory_space<hbm>> -> memref<50000x64xf32, #tpu.memory_space<hbm>>
      tpu.enqueue_indirect_dma source(%dma_start3A_29 : memref<50000x64xf32, #tpu.memory_space<hbm>>) target(%arg17 : memref<128x64xf32, #tpu.memory_space<vmem>>) offsets(%arg11 : memref<128xi32, #tpu.memory_space<vmem>>) semaphore(%arg18 : memref<!tpu.dma_semaphore, #tpu.memory_space<semaphore_mem>>)
      %dma_wait3A = arith.constant 0 : i32
      %dma_wait3A_30 = arith.constant 0 : i32
      %dma_wait3A_31 = tpu.memref_slice %arg3[%dma_wait3A, %dma_wait3A_30] : memref<100096x32xf32, #tpu.memory_space<hbm>> -> memref<100096x32xf32, #tpu.memory_space<hbm>>
      tpu.wait_indirect_dma semaphore(%arg18 : memref<!tpu.dma_semaphore, #tpu.memory_space<semaphore_mem>>) src(%dma_wait3A_31 : memref<100096x32xf32, #tpu.memory_space<hbm>>) dst(%arg13 : memref<128x32xf32, #tpu.memory_space<vmem>>)
      %dma_wait3A_32 = arith.constant 0 : i32
      %dma_wait3A_33 = arith.constant 0 : i32
      %dma_wait3A_34 = tpu.memref_slice %arg3[%dma_wait3A_32, %dma_wait3A_33] : memref<100096x32xf32, #tpu.memory_space<hbm>> -> memref<100096x32xf32, #tpu.memory_space<hbm>>
      tpu.wait_indirect_dma semaphore(%arg18 : memref<!tpu.dma_semaphore, #tpu.memory_space<semaphore_mem>>) src(%dma_wait3A_34 : memref<100096x32xf32, #tpu.memory_space<hbm>>) dst(%arg14 : memref<128x32xf32, #tpu.memory_space<vmem>>)
      %dma_wait3A_35 = arith.constant 0 : i32
      %dma_wait3A_36 = tpu.memref_slice %arg4[%dma_wait3A_35] : memref<100096xf32, #tpu.memory_space<hbm>> -> memref<100096xf32, #tpu.memory_space<hbm>>
      tpu.wait_indirect_dma semaphore(%arg18 : memref<!tpu.dma_semaphore, #tpu.memory_space<semaphore_mem>>) src(%dma_wait3A_36 : memref<100096xf32, #tpu.memory_space<hbm>>) dst(%arg15 : memref<128xf32, #tpu.memory_space<vmem>>)
      %dma_wait3A_37 = arith.constant 0 : i32
      %dma_wait3A_38 = tpu.memref_slice %arg4[%dma_wait3A_37] : memref<100096xf32, #tpu.memory_space<hbm>> -> memref<100096xf32, #tpu.memory_space<hbm>>
      tpu.wait_indirect_dma semaphore(%arg18 : memref<!tpu.dma_semaphore, #tpu.memory_space<semaphore_mem>>) src(%dma_wait3A_38 : memref<100096xf32, #tpu.memory_space<hbm>>) dst(%arg16 : memref<128xf32, #tpu.memory_space<vmem>>)
      %dma_wait3A_39 = arith.constant 0 : i32
      %dma_wait3A_40 = arith.constant 0 : i32
      %dma_wait3A_41 = tpu.memref_slice %arg5[%dma_wait3A_39, %dma_wait3A_40] : memref<50000x64xf32, #tpu.memory_space<hbm>> -> memref<50000x64xf32, #tpu.memory_space<hbm>>
      tpu.wait_indirect_dma semaphore(%arg18 : memref<!tpu.dma_semaphore, #tpu.memory_space<semaphore_mem>>) src(%dma_wait3A_41 : memref<50000x64xf32, #tpu.memory_space<hbm>>) dst(%arg17 : memref<128x64xf32, #tpu.memory_space<vmem>>)
      "tpu.region"() ({
        %run_scoped3A = tpu.sem_alloc : memref<!tpu.dma_semaphore, #tpu.memory_space<semaphore_mem>>
        %dma_start3A_42 = arith.constant 0 : i32
        %dma_start3A_43 = tpu.memref_slice %arg6[%add3A_11, %dma_start3A_42] : memref<12288x32xf32, #tpu.memory_space<hbm>> -> memref<128x32xf32, #tpu.memory_space<hbm>>
        %dma_start3A_44 = arith.constant 0 : i32
        %dma_start3A_45 = tpu.memref_slice %arg6[%add3A_11, %dma_start3A_44] : memref<12288x32xf32, #tpu.memory_space<hbm>> -> memref<128x32xf32, #tpu.memory_space<hbm>>
        tpu.enqueue_dma source(%arg13 : memref<128x32xf32, #tpu.memory_space<vmem>>) target(%dma_start3A_45 : memref<128x32xf32, #tpu.memory_space<hbm>>) target_semaphore(%run_scoped3A : memref<!tpu.dma_semaphore, #tpu.memory_space<semaphore_mem>>)
        %dma_wait3A_46 = arith.constant 0 : i32
        %dma_wait3A_47 = tpu.memref_slice %arg6[%add3A_11, %dma_wait3A_46] : memref<12288x32xf32, #tpu.memory_space<hbm>> -> memref<128x32xf32, #tpu.memory_space<hbm>>
        %dma_wait3A_48 = arith.constant 0 : i32
        %dma_wait3A_49 = tpu.memref_slice %arg6[%add3A_11, %dma_wait3A_48] : memref<12288x32xf32, #tpu.memory_space<hbm>> -> memref<128x32xf32, #tpu.memory_space<hbm>>
        tpu.wait_dma2 semaphore(%run_scoped3A : memref<!tpu.dma_semaphore, #tpu.memory_space<semaphore_mem>>) src(%arg13 : memref<128x32xf32, #tpu.memory_space<vmem>>) dst(%dma_wait3A_49 : memref<128x32xf32, #tpu.memory_space<hbm>>)
        tpu.yield
      }) : () -> ()
      "tpu.region"() ({
        %run_scoped3A = tpu.sem_alloc : memref<!tpu.dma_semaphore, #tpu.memory_space<semaphore_mem>>
        %dma_start3A_42 = arith.constant 0 : i32
        %dma_start3A_43 = tpu.memref_slice %arg7[%add3A_11, %dma_start3A_42] : memref<12288x32xf32, #tpu.memory_space<hbm>> -> memref<128x32xf32, #tpu.memory_space<hbm>>
        %dma_start3A_44 = arith.constant 0 : i32
        %dma_start3A_45 = tpu.memref_slice %arg7[%add3A_11, %dma_start3A_44] : memref<12288x32xf32, #tpu.memory_space<hbm>> -> memref<128x32xf32, #tpu.memory_space<hbm>>
        tpu.enqueue_dma source(%arg14 : memref<128x32xf32, #tpu.memory_space<vmem>>) target(%dma_start3A_45 : memref<128x32xf32, #tpu.memory_space<hbm>>) target_semaphore(%run_scoped3A : memref<!tpu.dma_semaphore, #tpu.memory_space<semaphore_mem>>)
        %dma_wait3A_46 = arith.constant 0 : i32
        %dma_wait3A_47 = tpu.memref_slice %arg7[%add3A_11, %dma_wait3A_46] : memref<12288x32xf32, #tpu.memory_space<hbm>> -> memref<128x32xf32, #tpu.memory_space<hbm>>
        %dma_wait3A_48 = arith.constant 0 : i32
        %dma_wait3A_49 = tpu.memref_slice %arg7[%add3A_11, %dma_wait3A_48] : memref<12288x32xf32, #tpu.memory_space<hbm>> -> memref<128x32xf32, #tpu.memory_space<hbm>>
        tpu.wait_dma2 semaphore(%run_scoped3A : memref<!tpu.dma_semaphore, #tpu.memory_space<semaphore_mem>>) src(%arg14 : memref<128x32xf32, #tpu.memory_space<vmem>>) dst(%dma_wait3A_49 : memref<128x32xf32, #tpu.memory_space<hbm>>)
        tpu.yield
      }) : () -> ()
      "tpu.region"() ({
        %run_scoped3A = tpu.sem_alloc : memref<!tpu.dma_semaphore, #tpu.memory_space<semaphore_mem>>
        %dma_start3A_42 = tpu.memref_slice %arg8[%add3A_11] : memref<12288xf32, #tpu.memory_space<hbm>> -> memref<128xf32, #tpu.memory_space<hbm>>
        %dma_start3A_43 = tpu.memref_slice %arg8[%add3A_11] : memref<12288xf32, #tpu.memory_space<hbm>> -> memref<128xf32, #tpu.memory_space<hbm>>
        tpu.enqueue_dma source(%arg15 : memref<128xf32, #tpu.memory_space<vmem>>) target(%dma_start3A_43 : memref<128xf32, #tpu.memory_space<hbm>>) target_semaphore(%run_scoped3A : memref<!tpu.dma_semaphore, #tpu.memory_space<semaphore_mem>>)
        %dma_wait3A_44 = tpu.memref_slice %arg8[%add3A_11] : memref<12288xf32, #tpu.memory_space<hbm>> -> memref<128xf32, #tpu.memory_space<hbm>>
        %dma_wait3A_45 = tpu.memref_slice %arg8[%add3A_11] : memref<12288xf32, #tpu.memory_space<hbm>> -> memref<128xf32, #tpu.memory_space<hbm>>
        tpu.wait_dma2 semaphore(%run_scoped3A : memref<!tpu.dma_semaphore, #tpu.memory_space<semaphore_mem>>) src(%arg15 : memref<128xf32, #tpu.memory_space<vmem>>) dst(%dma_wait3A_45 : memref<128xf32, #tpu.memory_space<hbm>>)
        tpu.yield
      }) : () -> ()
      "tpu.region"() ({
        %run_scoped3A = tpu.sem_alloc : memref<!tpu.dma_semaphore, #tpu.memory_space<semaphore_mem>>
        %dma_start3A_42 = tpu.memref_slice %arg9[%add3A_11] : memref<12288xf32, #tpu.memory_space<hbm>> -> memref<128xf32, #tpu.memory_space<hbm>>
        %dma_start3A_43 = tpu.memref_slice %arg9[%add3A_11] : memref<12288xf32, #tpu.memory_space<hbm>> -> memref<128xf32, #tpu.memory_space<hbm>>
        tpu.enqueue_dma source(%arg16 : memref<128xf32, #tpu.memory_space<vmem>>) target(%dma_start3A_43 : memref<128xf32, #tpu.memory_space<hbm>>) target_semaphore(%run_scoped3A : memref<!tpu.dma_semaphore, #tpu.memory_space<semaphore_mem>>)
        %dma_wait3A_44 = tpu.memref_slice %arg9[%add3A_11] : memref<12288xf32, #tpu.memory_space<hbm>> -> memref<128xf32, #tpu.memory_space<hbm>>
        %dma_wait3A_45 = tpu.memref_slice %arg9[%add3A_11] : memref<12288xf32, #tpu.memory_space<hbm>> -> memref<128xf32, #tpu.memory_space<hbm>>
        tpu.wait_dma2 semaphore(%run_scoped3A : memref<!tpu.dma_semaphore, #tpu.memory_space<semaphore_mem>>) src(%arg16 : memref<128xf32, #tpu.memory_space<vmem>>) dst(%dma_wait3A_45 : memref<128xf32, #tpu.memory_space<hbm>>)
        tpu.yield
      }) : () -> ()
      "tpu.region"() ({
        %run_scoped3A = tpu.sem_alloc : memref<!tpu.dma_semaphore, #tpu.memory_space<semaphore_mem>>
        %dma_start3A_42 = arith.constant 0 : i32
        %dma_start3A_43 = tpu.memref_slice %arg10[%add3A_11, %dma_start3A_42] : memref<12288x64xf32, #tpu.memory_space<hbm>> -> memref<128x64xf32, #tpu.memory_space<hbm>>
        %dma_start3A_44 = arith.constant 0 : i32
        %dma_start3A_45 = tpu.memref_slice %arg10[%add3A_11, %dma_start3A_44] : memref<12288x64xf32, #tpu.memory_space<hbm>> -> memref<128x64xf32, #tpu.memory_space<hbm>>
        tpu.enqueue_dma source(%arg17 : memref<128x64xf32, #tpu.memory_space<vmem>>) target(%dma_start3A_45 : memref<128x64xf32, #tpu.memory_space<hbm>>) target_semaphore(%run_scoped3A : memref<!tpu.dma_semaphore, #tpu.memory_space<semaphore_mem>>)
        %dma_wait3A_46 = arith.constant 0 : i32
        %dma_wait3A_47 = tpu.memref_slice %arg10[%add3A_11, %dma_wait3A_46] : memref<12288x64xf32, #tpu.memory_space<hbm>> -> memref<128x64xf32, #tpu.memory_space<hbm>>
        %dma_wait3A_48 = arith.constant 0 : i32
        %dma_wait3A_49 = tpu.memref_slice %arg10[%add3A_11, %dma_wait3A_48] : memref<12288x64xf32, #tpu.memory_space<hbm>> -> memref<128x64xf32, #tpu.memory_space<hbm>>
        tpu.wait_dma2 semaphore(%run_scoped3A : memref<!tpu.dma_semaphore, #tpu.memory_space<semaphore_mem>>) src(%arg17 : memref<128x64xf32, #tpu.memory_space<vmem>>) dst(%dma_wait3A_49 : memref<128x64xf32, #tpu.memory_space<hbm>>)
        tpu.yield
      }) : () -> ()
    }
    %scan3A_7 = arith.constant 3 : i32
    return
  }
}

module attributes {stable_mosaic.version = 14 : i64} {
  func.func @_proj_body(%arg0: i32, %arg1: memref<2000x64xf32, #tpu.memory_space<vmem>>, %arg2: memref<64x256xf32, #tpu.memory_space<vmem>>, %arg3: memref<1x256xf32, #tpu.memory_space<vmem>>, %arg4: memref<2x2000x32xf32, #tpu.memory_space<vmem>>, %arg5: memref<2x2000x64xf32, #tpu.memory_space<vmem>>, %arg6: memref<2000x64xf32, #tpu.memory_space<vmem>>) attributes {dimension_semantics = [#tpu.dimension_semantics<arbitrary>], iteration_bounds = array<i64: 25>, scalar_prefetch = 0 : i64, scratch_operands = 0 : i64, tpu.core_type = #tpu.core_type<tc>, window_params = [{transform_indices = @transform_0, window_bounds = array<i64: 2000, 64>}, {pipeline_mode = #tpu.pipeline_mode<synchronous>, transform_indices = @transform_1, window_bounds = array<i64: 64, 256>}, {pipeline_mode = #tpu.pipeline_mode<synchronous>, transform_indices = @transform_2, window_bounds = array<i64: 1, 256>}, {transform_indices = @transform_3, window_bounds = array<i64: 2, 2000, 32>}, {transform_indices = @transform_4, window_bounds = array<i64: 2, 2000, 64>}, {transform_indices = @transform_5, window_bounds = array<i64: 2000, 64>}]} {
    %get3A = arith.constant 0 : index
    %get3A_0 = arith.constant 0 : index
    %get3A_1 = vector.load %arg1[%get3A, %get3A_0] : memref<2000x64xf32, #tpu.memory_space<vmem>>, vector<2000x64xf32>
    %get3A_2 = arith.constant 0 : index
    %get3A_3 = arith.constant 0 : index
    %get3A_4 = vector.load %arg2[%get3A_2, %get3A_3] : memref<64x256xf32, #tpu.memory_space<vmem>>, vector<64x256xf32>
    %dot_general3A = arith.constant dense<0.000000e+00> : vector<2000x256xf32>
    %dot_general3A_5 = tpu.matmul %get3A_1, %get3A_4, %dot_general3A {dimension_numbers = #tpu.dot_dimension_numbers<[1], [0], [0], [1], [0, 0, 1, 1], [], []>, transpose_lhs_hint = false} : vector<2000x64xf32>, vector<64x256xf32>, vector<2000x256xf32> -> vector<2000x256xf32>
    %get3A_6 = arith.constant 0 : index
    %get3A_7 = arith.constant 0 : index
    %get3A_8 = vector.load %arg3[%get3A_6, %get3A_7] : memref<1x256xf32, #tpu.memory_space<vmem>>, vector<1x256xf32>
    %add3A = vector.broadcast %get3A_8 : vector<1x256xf32> to vector<2000x256xf32>
    %add3A_9 = arith.addf %dot_general3A_5, %add3A : vector<2000x256xf32>
    %slice3A = vector.extract_strided_slice %add3A_9 {offsets = [0, 0], sizes = [2000, 32], strides = [1, 1]} : vector<2000x256xf32> to vector<2000x32xf32>
    %swap3A = arith.constant 0 : index
    %swap3A_10 = arith.constant 0 : index
    %swap3A_11 = arith.constant 0 : index
    %swap3A_12 = vector.load %arg4[%swap3A, %swap3A_10, %swap3A_11] : memref<2x2000x32xf32, #tpu.memory_space<vmem>>, vector<1x2000x32xf32>
    %swap3A_13 = vector.shape_cast %swap3A_12 : vector<1x2000x32xf32> to vector<2000x32xf32>
    %swap3A_14 = vector.shape_cast %slice3A : vector<2000x32xf32> to vector<1x2000x32xf32>
    tpu.vector_store %arg4[%swap3A, %swap3A_10, %swap3A_11], %swap3A_14 {strides = array<i32>} : memref<2x2000x32xf32, #tpu.memory_space<vmem>>, vector<1x2000x32xf32>,
    %slice3A_15 = vector.extract_strided_slice %add3A_9 {offsets = [0, 32], sizes = [2000, 32], strides = [1, 1]} : vector<2000x256xf32> to vector<2000x32xf32>
    %swap3A_16 = arith.constant 1 : index
    %swap3A_17 = arith.constant 0 : index
    %swap3A_18 = arith.constant 0 : index
    %swap3A_19 = vector.load %arg4[%swap3A_16, %swap3A_17, %swap3A_18] : memref<2x2000x32xf32, #tpu.memory_space<vmem>>, vector<1x2000x32xf32>
    %swap3A_20 = vector.shape_cast %swap3A_19 : vector<1x2000x32xf32> to vector<2000x32xf32>
    %swap3A_21 = vector.shape_cast %slice3A_15 : vector<2000x32xf32> to vector<1x2000x32xf32>
    tpu.vector_store %arg4[%swap3A_16, %swap3A_17, %swap3A_18], %swap3A_21 {strides = array<i32>} : memref<2x2000x32xf32, #tpu.memory_space<vmem>>, vector<1x2000x32xf32>,
    %slice3A_22 = vector.extract_strided_slice %add3A_9 {offsets = [0, 64], sizes = [2000, 32], strides = [1, 1]} : vector<2000x256xf32> to vector<2000x32xf32>
    %slice3A_23 = vector.extract_strided_slice %add3A_9 {offsets = [0, 128], sizes = [2000, 32], strides = [1, 1]} : vector<2000x256xf32> to vector<2000x32xf32>
    %concatenate3A = tpu.concatenate %slice3A_22, %slice3A_23 in 1 : vector<2000x32xf32>, vector<2000x32xf32> -> vector<2000x64xf32>
    %swap3A_24 = arith.constant 0 : index
    %swap3A_25 = arith.constant 0 : index
    %swap3A_26 = arith.constant 0 : index
    %swap3A_27 = vector.load %arg5[%swap3A_24, %swap3A_25, %swap3A_26] : memref<2x2000x64xf32, #tpu.memory_space<vmem>>, vector<1x2000x64xf32>
    %swap3A_28 = vector.shape_cast %swap3A_27 : vector<1x2000x64xf32> to vector<2000x64xf32>
    %swap3A_29 = vector.shape_cast %concatenate3A : vector<2000x64xf32> to vector<1x2000x64xf32>
    tpu.vector_store %arg5[%swap3A_24, %swap3A_25, %swap3A_26], %swap3A_29 {strides = array<i32>} : memref<2x2000x64xf32, #tpu.memory_space<vmem>>, vector<1x2000x64xf32>,
    %slice3A_30 = vector.extract_strided_slice %add3A_9 {offsets = [0, 96], sizes = [2000, 32], strides = [1, 1]} : vector<2000x256xf32> to vector<2000x32xf32>
    %slice3A_31 = vector.extract_strided_slice %add3A_9 {offsets = [0, 160], sizes = [2000, 32], strides = [1, 1]} : vector<2000x256xf32> to vector<2000x32xf32>
    %concatenate3A_32 = tpu.concatenate %slice3A_30, %slice3A_31 in 1 : vector<2000x32xf32>, vector<2000x32xf32> -> vector<2000x64xf32>
    %swap3A_33 = arith.constant 1 : index
    %swap3A_34 = arith.constant 0 : index
    %swap3A_35 = arith.constant 0 : index
    %swap3A_36 = vector.load %arg5[%swap3A_33, %swap3A_34, %swap3A_35] : memref<2x2000x64xf32, #tpu.memory_space<vmem>>, vector<1x2000x64xf32>
    %swap3A_37 = vector.shape_cast %swap3A_36 : vector<1x2000x64xf32> to vector<2000x64xf32>
    %swap3A_38 = vector.shape_cast %concatenate3A_32 : vector<2000x64xf32> to vector<1x2000x64xf32>
    tpu.vector_store %arg5[%swap3A_33, %swap3A_34, %swap3A_35], %swap3A_38 {strides = array<i32>} : memref<2x2000x64xf32, #tpu.memory_space<vmem>>, vector<1x2000x64xf32>,
    %slice3A_39 = vector.extract_strided_slice %add3A_9 {offsets = [0, 192], sizes = [2000, 64], strides = [1, 1]} : vector<2000x256xf32> to vector<2000x64xf32>
    %swap3A_40 = arith.constant 0 : index
    %swap3A_41 = arith.constant 0 : index
    %swap3A_42 = vector.load %arg6[%swap3A_40, %swap3A_41] : memref<2000x64xf32, #tpu.memory_space<vmem>>, vector<2000x64xf32>
    tpu.vector_store %arg6[%swap3A_40, %swap3A_41], %slice3A_39 {strides = array<i32>} : memref<2000x64xf32, #tpu.memory_space<vmem>>, vector<2000x64xf32>,
    return
  }
  func.func @transform_0(%arg0: i32) -> (i32, i32) {
    %c0_i32 = arith.constant 0 : i32
    %c0_i32_0 = arith.constant 0 : i32
    return %arg0, %c0_i32 : i32, i32
  }
  func.func @transform_1(%arg0: i32) -> (i32, i32) {
    %c0_i32 = arith.constant 0 : i32
    %c0_i32_0 = arith.constant 0 : i32
    %c0_i32_1 = arith.constant 0 : i32
    return %c0_i32, %c0_i32_0 : i32, i32
  }
  func.func @transform_2(%arg0: i32) -> (i32, i32) {
    %c0_i32 = arith.constant 0 : i32
    %c0_i32_0 = arith.constant 0 : i32
    %c0_i32_1 = arith.constant 0 : i32
    return %c0_i32, %c0_i32_0 : i32, i32
  }
  func.func @transform_3(%arg0: i32) -> (i32, i32, i32) {
    %c0_i32 = arith.constant 0 : i32
    %c0_i32_0 = arith.constant 0 : i32
    %c0_i32_1 = arith.constant 0 : i32
    return %c0_i32, %arg0, %c0_i32_0 : i32, i32, i32
  }
  func.func @transform_4(%arg0: i32) -> (i32, i32, i32) {
    %c0_i32 = arith.constant 0 : i32
    %c0_i32_0 = arith.constant 0 : i32
    %c0_i32_1 = arith.constant 0 : i32
    return %c0_i32, %arg0, %c0_i32_0 : i32, i32, i32
  }
  func.func @transform_5(%arg0: i32) -> (i32, i32) {
    %c0_i32 = arith.constant 0 : i32
    %c0_i32_0 = arith.constant 0 : i32
    return %arg0, %c0_i32 : i32, i32
  }
}

module attributes {stable_mosaic.version = 14 : i64} {
  func.func @_eproj_body(%arg0: i32, %arg1: memref<1024x1xf32, #tpu.memory_space<vmem>>, %arg2: memref<1024x16xf32, #tpu.memory_space<vmem>>, %arg3: memref<1x16xf32, #tpu.memory_space<vmem>>, %arg4: memref<1x16xf32, #tpu.memory_space<vmem>>, %arg5: memref<32x32xf32, #tpu.memory_space<vmem>>, %arg6: memref<32x32xf32, #tpu.memory_space<vmem>>, %arg7: memref<2x1024x32xf32, #tpu.memory_space<vmem>>) attributes {dimension_semantics = [#tpu.dimension_semantics<arbitrary>], iteration_bounds = array<i64: 784>, scalar_prefetch = 0 : i64, scratch_operands = 0 : i64, tpu.core_type = #tpu.core_type<tc>, window_params = [{transform_indices = @transform_0, window_bounds = array<i64: 1024, 1>}, {transform_indices = @transform_1, window_bounds = array<i64: 1024, 16>}, {pipeline_mode = #tpu.pipeline_mode<synchronous>, transform_indices = @transform_2, window_bounds = array<i64: 1, 16>}, {pipeline_mode = #tpu.pipeline_mode<synchronous>, transform_indices = @transform_3, window_bounds = array<i64: 1, 16>}, {pipeline_mode = #tpu.pipeline_mode<synchronous>, transform_indices = @transform_4, window_bounds = array<i64: 32, 32>}, {pipeline_mode = #tpu.pipeline_mode<synchronous>, transform_indices = @transform_5, window_bounds = array<i64: 32, 32>}, {transform_indices = @transform_6, window_bounds = array<i64: 2, 1024, 32>}]} {
    %get3A = arith.constant 0 : index
    %get3A_0 = arith.constant 0 : index
    %get3A_1 = vector.load %arg1[%get3A, %get3A_0] : memref<1024x1xf32, #tpu.memory_space<vmem>>, vector<1024x1xf32>
    %get3A_2 = arith.constant 0 : index
    %get3A_3 = arith.constant 0 : index
    %get3A_4 = vector.load %arg3[%get3A_2, %get3A_3] : memref<1x16xf32, #tpu.memory_space<vmem>>, vector<1x16xf32>
    %mul3A = vector.broadcast %get3A_1 : vector<1024x1xf32> to vector<1024x16xf32>
    %mul3A_5 = vector.broadcast %get3A_4 : vector<1x16xf32> to vector<1024x16xf32>
    %mul3A_6 = arith.mulf %mul3A, %mul3A_5 : vector<1024x16xf32>
    %get3A_7 = arith.constant 0 : index
    %get3A_8 = arith.constant 0 : index
    %get3A_9 = vector.load %arg4[%get3A_7, %get3A_8] : memref<1x16xf32, #tpu.memory_space<vmem>>, vector<1x16xf32>
    %add3A = vector.broadcast %get3A_9 : vector<1x16xf32> to vector<1024x16xf32>
    %add3A_10 = arith.addf %mul3A_6, %add3A : vector<1024x16xf32>
    %cos3A = math.cos %add3A_10 : vector<1024x16xf32>
    %get3A_11 = arith.constant 0 : index
    %get3A_12 = arith.constant 0 : index
    %get3A_13 = vector.load %arg2[%get3A_11, %get3A_12] : memref<1024x16xf32, #tpu.memory_space<vmem>>, vector<1024x16xf32>
    %concatenate3A = tpu.concatenate %cos3A, %get3A_13 in 1 : vector<1024x16xf32>, vector<1024x16xf32> -> vector<1024x32xf32>
    %get3A_14 = arith.constant 0 : index
    %get3A_15 = arith.constant 0 : index
    %get3A_16 = vector.load %arg5[%get3A_14, %get3A_15] : memref<32x32xf32, #tpu.memory_space<vmem>>, vector<32x32xf32>
    %dot_general3A = arith.constant dense<0.000000e+00> : vector<1024x32xf32>
    %dot_general3A_17 = tpu.matmul %concatenate3A, %get3A_16, %dot_general3A {dimension_numbers = #tpu.dot_dimension_numbers<[1], [0], [0], [1], [0, 0, 1, 1], [], []>, transpose_lhs_hint = false} : vector<1024x32xf32>, vector<32x32xf32>, vector<1024x32xf32> -> vector<1024x32xf32>
    %swap3A = arith.constant 0 : index
    %swap3A_18 = arith.constant 0 : index
    %swap3A_19 = arith.constant 0 : index
    %swap3A_20 = vector.load %arg7[%swap3A, %swap3A_18, %swap3A_19] : memref<2x1024x32xf32, #tpu.memory_space<vmem>>, vector<1x1024x32xf32>
    %swap3A_21 = vector.shape_cast %swap3A_20 : vector<1x1024x32xf32> to vector<1024x32xf32>
    %swap3A_22 = vector.shape_cast %dot_general3A_17 : vector<1024x32xf32> to vector<1x1024x32xf32>
    tpu.vector_store %arg7[%swap3A, %swap3A_18, %swap3A_19], %swap3A_22 {strides = array<i32>} : memref<2x1024x32xf32, #tpu.memory_space<vmem>>, vector<1x1024x32xf32>,
    %get3A_23 = arith.constant 0 : index
    %get3A_24 = arith.constant 0 : index
    %get3A_25 = vector.load %arg6[%get3A_23, %get3A_24] : memref<32x32xf32, #tpu.memory_space<vmem>>, vector<32x32xf32>
    %dot_general3A_26 = arith.constant dense<0.000000e+00> : vector<1024x32xf32>
    %dot_general3A_27 = tpu.matmul %concatenate3A, %get3A_25, %dot_general3A_26 {dimension_numbers = #tpu.dot_dimension_numbers<[1], [0], [0], [1], [0, 0, 1, 1], [], []>, transpose_lhs_hint = false} : vector<1024x32xf32>, vector<32x32xf32>, vector<1024x32xf32> -> vector<1024x32xf32>
    %swap3A_28 = arith.constant 1 : index
    %swap3A_29 = arith.constant 0 : index
    %swap3A_30 = arith.constant 0 : index
    %swap3A_31 = vector.load %arg7[%swap3A_28, %swap3A_29, %swap3A_30] : memref<2x1024x32xf32, #tpu.memory_space<vmem>>, vector<1x1024x32xf32>
    %swap3A_32 = vector.shape_cast %swap3A_31 : vector<1x1024x32xf32> to vector<1024x32xf32>
    %swap3A_33 = vector.shape_cast %dot_general3A_27 : vector<1024x32xf32> to vector<1x1024x32xf32>
    tpu.vector_store %arg7[%swap3A_28, %swap3A_29, %swap3A_30], %swap3A_33 {strides = array<i32>} : memref<2x1024x32xf32, #tpu.memory_space<vmem>>, vector<1x1024x32xf32>,
    return
  }
  func.func @transform_0(%arg0: i32) -> (i32, i32) {
    %c0_i32 = arith.constant 0 : i32
    %c0_i32_0 = arith.constant 0 : i32
    return %arg0, %c0_i32 : i32, i32
  }
  func.func @transform_1(%arg0: i32) -> (i32, i32) {
    %c0_i32 = arith.constant 0 : i32
    %c0_i32_0 = arith.constant 0 : i32
    return %arg0, %c0_i32 : i32, i32
  }
  func.func @transform_2(%arg0: i32) -> (i32, i32) {
    %c0_i32 = arith.constant 0 : i32
    %c0_i32_0 = arith.constant 0 : i32
    %c0_i32_1 = arith.constant 0 : i32
    return %c0_i32, %c0_i32_0 : i32, i32
  }
  func.func @transform_3(%arg0: i32) -> (i32, i32) {
    %c0_i32 = arith.constant 0 : i32
    %c0_i32_0 = arith.constant 0 : i32
    %c0_i32_1 = arith.constant 0 : i32
    return %c0_i32, %c0_i32_0 : i32, i32
  }
  func.func @transform_4(%arg0: i32) -> (i32, i32) {
    %c0_i32 = arith.constant 0 : i32
    %c0_i32_0 = arith.constant 0 : i32
    %c0_i32_1 = arith.constant 0 : i32
    return %c0_i32, %c0_i32_0 : i32, i32
  }
  func.func @transform_5(%arg0: i32) -> (i32, i32) {
    %c0_i32 = arith.constant 0 : i32
    %c0_i32_0 = arith.constant 0 : i32
    %c0_i32_1 = arith.constant 0 : i32
    return %c0_i32, %c0_i32_0 : i32, i32
  }
  func.func @transform_6(%arg0: i32) -> (i32, i32, i32) {
    %c0_i32 = arith.constant 0 : i32
    %c0_i32_0 = arith.constant 0 : i32
    %c0_i32_1 = arith.constant 0 : i32
    return %c0_i32, %arg0, %c0_i32_0 : i32, i32, i32
  }
}

module attributes {stable_mosaic.version = 14 : i64} {
  func.func @_final_body(%arg0: i32, %arg1: memref<12288x32xf32, #tpu.memory_space<vmem>>, %arg2: memref<12288x32xf32, #tpu.memory_space<vmem>>, %arg3: memref<12288x1xf32, #tpu.memory_space<vmem>>, %arg4: memref<12288x1xf32, #tpu.memory_space<vmem>>, %arg5: memref<12288x64xf32, #tpu.memory_space<vmem>>, %arg6: memref<64x64xf32, #tpu.memory_space<vmem>>, %arg7: memref<64x64xf32, #tpu.memory_space<vmem>>, %arg8: memref<1x64xf32, #tpu.memory_space<vmem>>, %arg9: memref<64x1xf32, #tpu.memory_space<vmem>>, %arg10: memref<1x1xf32, #tpu.memory_space<vmem>>, %arg11: memref<4096x1xf32, #tpu.memory_space<vmem>>, %arg12: memref<4096x1xf32, #tpu.memory_space<vmem>>) attributes {dimension_semantics = [#tpu.dimension_semantics<arbitrary>], iteration_bounds = array<i64: 1>, scalar_prefetch = 0 : i64, scratch_operands = 0 : i64, tpu.core_type = #tpu.core_type<tc>, window_params = [{pipeline_mode = #tpu.pipeline_mode<synchronous>, transform_indices = @transform_0, window_bounds = array<i64: 12288, 32>}, {pipeline_mode = #tpu.pipeline_mode<synchronous>, transform_indices = @transform_1, window_bounds = array<i64: 12288, 32>}, {pipeline_mode = #tpu.pipeline_mode<synchronous>, transform_indices = @transform_2, window_bounds = array<i64: 12288, 1>}, {pipeline_mode = #tpu.pipeline_mode<synchronous>, transform_indices = @transform_3, window_bounds = array<i64: 12288, 1>}, {pipeline_mode = #tpu.pipeline_mode<synchronous>, transform_indices = @transform_4, window_bounds = array<i64: 12288, 64>}, {pipeline_mode = #tpu.pipeline_mode<synchronous>, transform_indices = @transform_5, window_bounds = array<i64: 64, 64>}, {pipeline_mode = #tpu.pipeline_mode<synchronous>, transform_indices = @transform_6, window_bounds = array<i64: 64, 64>}, {pipeline_mode = #tpu.pipeline_mode<synchronous>, transform_indices = @transform_7, window_bounds = array<i64: 1, 64>}, {pipeline_mode = #tpu.pipeline_mode<synchronous>, transform_indices = @transform_8, window_bounds = array<i64: 64, 1>}, {pipeline_mode = #tpu.pipeline_mode<synchronous>, transform_indices = @transform_9, window_bounds = array<i64: 1, 1>}, {pipeline_mode = #tpu.pipeline_mode<synchronous>, transform_indices = @transform_10, window_bounds = array<i64: 4096, 1>}, {pipeline_mode = #tpu.pipeline_mode<synchronous>, transform_indices = @transform_11, window_bounds = array<i64: 4096, 1>}]} {
    %get3A = arith.constant 0 : index
    %get3A_0 = arith.constant 0 : index
    %get3A_1 = vector.load %arg1[%get3A, %get3A_0] : memref<12288x32xf32, #tpu.memory_space<vmem>>, vector<12288x32xf32>
    %get3A_2 = arith.constant 0 : index
    %get3A_3 = arith.constant 0 : index
    %get3A_4 = vector.load %arg3[%get3A_2, %get3A_3] : memref<12288x1xf32, #tpu.memory_space<vmem>>, vector<12288x1xf32>
    %add3A = arith.constant 1.000000e-16 : f32
    %add3A_5 = vector.broadcast %add3A : f32 to vector<12288x1xf32>
    %add3A_6 = arith.addf %get3A_4, %add3A_5 : vector<12288x1xf32>
    %div3A = vector.broadcast %add3A_6 : vector<12288x1xf32> to vector<12288x32xf32>
    %div3A_7 = arith.divf %get3A_1, %div3A : vector<12288x32xf32>
    %get3A_8 = arith.constant 0 : index
    %get3A_9 = arith.constant 0 : index
    %get3A_10 = vector.load %arg2[%get3A_8, %get3A_9] : memref<12288x32xf32, #tpu.memory_space<vmem>>, vector<12288x32xf32>
    %get3A_11 = arith.constant 0 : index
    %get3A_12 = arith.constant 0 : index
    %get3A_13 = vector.load %arg4[%get3A_11, %get3A_12] : memref<12288x1xf32, #tpu.memory_space<vmem>>, vector<12288x1xf32>
    %add3A_14 = arith.constant 1.000000e-16 : f32
    %add3A_15 = vector.broadcast %add3A_14 : f32 to vector<12288x1xf32>
    %add3A_16 = arith.addf %get3A_13, %add3A_15 : vector<12288x1xf32>
    %div3A_17 = vector.broadcast %add3A_16 : vector<12288x1xf32> to vector<12288x32xf32>
    %div3A_18 = arith.divf %get3A_10, %div3A_17 : vector<12288x32xf32>
    %concatenate3A = tpu.concatenate %div3A_7, %div3A_18 in 1 : vector<12288x32xf32>, vector<12288x32xf32> -> vector<12288x64xf32>
    %get3A_19 = arith.constant 0 : index
    %get3A_20 = arith.constant 0 : index
    %get3A_21 = vector.load %arg5[%get3A_19, %get3A_20] : memref<12288x64xf32, #tpu.memory_space<vmem>>, vector<12288x64xf32>
    %add3A_22 = arith.addf %concatenate3A, %get3A_21 : vector<12288x64xf32>
    %slice3A = vector.extract_strided_slice %add3A_22 {offsets = [0, 0], sizes = [4096, 64], strides = [1, 1]} : vector<12288x64xf32> to vector<4096x64xf32>
    %slice3A_23 = vector.extract_strided_slice %add3A_22 {offsets = [4096, 0], sizes = [4096, 64], strides = [1, 1]} : vector<12288x64xf32> to vector<4096x64xf32>
    %slice3A_24 = vector.extract_strided_slice %add3A_22 {offsets = [8192, 0], sizes = [4096, 64], strides = [1, 1]} : vector<12288x64xf32> to vector<4096x64xf32>
    %get3A_25 = arith.constant 0 : index
    %get3A_26 = arith.constant 0 : index
    %get3A_27 = vector.load %arg6[%get3A_25, %get3A_26] : memref<64x64xf32, #tpu.memory_space<vmem>>, vector<64x64xf32>
    %dot_general3A = arith.constant dense<0.000000e+00> : vector<4096x64xf32>
    %dot_general3A_28 = tpu.matmul %slice3A, %get3A_27, %dot_general3A {dimension_numbers = #tpu.dot_dimension_numbers<[1], [0], [0], [1], [0, 0, 1, 1], [], []>, transpose_lhs_hint = false} : vector<4096x64xf32>, vector<64x64xf32>, vector<4096x64xf32> -> vector<4096x64xf32>
    %get3A_29 = arith.constant 0 : index
    %get3A_30 = arith.constant 0 : index
    %get3A_31 = vector.load %arg8[%get3A_29, %get3A_30] : memref<1x64xf32, #tpu.memory_space<vmem>>, vector<1x64xf32>
    %add3A_32 = vector.broadcast %get3A_31 : vector<1x64xf32> to vector<4096x64xf32>
    %add3A_33 = arith.addf %dot_general3A_28, %add3A_32 : vector<4096x64xf32>
    %get3A_34 = arith.constant 0 : index
    %get3A_35 = arith.constant 0 : index
    %get3A_36 = vector.load %arg7[%get3A_34, %get3A_35] : memref<64x64xf32, #tpu.memory_space<vmem>>, vector<64x64xf32>
    %dot_general3A_37 = arith.constant dense<0.000000e+00> : vector<4096x64xf32>
    %dot_general3A_38 = tpu.matmul %slice3A_23, %get3A_36, %dot_general3A_37 {dimension_numbers = #tpu.dot_dimension_numbers<[1], [0], [0], [1], [0, 0, 1, 1], [], []>, transpose_lhs_hint = false} : vector<4096x64xf32>, vector<64x64xf32>, vector<4096x64xf32> -> vector<4096x64xf32>
    %add3A_39 = arith.addf %add3A_33, %dot_general3A_38 : vector<4096x64xf32>
    %max3A = arith.constant 0.000000e+00 : f32
    %max3A_40 = vector.broadcast %max3A : f32 to vector<4096x64xf32>
    %max3A_41 = arith.maximumf %add3A_39, %max3A_40 : vector<4096x64xf32>
    %get3A_42 = arith.constant 0 : index
    %get3A_43 = arith.constant 0 : index
    %get3A_44 = vector.load %arg7[%get3A_42, %get3A_43] : memref<64x64xf32, #tpu.memory_space<vmem>>, vector<64x64xf32>
    %dot_general3A_45 = arith.constant dense<0.000000e+00> : vector<4096x64xf32>
    %dot_general3A_46 = tpu.matmul %slice3A_24, %get3A_44, %dot_general3A_45 {dimension_numbers = #tpu.dot_dimension_numbers<[1], [0], [0], [1], [0, 0, 1, 1], [], []>, transpose_lhs_hint = false} : vector<4096x64xf32>, vector<64x64xf32>, vector<4096x64xf32> -> vector<4096x64xf32>
    %add3A_47 = arith.addf %add3A_33, %dot_general3A_46 : vector<4096x64xf32>
    %max3A_48 = arith.constant 0.000000e+00 : f32
    %max3A_49 = vector.broadcast %max3A_48 : f32 to vector<4096x64xf32>
    %max3A_50 = arith.maximumf %add3A_47, %max3A_49 : vector<4096x64xf32>
    %get3A_51 = arith.constant 0 : index
    %get3A_52 = arith.constant 0 : index
    %get3A_53 = vector.load %arg9[%get3A_51, %get3A_52] : memref<64x1xf32, #tpu.memory_space<vmem>>, vector<64x1xf32>
    %dot_general3A_54 = arith.constant dense<0.000000e+00> : vector<4096x1xf32>
    %dot_general3A_55 = tpu.matmul %max3A_41, %get3A_53, %dot_general3A_54 {dimension_numbers = #tpu.dot_dimension_numbers<[1], [0], [0], [1], [0, 0, 1, 1], [], []>, transpose_lhs_hint = false} : vector<4096x64xf32>, vector<64x1xf32>, vector<4096x1xf32> -> vector<4096x1xf32>
    %get3A_56 = arith.constant 0 : index
    %get3A_57 = arith.constant 0 : index
    %get3A_58 = vector.load %arg10[%get3A_56, %get3A_57] : memref<1x1xf32, #tpu.memory_space<vmem>>, vector<1x1xf32>
    %add3A_59 = vector.broadcast %get3A_58 : vector<1x1xf32> to vector<4096x1xf32>
    %add3A_60 = arith.addf %dot_general3A_55, %add3A_59 : vector<4096x1xf32>
    %swap3A = arith.constant 0 : index
    %swap3A_61 = arith.constant 0 : index
    %swap3A_62 = vector.load %arg11[%swap3A, %swap3A_61] : memref<4096x1xf32, #tpu.memory_space<vmem>>, vector<4096x1xf32>
    tpu.vector_store %arg11[%swap3A, %swap3A_61], %add3A_60 {strides = array<i32>} : memref<4096x1xf32, #tpu.memory_space<vmem>>, vector<4096x1xf32>,
    %get3A_63 = arith.constant 0 : index
    %get3A_64 = arith.constant 0 : index
    %get3A_65 = vector.load %arg9[%get3A_63, %get3A_64] : memref<64x1xf32, #tpu.memory_space<vmem>>, vector<64x1xf32>
    %dot_general3A_66 = arith.constant dense<0.000000e+00> : vector<4096x1xf32>
    %dot_general3A_67 = tpu.matmul %max3A_50, %get3A_65, %dot_general3A_66 {dimension_numbers = #tpu.dot_dimension_numbers<[1], [0], [0], [1], [0, 0, 1, 1], [], []>, transpose_lhs_hint = false} : vector<4096x64xf32>, vector<64x1xf32>, vector<4096x1xf32> -> vector<4096x1xf32>
    %get3A_68 = arith.constant 0 : index
    %get3A_69 = arith.constant 0 : index
    %get3A_70 = vector.load %arg10[%get3A_68, %get3A_69] : memref<1x1xf32, #tpu.memory_space<vmem>>, vector<1x1xf32>
    %add3A_71 = vector.broadcast %get3A_70 : vector<1x1xf32> to vector<4096x1xf32>
    %add3A_72 = arith.addf %dot_general3A_67, %add3A_71 : vector<4096x1xf32>
    %swap3A_73 = arith.constant 0 : index
    %swap3A_74 = arith.constant 0 : index
    %swap3A_75 = vector.load %arg12[%swap3A_73, %swap3A_74] : memref<4096x1xf32, #tpu.memory_space<vmem>>, vector<4096x1xf32>
    tpu.vector_store %arg12[%swap3A_73, %swap3A_74], %add3A_72 {strides = array<i32>} : memref<4096x1xf32, #tpu.memory_space<vmem>>, vector<4096x1xf32>,
    return
  }
  func.func @transform_0(%arg0: i32) -> (i32, i32) {
    %c0_i32 = arith.constant 0 : i32
    %c0_i32_0 = arith.constant 0 : i32
    %c0_i32_1 = arith.constant 0 : i32
    return %c0_i32, %c0_i32_0 : i32, i32
  }
  func.func @transform_1(%arg0: i32) -> (i32, i32) {
    %c0_i32 = arith.constant 0 : i32
    %c0_i32_0 = arith.constant 0 : i32
    %c0_i32_1 = arith.constant 0 : i32
    return %c0_i32, %c0_i32_0 : i32, i32
  }
  func.func @transform_2(%arg0: i32) -> (i32, i32) {
    %c0_i32 = arith.constant 0 : i32
    %c0_i32_0 = arith.constant 0 : i32
    %c0_i32_1 = arith.constant 0 : i32
    return %c0_i32, %c0_i32_0 : i32, i32
  }
  func.func @transform_3(%arg0: i32) -> (i32, i32) {
    %c0_i32 = arith.constant 0 : i32
    %c0_i32_0 = arith.constant 0 : i32
    %c0_i32_1 = arith.constant 0 : i32
    return %c0_i32, %c0_i32_0 : i32, i32
  }
  func.func @transform_4(%arg0: i32) -> (i32, i32) {
    %c0_i32 = arith.constant 0 : i32
    %c0_i32_0 = arith.constant 0 : i32
    %c0_i32_1 = arith.constant 0 : i32
    return %c0_i32, %c0_i32_0 : i32, i32
  }
  func.func @transform_5(%arg0: i32) -> (i32, i32) {
    %c0_i32 = arith.constant 0 : i32
    %c0_i32_0 = arith.constant 0 : i32
    %c0_i32_1 = arith.constant 0 : i32
    return %c0_i32, %c0_i32_0 : i32, i32
  }
  func.func @transform_6(%arg0: i32) -> (i32, i32) {
    %c0_i32 = arith.constant 0 : i32
    %c0_i32_0 = arith.constant 0 : i32
    %c0_i32_1 = arith.constant 0 : i32
    return %c0_i32, %c0_i32_0 : i32, i32
  }
  func.func @transform_7(%arg0: i32) -> (i32, i32) {
    %c0_i32 = arith.constant 0 : i32
    %c0_i32_0 = arith.constant 0 : i32
    %c0_i32_1 = arith.constant 0 : i32
    return %c0_i32, %c0_i32_0 : i32, i32
  }
  func.func @transform_8(%arg0: i32) -> (i32, i32) {
    %c0_i32 = arith.constant 0 : i32
    %c0_i32_0 = arith.constant 0 : i32
    %c0_i32_1 = arith.constant 0 : i32
    return %c0_i32, %c0_i32_0 : i32, i32
  }
  func.func @transform_9(%arg0: i32) -> (i32, i32) {
    %c0_i32 = arith.constant 0 : i32
    %c0_i32_0 = arith.constant 0 : i32
    %c0_i32_1 = arith.constant 0 : i32
    return %c0_i32, %c0_i32_0 : i32, i32
  }
  func.func @transform_10(%arg0: i32) -> (i32, i32) {
    %c0_i32 = arith.constant 0 : i32
    %c0_i32_0 = arith.constant 0 : i32
    %c0_i32_1 = arith.constant 0 : i32
    return %c0_i32, %c0_i32_0 : i32, i32
  }
  func.func @transform_11(%arg0: i32) -> (i32, i32) {
    %c0_i32 = arith.constant 0 : i32
    %c0_i32_0 = arith.constant 0 : i32
    %c0_i32_1 = arith.constant 0 : i32
    return %c0_i32, %c0_i32_0 : i32, i32
  }
}

</mosaic_0001>

<sc_bundles>
// kernel: kernel.11.cloned.1.call-start
scs
__scs_entry_jumppad:
0x0: {  	(pc) =	sbr.rel $0x88, $3  }
0x1: {  	(tag) =	ssettag $0x0;
	lr =	simm.s32 $0x1  }
0x2: {  	[smem:$0x3F87] =	sst lr;
	_ =	strace $0xD0000000  }
0x3: {  	_ = 	snop  }
0x4: {  	_ = 	snop  }
0x5: {  	_ = 	snop  }
0x6: {  	_ = 	snop  }
0x7: {  	_ = 	snop  }
__scs_overlays_trampoline_lowered:
0x8: {  	[smem:$0x3F96] =	sst s0  }
0x9: {  	[smem:$0x3F97] =	sst s1  }
0xa: {  	[smem:$0x3F98] =	sst s2  }
0xb: {  	[smem:$0x3F99] =	sst s3  }
0xc: {  	[smem:$0x3F9A] =	sst s4  }
0xd: {  	[smem:$0x3F9B] =	sst s5  }
0xe: {  	[smem:$0x3F9C] =	sst s6  }
0xf: {  	[smem:$0x3F9D] =	sst s7  }
0x10: {  	[smem:$0x3F9E] =	sst s8  }
0x11: {  	[smem:$0x3F9F] =	sst s9;
	s0 =	simm.s32 @!p0 $0x0  }
0x12: {  	s1 =	sld [smem:$0x3F85];
	s0 =	simm.s32 @p0 $0x1  }
0x13: {  	[smem:$0x3FA0] =	sst s0;
	s0 =	simm.s32 @!p1 $0x0  }
0x14: {  	s2 =	sld [smem:$0x3F84];
	s0 =	simm.s32 @p1 $0x1  }
0x15: {  	[smem:$0x3FA1] =	sst s0;
	s0 =	simm.s32 @!p2 $0x0  }
0x16: {  	s3 =	sld [smem:$0x3FDB];
	s0 =	simm.s32 @p2 $0x1  }
0x17: {  	s4 =	simm.s32 $0x1BF5;
	[smem:$0x3FA3] =	sst s0  }
0x18: {  	s0 =	sld [smem:$0x3F86];
	_ =	swait.ge [sflag:s4], $0x0  }
0x19: {  	s7 =	sld [smem:$0x3F87]  }
0x1a: {  	s8 =	sadd.s32 $0xFFFFE003, lr  }
0x1b: {  	s9 =	sadd.s32 $0xFFFFFEF7, lr;
	s5 =	simm.s32 $0xFFFFFFFF;
	p2 =	slt.u32 s8, $0xFFFFF086  }
0x1c: {  	p1 =	slt.u32 s9, $0xF7A;
	s5 =	simm.s32 @!p2 $0x0  }
0x1d: {  	s5 =	simm.s32 @p1 $0x1;
	p0 =	seq.s32 s7, s2  }
0x1e: {  	s7 =	smul.u32 @!p0 $0xF7A, s2;
	p2 =	seq.s32 @!p0 s5, $0x0  }
0x1f: {  	s9 =	smul.u32 $0xF7A, s1;
	s8 =	simm.s32 @!p0 $0x1BF5;
	p2 =	por !p2, p0  }
0x20: {  	[sflag:s8] =	ssyncset.s32 @!p0 $0xFFFFF086;
	s6 =	sadd.s32 @!p0 s3, s7;
	s7 =	simm.s32 @!p0 $0x108  }
0x21: {  	s3 =	sadd.s32 s3, s9;
	s6 =	sadd.s32 @!p0 $0x88, s6;
	s7 =	simm.s32 @p2 $0x1082  }
0x22: {  	[simem:s7], [sflag:s8] =	dma.local @!p0 [hbm:s6], $0xF7A  }
0x23: {  	s9 =	sor.u32 $0xD0000000, s2;
	s6 =	simm.s32 $0x108;
	_ =	swait.ge @!p0 [sflag:s8], $0x0  }
0x24: {  	s3 =	sadd.s32 $0x88, s3;
	s6 =	simm.s32 @!p1 $0x1082;
	[sflag:s4] =	ssyncset.s32 $0xFFFFF086  }
0x25: {  	[simem:s6], [sflag:s4] =	dma.local [hbm:s3], $0xF7A  }
0x26: {  	[smem:$0x3F87] =	sst s1;
	(tag) =	ssettag s2;
	_ =	strace s9  }
0x27: {  	s1 =	sld [smem:$0x3F97]  }
0x28: {  	s2 =	sld [smem:$0x3F98]  }
0x29: {  	s4 =	sld [smem:$0x3F9A]  }
0x2a: {  	p0 =	seq.s32 s5, $0x0;
	s5 =	sld [smem:$0x3F9B]  }
0x2b: {  	s6 =	sld [smem:$0x3F9C]  }
0x2c: {  	s7 =	sld [smem:$0x3F9D]  }
0x2d: {  	s3 =	simm.s32 $0x108;
	s8 =	sld [smem:$0x3F9E]  }
0x2e: {  	s3 =	simm.s32 @!p0 $0x1082;
	s9 =	sld [smem:$0x3F9F]  }
0x2f: {  	lr =	sadd.s32 s0, s3;
	s0 =	sld [smem:$0x3F96]  }
0x30: {  	s3 =	sld [smem:$0x3F99]  }
0x31: {  	[smem:$0x3FA2] =	sst s10  }
0x32: {  	s10 =	sld [smem:$0x3FA0];
	_ =	sdelay $0x3  }
0x33: {  	p0 =	seq.s32 s10, $0x1;
	s10 =	sld [smem:$0x3FA2];
	_ =	sdelay $0x3  }
0x34: {  	[smem:$0x3FA2] =	sst s10  }
0x35: {  	s10 =	sld [smem:$0x3FA1];
	_ =	sdelay $0x3  }
0x36: {  	p1 =	seq.s32 s10, $0x1;
	s10 =	sld [smem:$0x3FA2];
	_ =	sdelay $0x3  }
0x37: {  	[smem:$0x3FA2] =	sst s10  }
0x38: {  	s10 =	sld [smem:$0x3FA3]  }
0x39: {  	_ = 	snop;
	(pc) =	sbr.ind lr, $3  }
0x3a: {  	_ = 	snop  }
0x3b: {  	_ = 	snop  }
0x3c: {  	p2 =	seq.s32 s10, $0x1;
	s10 =	sld [smem:$0x3FA2]  }
0x3d: {  	_ =	shalt  }
0x3e: {  	_ =	shalt  }
0x3f: {  	_ =	shalt  }
0x40: {  	_ =	shalt  }
0x41: {  	_ =	shalt  }
0x42: {  	_ =	shalt  }
0x43: {  	_ =	shalt  }
0x44: {  	_ =	shalt  }
0x45: {  	_ =	shalt  }
0x46: {  	_ =	shalt  }
0x47: {  	_ =	shalt  }
0x48: {  	_ =	shalt  }
0x49: {  	_ =	shalt  }
0x4a: {  	_ =	shalt  }
0x4b: {  	_ =	shalt  }
0x4c: {  	_ =	shalt  }
0x4d: {  	_ =	shalt  }
0x4e: {  	_ =	shalt  }
0x4f: {  	_ =	shalt  }
0x50: {  	_ =	shalt  }
0x51: {  	_ =	shalt  }
0x52: {  	_ =	shalt  }
0x53: {  	_ =	shalt  }
0x54: {  	_ =	shalt  }
0x55: {  	_ =	shalt  }
0x56: {  	_ =	shalt  }
0x57: {  	_ =	shalt  }
0x58: {  	_ =	shalt  }
0x59: {  	_ =	shalt  }
0x5a: {  	_ =	shalt  }
0x5b: {  	_ =	shalt  }
0x5c: {  	_ =	shalt  }
0x5d: {  	_ =	shalt  }
0x5e: {  	_ =	shalt  }
0x5f: {  	_ =	shalt  }
0x60: {  	_ =	shalt  }
0x61: {  	_ =	shalt  }
0x62: {  	_ =	shalt  }
0x63: {  	_ =	shalt  }
0x64: {  	_ =	shalt  }
0x65: {  	_ =	shalt  }
0x66: {  	_ =	shalt  }
0x67: {  	_ =	shalt  }
0x68: {  	_ =	shalt  }
0x69: {  	_ =	shalt  }
0x6a: {  	_ =	shalt  }
0x6b: {  	_ =	shalt  }
0x6c: {  	_ =	shalt  }
0x6d: {  	_ =	shalt  }
0x6e: {  	_ =	shalt  }
0x6f: {  	_ =	shalt  }
0x70: {  	_ =	shalt  }
0x71: {  	_ =	shalt  }
0x72: {  	_ =	shalt  }
0x73: {  	_ =	shalt  }
0x74: {  	_ =	shalt  }
0x75: {  	_ =	shalt  }
0x76: {  	_ =	shalt  }
0x77: {  	_ =	shalt  }
0x78: {  	_ =	shalt  }
0x79: {  	_ =	shalt  }
0x7a: {  	_ =	shalt  }
0x7b: {  	_ =	shalt  }
0x7c: {  	_ =	shalt  }
0x7d: {  	_ =	shalt  }
0x7e: {  	_ =	shalt  }
0x7f: {  	_ =	shalt  }
0x80: {  	_ =	shalt  }
0x81: {  	_ =	shalt  }
0x82: {  	_ =	shalt  }
0x83: {  	_ =	shalt  }
0x84: {  	_ =	shalt  }
0x85: {  	_ =	shalt  }
0x86: {  	_ =	shalt  }
0x87: {  	_ =	shalt  }
.Lfunc_end0:
.L_simem_size_0:
called_computation.1_lowered:
.L_overlay_start_0:
0x88: {  	s2 =	sld [smem:$0x3FD9]  }
0x89: {  	s3 =	sld [smem:$0x3FFE];
	_ =	sdelay $0x1  }
0x8a: {  	s1 =	srdreg.scid  }
0x8b: {  	s0 =	sand.u32 $0x1, s1  }
0x8c: {  	s14 =	sshll.u32 s0, $0xA;
	s2 =	sadd.s32 s3, s2  }
0x8d: {  	s2 =	sadd.s32 s2, s14  }
0x8e: {  	[smem:$0x3FAE] =	sst s2  }
0x8f: {  	_ = 	snop  }
0x90: {  	s2 =	sld [smem:$0x3FD0];
	_ =	sdelay $0x2  }
0x91: {  	s15 =	simm.s32 $0xA;
	s4 =	simm.s32 $0x10  }
0x92: {  	[smem:s4], [sflag:s15] =	dma.local [hbm:s2], $0x1  }
0x93: {  	_ =	swait.eq [sflag:s15], $0x1  }
0x94: {  	[sflag:s15] =	ssyncset.done $0x0  }
0x95: {  	[sflag:s15] =	ssyncadd.s32 $0xFFFFFFFF  }
0x96: {  	s16 =	sld [smem:$0x11];
	(tm) =	ssettm $0x1  }
0x97: {  	s17 =	sld [smem:$0x3FFB];
	_ =	sdelay $0x3  }
0x98: {  	_ =	strace s17  }
0x99: {  	s3 =	sld [smem:$0x3FFC];
	_ =	sdelay $0x3  }
0x9a: {  	_ =	strace s3  }
0x9b: {  	s3 =	sld [smem:$0x3FFD];
	_ =	sdelay $0x3  }
0x9c: {  	_ =	strace s3  }
0x9d: {  	_ =	strace $0x8FFFFFFF  }
0x9e: {  	s18 =	sld [smem:$0x3FDB];
	_ =	sdelay $0x1  }
0x9f: {  	s19 =	simm.s32 $_scs_section_size  }
0xa0: {  	s5 =	simm.s32 $_size__tile_overlayer_lowered;
	s6 =	simm.s32 $_tile_overlayer_lowered  }
0xa1: {  	s22 =	simm.s32 $0x1BFF;
	s21 =	sshll.u32 s6, $0x1;
	s3 =	sadd.s32 s19, s18  }
0xa2: {  	s7 =	simm.s32 $0x0;
	s20 =	sshll.u32 s5, $0x1;
	s5 =	sadd.s32 s21, s3  }
0xa3: {  	[timem:s7], [sflag:s22] =	dma.local [hbm:s5], s20  }
0xa4: {  	_ =	swait.ge [sflag:s22], s20  }
0xa5: {  	s4 =	ssub.s32 $0x0, s20;
	[sflag:s22] =	ssyncset.done $0x0  }
0xa6: {  	[sflag:s22] =	ssyncadd.s32 s4;
	_ =	sdelay $0x1  }
0xa7: {  	s23 =	simm.s32 $0x1B8B  }
0xa8: {  	_ =	swait.ge [sflag:s23], $0x1  }
0xa9: {  	[sflag:s23] =	ssyncset.done $0x0  }
0xaa: {  	s25 =	simm.s32 $0x1B8E;
	s24 =	sld [smem:$0x3FFE];
	[sflag:s23] =	ssyncadd.s32 $0xFFFFFFFF  }
0xab: {  	s26 =	simm.s32 $execute0_lowered;
	[smem:$0x3FD2] =	sst s25  }
0xac: {  	s5 =	sshll.u32 s26, $0x1;
	_ =	strace $0x80000049;
	[dreg:$0x1] =	wrdreg $0xFFFFFFFF  }
0xad: {  	s28 =	simm.s32 $_size_execute0_lowered;
	s3 =	sadd.s32 s3, s5;
	[dreg:$0x0] =	wrdreg $0x0  }
0xae: {  	s5 =	sshll.u32 s28, $0x1;
	[dreg:$0x2] =	wrdreg s3  }
0xaf: {  	[dreg:$0x3] =	wrdreg s5  }
0xb0: {  	[dreg:$0x4] =	wrdreg $0xC0  }
0xb1: {  	_ =	task [dreg:s7], $0x5FFFF  }
0xb2: {  	[dreg:$0x1] =	wrdreg $0xFFFFFFFF  }
0xb3: {  	[dreg:$0x0] =	wrdreg $0x60  }
0xb4: {  	[dreg:$0x2] =	wrdreg s24  }
0xb5: {  	[dreg:$0x3] =	wrdreg s16  }
0xb6: {  	[dreg:$0x4] =	wrdreg $0x65080  }
0xb7: {  	[dreg:$0x5] =	wrdreg $0x1EC080  }
0xb8: {  	[dreg:$0x6] =	wrdreg $0x9  }
0xb9: {  	_ =	task.clear_ibuf [dreg:s7], $0x7FFFF;
	_ =	strace $0x90000049  }
0xba: {  	s29 =	simm.s32 $0x9;
	_ =	strace $0x8000004B  }
0xbb: {  	_ =	swait.ge [sflag:s29], $0x1  }
0xbc: {  	[sflag:s29] =	ssyncadd.s32 $0xFFFFFFFF  }
0xbd: {  	_ =	strace $0x9000004B  }
0xbe: {  	_ =	sfence  }
0xbf: {  	s30 =	sld [smem:$0x0];
	_ =	sdelay $0x2  }
0xc0: {  	s31 =	sshll.u32 s1, $0xD;
	s1 =	sshrl.u32 s1, $0x2  }
0xc1: {  	s3 =	sand.u32 $0x4000, s31;
	s1 =	sadd.s32 s1, s30  }
0xc2: {  	s0 =	sor.u32 s3, s0;
	s1 =	sshll.u32 s1, $0x11  }
0xc3: {  	s0 =	sor.u32 s1, s0  }
0xc4: {  	s0 =	sadd.s32 $0x8F2B, s0  }
0xc5: {  	[sflag:s0] =	ssyncadd.remote.s32 $0x1  }
0xc6: {  	_ =	sfence.sel $0xFFFF  }
0xc7: {  	[dreg:$0x0] =	wrdreg $0xFFFFFFFF;
	(pc) =	sbr.abs _section_cstart, $3  }
0xc8: {  	[dreg:$0x1] =	wrdreg $0xFFFFFFFF  }
0xc9: {  	_ =	task.clear_ibuf [dreg:s7], $0x2FFFF;
	_ =	strace $0x9FFFFFFF  }
0xca: {  	(tm) =	ssettm $0x7FFFFFFF  }
0xcb: {  	_ =	shalt  }
tec
execute0_lowered:
.L_overlay_start_1:
0x0: {  	(tag) =	ssettag $0x1  }
0x1: {  	s0 =	rddreg [dreg:$0x0]  }
0x2: {  	s30 =	rddreg [dreg:$0x2]  }
0x3: {  	s18 =	rddreg [dreg:$0x3];
	s4 =	simm.s32 $0x0;
	s1 =	srdreg.scid  }
0x4: {  	s14 =	stileid.u32;
	s29 =	simm.s32 $0x80;
	s16 =	simm.s32 $0x1  }
0x5: {  	s17 =	simm.s32 $0x5300;
	s19 =	simm.s32 $0x2;
	s3 =	smul.u32 $0xC38, s14  }
0x6: {  	[smem:$0x7FF] =	sst s4;
	s6 =	sadd.s32 $0x377A00, s0;
	s12 =	smul.u32 $0xC400, s14  }
0x7: {  	s1 =	sand.u32 $0x1, s1;
	s7 =	sadd.s32 $0x35F200, s0;
	s23 =	smul.u32 $0x30E0, s14  }
0x8: {  	s8 =	sadd.s32 $0x6800, s0;
	s9 =	sadd.s32 $0x2FD600, s0;
	s14 =	smul.u32 $0x61C00, s14  }
0x9: {  	s10 =	sadd.s32 $0x23A000, s0;
	s11 =	sadd.s32 $0x6CE000, s0;
	s2 =	smul.u32 $0x30E00, s1  }
0xa: {  	s13 =	sadd.s32 $0x37800, s0;
	_ =	strace $0x8000004A;
	s5 =	smul.u32 $0xC380, s1  }
0xb: {  	[dreg:$0x5] =	wrdreg s13;
	s20 =	smul.u32 $0xC4000, s1;
	s1 =	ssub.s32 $0x2, s1  }
0xc: {  	s13 =	simm.s32 $0x200;
	s21 =	sshrl.u32 s1, $0x1;
	s25 =	sshrl.u32 s12, $0x3  }
0xd: {  	s28 =	sshrl.u32 s23, $0x2;
	s31 =	sshrl.u32 s14, $0x2;
	s3 =	sadd.s32 s5, s3  }
0xe: {  	s2 =	sadd.s32 s2, s0;
	[dreg:$0x6] =	wrdreg s20;
	s15 =	sadd.s32 s12, s20  }
0xf: {  	s1 =	ssub.s32 s1, s21;
	s26 =	sadd.s32 s7, s25;
	s20 =	sadd.s32 s28, s18  }
0x10: {  	s25 =	simm.s32 $0x4;
	s3 =	sshrl.u32 s3, $0x3;
	s22 =	sshrl.u32 s15, $0x3  }
0x11: {  	[dreg:$0x9] =	wrdreg s26;
	s1 =	smax.u32 s1, $0x1;
	s2 =	sadd.s32 s23, s2  }
0x12: {  	s26 =	simm.s32 $0x6480;
	s24 =	sadd.s32 s8, s22;
	[dreg:$0xa] =	wrdreg s1  }
0x13: {  	s0 =	sadd.s32 s3, s0;
	s3 =	sadd.s32 s6, s22;
	[dreg:$0x7] =	wrdreg s24  }
0x14: {  	s23 =	simm.s32 $0x3;
	s1 =	sadd.s32 s31, s30;
	[dreg:$0x8] =	wrdreg s3  }
0x15: {  	v0 =	vimm.s32 $0x0;
	vm0 =	vcmask $0x300;
	s22 =	sadd.s32 $0x37C00, s2;
	s0 =	sadd.s32 $0x99800, s0;
	[dreg:$0xb] =	wrdreg s1  }
0x16: {  	v0 =	vsel vm0, $0x3, v0;
	s2 =	simm.s32 $0x0;
	s24 =	simm.s32 $0x5380;
	[dreg:$0xc] =	wrdreg s0  }
.LBB2_1:
0x17: {  	[dreg:$0xd] =	wrdreg s2  }
0x18: {  	s0 =	rddreg [dreg:$0x5]  }
0x19: {  	[tilespmem:s24], [sflag:$0x4] =	stream.linear.gather [hbm4b:s0+s4], $0x1100, $0x38;
	[tilespmem:$0x1F840] =	vst v63  }
0x1a: {  	_ =	swait.ge [sflag:s25], $0x1100  }
0x1b: {  	[sflag:s25] =	ssyncset.done $0x0  }
0x1c: {  	[sflag:s25] =	ssyncadd.s32 $0xFFFFEF00  }
0x1d: {  	s28 =	rddreg [dreg:$0x1]  }
0x1e: {  	[tilespmem:s26], [sflag:$0x4] =	stream.linear.gather [hbm4b:s28+s4], $0x88, $0x38;
	[tilespmem:$0x1F840] =	vst v63  }
0x1f: {  	_ =	swait.ge [sflag:s25], $0x88  }
0x20: {  	[sflag:s25] =	ssyncset.done $0x0  }
0x21: {  	[sflag:s25] =	ssyncadd.s32 $0xFFFFFF78  }
0x22: {  	[spmem:s1] =	stream.linear.scatter [tilespmem:s24], [sflag:$0x4], $0x1100, $0x38;
	[tilespmem:$0x1F840] =	vst v63  }
0x23: {  	_ =	swait.ge [sflag:s25], $0x1100  }
0x24: {  	[sflag:s25] =	ssyncset.done $0x0  }
0x25: {  	s31 =	sadd.s32 $0x0, s20;
	[sflag:s25] =	ssyncadd.s32 $0xFFFFEF00  }
0x26: {  	[spmem:s31] =	stream.linear.scatter [tilespmem:s26], [sflag:$0x4], $0x88, $0x38;
	[tilespmem:$0x1F840] =	vst v63  }
0x27: {  	_ =	swait.ge [sflag:s25], $0x88  }
0x28: {  	s2 =	smov.u32 s1;
	s0 =	simm.s32 $0x220;
	[sflag:s25] =	ssyncset.done $0x0  }
.LBB2_2:
0x29: {  	p0 =	sne.s32 s0, $0x2EC0;
	[sflag:s25] =	ssyncadd.s32 $0xFFFFFF78;
	s2 =	sadd.s32 $0x1100, s2  }
0x2a: {  	[spmem:s2] =	stream.linear.scatter [tilespmem:s24], [sflag:$0x4], $0x1100, $0x38;
	[tilespmem:$0x1F840] =	vst v63  }
0x2b: {  	s3 =	smov.u32 s0;
	s0 =	sadd.s32 $0x220, s0;
	_ =	swait.ge [sflag:s25], $0x1100  }
.Ltmp0:
0x2c: {  	s3 =	sshra.s32 s3, $0x2;
	[sflag:s25] =	ssyncset.done $0x0;
	(pc) =	sbr.rel @p0 .LBB2_2-.Ltmp0, $4  }
0x2d: {  	s3 =	sadd.s32 s3, s20;
	[sflag:s25] =	ssyncadd.s32 $0xFFFFEF00  }
0x2e: {  	[spmem:s3] =	stream.linear.scatter [tilespmem:s26], [sflag:$0x4], $0x88, $0x38;
	[tilespmem:$0x1F840] =	vst v63  }
0x2f: {  	_ =	swait.ge [sflag:s25], $0x88  }
0x30: {  	[sflag:s25] =	ssyncset.done $0x0  }
0x31: {  	[sflag:s25] =	ssyncadd.s32 $0xFFFFFF78  }
0x32: {  	[bflag:$0x0] =	sbarrier.arrive $0xFFFF  }
0x33: {  	s21 =	simm.s32 $0x0;
	s0 =	rddreg [dreg:$0x7]  }
0x34: {  	[tilespmem:s21], [sflag:$0x4] =	stream.linear.gather [hbm4b:s0+s21], $0x80, $0x38;
	[tilespmem:$0x1F840] =	vst v63  }
0x35: {  	_ =	swait.ge [sflag:s25], $0x80  }
0x36: {  	[sflag:s25] =	ssyncset.done $0x0  }
0x37: {  	s1 =	simm.s32 $0x100;
	s28 =	rddreg [dreg:$0x8];
	[sflag:s25] =	ssyncadd.s32 $0xFFFFFF80  }
0x38: {  	[tilespmem:s1], [sflag:$0x4] =	stream.linear.gather [hbm4b:s28+s21], $0x80, $0x38;
	[tilespmem:$0x1F840] =	vst v63  }
0x39: {  	_ =	swait.ge [sflag:s25], $0x80  }
0x3a: {  	[sflag:s25] =	ssyncset.done $0x0  }
0x3b: {  	s31 =	rddreg [dreg:$0x9];
	[sflag:s25] =	ssyncadd.s32 $0xFFFFFF80  }
0x3c: {  	[tilespmem:s29], [sflag:$0x4] =	stream.linear.gather [hbm4b:s31+s21], $0x80, $0x38;
	[tilespmem:$0x1F840] =	vst v63  }
0x3d: {  	_ =	swait.ge [sflag:s25], $0x80  }
0x3e: {  	[sflag:s25] =	ssyncset.done $0x0  }
0x3f: {  	[sflag:s25] =	ssyncadd.s32 $0xFFFFFF80  }
.LBB2_4:
0x40: {  	s0 =	simm.s32 $0x100;
	s2 =	simm.s32 $0x300;
	s28 =	sshll.u32 s21, $0x8  }
0x41: {  	[tilespmem:s2], [sflag:$0x1] =	stream.indirect.gather [hbm4b:s9+s29], $0x20, s0, s29, $0xb8;
	[tilespmem:$0x1F840] =	vst v63  }
0x42: {  	s3 =	sadd.s32 s28, s15  }
0x43: {  	s2 =	simm.s32 $0x1300;
	s0 =	sshll.u32 s3, $0x2  }
0x44: {  	[tilespmem:s2], [sflag:$0x1] =	stream.indirect.gather [hbm4b:s10+s29], $0x40, s4, s29, $0xb8;
	[tilespmem:$0x1F840] =	vst v63  }
0x45: {  	s5 =	simm.s32 $0x3300;
	p0 =	seq.s32 s21, $0x0;
	s0 =	sadd.s32 s11, s0  }
0x46: {  	[tilespmem:s5], [sflag:$0x1] =	stream.linear.gather [hbm4b:s0+s4], $0x1000, $0x38;
	[tilespmem:$0x1F840] =	vst v63  }
0x47: {  	s0 =	simm.s32 @!p0 $0x3  }
0x48: {  	_ =	swait.ge @!p0 [sflag:s0], $0x1000  }
0x49: {  	[sflag:s0] =	ssyncset.done @!p0 $0x0  }
0x4a: {  	s2 =	sor.u32 $0x80, s28;
	[sflag:s0] =	ssyncadd.s32 @!p0 $0xFFFFF000  }
0x4b: {  	s3 =	sadd.s32 s15, s2;
	_ =	swait.ge @!p0 [sflag:s0], $0x80  }
0x4c: {  	s2 =	sadd.s32 s12, s2;
	s3 =	sshrl.u32 s3, $0x3;
	[sflag:s0] =	ssyncset.done @!p0 $0x0  }
0x4d: {  	s5 =	simm.s32 $0x180;
	s14 =	sadd.s32 s8, s3;
	[sflag:s0] =	ssyncadd.s32 @!p0 $0xFFFFFF80  }
0x4e: {  	[tilespmem:s5], [sflag:$0x2] =	stream.linear.gather [hbm4b:s14+s4], $0x80, $0x38;
	[tilespmem:$0x1F840] =	vst v63  }
0x4f: {  	s3 =	sadd.s32 s6, s3;
	s5 =	simm.s32 $0x280;
	s14 =	sshrl.u32 s2, $0x3  }
0x50: {  	[tilespmem:s5], [sflag:$0x2] =	stream.linear.gather [hbm4b:s3+s4], $0x80, $0x38;
	[tilespmem:$0x1F840] =	vst v63  }
0x51: {  	s0 =	sadd.s32 s7, s14  }
0x52: {  	[tilespmem:s13], [sflag:$0x2] =	stream.linear.gather [hbm4b:s0+s4], $0x80, $0x38;
	[tilespmem:$0x1F840] =	vst v63  }
0x53: {  	_ =	swait.ge [sflag:s16], $0x1000  }
0x54: {  	[sflag:s16] =	ssyncset.done $0x0  }
0x55: {  	[sflag:s16] =	ssyncadd.s32 $0xFFFFF000  }
0x56: {  	_ =	swait.ge [sflag:s16], $0x2000  }
0x57: {  	[sflag:s16] =	ssyncset.done $0x0  }
0x58: {  	[sflag:s16] =	ssyncadd.s32 $0xFFFFE000  }
0x59: {  	s1 =	smov.u32 s30;
	s30 =	simm.s32 $0x400;
	_ =	swait.ge [sflag:s16], $0x1000  }
0x5a: {  	s31 =	simm.s32 $0x3400;
	s14 =	simm.s32 $0x1500;
	[sflag:s16] =	ssyncset.done $0x0  }
0x5b: {  	s3 =	simm.s32 $0xF;
	s0 =	simm.s32 $0x4400;
	[sflag:s16] =	ssyncadd.s32 $0xFFFFF000  }
.LBB2_5:
0x5c: {  	v1 =	vld [tilespmem:s14+$0xFFFFFE00]  }
0x5d: {  	v2 =	vld [tilespmem:s14+$0xFFFFFE10]  }
0x5e: {  	v3 =	vld [tilespmem:s31+$0xFFFFFF00]  }
0x5f: {  	v4 =	vld [tilespmem:s31+$0xFFFFFF10]  }
0x60: {  	v5 =	vld [tilespmem:s30+$0xFFFFFF00]  }
0x61: {  	v6 =	vld [tilespmem:s30+$0xFFFFFF10];
	_ =	sdelay $0x2  }
0x62: {  	v1 =	vadd.f32 v3, v1;
	v2 =	vadd.f32 v4, v2;
	_ =	sdelay $0x1  }
0x63: {  	v1 =	vmul.f32 v1, v5;
	v2 =	vmul.f32 v2, v6;
	_ =	sdelay $0x1  }
0x64: {  	v1 =	vadd.f32 v2, v1;
	_ =	sdelay $0x1  }
0x65: {  	(xrf2) =	vadd.scan.msk.f32 $0xffff, v1;
	_ =	sdelay $0x9  }
0x66: {  	v1, _, _ =	vpop (xrf2)  }
0x67: {  	(v2sf) =	vpush v1, $0xF;
	_ =	sdelay $0xe  }
0x68: {  	s5 =	spop (v2sf)  }
0x69: {  	s5 =	smul.f32 $1.767766920e-01, s5;
	_ =	sdelay $0x1  }
0x6a: {  	v1 =	vmov s5  }
0x6b: {  	v1 =	vmul.f32 $1.442695020e+00, v1;
	_ =	sdelay $0x1  }
0x6c: {  	v1 =	vbroadcast v1, $0x0;
	_ =	sdelay $0x1  }
0x6d: {  	(erf) = vpow2.f32 v1;
	_ =	sdelay $0x2  }
0x6e: {  	v1 =	vld [tilespmem:s14+$0xFFFFFE20]  }
0x6f: {  	v2 =	vld [tilespmem:s14+$0xFFFFFE30];
	s5 =	sadd.s32 $0xFFFFFFF1, s3  }
0x70: {  	v57 =	vmov s5  }
0x71: {  	v5 =	vshrl.u32 v57, $0x3  }
0x72: {  	v5 =	vshll.u32 v5, v0  }
0x73: {  	v1 =	vadd.f32 v1, v3;
	v3 =	vbroadcast v5, $0x0  }
0x74: {  	v2 =	vadd.f32 v2, v4;
	v58 =	vpop (erf)  }
0x75: {  	v1 =	vmul.f32 v58, v1  }
0x76: {  	v2 =	vmul.f32 v58, v2  }
0x77: {  	[tilespmem:s0+$0xFFFFFF00] =	vst v1  }
0x78: {  	[tilespmem:s0+$0xFFFFFF10] =	vst v2  }
0x79: {  	[tilespmem:v3+s17+$0x0] =	vst.idx.msk $0x1, v58  }
0x7a: {  	v1 =	vld [tilespmem:s14+$0xFFFFFE40]  }
0x7b: {  	v2 =	vld [tilespmem:s14+$0xFFFFFE50]  }
0x7c: {  	v3 =	vld [tilespmem:s31+$0xFFFFFF20]  }
0x7d: {  	v59 =	vld [tilespmem:s31+$0xFFFFFF30]  }
0x7e: {  	v5 =	vld [tilespmem:s30+$0xFFFFFF20]  }
0x7f: {  	v60 =	vld [tilespmem:s30+$0xFFFFFF30];
	_ =	sdelay $0x2  }
0x80: {  	v1 =	vadd.f32 v3, v1;
	v2 =	vadd.f32 v59, v2;
	_ =	sdelay $0x1  }
0x81: {  	v1 =	vmul.f32 v1, v5;
	v2 =	vmul.f32 v2, v60;
	_ =	sdelay $0x1  }
0x82: {  	v1 =	vadd.f32 v2, v1;
	_ =	sdelay $0x1  }
0x83: {  	(xrf2) =	vadd.scan.msk.f32 $0xffff, v1;
	_ =	sdelay $0x9  }
0x84: {  	v1, _, _ =	vpop (xrf2)  }
0x85: {  	(v2sf) =	vpush v1, $0xF;
	_ =	sdelay $0xe  }
0x86: {  	s5 =	spop (v2sf)  }
0x87: {  	s5 =	smul.f32 $1.767766920e-01, s5;
	_ =	sdelay $0x1  }
0x88: {  	v1 =	vmov s5  }
0x89: {  	v1 =	vmul.f32 $1.442695020e+00, v1;
	_ =	sdelay $0x1  }
0x8a: {  	v1 =	vbroadcast v1, $0x0;
	_ =	sdelay $0x1  }
0x8b: {  	(erf) = vpow2.f32 v1;
	_ =	sdelay $0x2  }
0x8c: {  	s5 =	sadd.s32 $0xFFFFFFF2, s3;
	v1 =	vld [tilespmem:s14+$0xFFFFFE60]  }
0x8d: {  	v2 =	vld [tilespmem:s14+$0xFFFFFE70];
	v61 =	vmov s5  }
0x8e: {  	v5 =	vshrl.u32 v61, $0x3  }
0x8f: {  	v5 =	vshll.u32 v5, v0  }
0x90: {  	v5 =	vadd.s32 $0x1, v5  }
0x91: {  	v1 =	vadd.f32 v1, v3;
	v3 =	vbroadcast v5, $0x0  }
0x92: {  	v2 =	vadd.f32 v2, v59;
	v62 =	vpop (erf)  }
0x93: {  	v1 =	vmul.f32 v62, v1  }
0x94: {  	v2 =	vmul.f32 v62, v2  }
0x95: {  	[tilespmem:s0+$0xFFFFFF20] =	vst v1  }
0x96: {  	[tilespmem:s0+$0xFFFFFF30] =	vst v2  }
0x97: {  	[tilespmem:v3+s17+$0x0] =	vst.idx.msk $0x1, v62  }
0x98: {  	v1 =	vld [tilespmem:s14+$0xFFFFFE80]  }
0x99: {  	v2 =	vld [tilespmem:s14+$0xFFFFFE90]  }
0x9a: {  	v3 =	vld [tilespmem:s31+$0xFFFFFF40]  }
0x9b: {  	v63 =	vld [tilespmem:s31+$0xFFFFFF50]  }
0x9c: {  	v5 =	vld [tilespmem:s30+$0xFFFFFF40]  }
0x9d: {  	v9 =	vld [tilespmem:s30+$0xFFFFFF50];
	_ =	sdelay $0x2  }
0x9e: {  	v1 =	vadd.f32 v3, v1;
	v2 =	vadd.f32 v63, v2;
	_ =	sdelay $0x1  }
0x9f: {  	v1 =	vmul.f32 v1, v5;
	v2 =	vmul.f32 v2, v9;
	_ =	sdelay $0x1  }
0xa0: {  	v1 =	vadd.f32 v2, v1;
	_ =	sdelay $0x1  }
0xa1: {  	(xrf2) =	vadd.scan.msk.f32 $0xffff, v1;
	_ =	sdelay $0x9  }
0xa2: {  	v1, _, _ =	vpop (xrf2)  }
0xa3: {  	(v2sf) =	vpush v1, $0xF;
	_ =	sdelay $0xe  }
0xa4: {  	s5 =	spop (v2sf)  }
0xa5: {  	s5 =	smul.f32 $1.767766920e-01, s5;
	_ =	sdelay $0x1  }
0xa6: {  	v1 =	vmov s5  }
0xa7: {  	v1 =	vmul.f32 $1.442695020e+00, v1;
	_ =	sdelay $0x1  }
0xa8: {  	v1 =	vbroadcast v1, $0x0;
	_ =	sdelay $0x1  }
0xa9: {  	(erf) = vpow2.f32 v1;
	_ =	sdelay $0x2  }
0xaa: {  	s5 =	sadd.s32 $0xFFFFFFF3, s3;
	v1 =	vld [tilespmem:s14+$0xFFFFFEA0]  }
0xab: {  	v2 =	vld [tilespmem:s14+$0xFFFFFEB0];
	v10 =	vmov s5  }
0xac: {  	v5 =	vshrl.u32 v10, $0x3  }
0xad: {  	v5 =	vshll.u32 v5, v0  }
0xae: {  	v5 =	vadd.s32 $0x2, v5  }
0xaf: {  	v1 =	vadd.f32 v1, v3;
	v3 =	vbroadcast v5, $0x0  }
0xb0: {  	v2 =	vadd.f32 v2, v63;
	v11 =	vpop (erf)  }
0xb1: {  	v1 =	vmul.f32 v11, v1  }
0xb2: {  	v2 =	vmul.f32 v11, v2  }
0xb3: {  	[tilespmem:s0+$0xFFFFFF40] =	vst v1  }
0xb4: {  	[tilespmem:s0+$0xFFFFFF50] =	vst v2  }
0xb5: {  	[tilespmem:v3+s17+$0x0] =	vst.idx.msk $0x1, v11  }
0xb6: {  	v1 =	vld [tilespmem:s14+$0xFFFFFEC0]  }
0xb7: {  	v2 =	vld [tilespmem:s14+$0xFFFFFED0]  }
0xb8: {  	v3 =	vld [tilespmem:s31+$0xFFFFFF60]  }
0xb9: {  	v12 =	vld [tilespmem:s31+$0xFFFFFF70]  }
0xba: {  	v5 =	vld [tilespmem:s30+$0xFFFFFF60]  }
0xbb: {  	v13 =	vld [tilespmem:s30+$0xFFFFFF70];
	_ =	sdelay $0x2  }
0xbc: {  	v1 =	vadd.f32 v3, v1;
	v2 =	vadd.f32 v12, v2;
	_ =	sdelay $0x1  }
0xbd: {  	v1 =	vmul.f32 v1, v5;
	v2 =	vmul.f32 v2, v13;
	_ =	sdelay $0x1  }
0xbe: {  	v1 =	vadd.f32 v2, v1;
	_ =	sdelay $0x1  }
0xbf: {  	(xrf2) =	vadd.scan.msk.f32 $0xffff, v1;
	_ =	sdelay $0x9  }
0xc0: {  	v1, _, _ =	vpop (xrf2)  }
0xc1: {  	(v2sf) =	vpush v1, $0xF;
	_ =	sdelay $0xe  }
0xc2: {  	s5 =	spop (v2sf)  }
0xc3: {  	s5 =	smul.f32 $1.767766920e-01, s5;
	_ =	sdelay $0x1  }
0xc4: {  	v1 =	vmov s5  }
0xc5: {  	v1 =	vmul.f32 $1.442695020e+00, v1;
	_ =	sdelay $0x1  }
0xc6: {  	v1 =	vbroadcast v1, $0x0;
	_ =	sdelay $0x1  }
0xc7: {  	(erf) = vpow2.f32 v1;
	_ =	sdelay $0x2  }
0xc8: {  	s5 =	sadd.s32 $0xFFFFFFF4, s3;
	v1 =	vld [tilespmem:s14+$0xFFFFFEE0]  }
0xc9: {  	v2 =	vld [tilespmem:s14+$0xFFFFFEF0];
	v14 =	vmov s5  }
0xca: {  	v5 =	vshrl.u32 v14, $0x3  }
0xcb: {  	v5 =	vshll.u32 v5, v0  }
0xcc: {  	v5 =	vadd.s32 $0x3, v5  }
0xcd: {  	v1 =	vadd.f32 v1, v3;
	v3 =	vbroadcast v5, $0x0  }
0xce: {  	v2 =	vadd.f32 v2, v12;
	v15 =	vpop (erf)  }
0xcf: {  	v1 =	vmul.f32 v15, v1  }
0xd0: {  	v2 =	vmul.f32 v15, v2  }
0xd1: {  	[tilespmem:s0+$0xFFFFFF60] =	vst v1  }
0xd2: {  	[tilespmem:s0+$0xFFFFFF70] =	vst v2  }
0xd3: {  	[tilespmem:v3+s17+$0x0] =	vst.idx.msk $0x1, v15  }
0xd4: {  	v1 =	vld [tilespmem:s14+$0xFFFFFF00]  }
0xd5: {  	v2 =	vld [tilespmem:s14+$0xFFFFFF10]  }
0xd6: {  	v3 =	vld [tilespmem:s31+$0xFFFFFF80]  }
0xd7: {  	v16 =	vld [tilespmem:s31+$0xFFFFFF90]  }
0xd8: {  	v5 =	vld [tilespmem:s30+$0xFFFFFF80]  }
0xd9: {  	v17 =	vld [tilespmem:s30+$0xFFFFFF90];
	_ =	sdelay $0x2  }
0xda: {  	v1 =	vadd.f32 v3, v1;
	v2 =	vadd.f32 v16, v2;
	_ =	sdelay $0x1  }
0xdb: {  	v1 =	vmul.f32 v1, v5;
	v2 =	vmul.f32 v2, v17;
	_ =	sdelay $0x1  }
0xdc: {  	v1 =	vadd.f32 v2, v1;
	_ =	sdelay $0x1  }
0xdd: {  	(xrf2) =	vadd.scan.msk.f32 $0xffff, v1;
	_ =	sdelay $0x9  }
0xde: {  	v1, _, _ =	vpop (xrf2)  }
0xdf: {  	(v2sf) =	vpush v1, $0xF;
	_ =	sdelay $0xe  }
0xe0: {  	s5 =	spop (v2sf)  }
0xe1: {  	s5 =	smul.f32 $1.767766920e-01, s5;
	_ =	sdelay $0x1  }
0xe2: {  	v1 =	vmov s5  }
0xe3: {  	v1 =	vmul.f32 $1.442695020e+00, v1;
	_ =	sdelay $0x1  }
0xe4: {  	v1 =	vbroadcast v1, $0x0;
	_ =	sdelay $0x1  }
0xe5: {  	(erf) = vpow2.f32 v1;
	_ =	sdelay $0x2  }
0xe6: {  	s5 =	sadd.s32 $0xFFFFFFF5, s3;
	v1 =	vld [tilespmem:s14+$0xFFFFFF20]  }
0xe7: {  	v2 =	vld [tilespmem:s14+$0xFFFFFF30];
	v18 =	vmov s5  }
0xe8: {  	v5 =	vshrl.u32 v18, $0x3  }
0xe9: {  	v5 =	vshll.u32 v5, v0  }
0xea: {  	v5 =	vadd.s32 $0x4, v5  }
0xeb: {  	v1 =	vadd.f32 v1, v3;
	v3 =	vbroadcast v5, $0x0  }
0xec: {  	v2 =	vadd.f32 v2, v16;
	v19 =	vpop (erf)  }
0xed: {  	v1 =	vmul.f32 v19, v1  }
0xee: {  	v2 =	vmul.f32 v19, v2  }
0xef: {  	[tilespmem:s0+$0xFFFFFF80] =	vst v1  }
0xf0: {  	[tilespmem:s0+$0xFFFFFF90] =	vst v2  }
0xf1: {  	[tilespmem:v3+s17+$0x0] =	vst.idx.msk $0x1, v19  }
0xf2: {  	v1 =	vld [tilespmem:s14+$0xFFFFFF40]  }
0xf3: {  	v2 =	vld [tilespmem:s14+$0xFFFFFF50]  }
0xf4: {  	v3 =	vld [tilespmem:s31+$0xFFFFFFA0]  }
0xf5: {  	v20 =	vld [tilespmem:s31+$0xFFFFFFB0]  }
0xf6: {  	v5 =	vld [tilespmem:s30+$0xFFFFFFA0]  }
0xf7: {  	v21 =	vld [tilespmem:s30+$0xFFFFFFB0];
	_ =	sdelay $0x2  }
0xf8: {  	v1 =	vadd.f32 v3, v1;
	v2 =	vadd.f32 v20, v2;
	_ =	sdelay $0x1  }
0xf9: {  	v1 =	vmul.f32 v1, v5;
	v2 =	vmul.f32 v2, v21;
	_ =	sdelay $0x1  }
0xfa: {  	v1 =	vadd.f32 v2, v1;
	_ =	sdelay $0x1  }
0xfb: {  	(xrf2) =	vadd.scan.msk.f32 $0xffff, v1;
	_ =	sdelay $0x9  }
0xfc: {  	v1, _, _ =	vpop (xrf2)  }
0xfd: {  	(v2sf) =	vpush v1, $0xF;
	_ =	sdelay $0xe  }
0xfe: {  	s5 =	spop (v2sf)  }
0xff: {  	s5 =	smul.f32 $1.767766920e-01, s5;
	_ =	sdelay $0x1  }
0x100: {  	v1 =	vmov s5  }
0x101: {  	v1 =	vmul.f32 $1.442695020e+00, v1;
	_ =	sdelay $0x1  }
0x102: {  	v1 =	vbroadcast v1, $0x0;
	_ =	sdelay $0x1  }
0x103: {  	(erf) = vpow2.f32 v1;
	_ =	sdelay $0x2  }
0x104: {  	s5 =	sadd.s32 $0xFFFFFFF6, s3;
	v1 =	vld [tilespmem:s14+$0xFFFFFF60]  }
0x105: {  	v2 =	vld [tilespmem:s14+$0xFFFFFF70];
	v22 =	vmov s5  }
0x106: {  	v5 =	vshrl.u32 v22, $0x3  }
0x107: {  	v5 =	vshll.u32 v5, v0  }
0x108: {  	v5 =	vadd.s32 $0x5, v5  }
0x109: {  	v1 =	vadd.f32 v1, v3;
	v3 =	vbroadcast v5, $0x0  }
0x10a: {  	v2 =	vadd.f32 v2, v20;
	v23 =	vpop (erf)  }
0x10b: {  	v1 =	vmul.f32 v23, v1  }
0x10c: {  	v2 =	vmul.f32 v23, v2  }
0x10d: {  	[tilespmem:s0+$0xFFFFFFA0] =	vst v1  }
0x10e: {  	[tilespmem:s0+$0xFFFFFFB0] =	vst v2  }
0x10f: {  	[tilespmem:v3+s17+$0x0] =	vst.idx.msk $0x1, v23  }
0x110: {  	v1 =	vld [tilespmem:s14+$0xFFFFFF80]  }
0x111: {  	v2 =	vld [tilespmem:s14+$0xFFFFFF90]  }
0x112: {  	v3 =	vld [tilespmem:s31+$0xFFFFFFC0]  }
0x113: {  	v24 =	vld [tilespmem:s31+$0xFFFFFFD0]  }
0x114: {  	v5 =	vld [tilespmem:s30+$0xFFFFFFC0]  }
0x115: {  	v25 =	vld [tilespmem:s30+$0xFFFFFFD0];
	_ =	sdelay $0x2  }
0x116: {  	v1 =	vadd.f32 v3, v1;
	v2 =	vadd.f32 v24, v2;
	_ =	sdelay $0x1  }
0x117: {  	v1 =	vmul.f32 v1, v5;
	v2 =	vmul.f32 v2, v25;
	_ =	sdelay $0x1  }
0x118: {  	v1 =	vadd.f32 v2, v1;
	_ =	sdelay $0x1  }
0x119: {  	(xrf2) =	vadd.scan.msk.f32 $0xffff, v1;
	_ =	sdelay $0x9  }
0x11a: {  	v1, _, _ =	vpop (xrf2)  }
0x11b: {  	(v2sf) =	vpush v1, $0xF;
	_ =	sdelay $0xe  }
0x11c: {  	s5 =	spop (v2sf)  }
0x11d: {  	s5 =	smul.f32 $1.767766920e-01, s5;
	_ =	sdelay $0x1  }
0x11e: {  	v1 =	vmov s5  }
0x11f: {  	v1 =	vmul.f32 $1.442695020e+00, v1;
	_ =	sdelay $0x1  }
0x120: {  	v1 =	vbroadcast v1, $0x0;
	_ =	sdelay $0x1  }
0x121: {  	(erf) = vpow2.f32 v1;
	_ =	sdelay $0x2  }
0x122: {  	s5 =	sadd.s32 $0xFFFFFFF7, s3;
	v1 =	vld [tilespmem:s14+$0xFFFFFFA0]  }
0x123: {  	v2 =	vld [tilespmem:s14+$0xFFFFFFB0];
	v26 =	vmov s5  }
0x124: {  	v5 =	vshrl.u32 v26, $0x3  }
0x125: {  	v5 =	vshll.u32 v5, v0  }
0x126: {  	v5 =	vadd.s32 $0x6, v5  }
0x127: {  	v1 =	vadd.f32 v1, v3;
	v3 =	vbroadcast v5, $0x0  }
0x128: {  	v2 =	vadd.f32 v2, v24;
	v27 =	vpop (erf)  }
0x129: {  	v1 =	vmul.f32 v27, v1  }
0x12a: {  	v2 =	vmul.f32 v27, v2  }
0x12b: {  	[tilespmem:s0+$0xFFFFFFC0] =	vst v1  }
0x12c: {  	[tilespmem:s0+$0xFFFFFFD0] =	vst v2  }
0x12d: {  	[tilespmem:v3+s17+$0x0] =	vst.idx.msk $0x1, v27  }
0x12e: {  	v1 =	vld [tilespmem:s14+$0xFFFFFFC0]  }
0x12f: {  	v2 =	vld [tilespmem:s14+$0xFFFFFFD0]  }
0x130: {  	v3 =	vld [tilespmem:s31+$0xFFFFFFE0]  }
0x131: {  	v28 =	vld [tilespmem:s31+$0xFFFFFFF0]  }
0x132: {  	v5 =	vld [tilespmem:s30+$0xFFFFFFE0]  }
0x133: {  	v29 =	vld [tilespmem:s30+$0xFFFFFFF0];
	_ =	sdelay $0x2  }
0x134: {  	v1 =	vadd.f32 v3, v1;
	v2 =	vadd.f32 v28, v2;
	_ =	sdelay $0x1  }
0x135: {  	v1 =	vmul.f32 v1, v5;
	v2 =	vmul.f32 v2, v29;
	_ =	sdelay $0x1  }
0x136: {  	v1 =	vadd.f32 v2, v1;
	_ =	sdelay $0x1  }
0x137: {  	(xrf2) =	vadd.scan.msk.f32 $0xffff, v1;
	_ =	sdelay $0x9  }
0x138: {  	v1, _, _ =	vpop (xrf2)  }
0x139: {  	(v2sf) =	vpush v1, $0xF;
	_ =	sdelay $0xe  }
0x13a: {  	s5 =	spop (v2sf)  }
0x13b: {  	s5 =	smul.f32 $1.767766920e-01, s5;
	_ =	sdelay $0x1  }
0x13c: {  	v1 =	vmov s5  }
0x13d: {  	v1 =	vmul.f32 $1.442695020e+00, v1;
	_ =	sdelay $0x1  }
0x13e: {  	v1 =	vbroadcast v1, $0x0;
	_ =	sdelay $0x1  }
0x13f: {  	(erf) = vpow2.f32 v1;
	_ =	sdelay $0x2  }
0x140: {  	s5 =	sadd.s32 $0xFFFFFFF8, s3;
	v1 =	vld [tilespmem:s14+$0xFFFFFFE0]  }
0x141: {  	v2 =	vld [tilespmem:s14+$0xFFFFFFF0];
	v30 =	vmov s5  }
0x142: {  	v5 =	vshrl.u32 v30, $0x3  }
0x143: {  	v5 =	vshll.u32 v5, v0  }
0x144: {  	v5 =	vadd.s32 $0x7, v5  }
0x145: {  	v1 =	vadd.f32 v1, v3;
	v3 =	vbroadcast v5, $0x0  }
0x146: {  	v2 =	vadd.f32 v2, v28;
	v31 =	vpop (erf)  }
0x147: {  	v1 =	vmul.f32 v31, v1  }
0x148: {  	v2 =	vmul.f32 v31, v2  }
0x149: {  	[tilespmem:s0+$0xFFFFFFE0] =	vst v1  }
0x14a: {  	[tilespmem:s0+$0xFFFFFFF0] =	vst v2  }
0x14b: {  	[tilespmem:v3+s17+$0x0] =	vst.idx.msk $0x1, v31  }
0x14c: {  	v1 =	vld [tilespmem:s14+$0x0]  }
0x14d: {  	v2 =	vld [tilespmem:s14+$0x10]  }
0x14e: {  	v3 =	vld [tilespmem:s31+$0x0]  }
0x14f: {  	v32 =	vld [tilespmem:s31+$0x10]  }
0x150: {  	v5 =	vld [tilespmem:s30+$0x0]  }
0x151: {  	v33 =	vld [tilespmem:s30+$0x10];
	_ =	sdelay $0x2  }
0x152: {  	v1 =	vadd.f32 v3, v1;
	v2 =	vadd.f32 v32, v2;
	_ =	sdelay $0x1  }
0x153: {  	v1 =	vmul.f32 v1, v5;
	v2 =	vmul.f32 v2, v33;
	_ =	sdelay $0x1  }
0x154: {  	v1 =	vadd.f32 v2, v1;
	_ =	sdelay $0x1  }
0x155: {  	(xrf2) =	vadd.scan.msk.f32 $0xffff, v1;
	_ =	sdelay $0x9  }
0x156: {  	v1, _, _ =	vpop (xrf2)  }
0x157: {  	(v2sf) =	vpush v1, $0xF;
	_ =	sdelay $0xe  }
0x158: {  	s5 =	spop (v2sf)  }
0x159: {  	s5 =	smul.f32 $1.767766920e-01, s5;
	_ =	sdelay $0x1  }
0x15a: {  	v1 =	vmov s5  }
0x15b: {  	v1 =	vmul.f32 $1.442695020e+00, v1;
	_ =	sdelay $0x1  }
0x15c: {  	v1 =	vbroadcast v1, $0x0;
	_ =	sdelay $0x1  }
0x15d: {  	(erf) = vpow2.f32 v1;
	_ =	sdelay $0x2  }
0x15e: {  	v1 =	vld [tilespmem:s14+$0x20]  }
0x15f: {  	v2 =	vld [tilespmem:s14+$0x30];
	s5 =	sadd.s32 $0xFFFFFFF9, s3  }
0x160: {  	v34 =	vmov s5  }
0x161: {  	v5 =	vshrl.u32 v34, $0x3  }
0x162: {  	v5 =	vshll.u32 v5, v0  }
0x163: {  	v1 =	vadd.f32 v1, v3;
	v3 =	vbroadcast v5, $0x0  }
0x164: {  	v2 =	vadd.f32 v2, v32;
	v35 =	vpop (erf)  }
0x165: {  	v1 =	vmul.f32 v35, v1  }
0x166: {  	v2 =	vmul.f32 v35, v2  }
0x167: {  	[tilespmem:s0+$0x0] =	vst v1  }
0x168: {  	[tilespmem:s0+$0x10] =	vst v2  }
0x169: {  	[tilespmem:v3+s17+$0x0] =	vst.idx.msk $0x1, v35  }
0x16a: {  	v1 =	vld [tilespmem:s14+$0x40]  }
0x16b: {  	v2 =	vld [tilespmem:s14+$0x50]  }
0x16c: {  	v3 =	vld [tilespmem:s31+$0x20]  }
0x16d: {  	v36 =	vld [tilespmem:s31+$0x30]  }
0x16e: {  	v5 =	vld [tilespmem:s30+$0x20]  }
0x16f: {  	v37 =	vld [tilespmem:s30+$0x30];
	_ =	sdelay $0x2  }
0x170: {  	v1 =	vadd.f32 v3, v1;
	v2 =	vadd.f32 v36, v2;
	_ =	sdelay $0x1  }
0x171: {  	v1 =	vmul.f32 v1, v5;
	v2 =	vmul.f32 v2, v37;
	_ =	sdelay $0x1  }
0x172: {  	v1 =	vadd.f32 v2, v1;
	_ =	sdelay $0x1  }
0x173: {  	(xrf2) =	vadd.scan.msk.f32 $0xffff, v1;
	_ =	sdelay $0x9  }
0x174: {  	v1, _, _ =	vpop (xrf2)  }
0x175: {  	(v2sf) =	vpush v1, $0xF;
	_ =	sdelay $0xe  }
0x176: {  	s5 =	spop (v2sf)  }
0x177: {  	s5 =	smul.f32 $1.767766920e-01, s5;
	_ =	sdelay $0x1  }
0x178: {  	v1 =	vmov s5  }
0x179: {  	v1 =	vmul.f32 $1.442695020e+00, v1;
	_ =	sdelay $0x1  }
0x17a: {  	v1 =	vbroadcast v1, $0x0;
	_ =	sdelay $0x1  }
0x17b: {  	(erf) = vpow2.f32 v1;
	_ =	sdelay $0x2  }
0x17c: {  	s5 =	sadd.s32 $0xFFFFFFFA, s3;
	v1 =	vld [tilespmem:s14+$0x60]  }
0x17d: {  	v2 =	vld [tilespmem:s14+$0x70];
	v38 =	vmov s5  }
0x17e: {  	v5 =	vshrl.u32 v38, $0x3  }
0x17f: {  	v5 =	vshll.u32 v5, v0  }
0x180: {  	v5 =	vadd.s32 $0x1, v5  }
0x181: {  	v1 =	vadd.f32 v1, v3;
	v3 =	vbroadcast v5, $0x0  }
0x182: {  	v2 =	vadd.f32 v2, v36;
	v39 =	vpop (erf)  }
0x183: {  	v1 =	vmul.f32 v39, v1  }
0x184: {  	v2 =	vmul.f32 v39, v2  }
0x185: {  	[tilespmem:s0+$0x20] =	vst v1  }
0x186: {  	[tilespmem:s0+$0x30] =	vst v2  }
0x187: {  	[tilespmem:v3+s17+$0x0] =	vst.idx.msk $0x1, v39  }
0x188: {  	v1 =	vld [tilespmem:s14+$0x80]  }
0x189: {  	v2 =	vld [tilespmem:s14+$0x90]  }
0x18a: {  	v3 =	vld [tilespmem:s31+$0x40]  }
0x18b: {  	v40 =	vld [tilespmem:s31+$0x50]  }
0x18c: {  	v5 =	vld [tilespmem:s30+$0x40]  }
0x18d: {  	v41 =	vld [tilespmem:s30+$0x50];
	_ =	sdelay $0x2  }
0x18e: {  	v1 =	vadd.f32 v3, v1;
	v2 =	vadd.f32 v40, v2;
	_ =	sdelay $0x1  }
0x18f: {  	v1 =	vmul.f32 v1, v5;
	v2 =	vmul.f32 v2, v41;
	_ =	sdelay $0x1  }
0x190: {  	v1 =	vadd.f32 v2, v1;
	_ =	sdelay $0x1  }
0x191: {  	(xrf2) =	vadd.scan.msk.f32 $0xffff, v1;
	_ =	sdelay $0x9  }
0x192: {  	v1, _, _ =	vpop (xrf2)  }
0x193: {  	(v2sf) =	vpush v1, $0xF;
	_ =	sdelay $0xe  }
0x194: {  	s5 =	spop (v2sf)  }
0x195: {  	s5 =	smul.f32 $1.767766920e-01, s5;
	_ =	sdelay $0x1  }
0x196: {  	v1 =	vmov s5  }
0x197: {  	v1 =	vmul.f32 $1.442695020e+00, v1;
	_ =	sdelay $0x1  }
0x198: {  	v1 =	vbroadcast v1, $0x0;
	_ =	sdelay $0x1  }
0x199: {  	(erf) = vpow2.f32 v1;
	_ =	sdelay $0x2  }
0x19a: {  	s5 =	sadd.s32 $0xFFFFFFFB, s3;
	v1 =	vld [tilespmem:s14+$0xA0]  }
0x19b: {  	v2 =	vld [tilespmem:s14+$0xB0];
	v42 =	vmov s5  }
0x19c: {  	v5 =	vshrl.u32 v42, $0x3  }
0x19d: {  	v5 =	vshll.u32 v5, v0  }
0x19e: {  	v5 =	vadd.s32 $0x2, v5  }
0x19f: {  	v1 =	vadd.f32 v1, v3;
	v3 =	vbroadcast v5, $0x0  }
0x1a0: {  	v2 =	vadd.f32 v2, v40;
	v43 =	vpop (erf)  }
0x1a1: {  	v1 =	vmul.f32 v43, v1  }
0x1a2: {  	v2 =	vmul.f32 v43, v2  }
0x1a3: {  	[tilespmem:s0+$0x40] =	vst v1  }
0x1a4: {  	[tilespmem:s0+$0x50] =	vst v2  }
0x1a5: {  	[tilespmem:v3+s17+$0x0] =	vst.idx.msk $0x1, v43  }
0x1a6: {  	v1 =	vld [tilespmem:s14+$0xC0]  }
0x1a7: {  	v2 =	vld [tilespmem:s14+$0xD0]  }
0x1a8: {  	v3 =	vld [tilespmem:s31+$0x60]  }
0x1a9: {  	v44 =	vld [tilespmem:s31+$0x70]  }
0x1aa: {  	v5 =	vld [tilespmem:s30+$0x60]  }
0x1ab: {  	v45 =	vld [tilespmem:s30+$0x70];
	_ =	sdelay $0x2  }
0x1ac: {  	v1 =	vadd.f32 v3, v1;
	v2 =	vadd.f32 v44, v2;
	_ =	sdelay $0x1  }
0x1ad: {  	v1 =	vmul.f32 v1, v5;
	v2 =	vmul.f32 v2, v45;
	_ =	sdelay $0x1  }
0x1ae: {  	v1 =	vadd.f32 v2, v1;
	_ =	sdelay $0x1  }
0x1af: {  	(xrf2) =	vadd.scan.msk.f32 $0xffff, v1;
	_ =	sdelay $0x9  }
0x1b0: {  	v1, _, _ =	vpop (xrf2)  }
0x1b1: {  	(v2sf) =	vpush v1, $0xF;
	_ =	sdelay $0xe  }
0x1b2: {  	s5 =	spop (v2sf)  }
0x1b3: {  	s5 =	smul.f32 $1.767766920e-01, s5;
	_ =	sdelay $0x1  }
0x1b4: {  	v1 =	vmov s5  }
0x1b5: {  	v1 =	vmul.f32 $1.442695020e+00, v1;
	_ =	sdelay $0x1  }
0x1b6: {  	v1 =	vbroadcast v1, $0x0;
	_ =	sdelay $0x1  }
0x1b7: {  	(erf) = vpow2.f32 v1;
	_ =	sdelay $0x2  }
0x1b8: {  	s5 =	sadd.s32 $0xFFFFFFFC, s3;
	v1 =	vld [tilespmem:s14+$0xE0]  }
0x1b9: {  	v2 =	vld [tilespmem:s14+$0xF0];
	v46 =	vmov s5  }
0x1ba: {  	v5 =	vshrl.u32 v46, $0x3  }
0x1bb: {  	v5 =	vshll.u32 v5, v0  }
0x1bc: {  	v5 =	vadd.s32 $0x3, v5  }
0x1bd: {  	v1 =	vadd.f32 v1, v3;
	v3 =	vbroadcast v5, $0x0  }
0x1be: {  	v2 =	vadd.f32 v2, v44;
	v47 =	vpop (erf)  }
0x1bf: {  	v1 =	vmul.f32 v47, v1  }
0x1c0: {  	v2 =	vmul.f32 v47, v2  }
0x1c1: {  	[tilespmem:s0+$0x60] =	vst v1  }
0x1c2: {  	[tilespmem:s0+$0x70] =	vst v2  }
0x1c3: {  	[tilespmem:v3+s17+$0x0] =	vst.idx.msk $0x1, v47  }
0x1c4: {  	v1 =	vld [tilespmem:s14+$0x100]  }
0x1c5: {  	v2 =	vld [tilespmem:s14+$0x110]  }
0x1c6: {  	v3 =	vld [tilespmem:s31+$0x80]  }
0x1c7: {  	v48 =	vld [tilespmem:s31+$0x90]  }
0x1c8: {  	v5 =	vld [tilespmem:s30+$0x80]  }
0x1c9: {  	v49 =	vld [tilespmem:s30+$0x90];
	_ =	sdelay $0x2  }
0x1ca: {  	v1 =	vadd.f32 v3, v1;
	v2 =	vadd.f32 v48, v2;
	_ =	sdelay $0x1  }
0x1cb: {  	v1 =	vmul.f32 v1, v5;
	v2 =	vmul.f32 v2, v49;
	_ =	sdelay $0x1  }
0x1cc: {  	v1 =	vadd.f32 v2, v1;
	_ =	sdelay $0x1  }
0x1cd: {  	(xrf2) =	vadd.scan.msk.f32 $0xffff, v1;
	_ =	sdelay $0x9  }
0x1ce: {  	v1, _, _ =	vpop (xrf2)  }
0x1cf: {  	(v2sf) =	vpush v1, $0xF;
	_ =	sdelay $0xe  }
0x1d0: {  	s5 =	spop (v2sf)  }
0x1d1: {  	s5 =	smul.f32 $1.767766920e-01, s5;
	_ =	sdelay $0x1  }
0x1d2: {  	v1 =	vmov s5  }
0x1d3: {  	v1 =	vmul.f32 $1.442695020e+00, v1;
	_ =	sdelay $0x1  }
0x1d4: {  	v1 =	vbroadcast v1, $0x0;
	_ =	sdelay $0x1  }
0x1d5: {  	(erf) = vpow2.f32 v1;
	_ =	sdelay $0x2  }
0x1d6: {  	s5 =	sadd.s32 $0xFFFFFFFD, s3;
	v1 =	vld [tilespmem:s14+$0x120]  }
0x1d7: {  	v2 =	vld [tilespmem:s14+$0x130];
	v50 =	vmov s5  }
0x1d8: {  	v5 =	vshrl.u32 v50, $0x3  }
0x1d9: {  	v5 =	vshll.u32 v5, v0  }
0x1da: {  	v5 =	vadd.s32 $0x4, v5  }
0x1db: {  	v1 =	vadd.f32 v1, v3;
	v3 =	vbroadcast v5, $0x0  }
0x1dc: {  	v2 =	vadd.f32 v2, v48;
	v51 =	vpop (erf)  }
0x1dd: {  	v1 =	vmul.f32 v51, v1  }
0x1de: {  	v2 =	vmul.f32 v51, v2  }
0x1df: {  	[tilespmem:s0+$0x80] =	vst v1  }
0x1e0: {  	[tilespmem:s0+$0x90] =	vst v2  }
0x1e1: {  	[tilespmem:v3+s17+$0x0] =	vst.idx.msk $0x1, v51  }
0x1e2: {  	v1 =	vld [tilespmem:s14+$0x140]  }
0x1e3: {  	v2 =	vld [tilespmem:s14+$0x150]  }
0x1e4: {  	v3 =	vld [tilespmem:s31+$0xA0]  }
0x1e5: {  	v52 =	vld [tilespmem:s31+$0xB0]  }
0x1e6: {  	v5 =	vld [tilespmem:s30+$0xA0]  }
0x1e7: {  	v53 =	vld [tilespmem:s30+$0xB0];
	_ =	sdelay $0x2  }
0x1e8: {  	v1 =	vadd.f32 v3, v1;
	v2 =	vadd.f32 v52, v2;
	_ =	sdelay $0x1  }
0x1e9: {  	v1 =	vmul.f32 v1, v5;
	v2 =	vmul.f32 v2, v53;
	_ =	sdelay $0x1  }
0x1ea: {  	v1 =	vadd.f32 v2, v1;
	_ =	sdelay $0x1  }
0x1eb: {  	(xrf2) =	vadd.scan.msk.f32 $0xffff, v1;
	_ =	sdelay $0x9  }
0x1ec: {  	v1, _, _ =	vpop (xrf2)  }
0x1ed: {  	(v2sf) =	vpush v1, $0xF;
	_ =	sdelay $0xe  }
0x1ee: {  	s5 =	spop (v2sf)  }
0x1ef: {  	s5 =	smul.f32 $1.767766920e-01, s5;
	_ =	sdelay $0x1  }
0x1f0: {  	v1 =	vmov s5  }
0x1f1: {  	v1 =	vmul.f32 $1.442695020e+00, v1;
	_ =	sdelay $0x1  }
0x1f2: {  	v1 =	vbroadcast v1, $0x0;
	_ =	sdelay $0x1  }
0x1f3: {  	(erf) = vpow2.f32 v1;
	_ =	sdelay $0x2  }
0x1f4: {  	s5 =	sadd.s32 $0xFFFFFFFE, s3;
	v1 =	vld [tilespmem:s14+$0x160]  }
0x1f5: {  	v2 =	vld [tilespmem:s14+$0x170];
	v54 =	vmov s5  }
0x1f6: {  	v5 =	vshrl.u32 v54, $0x3  }
0x1f7: {  	v5 =	vshll.u32 v5, v0  }
0x1f8: {  	v5 =	vadd.s32 $0x5, v5  }
0x1f9: {  	v1 =	vadd.f32 v1, v3;
	v3 =	vbroadcast v5, $0x0  }
0x1fa: {  	v2 =	vadd.f32 v2, v52;
	v55 =	vpop (erf)  }
0x1fb: {  	v1 =	vmul.f32 v55, v1  }
0x1fc: {  	v2 =	vmul.f32 v55, v2  }
0x1fd: {  	[tilespmem:s0+$0xA0] =	vst v1  }
0x1fe: {  	[tilespmem:s0+$0xB0] =	vst v2  }
0x1ff: {  	[tilespmem:v3+s17+$0x0] =	vst.idx.msk $0x1, v55  }
0x200: {  	v1 =	vld [tilespmem:s14+$0x180]  }
0x201: {  	v2 =	vld [tilespmem:s14+$0x190]  }
0x202: {  	v3 =	vld [tilespmem:s31+$0xC0]  }
0x203: {  	v56 =	vld [tilespmem:s31+$0xD0]  }
0x204: {  	v5 =	vld [tilespmem:s30+$0xC0]  }
0x205: {  	v57 =	vld [tilespmem:s30+$0xD0];
	_ =	sdelay $0x2  }
0x206: {  	v1 =	vadd.f32 v3, v1;
	v2 =	vadd.f32 v56, v2;
	_ =	sdelay $0x1  }
0x207: {  	v1 =	vmul.f32 v1, v5;
	v2 =	vmul.f32 v2, v57;
	_ =	sdelay $0x1  }
0x208: {  	v1 =	vadd.f32 v2, v1;
	_ =	sdelay $0x1  }
0x209: {  	(xrf2) =	vadd.scan.msk.f32 $0xffff, v1;
	_ =	sdelay $0x9  }
0x20a: {  	v1, _, _ =	vpop (xrf2)  }
0x20b: {  	(v2sf) =	vpush v1, $0xF;
	_ =	sdelay $0xe  }
0x20c: {  	s5 =	spop (v2sf)  }
0x20d: {  	s5 =	smul.f32 $1.767766920e-01, s5;
	_ =	sdelay $0x1  }
0x20e: {  	v1 =	vmov s5  }
0x20f: {  	v1 =	vmul.f32 $1.442695020e+00, v1;
	_ =	sdelay $0x1  }
0x210: {  	v1 =	vbroadcast v1, $0x0;
	_ =	sdelay $0x1  }
0x211: {  	(erf) = vpow2.f32 v1;
	_ =	sdelay $0x2  }
0x212: {  	s5 =	sadd.s32 $0xFFFFFFFF, s3;
	v1 =	vld [tilespmem:s14+$0x1A0]  }
0x213: {  	v2 =	vld [tilespmem:s14+$0x1B0];
	v58 =	vmov s5  }
0x214: {  	v5 =	vshrl.u32 v58, $0x3  }
0x215: {  	v5 =	vshll.u32 v5, v0  }
0x216: {  	v5 =	vadd.s32 $0x6, v5  }
0x217: {  	v1 =	vadd.f32 v1, v3;
	v3 =	vbroadcast v5, $0x0  }
0x218: {  	v2 =	vadd.f32 v2, v56;
	v59 =	vpop (erf)  }
0x219: {  	v1 =	vmul.f32 v59, v1  }
0x21a: {  	v2 =	vmul.f32 v59, v2  }
0x21b: {  	[tilespmem:s0+$0xC0] =	vst v1  }
0x21c: {  	[tilespmem:s0+$0xD0] =	vst v2  }
0x21d: {  	[tilespmem:v3+s17+$0x0] =	vst.idx.msk $0x1, v59  }
0x21e: {  	v1 =	vld [tilespmem:s14+$0x1C0]  }
0x21f: {  	v2 =	vld [tilespmem:s14+$0x1D0]  }
0x220: {  	v3 =	vld [tilespmem:s31+$0xE0]  }
0x221: {  	v60 =	vld [tilespmem:s31+$0xF0]  }
0x222: {  	v5 =	vld [tilespmem:s30+$0xE0]  }
0x223: {  	v61 =	vld [tilespmem:s30+$0xF0];
	_ =	sdelay $0x2  }
0x224: {  	v1 =	vadd.f32 v3, v1;
	v2 =	vadd.f32 v60, v2;
	_ =	sdelay $0x1  }
0x225: {  	v1 =	vmul.f32 v1, v5;
	v2 =	vmul.f32 v2, v61;
	_ =	sdelay $0x1  }
0x226: {  	v1 =	vadd.f32 v2, v1;
	_ =	sdelay $0x1  }
0x227: {  	(xrf2) =	vadd.scan.msk.f32 $0xffff, v1;
	_ =	sdelay $0x9  }
0x228: {  	v1, _, _ =	vpop (xrf2)  }
0x229: {  	(v2sf) =	vpush v1, $0xF;
	_ =	sdelay $0xe  }
0x22a: {  	s5 =	spop (v2sf)  }
0x22b: {  	s5 =	smul.f32 $1.767766920e-01, s5;
	_ =	sdelay $0x1  }
0x22c: {  	v1 =	vmov s5  }
0x22d: {  	v1 =	vmul.f32 $1.442695020e+00, v1;
	_ =	sdelay $0x1  }
0x22e: {  	v1 =	vbroadcast v1, $0x0;
	_ =	sdelay $0x1  }
0x22f: {  	(erf) = vpow2.f32 v1;
	_ =	sdelay $0x2  }
0x230: {  	v1 =	vld [tilespmem:s14+$0x1E0]  }
0x231: {  	v62 =	vmov s3;
	v2 =	vld [tilespmem:s14+$0x1F0]  }
0x232: {  	v5 =	vshrl.u32 v62, $0x3  }
0x233: {  	v5 =	vshll.u32 v5, v0  }
0x234: {  	v5 =	vadd.s32 $0x7, v5  }
0x235: {  	v1 =	vadd.f32 v1, v3;
	v3 =	vbroadcast v5, $0x0  }
0x236: {  	p0 =	sne.s32 s3, $0x7F;
	v2 =	vadd.f32 v2, v60;
	v63 =	vpop (erf)  }
.Ltmp1:
0x237: {  	v1 =	vmul.f32 v63, v1;
	(pc) =	sbr.rel @p0 .LBB2_5-.Ltmp1, $4  }
0x238: {  	v2 =	vmul.f32 v63, v2  }
0x239: {  	[tilespmem:s0+$0xE0] =	vst v1  }
0x23a: {  	s3 =	sadd.s32 $0x10, s3;
	s30 =	sadd.s32 $0x200, s30;
	[tilespmem:s0+$0xF0] =	vst v2  }
0x23b: {  	s31 =	sadd.s32 $0x200, s31;
	s14 =	sadd.s32 $0x400, s14;
	s0 =	sadd.s32 $0x200, s0;
	[tilespmem:v3+s17+$0x0] =	vst.idx.msk $0x1, v63  }
0x23c: {  	s0 =	simm.s32 $0x4300  }
0x23d: {  	[spmem:s1] =	stream.indirect.scatter.add.f32 [tilespmem:s0], [sflag:$0x3], $0x20, s29, s29, $0xb8;
	[tilespmem:$0x1F840] =	vst v63  }
0x23e: {  	_ = 	snop  }
0x23f: {  	[spmem:s18] =	stream.indirect.scatter.add.f32 [tilespmem:s17], [sflag:$0x3], $0x1, s29, s29, $0xb8;
	[tilespmem:$0x1F840] =	vst v63  }
0x240: {  	_ =	swait.ge [sflag:s19], $0x80  }
0x241: {  	[sflag:s19] =	ssyncset.done $0x0  }
0x242: {  	[sflag:s19] =	ssyncadd.s32 $0xFFFFFF80  }
0x243: {  	_ =	swait.ge [sflag:s19], $0x80  }
0x244: {  	[sflag:s19] =	ssyncset.done $0x0  }
0x245: {  	[sflag:s19] =	ssyncadd.s32 $0xFFFFFF80  }
0x246: {  	_ =	swait.ge [sflag:s19], $0x80  }
0x247: {  	[sflag:s19] =	ssyncset.done $0x0  }
0x248: {  	s14 =	simm.s32 $0x300;
	s31 =	simm.s32 $0x280;
	[sflag:s19] =	ssyncadd.s32 $0xFFFFFF80  }
0x249: {  	[tilespmem:s14], [sflag:$0x1] =	stream.indirect.gather [hbm4b:s9+s29], $0x20, s31, s29, $0xb8;
	[tilespmem:$0x1F840] =	vst v63  }
0x24a: {  	s14 =	rddreg [dreg:$0x6]  }
0x24b: {  	s3 =	simm.s32 $0x1300;
	s5 =	simm.s32 $0x180;
	s0 =	sadd.s32 s14, s2  }
0x24c: {  	[tilespmem:s3], [sflag:$0x1] =	stream.indirect.gather [hbm4b:s10+s29], $0x40, s5, s29, $0xb8;
	[tilespmem:$0x1F840] =	vst v63  }
0x24d: {  	s0 =	sshll.u32 s0, $0x2  }
0x24e: {  	s0 =	sand.u32 $0x1FFFFE00, s0  }
0x24f: {  	s31 =	simm.s32 $0x3300;
	s0 =	sadd.s32 s11, s0  }
0x250: {  	[tilespmem:s31], [sflag:$0x1] =	stream.linear.gather [hbm4b:s0+s4], $0x1000, $0x38;
	[tilespmem:$0x1F840] =	vst v63  }
0x251: {  	_ =	swait.ge [sflag:s23], $0x1000  }
0x252: {  	p0 =	seq.s32 s21, $0xC3;
	[sflag:s23] =	ssyncset.done $0x0  }
0x253: {  	s0 =	sadd.s32 @!p0 $0x100, s28;
	[sflag:s23] =	ssyncadd.s32 $0xFFFFF000  }
0x254: {  	s2 =	sadd.s32 @!p0 s15, s0;
	_ =	swait.ge [sflag:s23], $0x80  }
0x255: {  	s5 =	simm.s32 @!p0 $0x0;
	s2 =	sshrl.u32 @!p0 s2, $0x3;
	[sflag:s23] =	ssyncset.done $0x0  }
0x256: {  	s0 =	sadd.s32 @!p0 s12, s0;
	s3 =	sadd.s32 @!p0 s8, s2;
	[sflag:s23] =	ssyncadd.s32 $0xFFFFFF80  }
0x257: {  	[tilespmem:s5], [sflag:$0x2] =	stream.linear.gather @!p0 [hbm4b:s3+s5], $0x80, $0x38;
	[tilespmem:$0x1F840] =	vst v63  }
0x258: {  	s0 =	sshrl.u32 @!p0 s0, $0x3;
	s2 =	sadd.s32 @!p0 s6, s2;
	s3 =	simm.s32 @!p0 $0x100  }
0x259: {  	[tilespmem:s3], [sflag:$0x2] =	stream.linear.gather @!p0 [hbm4b:s2+s5], $0x80, $0x38;
	[tilespmem:$0x1F840] =	vst v63  }
0x25a: {  	s0 =	sadd.s32 @!p0 s7, s0;
	s2 =	simm.s32 @!p0 $0x80  }
0x25b: {  	[tilespmem:s2], [sflag:$0x2] =	stream.linear.gather @!p0 [hbm4b:s0+s5], $0x80, $0x38;
	[tilespmem:$0x1F840] =	vst v63  }
0x25c: {  	_ =	swait.ge [sflag:s16], $0x1000  }
0x25d: {  	[sflag:s16] =	ssyncset.done $0x0  }
0x25e: {  	[sflag:s16] =	ssyncadd.s32 $0xFFFFF000  }
0x25f: {  	_ =	swait.ge [sflag:s16], $0x2000  }
0x260: {  	[sflag:s16] =	ssyncset.done $0x0  }
0x261: {  	s30 =	smov.u32 s1;
	[sflag:s16] =	ssyncadd.s32 $0xFFFFE000  }
0x262: {  	s21 =	sadd.s32 $0x1, s21;
	s14 =	simm.s32 $0x400;
	_ =	swait.ge [sflag:s16], $0x1000  }
0x263: {  	s28 =	simm.s32 $0x3400;
	s3 =	simm.s32 $0x1500;
	[sflag:s16] =	ssyncset.done $0x0  }
0x264: {  	s2 =	simm.s32 $0xF;
	s0 =	simm.s32 $0x4400;
	[sflag:s16] =	ssyncadd.s32 $0xFFFFF000  }
.LBB2_7:
0x265: {  	v1 =	vld [tilespmem:s3+$0xFFFFFE00]  }
0x266: {  	v2 =	vld [tilespmem:s3+$0xFFFFFE10]  }
0x267: {  	v3 =	vld [tilespmem:s28+$0xFFFFFF00]  }
0x268: {  	v4 =	vld [tilespmem:s28+$0xFFFFFF10]  }
0x269: {  	v5 =	vld [tilespmem:s14+$0xFFFFFF00]  }
0x26a: {  	v6 =	vld [tilespmem:s14+$0xFFFFFF10];
	_ =	sdelay $0x2  }
0x26b: {  	v1 =	vadd.f32 v3, v1;
	v2 =	vadd.f32 v4, v2;
	_ =	sdelay $0x1  }
0x26c: {  	v1 =	vmul.f32 v1, v5;
	v2 =	vmul.f32 v2, v6;
	_ =	sdelay $0x1  }
0x26d: {  	v1 =	vadd.f32 v2, v1;
	_ =	sdelay $0x1  }
0x26e: {  	(xrf2) =	vadd.scan.msk.f32 $0xffff, v1;
	_ =	sdelay $0x9  }
0x26f: {  	v1, _, _ =	vpop (xrf2)  }
0x270: {  	(v2sf) =	vpush v1, $0xF;
	_ =	sdelay $0xe  }
0x271: {  	s5 =	spop (v2sf)  }
0x272: {  	s5 =	smul.f32 $1.767766920e-01, s5;
	_ =	sdelay $0x1  }
0x273: {  	v1 =	vmov s5  }
0x274: {  	v1 =	vmul.f32 $1.442695020e+00, v1;
	_ =	sdelay $0x1  }
0x275: {  	v1 =	vbroadcast v1, $0x0;
	_ =	sdelay $0x1  }
0x276: {  	(erf) = vpow2.f32 v1;
	_ =	sdelay $0x2  }
0x277: {  	v1 =	vld [tilespmem:s3+$0xFFFFFE20]  }
0x278: {  	s1 =	sadd.s32 $0xFFFFFFF1, s2;
	v2 =	vld [tilespmem:s3+$0xFFFFFE30]  }
0x279: {  	v57 =	vmov s1  }
0x27a: {  	v5 =	vshrl.u32 v57, $0x3  }
0x27b: {  	v5 =	vshll.u32 v5, v0  }
0x27c: {  	v1 =	vadd.f32 v1, v3;
	v3 =	vbroadcast v5, $0x0  }
0x27d: {  	v2 =	vadd.f32 v2, v4;
	v58 =	vpop (erf)  }
0x27e: {  	v1 =	vmul.f32 v58, v1  }
0x27f: {  	v2 =	vmul.f32 v58, v2  }
0x280: {  	[tilespmem:s0+$0xFFFFFF00] =	vst v1  }
0x281: {  	[tilespmem:s0+$0xFFFFFF10] =	vst v2  }
0x282: {  	[tilespmem:v3+s17+$0x0] =	vst.idx.msk $0x1, v58  }
0x283: {  	v1 =	vld [tilespmem:s3+$0xFFFFFE40]  }
0x284: {  	v2 =	vld [tilespmem:s3+$0xFFFFFE50]  }
0x285: {  	v3 =	vld [tilespmem:s28+$0xFFFFFF20]  }
0x286: {  	v59 =	vld [tilespmem:s28+$0xFFFFFF30]  }
0x287: {  	v5 =	vld [tilespmem:s14+$0xFFFFFF20]  }
0x288: {  	v60 =	vld [tilespmem:s14+$0xFFFFFF30];
	_ =	sdelay $0x2  }
0x289: {  	v1 =	vadd.f32 v3, v1;
	v2 =	vadd.f32 v59, v2;
	_ =	sdelay $0x1  }
0x28a: {  	v1 =	vmul.f32 v1, v5;
	v2 =	vmul.f32 v2, v60;
	_ =	sdelay $0x1  }
0x28b: {  	v1 =	vadd.f32 v2, v1;
	_ =	sdelay $0x1  }
0x28c: {  	(xrf2) =	vadd.scan.msk.f32 $0xffff, v1;
	_ =	sdelay $0x9  }
0x28d: {  	v1, _, _ =	vpop (xrf2)  }
0x28e: {  	(v2sf) =	vpush v1, $0xF;
	_ =	sdelay $0xe  }
0x28f: {  	s31 =	spop (v2sf)  }
0x290: {  	s5 =	smul.f32 $1.767766920e-01, s31;
	_ =	sdelay $0x1  }
0x291: {  	v1 =	vmov s5  }
0x292: {  	v1 =	vmul.f32 $1.442695020e+00, v1;
	_ =	sdelay $0x1  }
0x293: {  	v1 =	vbroadcast v1, $0x0;
	_ =	sdelay $0x1  }
0x294: {  	(erf) = vpow2.f32 v1;
	_ =	sdelay $0x2  }
0x295: {  	s1 =	sadd.s32 $0xFFFFFFF2, s2;
	v1 =	vld [tilespmem:s3+$0xFFFFFE60]  }
0x296: {  	v61 =	vmov s1;
	v2 =	vld [tilespmem:s3+$0xFFFFFE70]  }
0x297: {  	v5 =	vshrl.u32 v61, $0x3  }
0x298: {  	v5 =	vshll.u32 v5, v0  }
0x299: {  	v5 =	vadd.s32 $0x1, v5  }
0x29a: {  	v1 =	vadd.f32 v1, v3;
	v3 =	vbroadcast v5, $0x0  }
0x29b: {  	v2 =	vadd.f32 v2, v59;
	v62 =	vpop (erf)  }
0x29c: {  	v1 =	vmul.f32 v62, v1  }
0x29d: {  	v2 =	vmul.f32 v62, v2  }
0x29e: {  	[tilespmem:s0+$0xFFFFFF20] =	vst v1  }
0x29f: {  	[tilespmem:s0+$0xFFFFFF30] =	vst v2  }
0x2a0: {  	[tilespmem:v3+s17+$0x0] =	vst.idx.msk $0x1, v62  }
0x2a1: {  	v1 =	vld [tilespmem:s3+$0xFFFFFE80]  }
0x2a2: {  	v2 =	vld [tilespmem:s3+$0xFFFFFE90]  }
0x2a3: {  	v3 =	vld [tilespmem:s28+$0xFFFFFF40]  }
0x2a4: {  	v63 =	vld [tilespmem:s28+$0xFFFFFF50]  }
0x2a5: {  	v5 =	vld [tilespmem:s14+$0xFFFFFF40]  }
0x2a6: {  	v9 =	vld [tilespmem:s14+$0xFFFFFF50];
	_ =	sdelay $0x2  }
0x2a7: {  	v1 =	vadd.f32 v3, v1;
	v2 =	vadd.f32 v63, v2;
	_ =	sdelay $0x1  }
0x2a8: {  	v1 =	vmul.f32 v1, v5;
	v2 =	vmul.f32 v2, v9;
	_ =	sdelay $0x1  }
0x2a9: {  	v1 =	vadd.f32 v2, v1;
	_ =	sdelay $0x1  }
0x2aa: {  	(xrf2) =	vadd.scan.msk.f32 $0xffff, v1;
	_ =	sdelay $0x9  }
0x2ab: {  	v1, _, _ =	vpop (xrf2)  }
0x2ac: {  	(v2sf) =	vpush v1, $0xF;
	_ =	sdelay $0xe  }
0x2ad: {  	s31 =	spop (v2sf)  }
0x2ae: {  	s5 =	smul.f32 $1.767766920e-01, s31;
	_ =	sdelay $0x1  }
0x2af: {  	v1 =	vmov s5  }
0x2b0: {  	v1 =	vmul.f32 $1.442695020e+00, v1;
	_ =	sdelay $0x1  }
0x2b1: {  	v1 =	vbroadcast v1, $0x0;
	_ =	sdelay $0x1  }
0x2b2: {  	(erf) = vpow2.f32 v1;
	_ =	sdelay $0x2  }
0x2b3: {  	s1 =	sadd.s32 $0xFFFFFFF3, s2;
	v1 =	vld [tilespmem:s3+$0xFFFFFEA0]  }
0x2b4: {  	v10 =	vmov s1;
	v2 =	vld [tilespmem:s3+$0xFFFFFEB0]  }
0x2b5: {  	v5 =	vshrl.u32 v10, $0x3  }
0x2b6: {  	v5 =	vshll.u32 v5, v0  }
0x2b7: {  	v5 =	vadd.s32 $0x2, v5  }
0x2b8: {  	v1 =	vadd.f32 v1, v3;
	v3 =	vbroadcast v5, $0x0  }
0x2b9: {  	v2 =	vadd.f32 v2, v63;
	v11 =	vpop (erf)  }
0x2ba: {  	v1 =	vmul.f32 v11, v1  }
0x2bb: {  	v2 =	vmul.f32 v11, v2  }
0x2bc: {  	[tilespmem:s0+$0xFFFFFF40] =	vst v1  }
0x2bd: {  	[tilespmem:s0+$0xFFFFFF50] =	vst v2  }
0x2be: {  	[tilespmem:v3+s17+$0x0] =	vst.idx.msk $0x1, v11  }
0x2bf: {  	v1 =	vld [tilespmem:s3+$0xFFFFFEC0]  }
0x2c0: {  	v2 =	vld [tilespmem:s3+$0xFFFFFED0]  }
0x2c1: {  	v3 =	vld [tilespmem:s28+$0xFFFFFF60]  }
0x2c2: {  	v12 =	vld [tilespmem:s28+$0xFFFFFF70]  }
0x2c3: {  	v5 =	vld [tilespmem:s14+$0xFFFFFF60]  }
0x2c4: {  	v13 =	vld [tilespmem:s14+$0xFFFFFF70];
	_ =	sdelay $0x2  }
0x2c5: {  	v1 =	vadd.f32 v3, v1;
	v2 =	vadd.f32 v12, v2;
	_ =	sdelay $0x1  }
0x2c6: {  	v1 =	vmul.f32 v1, v5;
	v2 =	vmul.f32 v2, v13;
	_ =	sdelay $0x1  }
0x2c7: {  	v1 =	vadd.f32 v2, v1;
	_ =	sdelay $0x1  }
0x2c8: {  	(xrf2) =	vadd.scan.msk.f32 $0xffff, v1;
	_ =	sdelay $0x9  }
0x2c9: {  	v1, _, _ =	vpop (xrf2)  }
0x2ca: {  	(v2sf) =	vpush v1, $0xF;
	_ =	sdelay $0xe  }
0x2cb: {  	s31 =	spop (v2sf)  }
0x2cc: {  	s5 =	smul.f32 $1.767766920e-01, s31;
	_ =	sdelay $0x1  }
0x2cd: {  	v1 =	vmov s5  }
0x2ce: {  	v1 =	vmul.f32 $1.442695020e+00, v1;
	_ =	sdelay $0x1  }
0x2cf: {  	v1 =	vbroadcast v1, $0x0;
	_ =	sdelay $0x1  }
0x2d0: {  	(erf) = vpow2.f32 v1;
	_ =	sdelay $0x2  }
0x2d1: {  	s1 =	sadd.s32 $0xFFFFFFF4, s2;
	v1 =	vld [tilespmem:s3+$0xFFFFFEE0]  }
0x2d2: {  	v14 =	vmov s1;
	v2 =	vld [tilespmem:s3+$0xFFFFFEF0]  }
0x2d3: {  	v5 =	vshrl.u32 v14, $0x3  }
0x2d4: {  	v5 =	vshll.u32 v5, v0  }
0x2d5: {  	v5 =	vadd.s32 $0x3, v5  }
0x2d6: {  	v1 =	vadd.f32 v1, v3;
	v3 =	vbroadcast v5, $0x0  }
0x2d7: {  	v2 =	vadd.f32 v2, v12;
	v15 =	vpop (erf)  }
0x2d8: {  	v1 =	vmul.f32 v15, v1  }
0x2d9: {  	v2 =	vmul.f32 v15, v2  }
0x2da: {  	[tilespmem:s0+$0xFFFFFF60] =	vst v1  }
0x2db: {  	[tilespmem:s0+$0xFFFFFF70] =	vst v2  }
0x2dc: {  	[tilespmem:v3+s17+$0x0] =	vst.idx.msk $0x1, v15  }
0x2dd: {  	v1 =	vld [tilespmem:s3+$0xFFFFFF00]  }
0x2de: {  	v2 =	vld [tilespmem:s3+$0xFFFFFF10]  }
0x2df: {  	v3 =	vld [tilespmem:s28+$0xFFFFFF80]  }
0x2e0: {  	v16 =	vld [tilespmem:s28+$0xFFFFFF90]  }
0x2e1: {  	v5 =	vld [tilespmem:s14+$0xFFFFFF80]  }
0x2e2: {  	v17 =	vld [tilespmem:s14+$0xFFFFFF90];
	_ =	sdelay $0x2  }
0x2e3: {  	v1 =	vadd.f32 v3, v1;
	v2 =	vadd.f32 v16, v2;
	_ =	sdelay $0x1  }
0x2e4: {  	v1 =	vmul.f32 v1, v5;
	v2 =	vmul.f32 v2, v17;
	_ =	sdelay $0x1  }
0x2e5: {  	v1 =	vadd.f32 v2, v1;
	_ =	sdelay $0x1  }
0x2e6: {  	(xrf2) =	vadd.scan.msk.f32 $0xffff, v1;
	_ =	sdelay $0x9  }
0x2e7: {  	v1, _, _ =	vpop (xrf2)  }
0x2e8: {  	(v2sf) =	vpush v1, $0xF;
	_ =	sdelay $0xe  }
0x2e9: {  	s31 =	spop (v2sf)  }
0x2ea: {  	s5 =	smul.f32 $1.767766920e-01, s31;
	_ =	sdelay $0x1  }
0x2eb: {  	v1 =	vmov s5  }
0x2ec: {  	v1 =	vmul.f32 $1.442695020e+00, v1;
	_ =	sdelay $0x1  }
0x2ed: {  	v1 =	vbroadcast v1, $0x0;
	_ =	sdelay $0x1  }
0x2ee: {  	(erf) = vpow2.f32 v1;
	_ =	sdelay $0x2  }
0x2ef: {  	s1 =	sadd.s32 $0xFFFFFFF5, s2;
	v1 =	vld [tilespmem:s3+$0xFFFFFF20]  }
0x2f0: {  	v18 =	vmov s1;
	v2 =	vld [tilespmem:s3+$0xFFFFFF30]  }
0x2f1: {  	v5 =	vshrl.u32 v18, $0x3  }
0x2f2: {  	v5 =	vshll.u32 v5, v0  }
0x2f3: {  	v5 =	vadd.s32 $0x4, v5  }
0x2f4: {  	v1 =	vadd.f32 v1, v3;
	v3 =	vbroadcast v5, $0x0  }
0x2f5: {  	v2 =	vadd.f32 v2, v16;
	v19 =	vpop (erf)  }
0x2f6: {  	v1 =	vmul.f32 v19, v1  }
0x2f7: {  	v2 =	vmul.f32 v19, v2  }
0x2f8: {  	[tilespmem:s0+$0xFFFFFF80] =	vst v1  }
0x2f9: {  	[tilespmem:s0+$0xFFFFFF90] =	vst v2  }
0x2fa: {  	[tilespmem:v3+s17+$0x0] =	vst.idx.msk $0x1, v19  }
0x2fb: {  	v1 =	vld [tilespmem:s3+$0xFFFFFF40]  }
0x2fc: {  	v2 =	vld [tilespmem:s3+$0xFFFFFF50]  }
0x2fd: {  	v3 =	vld [tilespmem:s28+$0xFFFFFFA0]  }
0x2fe: {  	v20 =	vld [tilespmem:s28+$0xFFFFFFB0]  }
0x2ff: {  	v5 =	vld [tilespmem:s14+$0xFFFFFFA0]  }
0x300: {  	v21 =	vld [tilespmem:s14+$0xFFFFFFB0];
	_ =	sdelay $0x2  }
0x301: {  	v1 =	vadd.f32 v3, v1;
	v2 =	vadd.f32 v20, v2;
	_ =	sdelay $0x1  }
0x302: {  	v1 =	vmul.f32 v1, v5;
	v2 =	vmul.f32 v2, v21;
	_ =	sdelay $0x1  }
0x303: {  	v1 =	vadd.f32 v2, v1;
	_ =	sdelay $0x1  }
0x304: {  	(xrf2) =	vadd.scan.msk.f32 $0xffff, v1;
	_ =	sdelay $0x9  }
0x305: {  	v1, _, _ =	vpop (xrf2)  }
0x306: {  	(v2sf) =	vpush v1, $0xF;
	_ =	sdelay $0xe  }
0x307: {  	s31 =	spop (v2sf)  }
0x308: {  	s5 =	smul.f32 $1.767766920e-01, s31;
	_ =	sdelay $0x1  }
0x309: {  	v1 =	vmov s5  }
0x30a: {  	v1 =	vmul.f32 $1.442695020e+00, v1;
	_ =	sdelay $0x1  }
0x30b: {  	v1 =	vbroadcast v1, $0x0;
	_ =	sdelay $0x1  }
0x30c: {  	(erf) = vpow2.f32 v1;
	_ =	sdelay $0x2  }
0x30d: {  	s1 =	sadd.s32 $0xFFFFFFF6, s2;
	v1 =	vld [tilespmem:s3+$0xFFFFFF60]  }
0x30e: {  	v22 =	vmov s1;
	v2 =	vld [tilespmem:s3+$0xFFFFFF70]  }
0x30f: {  	v5 =	vshrl.u32 v22, $0x3  }
0x310: {  	v5 =	vshll.u32 v5, v0  }
0x311: {  	v5 =	vadd.s32 $0x5, v5  }
0x312: {  	v1 =	vadd.f32 v1, v3;
	v3 =	vbroadcast v5, $0x0  }
0x313: {  	v2 =	vadd.f32 v2, v20;
	v23 =	vpop (erf)  }
0x314: {  	v1 =	vmul.f32 v23, v1  }
0x315: {  	v2 =	vmul.f32 v23, v2  }
0x316: {  	[tilespmem:s0+$0xFFFFFFA0] =	vst v1  }
0x317: {  	[tilespmem:s0+$0xFFFFFFB0] =	vst v2  }
0x318: {  	[tilespmem:v3+s17+$0x0] =	vst.idx.msk $0x1, v23  }
0x319: {  	v1 =	vld [tilespmem:s3+$0xFFFFFF80]  }
0x31a: {  	v2 =	vld [tilespmem:s3+$0xFFFFFF90]  }
0x31b: {  	v3 =	vld [tilespmem:s28+$0xFFFFFFC0]  }
0x31c: {  	v24 =	vld [tilespmem:s28+$0xFFFFFFD0]  }
0x31d: {  	v5 =	vld [tilespmem:s14+$0xFFFFFFC0]  }
0x31e: {  	v25 =	vld [tilespmem:s14+$0xFFFFFFD0];
	_ =	sdelay $0x2  }
0x31f: {  	v1 =	vadd.f32 v3, v1;
	v2 =	vadd.f32 v24, v2;
	_ =	sdelay $0x1  }
0x320: {  	v1 =	vmul.f32 v1, v5;
	v2 =	vmul.f32 v2, v25;
	_ =	sdelay $0x1  }
0x321: {  	v1 =	vadd.f32 v2, v1;
	_ =	sdelay $0x1  }
0x322: {  	(xrf2) =	vadd.scan.msk.f32 $0xffff, v1;
	_ =	sdelay $0x9  }
0x323: {  	v1, _, _ =	vpop (xrf2)  }
0x324: {  	(v2sf) =	vpush v1, $0xF;
	_ =	sdelay $0xe  }
0x325: {  	s31 =	spop (v2sf)  }
0x326: {  	s5 =	smul.f32 $1.767766920e-01, s31;
	_ =	sdelay $0x1  }
0x327: {  	v1 =	vmov s5  }
0x328: {  	v1 =	vmul.f32 $1.442695020e+00, v1;
	_ =	sdelay $0x1  }
0x329: {  	v1 =	vbroadcast v1, $0x0;
	_ =	sdelay $0x1  }
0x32a: {  	(erf) = vpow2.f32 v1;
	_ =	sdelay $0x2  }
0x32b: {  	s1 =	sadd.s32 $0xFFFFFFF7, s2;
	v1 =	vld [tilespmem:s3+$0xFFFFFFA0]  }
0x32c: {  	v26 =	vmov s1;
	v2 =	vld [tilespmem:s3+$0xFFFFFFB0]  }
0x32d: {  	v5 =	vshrl.u32 v26, $0x3  }
0x32e: {  	v5 =	vshll.u32 v5, v0  }
0x32f: {  	v5 =	vadd.s32 $0x6, v5  }
0x330: {  	v1 =	vadd.f32 v1, v3;
	v3 =	vbroadcast v5, $0x0  }
0x331: {  	v2 =	vadd.f32 v2, v24;
	v27 =	vpop (erf)  }
0x332: {  	v1 =	vmul.f32 v27, v1  }
0x333: {  	v2 =	vmul.f32 v27, v2  }
0x334: {  	[tilespmem:s0+$0xFFFFFFC0] =	vst v1  }
0x335: {  	[tilespmem:s0+$0xFFFFFFD0] =	vst v2  }
0x336: {  	[tilespmem:v3+s17+$0x0] =	vst.idx.msk $0x1, v27  }
0x337: {  	v1 =	vld [tilespmem:s3+$0xFFFFFFC0]  }
0x338: {  	v2 =	vld [tilespmem:s3+$0xFFFFFFD0]  }
0x339: {  	v3 =	vld [tilespmem:s28+$0xFFFFFFE0]  }
0x33a: {  	v28 =	vld [tilespmem:s28+$0xFFFFFFF0]  }
0x33b: {  	v5 =	vld [tilespmem:s14+$0xFFFFFFE0]  }
0x33c: {  	v29 =	vld [tilespmem:s14+$0xFFFFFFF0];
	_ =	sdelay $0x2  }
0x33d: {  	v1 =	vadd.f32 v3, v1;
	v2 =	vadd.f32 v28, v2;
	_ =	sdelay $0x1  }
0x33e: {  	v1 =	vmul.f32 v1, v5;
	v2 =	vmul.f32 v2, v29;
	_ =	sdelay $0x1  }
0x33f: {  	v1 =	vadd.f32 v2, v1;
	_ =	sdelay $0x1  }
0x340: {  	(xrf2) =	vadd.scan.msk.f32 $0xffff, v1;
	_ =	sdelay $0x9  }
0x341: {  	v1, _, _ =	vpop (xrf2)  }
0x342: {  	(v2sf) =	vpush v1, $0xF;
	_ =	sdelay $0xe  }
0x343: {  	s31 =	spop (v2sf)  }
0x344: {  	s5 =	smul.f32 $1.767766920e-01, s31;
	_ =	sdelay $0x1  }
0x345: {  	v1 =	vmov s5  }
0x346: {  	v1 =	vmul.f32 $1.442695020e+00, v1;
	_ =	sdelay $0x1  }
0x347: {  	v1 =	vbroadcast v1, $0x0;
	_ =	sdelay $0x1  }
0x348: {  	(erf) = vpow2.f32 v1;
	_ =	sdelay $0x2  }
0x349: {  	s1 =	sadd.s32 $0xFFFFFFF8, s2;
	v1 =	vld [tilespmem:s3+$0xFFFFFFE0]  }
0x34a: {  	v30 =	vmov s1;
	v2 =	vld [tilespmem:s3+$0xFFFFFFF0]  }
0x34b: {  	v5 =	vshrl.u32 v30, $0x3  }
0x34c: {  	v5 =	vshll.u32 v5, v0  }
0x34d: {  	v5 =	vadd.s32 $0x7, v5  }
0x34e: {  	v1 =	vadd.f32 v1, v3;
	v3 =	vbroadcast v5, $0x0  }
0x34f: {  	v2 =	vadd.f32 v2, v28;
	v31 =	vpop (erf)  }
0x350: {  	v1 =	vmul.f32 v31, v1  }
0x351: {  	v2 =	vmul.f32 v31, v2  }
0x352: {  	[tilespmem:s0+$0xFFFFFFE0] =	vst v1  }
0x353: {  	[tilespmem:s0+$0xFFFFFFF0] =	vst v2  }
0x354: {  	[tilespmem:v3+s17+$0x0] =	vst.idx.msk $0x1, v31  }
0x355: {  	v1 =	vld [tilespmem:s3+$0x0]  }
0x356: {  	v2 =	vld [tilespmem:s3+$0x10]  }
0x357: {  	v3 =	vld [tilespmem:s28+$0x0]  }
0x358: {  	v32 =	vld [tilespmem:s28+$0x10]  }
0x359: {  	v5 =	vld [tilespmem:s14+$0x0]  }
0x35a: {  	v33 =	vld [tilespmem:s14+$0x10];
	_ =	sdelay $0x2  }
0x35b: {  	v1 =	vadd.f32 v3, v1;
	v2 =	vadd.f32 v32, v2;
	_ =	sdelay $0x1  }
0x35c: {  	v1 =	vmul.f32 v1, v5;
	v2 =	vmul.f32 v2, v33;
	_ =	sdelay $0x1  }
0x35d: {  	v1 =	vadd.f32 v2, v1;
	_ =	sdelay $0x1  }
0x35e: {  	(xrf2) =	vadd.scan.msk.f32 $0xffff, v1;
	_ =	sdelay $0x9  }
0x35f: {  	v1, _, _ =	vpop (xrf2)  }
0x360: {  	(v2sf) =	vpush v1, $0xF;
	_ =	sdelay $0xe  }
0x361: {  	s31 =	spop (v2sf)  }
0x362: {  	s5 =	smul.f32 $1.767766920e-01, s31;
	_ =	sdelay $0x1  }
0x363: {  	v1 =	vmov s5  }
0x364: {  	v1 =	vmul.f32 $1.442695020e+00, v1;
	_ =	sdelay $0x1  }
0x365: {  	v1 =	vbroadcast v1, $0x0;
	_ =	sdelay $0x1  }
0x366: {  	(erf) = vpow2.f32 v1;
	_ =	sdelay $0x2  }
0x367: {  	v1 =	vld [tilespmem:s3+$0x20]  }
0x368: {  	s1 =	sadd.s32 $0xFFFFFFF9, s2;
	v2 =	vld [tilespmem:s3+$0x30]  }
0x369: {  	v34 =	vmov s1  }
0x36a: {  	v5 =	vshrl.u32 v34, $0x3  }
0x36b: {  	v5 =	vshll.u32 v5, v0  }
0x36c: {  	v1 =	vadd.f32 v1, v3;
	v3 =	vbroadcast v5, $0x0  }
0x36d: {  	v2 =	vadd.f32 v2, v32;
	v35 =	vpop (erf)  }
0x36e: {  	v1 =	vmul.f32 v35, v1  }
0x36f: {  	v2 =	vmul.f32 v35, v2  }
0x370: {  	[tilespmem:s0+$0x0] =	vst v1  }
0x371: {  	[tilespmem:s0+$0x10] =	vst v2  }
0x372: {  	[tilespmem:v3+s17+$0x0] =	vst.idx.msk $0x1, v35  }
0x373: {  	v1 =	vld [tilespmem:s3+$0x40]  }
0x374: {  	v2 =	vld [tilespmem:s3+$0x50]  }
0x375: {  	v3 =	vld [tilespmem:s28+$0x20]  }
0x376: {  	v36 =	vld [tilespmem:s28+$0x30]  }
0x377: {  	v5 =	vld [tilespmem:s14+$0x20]  }
0x378: {  	v37 =	vld [tilespmem:s14+$0x30];
	_ =	sdelay $0x2  }
0x379: {  	v1 =	vadd.f32 v3, v1;
	v2 =	vadd.f32 v36, v2;
	_ =	sdelay $0x1  }
0x37a: {  	v1 =	vmul.f32 v1, v5;
	v2 =	vmul.f32 v2, v37;
	_ =	sdelay $0x1  }
0x37b: {  	v1 =	vadd.f32 v2, v1;
	_ =	sdelay $0x1  }
0x37c: {  	(xrf2) =	vadd.scan.msk.f32 $0xffff, v1;
	_ =	sdelay $0x9  }
0x37d: {  	v1, _, _ =	vpop (xrf2)  }
0x37e: {  	(v2sf) =	vpush v1, $0xF;
	_ =	sdelay $0xe  }
0x37f: {  	s31 =	spop (v2sf)  }
0x380: {  	s5 =	smul.f32 $1.767766920e-01, s31;
	_ =	sdelay $0x1  }
0x381: {  	v1 =	vmov s5  }
0x382: {  	v1 =	vmul.f32 $1.442695020e+00, v1;
	_ =	sdelay $0x1  }
0x383: {  	v1 =	vbroadcast v1, $0x0;
	_ =	sdelay $0x1  }
0x384: {  	(erf) = vpow2.f32 v1;
	_ =	sdelay $0x2  }
0x385: {  	s1 =	sadd.s32 $0xFFFFFFFA, s2;
	v1 =	vld [tilespmem:s3+$0x60]  }
0x386: {  	v38 =	vmov s1;
	v2 =	vld [tilespmem:s3+$0x70]  }
0x387: {  	v5 =	vshrl.u32 v38, $0x3  }
0x388: {  	v5 =	vshll.u32 v5, v0  }
0x389: {  	v5 =	vadd.s32 $0x1, v5  }
0x38a: {  	v1 =	vadd.f32 v1, v3;
	v3 =	vbroadcast v5, $0x0  }
0x38b: {  	v2 =	vadd.f32 v2, v36;
	v39 =	vpop (erf)  }
0x38c: {  	v1 =	vmul.f32 v39, v1  }
0x38d: {  	v2 =	vmul.f32 v39, v2  }
0x38e: {  	[tilespmem:s0+$0x20] =	vst v1  }
0x38f: {  	[tilespmem:s0+$0x30] =	vst v2  }
0x390: {  	[tilespmem:v3+s17+$0x0] =	vst.idx.msk $0x1, v39  }
0x391: {  	v1 =	vld [tilespmem:s3+$0x80]  }
0x392: {  	v2 =	vld [tilespmem:s3+$0x90]  }
0x393: {  	v3 =	vld [tilespmem:s28+$0x40]  }
0x394: {  	v40 =	vld [tilespmem:s28+$0x50]  }
0x395: {  	v5 =	vld [tilespmem:s14+$0x40]  }
0x396: {  	v41 =	vld [tilespmem:s14+$0x50];
	_ =	sdelay $0x2  }
0x397: {  	v1 =	vadd.f32 v3, v1;
	v2 =	vadd.f32 v40, v2;
	_ =	sdelay $0x1  }
0x398: {  	v1 =	vmul.f32 v1, v5;
	v2 =	vmul.f32 v2, v41;
	_ =	sdelay $0x1  }
0x399: {  	v1 =	vadd.f32 v2, v1;
	_ =	sdelay $0x1  }
0x39a: {  	(xrf2) =	vadd.scan.msk.f32 $0xffff, v1;
	_ =	sdelay $0x9  }
0x39b: {  	v1, _, _ =	vpop (xrf2)  }
0x39c: {  	(v2sf) =	vpush v1, $0xF;
	_ =	sdelay $0xe  }
0x39d: {  	s31 =	spop (v2sf)  }
0x39e: {  	s5 =	smul.f32 $1.767766920e-01, s31;
	_ =	sdelay $0x1  }
0x39f: {  	v1 =	vmov s5  }
0x3a0: {  	v1 =	vmul.f32 $1.442695020e+00, v1;
	_ =	sdelay $0x1  }
0x3a1: {  	v1 =	vbroadcast v1, $0x0;
	_ =	sdelay $0x1  }
0x3a2: {  	(erf) = vpow2.f32 v1;
	_ =	sdelay $0x2  }
0x3a3: {  	s1 =	sadd.s32 $0xFFFFFFFB, s2;
	v1 =	vld [tilespmem:s3+$0xA0]  }
0x3a4: {  	v42 =	vmov s1;
	v2 =	vld [tilespmem:s3+$0xB0]  }
0x3a5: {  	v5 =	vshrl.u32 v42, $0x3  }
0x3a6: {  	v5 =	vshll.u32 v5, v0  }
0x3a7: {  	v5 =	vadd.s32 $0x2, v5  }
0x3a8: {  	v1 =	vadd.f32 v1, v3;
	v3 =	vbroadcast v5, $0x0  }
0x3a9: {  	v2 =	vadd.f32 v2, v40;
	v43 =	vpop (erf)  }
0x3aa: {  	v1 =	vmul.f32 v43, v1  }
0x3ab: {  	v2 =	vmul.f32 v43, v2  }
0x3ac: {  	[tilespmem:s0+$0x40] =	vst v1  }
0x3ad: {  	[tilespmem:s0+$0x50] =	vst v2  }
0x3ae: {  	[tilespmem:v3+s17+$0x0] =	vst.idx.msk $0x1, v43  }
0x3af: {  	v1 =	vld [tilespmem:s3+$0xC0]  }
0x3b0: {  	v2 =	vld [tilespmem:s3+$0xD0]  }
0x3b1: {  	v3 =	vld [tilespmem:s28+$0x60]  }
0x3b2: {  	v44 =	vld [tilespmem:s28+$0x70]  }
0x3b3: {  	v5 =	vld [tilespmem:s14+$0x60]  }
0x3b4: {  	v45 =	vld [tilespmem:s14+$0x70];
	_ =	sdelay $0x2  }
0x3b5: {  	v1 =	vadd.f32 v3, v1;
	v2 =	vadd.f32 v44, v2;
	_ =	sdelay $0x1  }
0x3b6: {  	v1 =	vmul.f32 v1, v5;
	v2 =	vmul.f32 v2, v45;
	_ =	sdelay $0x1  }
0x3b7: {  	v1 =	vadd.f32 v2, v1;
	_ =	sdelay $0x1  }
0x3b8: {  	(xrf2) =	vadd.scan.msk.f32 $0xffff, v1;
	_ =	sdelay $0x9  }
0x3b9: {  	v1, _, _ =	vpop (xrf2)  }
0x3ba: {  	(v2sf) =	vpush v1, $0xF;
	_ =	sdelay $0xe  }
0x3bb: {  	s31 =	spop (v2sf)  }
0x3bc: {  	s5 =	smul.f32 $1.767766920e-01, s31;
	_ =	sdelay $0x1  }
0x3bd: {  	v1 =	vmov s5  }
0x3be: {  	v1 =	vmul.f32 $1.442695020e+00, v1;
	_ =	sdelay $0x1  }
0x3bf: {  	v1 =	vbroadcast v1, $0x0;
	_ =	sdelay $0x1  }
0x3c0: {  	(erf) = vpow2.f32 v1;
	_ =	sdelay $0x2  }
0x3c1: {  	s1 =	sadd.s32 $0xFFFFFFFC, s2;
	v1 =	vld [tilespmem:s3+$0xE0]  }
0x3c2: {  	v46 =	vmov s1;
	v2 =	vld [tilespmem:s3+$0xF0]  }
0x3c3: {  	v5 =	vshrl.u32 v46, $0x3  }
0x3c4: {  	v5 =	vshll.u32 v5, v0  }
0x3c5: {  	v5 =	vadd.s32 $0x3, v5  }
0x3c6: {  	v1 =	vadd.f32 v1, v3;
	v3 =	vbroadcast v5, $0x0  }
0x3c7: {  	v2 =	vadd.f32 v2, v44;
	v47 =	vpop (erf)  }
0x3c8: {  	v1 =	vmul.f32 v47, v1  }
0x3c9: {  	v2 =	vmul.f32 v47, v2  }
0x3ca: {  	[tilespmem:s0+$0x60] =	vst v1  }
0x3cb: {  	[tilespmem:s0+$0x70] =	vst v2  }
0x3cc: {  	[tilespmem:v3+s17+$0x0] =	vst.idx.msk $0x1, v47  }
0x3cd: {  	v1 =	vld [tilespmem:s3+$0x100]  }
0x3ce: {  	v2 =	vld [tilespmem:s3+$0x110]  }
0x3cf: {  	v3 =	vld [tilespmem:s28+$0x80]  }
0x3d0: {  	v48 =	vld [tilespmem:s28+$0x90]  }
0x3d1: {  	v5 =	vld [tilespmem:s14+$0x80]  }
0x3d2: {  	v49 =	vld [tilespmem:s14+$0x90];
	_ =	sdelay $0x2  }
0x3d3: {  	v1 =	vadd.f32 v3, v1;
	v2 =	vadd.f32 v48, v2;
	_ =	sdelay $0x1  }
0x3d4: {  	v1 =	vmul.f32 v1, v5;
	v2 =	vmul.f32 v2, v49;
	_ =	sdelay $0x1  }
0x3d5: {  	v1 =	vadd.f32 v2, v1;
	_ =	sdelay $0x1  }
0x3d6: {  	(xrf2) =	vadd.scan.msk.f32 $0xffff, v1;
	_ =	sdelay $0x9  }
0x3d7: {  	v1, _, _ =	vpop (xrf2)  }
0x3d8: {  	(v2sf) =	vpush v1, $0xF;
	_ =	sdelay $0xe  }
0x3d9: {  	s31 =	spop (v2sf)  }
0x3da: {  	s5 =	smul.f32 $1.767766920e-01, s31;
	_ =	sdelay $0x1  }
0x3db: {  	v1 =	vmov s5  }
0x3dc: {  	v1 =	vmul.f32 $1.442695020e+00, v1;
	_ =	sdelay $0x1  }
0x3dd: {  	v1 =	vbroadcast v1, $0x0;
	_ =	sdelay $0x1  }
0x3de: {  	(erf) = vpow2.f32 v1;
	_ =	sdelay $0x2  }
0x3df: {  	s1 =	sadd.s32 $0xFFFFFFFD, s2;
	v1 =	vld [tilespmem:s3+$0x120]  }
0x3e0: {  	v50 =	vmov s1;
	v2 =	vld [tilespmem:s3+$0x130]  }
0x3e1: {  	v5 =	vshrl.u32 v50, $0x3  }
0x3e2: {  	v5 =	vshll.u32 v5, v0  }
0x3e3: {  	v5 =	vadd.s32 $0x4, v5  }
0x3e4: {  	v1 =	vadd.f32 v1, v3;
	v3 =	vbroadcast v5, $0x0  }
0x3e5: {  	v2 =	vadd.f32 v2, v48;
	v51 =	vpop (erf)  }
0x3e6: {  	v1 =	vmul.f32 v51, v1  }
0x3e7: {  	v2 =	vmul.f32 v51, v2  }
0x3e8: {  	[tilespmem:s0+$0x80] =	vst v1  }
0x3e9: {  	[tilespmem:s0+$0x90] =	vst v2  }
0x3ea: {  	[tilespmem:v3+s17+$0x0] =	vst.idx.msk $0x1, v51  }
0x3eb: {  	v1 =	vld [tilespmem:s3+$0x140]  }
0x3ec: {  	v2 =	vld [tilespmem:s3+$0x150]  }
0x3ed: {  	v3 =	vld [tilespmem:s28+$0xA0]  }
0x3ee: {  	v52 =	vld [tilespmem:s28+$0xB0]  }
0x3ef: {  	v5 =	vld [tilespmem:s14+$0xA0]  }
0x3f0: {  	v53 =	vld [tilespmem:s14+$0xB0];
	_ =	sdelay $0x2  }
0x3f1: {  	v1 =	vadd.f32 v3, v1;
	v2 =	vadd.f32 v52, v2;
	_ =	sdelay $0x1  }
0x3f2: {  	v1 =	vmul.f32 v1, v5;
	v2 =	vmul.f32 v2, v53;
	_ =	sdelay $0x1  }
0x3f3: {  	v1 =	vadd.f32 v2, v1;
	_ =	sdelay $0x1  }
0x3f4: {  	(xrf2) =	vadd.scan.msk.f32 $0xffff, v1;
	_ =	sdelay $0x9  }
0x3f5: {  	v1, _, _ =	vpop (xrf2)  }
0x3f6: {  	(v2sf) =	vpush v1, $0xF;
	_ =	sdelay $0xe  }
0x3f7: {  	s31 =	spop (v2sf)  }
0x3f8: {  	s5 =	smul.f32 $1.767766920e-01, s31;
	_ =	sdelay $0x1  }
0x3f9: {  	v1 =	vmov s5  }
0x3fa: {  	v1 =	vmul.f32 $1.442695020e+00, v1;
	_ =	sdelay $0x1  }
0x3fb: {  	v1 =	vbroadcast v1, $0x0;
	_ =	sdelay $0x1  }
0x3fc: {  	(erf) = vpow2.f32 v1;
	_ =	sdelay $0x2  }
0x3fd: {  	s1 =	sadd.s32 $0xFFFFFFFE, s2;
	v1 =	vld [tilespmem:s3+$0x160]  }
0x3fe: {  	v54 =	vmov s1;
	v2 =	vld [tilespmem:s3+$0x170]  }
0x3ff: {  	v5 =	vshrl.u32 v54, $0x3  }
0x400: {  	v5 =	vshll.u32 v5, v0  }
0x401: {  	v5 =	vadd.s32 $0x5, v5  }
0x402: {  	v1 =	vadd.f32 v1, v3;
	v3 =	vbroadcast v5, $0x0  }
0x403: {  	v2 =	vadd.f32 v2, v52;
	v55 =	vpop (erf)  }
0x404: {  	v1 =	vmul.f32 v55, v1  }
0x405: {  	v2 =	vmul.f32 v55, v2  }
0x406: {  	[tilespmem:s0+$0xA0] =	vst v1  }
0x407: {  	[tilespmem:s0+$0xB0] =	vst v2  }
0x408: {  	[tilespmem:v3+s17+$0x0] =	vst.idx.msk $0x1, v55  }
0x409: {  	v1 =	vld [tilespmem:s3+$0x180]  }
0x40a: {  	v2 =	vld [tilespmem:s3+$0x190]  }
0x40b: {  	v3 =	vld [tilespmem:s28+$0xC0]  }
0x40c: {  	v56 =	vld [tilespmem:s28+$0xD0]  }
0x40d: {  	v5 =	vld [tilespmem:s14+$0xC0]  }
0x40e: {  	v57 =	vld [tilespmem:s14+$0xD0];
	_ =	sdelay $0x2  }
0x40f: {  	v1 =	vadd.f32 v3, v1;
	v2 =	vadd.f32 v56, v2;
	_ =	sdelay $0x1  }
0x410: {  	v1 =	vmul.f32 v1, v5;
	v2 =	vmul.f32 v2, v57;
	_ =	sdelay $0x1  }
0x411: {  	v1 =	vadd.f32 v2, v1;
	_ =	sdelay $0x1  }
0x412: {  	(xrf2) =	vadd.scan.msk.f32 $0xffff, v1;
	_ =	sdelay $0x9  }
0x413: {  	v1, _, _ =	vpop (xrf2)  }
0x414: {  	(v2sf) =	vpush v1, $0xF;
	_ =	sdelay $0xe  }
0x415: {  	s31 =	spop (v2sf)  }
0x416: {  	s5 =	smul.f32 $1.767766920e-01, s31;
	_ =	sdelay $0x1  }
0x417: {  	v1 =	vmov s5  }
0x418: {  	v1 =	vmul.f32 $1.442695020e+00, v1;
	_ =	sdelay $0x1  }
0x419: {  	v1 =	vbroadcast v1, $0x0;
	_ =	sdelay $0x1  }
0x41a: {  	(erf) = vpow2.f32 v1;
	_ =	sdelay $0x2  }
0x41b: {  	s1 =	sadd.s32 $0xFFFFFFFF, s2;
	v1 =	vld [tilespmem:s3+$0x1A0]  }
0x41c: {  	v58 =	vmov s1;
	v2 =	vld [tilespmem:s3+$0x1B0]  }
0x41d: {  	v5 =	vshrl.u32 v58, $0x3  }
0x41e: {  	v5 =	vshll.u32 v5, v0  }
0x41f: {  	v5 =	vadd.s32 $0x6, v5  }
0x420: {  	v1 =	vadd.f32 v1, v3;
	v3 =	vbroadcast v5, $0x0  }
0x421: {  	v2 =	vadd.f32 v2, v56;
	v59 =	vpop (erf)  }
0x422: {  	v1 =	vmul.f32 v59, v1  }
0x423: {  	v2 =	vmul.f32 v59, v2  }
0x424: {  	[tilespmem:s0+$0xC0] =	vst v1  }
0x425: {  	[tilespmem:s0+$0xD0] =	vst v2  }
0x426: {  	[tilespmem:v3+s17+$0x0] =	vst.idx.msk $0x1, v59  }
0x427: {  	v1 =	vld [tilespmem:s3+$0x1C0]  }
0x428: {  	v2 =	vld [tilespmem:s3+$0x1D0]  }
0x429: {  	v3 =	vld [tilespmem:s28+$0xE0]  }
0x42a: {  	v60 =	vld [tilespmem:s28+$0xF0]  }
0x42b: {  	v5 =	vld [tilespmem:s14+$0xE0]  }
0x42c: {  	v61 =	vld [tilespmem:s14+$0xF0];
	_ =	sdelay $0x2  }
0x42d: {  	v1 =	vadd.f32 v3, v1;
	v2 =	vadd.f32 v60, v2;
	_ =	sdelay $0x1  }
0x42e: {  	v1 =	vmul.f32 v1, v5;
	v2 =	vmul.f32 v2, v61;
	_ =	sdelay $0x1  }
0x42f: {  	v1 =	vadd.f32 v2, v1;
	_ =	sdelay $0x1  }
0x430: {  	(xrf2) =	vadd.scan.msk.f32 $0xffff, v1;
	_ =	sdelay $0x9  }
0x431: {  	v1, _, _ =	vpop (xrf2)  }
0x432: {  	(v2sf) =	vpush v1, $0xF;
	_ =	sdelay $0xe  }
0x433: {  	s31 =	spop (v2sf)  }
0x434: {  	s5 =	smul.f32 $1.767766920e-01, s31;
	_ =	sdelay $0x1  }
0x435: {  	v1 =	vmov s5  }
0x436: {  	v1 =	vmul.f32 $1.442695020e+00, v1;
	_ =	sdelay $0x1  }
0x437: {  	v1 =	vbroadcast v1, $0x0;
	_ =	sdelay $0x1  }
0x438: {  	(erf) = vpow2.f32 v1;
	_ =	sdelay $0x2  }
0x439: {  	v1 =	vld [tilespmem:s3+$0x1E0]  }
0x43a: {  	v62 =	vmov s2;
	v2 =	vld [tilespmem:s3+$0x1F0]  }
0x43b: {  	v5 =	vshrl.u32 v62, $0x3  }
0x43c: {  	v5 =	vshll.u32 v5, v0  }
0x43d: {  	v5 =	vadd.s32 $0x7, v5  }
0x43e: {  	v1 =	vadd.f32 v1, v3;
	v3 =	vbroadcast v5, $0x0  }
0x43f: {  	p1 =	sne.s32 s2, $0x7F;
	v2 =	vadd.f32 v2, v60;
	v63 =	vpop (erf)  }
.Ltmp2:
0x440: {  	v1 =	vmul.f32 v63, v1;
	(pc) =	sbr.rel @p1 .LBB2_7-.Ltmp2, $4  }
0x441: {  	v2 =	vmul.f32 v63, v2  }
0x442: {  	[tilespmem:s0+$0xE0] =	vst v1  }
0x443: {  	s2 =	sadd.s32 $0x10, s2;
	s14 =	sadd.s32 $0x200, s14;
	[tilespmem:s0+$0xF0] =	vst v2  }
0x444: {  	s28 =	sadd.s32 $0x200, s28;
	s3 =	sadd.s32 $0x400, s3;
	s0 =	sadd.s32 $0x200, s0;
	[tilespmem:v3+s17+$0x0] =	vst.idx.msk $0x1, v63  }
0x445: {  	s0 =	simm.s32 $0x4300  }
0x446: {  	[spmem:s30] =	stream.indirect.scatter.add.f32 [tilespmem:s0], [sflag:$0x3], $0x20, s13, s29, $0xb8;
	[tilespmem:$0x1F840] =	vst v63  }
0x447: {  	s0 =	simm.s32 @!p0 $0x2  }
0x448: {  	[spmem:s18] =	stream.indirect.scatter.add.f32 [tilespmem:s17], [sflag:$0x3], $0x1, s13, s29, $0xb8;
	[tilespmem:$0x1F840] =	vst v63  }
0x449: {  	_ =	swait.ge @!p0 [sflag:s0], $0x80  }
0x44a: {  	[sflag:s0] =	ssyncset.done @!p0 $0x0  }
0x44b: {  	p1 =	sne.s32 @!p0 s21, $0xC4;
	[sflag:s0] =	ssyncadd.s32 @!p0 $0xFFFFFF80  }
0x44c: {  	p1 =	por p0, !p1;
	_ =	swait.ge @!p0 [sflag:s0], $0x80  }
.Ltmp3:
0x44d: {  	[sflag:s0] =	ssyncset.done @!p0 $0x0;
	(pc) =	sbr.rel @!p1 .LBB2_4-.Ltmp3, $4  }
0x44e: {  	[sflag:s0] =	ssyncadd.s32 @!p0 $0xFFFFFF80  }
0x44f: {  	_ =	swait.ge @!p0 [sflag:s0], $0x80  }
0x450: {  	[sflag:s0] =	ssyncset.done @!p0 $0x0  }
0x451: {  	[sflag:s0] =	ssyncadd.s32 @!p0 $0xFFFFFF80  }
0x452: {  	_ =	swait.ge [sflag:s23], $0x1000  }
0x453: {  	[sflag:s23] =	ssyncset.done $0x0  }
0x454: {  	[sflag:s23] =	ssyncadd.s32 $0xFFFFF000  }
0x455: {  	_ =	swait.ge [sflag:s23], $0x80  }
0x456: {  	[sflag:s23] =	ssyncset.done $0x0  }
0x457: {  	[sflag:s23] =	ssyncadd.s32 $0xFFFFFF80  }
0x458: {  	[bflag:$0x0] =	sbarrier.arrive $0xFFFF  }
0x459: {  	s1 =	rddreg [dreg:$0xb]  }
0x45a: {  	[tilespmem:s24], [sflag:$0x4] =	stream.linear.gather [spmem:s1], $0x1100, $0x38;
	[tilespmem:$0x1F840] =	vst v63  }
0x45b: {  	_ =	swait.ge [sflag:s25], $0x1100  }
0x45c: {  	[sflag:s25] =	ssyncset.done $0x0  }
0x45d: {  	s0 =	sadd.s32 $0x0, s22;
	[sflag:s25] =	ssyncadd.s32 $0xFFFFEF00  }
0x45e: {  	[hbm4b:s0+s4] =	stream.linear.scatter [tilespmem:s24], [sflag:$0x4], $0x1100, $0x38;
	[tilespmem:$0x1F840] =	vst v63  }
0x45f: {  	_ =	swait.ge [sflag:s25], $0x1100  }
0x460: {  	[sflag:s25] =	ssyncset.done $0x0  }
0x461: {  	s31 =	sadd.s32 $0x0, s20;
	[sflag:s25] =	ssyncadd.s32 $0xFFFFEF00  }
0x462: {  	[tilespmem:s26], [sflag:$0x4] =	stream.linear.gather [spmem:s31], $0x88, $0x38;
	[tilespmem:$0x1F840] =	vst v63  }
0x463: {  	_ =	swait.ge [sflag:s25], $0x88  }
0x464: {  	[sflag:s25] =	ssyncset.done $0x0  }
0x465: {  	s2 =	rddreg [dreg:$0xc];
	[sflag:s25] =	ssyncadd.s32 $0xFFFFFF78  }
0x466: {  	[hbm4b:s2+s4] =	stream.linear.scatter [tilespmem:s26], [sflag:$0x4], $0x88, $0x38;
	[tilespmem:$0x1F840] =	vst v63  }
0x467: {  	_ =	swait.ge [sflag:s25], $0x88  }
0x468: {  	s3 =	smov.u32 s1;
	s0 =	simm.s32 $0x220;
	[sflag:s25] =	ssyncset.done $0x0  }
.LBB2_10:
0x469: {  	[sflag:s25] =	ssyncadd.s32 $0xFFFFFF78  }
0x46a: {  	s2 =	sadd.s32 $0x11, s2;
	s3 =	sadd.s32 $0x1100, s3;
	s5 =	smov.u32 s0  }
0x46b: {  	[tilespmem:s24], [sflag:$0x4] =	stream.linear.gather [spmem:s3], $0x1100, $0x38;
	[tilespmem:$0x1F840] =	vst v63  }
0x46c: {  	p0 =	sne.s32 s0, $0x2EC0;
	s0 =	sadd.s32 $0x220, s0;
	_ =	swait.ge [sflag:s25], $0x1100  }
0x46d: {  	[sflag:s25] =	ssyncset.done $0x0  }
0x46e: {  	s14 =	sadd.s32 s5, s22;
	[sflag:s25] =	ssyncadd.s32 $0xFFFFEF00  }
0x46f: {  	[hbm4b:s14+s4] =	stream.linear.scatter [tilespmem:s24], [sflag:$0x4], $0x1100, $0x38;
	[tilespmem:$0x1F840] =	vst v63  }
0x470: {  	_ =	swait.ge [sflag:s25], $0x1100  }
0x471: {  	s5 =	sshra.s32 s5, $0x2;
	[sflag:s25] =	ssyncset.done $0x0  }
0x472: {  	s5 =	sadd.s32 s5, s20;
	[sflag:s25] =	ssyncadd.s32 $0xFFFFEF00  }
0x473: {  	[tilespmem:s26], [sflag:$0x4] =	stream.linear.gather [spmem:s5], $0x88, $0x38;
	[tilespmem:$0x1F840] =	vst v63  }
0x474: {  	_ =	swait.ge [sflag:s25], $0x88  }
.Ltmp4:
0x475: {  	[sflag:s25] =	ssyncset.done $0x0;
	(pc) =	sbr.rel @p0 .LBB2_10-.Ltmp4, $4  }
0x476: {  	[sflag:s25] =	ssyncadd.s32 $0xFFFFFF78  }
0x477: {  	[hbm4b:s2+s4] =	stream.linear.scatter [tilespmem:s26], [sflag:$0x4], $0x88, $0x38;
	[tilespmem:$0x1F840] =	vst v63  }
0x478: {  	_ =	swait.ge [sflag:s25], $0x88  }
0x479: {  	[sflag:s25] =	ssyncset.done $0x0  }
0x47a: {  	s2 =	rddreg [dreg:$0xd]  }
0x47b: {  	s0 =	rddreg [dreg:$0xa];
	s2 =	sadd.s32 $0x1, s2  }
0x47c: {  	p0 =	sne.s32 s2, s0  }
.Ltmp5:
0x47d: {  	_ = 	snop;
	(pc) =	sbr.rel @p0 .LBB2_1-.Ltmp5, $2  }
0x47e: {  	_ =	sdelay $0x2  }
0x47f: {  	[sflag:s25] =	ssyncadd.s32 $0xFFFFFF78  }
0x480: {  	_ =	sfence.sel $0x180000  }
0x481: {  	[bflag:$0x0] =	sbarrier.arrive $0xFFFF  }
0x482: {  	_ =	strace $0x9000004A  }
0x483: {  	s0 =	stileid.u32;
	[bflag:$0x2] =	sbarrier.arrive $0xFFFF  }
0x484: {  	p0 =	sne.s32 s0, $0x0;
	s0 =	rddreg [dreg:$0x4]  }
0x485: {  	s0 =	sadd.s32 @!p0 $0x100000, s0  }
0x486: {  	[sflag:s0] =	ssyncadd.tile.s32 @!p0 $0x1;
	_ =	shalt  }
.Lfunc_end2:
_tile_overlayer_lowered:
.L_overlay_start_2:
0x487: {  	(tag) =	ssettag $0x2  }
0x488: {  	s0 =	rddreg [dreg:$0x0];
	s2 =	stileid.u32  }
0x489: {  	s1 =	rddreg [dreg:$0x1];
	p0 =	sne.s32 s2, $0x0  }
0x48a: {  	s3 =	rddreg [dreg:$0x2];
	[bflag:$0x3] =	sbarrier.arrive $0xFFFF;
	s2 =	simm.s32 @!p0 $0x1C04  }
0x48b: {  	[timem:s3], [sflag:s2] =	dma.local @!p0 [hbm:s0], s1  }
0x48c: {  	s0 =	simm.s32 @!p0 $0x4  }
0x48d: {  	_ =	swait.ge @!p0 [sflag:s0], s1  }
0x48e: {  	s1 =	ssub.s32 @!p0 $0x0, s1;
	[sflag:s0] =	ssyncset.done @!p0 $0x0  }
0x48f: {  	[sflag:s0] =	ssyncadd.s32 @!p0 s1  }
0x490: {  	[bflag:$0x3] =	sbarrier.arrive $0xFFFF  }
0x491: {  	_ =	shalt  }

// kernel: kernel.14.cloned.1.call-start
scs
__scs_entry_jumppad:
0x0: {  	(pc) =	sbr.rel $0x88, $3  }
0x1: {  	(tag) =	ssettag $0x0;
	lr =	simm.s32 $0x1  }
0x2: {  	[smem:$0x3F87] =	sst lr;
	_ =	strace $0xD0000000  }
0x3: {  	_ = 	snop  }
0x4: {  	_ = 	snop  }
0x5: {  	_ = 	snop  }
0x6: {  	_ = 	snop  }
0x7: {  	_ = 	snop  }
__scs_overlays_trampoline_lowered:
0x8: {  	[smem:$0x3F96] =	sst s0  }
0x9: {  	[smem:$0x3F97] =	sst s1  }
0xa: {  	[smem:$0x3F98] =	sst s2  }
0xb: {  	[smem:$0x3F99] =	sst s3  }
0xc: {  	[smem:$0x3F9A] =	sst s4  }
0xd: {  	[smem:$0x3F9B] =	sst s5  }
0xe: {  	[smem:$0x3F9C] =	sst s6  }
0xf: {  	[smem:$0x3F9D] =	sst s7  }
0x10: {  	[smem:$0x3F9E] =	sst s8  }
0x11: {  	[smem:$0x3F9F] =	sst s9;
	s0 =	simm.s32 @!p0 $0x0  }
0x12: {  	s1 =	sld [smem:$0x3F85];
	s0 =	simm.s32 @p0 $0x1  }
0x13: {  	[smem:$0x3FA0] =	sst s0;
	s0 =	simm.s32 @!p1 $0x0  }
0x14: {  	s2 =	sld [smem:$0x3F84];
	s0 =	simm.s32 @p1 $0x1  }
0x15: {  	[smem:$0x3FA1] =	sst s0;
	s0 =	simm.s32 @!p2 $0x0  }
0x16: {  	s3 =	sld [smem:$0x3FDB];
	s0 =	simm.s32 @p2 $0x1  }
0x17: {  	s4 =	simm.s32 $0x1BF5;
	[smem:$0x3FA3] =	sst s0  }
0x18: {  	s0 =	sld [smem:$0x3F86];
	_ =	swait.ge [sflag:s4], $0x0  }
0x19: {  	s7 =	sld [smem:$0x3F87]  }
0x1a: {  	s8 =	sadd.s32 $0xFFFFE003, lr  }
0x1b: {  	s9 =	sadd.s32 $0xFFFFFEF7, lr;
	s5 =	simm.s32 $0xFFFFFFFF;
	p2 =	slt.u32 s8, $0xFFFFF086  }
0x1c: {  	p1 =	slt.u32 s9, $0xF7A;
	s5 =	simm.s32 @!p2 $0x0  }
0x1d: {  	s5 =	simm.s32 @p1 $0x1;
	p0 =	seq.s32 s7, s2  }
0x1e: {  	s7 =	smul.u32 @!p0 $0xF7A, s2;
	p2 =	seq.s32 @!p0 s5, $0x0  }
0x1f: {  	s9 =	smul.u32 $0xF7A, s1;
	s8 =	simm.s32 @!p0 $0x1BF5;
	p2 =	por !p2, p0  }
0x20: {  	[sflag:s8] =	ssyncset.s32 @!p0 $0xFFFFF086;
	s6 =	sadd.s32 @!p0 s3, s7;
	s7 =	simm.s32 @!p0 $0x108  }
0x21: {  	s3 =	sadd.s32 s3, s9;
	s6 =	sadd.s32 @!p0 $0x88, s6;
	s7 =	simm.s32 @p2 $0x1082  }
0x22: {  	[simem:s7], [sflag:s8] =	dma.local @!p0 [hbm:s6], $0xF7A  }
0x23: {  	s9 =	sor.u32 $0xD0000000, s2;
	s6 =	simm.s32 $0x108;
	_ =	swait.ge @!p0 [sflag:s8], $0x0  }
0x24: {  	s3 =	sadd.s32 $0x88, s3;
	s6 =	simm.s32 @!p1 $0x1082;
	[sflag:s4] =	ssyncset.s32 $0xFFFFF086  }
0x25: {  	[simem:s6], [sflag:s4] =	dma.local [hbm:s3], $0xF7A  }
0x26: {  	[smem:$0x3F87] =	sst s1;
	(tag) =	ssettag s2;
	_ =	strace s9  }
0x27: {  	s1 =	sld [smem:$0x3F97]  }
0x28: {  	s2 =	sld [smem:$0x3F98]  }
0x29: {  	s4 =	sld [smem:$0x3F9A]  }
0x2a: {  	p0 =	seq.s32 s5, $0x0;
	s5 =	sld [smem:$0x3F9B]  }
0x2b: {  	s6 =	sld [smem:$0x3F9C]  }
0x2c: {  	s7 =	sld [smem:$0x3F9D]  }
0x2d: {  	s3 =	simm.s32 $0x108;
	s8 =	sld [smem:$0x3F9E]  }
0x2e: {  	s3 =	simm.s32 @!p0 $0x1082;
	s9 =	sld [smem:$0x3F9F]  }
0x2f: {  	lr =	sadd.s32 s0, s3;
	s0 =	sld [smem:$0x3F96]  }
0x30: {  	s3 =	sld [smem:$0x3F99]  }
0x31: {  	[smem:$0x3FA2] =	sst s10  }
0x32: {  	s10 =	sld [smem:$0x3FA0];
	_ =	sdelay $0x3  }
0x33: {  	p0 =	seq.s32 s10, $0x1;
	s10 =	sld [smem:$0x3FA2];
	_ =	sdelay $0x3  }
0x34: {  	[smem:$0x3FA2] =	sst s10  }
0x35: {  	s10 =	sld [smem:$0x3FA1];
	_ =	sdelay $0x3  }
0x36: {  	p1 =	seq.s32 s10, $0x1;
	s10 =	sld [smem:$0x3FA2];
	_ =	sdelay $0x3  }
0x37: {  	[smem:$0x3FA2] =	sst s10  }
0x38: {  	s10 =	sld [smem:$0x3FA3]  }
0x39: {  	_ = 	snop;
	(pc) =	sbr.ind lr, $3  }
0x3a: {  	_ = 	snop  }
0x3b: {  	_ = 	snop  }
0x3c: {  	p2 =	seq.s32 s10, $0x1;
	s10 =	sld [smem:$0x3FA2]  }
0x3d: {  	_ =	shalt  }
0x3e: {  	_ =	shalt  }
0x3f: {  	_ =	shalt  }
0x40: {  	_ =	shalt  }
0x41: {  	_ =	shalt  }
0x42: {  	_ =	shalt  }
0x43: {  	_ =	shalt  }
0x44: {  	_ =	shalt  }
0x45: {  	_ =	shalt  }
0x46: {  	_ =	shalt  }
0x47: {  	_ =	shalt  }
0x48: {  	_ =	shalt  }
0x49: {  	_ =	shalt  }
0x4a: {  	_ =	shalt  }
0x4b: {  	_ =	shalt  }
0x4c: {  	_ =	shalt  }
0x4d: {  	_ =	shalt  }
0x4e: {  	_ =	shalt  }
0x4f: {  	_ =	shalt  }
0x50: {  	_ =	shalt  }
0x51: {  	_ =	shalt  }
0x52: {  	_ =	shalt  }
0x53: {  	_ =	shalt  }
0x54: {  	_ =	shalt  }
0x55: {  	_ =	shalt  }
0x56: {  	_ =	shalt  }
0x57: {  	_ =	shalt  }
0x58: {  	_ =	shalt  }
0x59: {  	_ =	shalt  }
0x5a: {  	_ =	shalt  }
0x5b: {  	_ =	shalt  }
0x5c: {  	_ =	shalt  }
0x5d: {  	_ =	shalt  }
0x5e: {  	_ =	shalt  }
0x5f: {  	_ =	shalt  }
0x60: {  	_ =	shalt  }
0x61: {  	_ =	shalt  }
0x62: {  	_ =	shalt  }
0x63: {  	_ =	shalt  }
0x64: {  	_ =	shalt  }
0x65: {  	_ =	shalt  }
0x66: {  	_ =	shalt  }
0x67: {  	_ =	shalt  }
0x68: {  	_ =	shalt  }
0x69: {  	_ =	shalt  }
0x6a: {  	_ =	shalt  }
0x6b: {  	_ =	shalt  }
0x6c: {  	_ =	shalt  }
0x6d: {  	_ =	shalt  }
0x6e: {  	_ =	shalt  }
0x6f: {  	_ =	shalt  }
0x70: {  	_ =	shalt  }
0x71: {  	_ =	shalt  }
0x72: {  	_ =	shalt  }
0x73: {  	_ =	shalt  }
0x74: {  	_ =	shalt  }
0x75: {  	_ =	shalt  }
0x76: {  	_ =	shalt  }
0x77: {  	_ =	shalt  }
0x78: {  	_ =	shalt  }
0x79: {  	_ =	shalt  }
0x7a: {  	_ =	shalt  }
0x7b: {  	_ =	shalt  }
0x7c: {  	_ =	shalt  }
0x7d: {  	_ =	shalt  }
0x7e: {  	_ =	shalt  }
0x7f: {  	_ =	shalt  }
0x80: {  	_ =	shalt  }
0x81: {  	_ =	shalt  }
0x82: {  	_ =	shalt  }
0x83: {  	_ =	shalt  }
0x84: {  	_ =	shalt  }
0x85: {  	_ =	shalt  }
0x86: {  	_ =	shalt  }
0x87: {  	_ =	shalt  }
.Lfunc_end0:
.L_simem_size_0:
called_computation.2_lowered:
.L_overlay_start_0:
0x88: {  	s2 =	sld [smem:$0x3FD9]  }
0x89: {  	s3 =	sld [smem:$0x3FFE];
	_ =	sdelay $0x1  }
0x8a: {  	s1 =	srdreg.scid  }
0x8b: {  	s0 =	sand.u32 $0x1, s1  }
0x8c: {  	s16 =	sshll.u32 s0, $0xA;
	s2 =	sadd.s32 s3, s2  }
0x8d: {  	s2 =	sadd.s32 s2, s16  }
0x8e: {  	[smem:$0x3FAE] =	sst s2  }
0x8f: {  	_ = 	snop  }
0x90: {  	(tm) =	ssettm $0x1  }
0x91: {  	s17 =	sld [smem:$0x3FFB];
	_ =	sdelay $0x3  }
0x92: {  	_ =	strace s17  }
0x93: {  	s2 =	sld [smem:$0x3FFC];
	_ =	sdelay $0x3  }
0x94: {  	_ =	strace s2  }
0x95: {  	s2 =	sld [smem:$0x3FFD];
	_ =	sdelay $0x3  }
0x96: {  	_ =	strace s2  }
0x97: {  	_ =	strace $0x8FFFFFFF  }
0x98: {  	s18 =	sld [smem:$0x3FDB];
	_ =	sdelay $0x1  }
0x99: {  	s19 =	simm.s32 $_scs_section_size  }
0x9a: {  	s4 =	simm.s32 $_size__tile_overlayer_lowered;
	s5 =	simm.s32 $_tile_overlayer_lowered  }
0x9b: {  	s22 =	simm.s32 $0x1BFF;
	s21 =	sshll.u32 s5, $0x1;
	s2 =	sadd.s32 s19, s18  }
0x9c: {  	s6 =	simm.s32 $0x0;
	s20 =	sshll.u32 s4, $0x1;
	s4 =	sadd.s32 s21, s2  }
0x9d: {  	[timem:s6], [sflag:s22] =	dma.local [hbm:s4], s20  }
0x9e: {  	_ =	swait.ge [sflag:s22], s20  }
0x9f: {  	s3 =	ssub.s32 $0x0, s20;
	[sflag:s22] =	ssyncset.done $0x0  }
0xa0: {  	[sflag:s22] =	ssyncadd.s32 s3;
	_ =	sdelay $0x1  }
0xa1: {  	s23 =	simm.s32 $0x1B8B  }
0xa2: {  	_ =	swait.ge [sflag:s23], $0x1  }
0xa3: {  	[sflag:s23] =	ssyncset.done $0x0  }
0xa4: {  	s25 =	simm.s32 $0x1B8E;
	s24 =	sld [smem:$0x3FFE];
	[sflag:s23] =	ssyncadd.s32 $0xFFFFFFFF  }
0xa5: {  	s26 =	simm.s32 $execute0_lowered;
	[smem:$0x3FD2] =	sst s25  }
0xa6: {  	s4 =	sshll.u32 s26, $0x1;
	_ =	strace $0x8000004C;
	[dreg:$0x1] =	wrdreg $0xFFFFFFFF  }
0xa7: {  	s28 =	simm.s32 $_size_execute0_lowered;
	s2 =	sadd.s32 s2, s4;
	[dreg:$0x0] =	wrdreg $0x0  }
0xa8: {  	s4 =	sshll.u32 s28, $0x1;
	[dreg:$0x2] =	wrdreg s2  }
0xa9: {  	[dreg:$0x3] =	wrdreg s4  }
0xaa: {  	[dreg:$0x4] =	wrdreg $0xC0  }
0xab: {  	_ =	task [dreg:s6], $0x5FFFF  }
0xac: {  	[dreg:$0x1] =	wrdreg $0xFFFFFFFF  }
0xad: {  	[dreg:$0x0] =	wrdreg $0x60  }
0xae: {  	[dreg:$0x2] =	wrdreg s24  }
0xaf: {  	[dreg:$0x3] =	wrdreg $0x9  }
0xb0: {  	_ =	task.clear_ibuf [dreg:s6], $0x4FFFF;
	_ =	strace $0x9000004C  }
0xb1: {  	s29 =	simm.s32 $0x9;
	_ =	strace $0x8000004E  }
0xb2: {  	_ =	swait.ge [sflag:s29], $0x1  }
0xb3: {  	[sflag:s29] =	ssyncadd.s32 $0xFFFFFFFF  }
0xb4: {  	_ =	strace $0x9000004E  }
0xb5: {  	_ =	sfence  }
0xb6: {  	s30 =	sld [smem:$0x0];
	_ =	sdelay $0x2  }
0xb7: {  	s31 =	sshll.u32 s1, $0xD;
	s1 =	sshrl.u32 s1, $0x2  }
0xb8: {  	s3 =	sand.u32 $0x4000, s31;
	s1 =	sadd.s32 s1, s30  }
0xb9: {  	s0 =	sor.u32 s3, s0;
	s1 =	sshll.u32 s1, $0x11  }
0xba: {  	s0 =	sor.u32 s1, s0  }
0xbb: {  	s0 =	sadd.s32 $0x8F2B, s0  }
0xbc: {  	[sflag:s0] =	ssyncadd.remote.s32 $0x1  }
0xbd: {  	_ =	sfence.sel $0xFFFF  }
0xbe: {  	[dreg:$0x0] =	wrdreg $0xFFFFFFFF;
	(pc) =	sbr.abs _section_cstart, $3  }
0xbf: {  	[dreg:$0x1] =	wrdreg $0xFFFFFFFF  }
0xc0: {  	_ =	task.clear_ibuf [dreg:s6], $0x2FFFF;
	_ =	strace $0x9FFFFFFF  }
0xc1: {  	(tm) =	ssettm $0x7FFFFFFF  }
tec
execute0_lowered:
.L_overlay_start_1:
0x0: {  	(tag) =	ssettag $0x1  }
0x1: {  	s1 =	srdreg.scid  }
0x2: {  	s0 =	stileid.u32;
	s7 =	rddreg [dreg:$0x0];
	s2 =	simm.s32 $0x0  }
0x3: {  	s15 =	simm.s32 $0x100;
	s16 =	simm.s32 $0x1100;
	s17 =	simm.s32 $0x2100  }
0x4: {  	s18 =	simm.s32 $0x2180;
	s19 =	simm.s32 $0x2200;
	s3 =	smul.u32 $0x300, s0  }
0x5: {  	s20 =	simm.s32 $0x1;
	s21 =	simm.s32 $0x0;
	s8 =	smul.u32 $0xC00, s0  }
0x6: {  	s6 =	sand.u32 $0x1, s1;
	s1 =	rddreg [dreg:$0x1];
	s9 =	smul.u32 $0x1800, s0  }
0x7: {  	[smem:$0x7FF] =	sst s2;
	s5 =	sadd.s32 $0x9CA00, s7;
	s4 =	smul.u32 $0x180, s6  }
0x8: {  	_ =	strace $0x8000004D;
	s10 =	ssub.s32 $0x2, s6;
	s11 =	smul.u32 $0xC00, s6  }
0x9: {  	s14 =	smul.u32 $0x600, s6;
	s13 =	sshrl.u32 s10, $0x1;
	s8 =	sadd.s32 s8, s7  }
0xa: {  	s3 =	sadd.s32 s4, s3;
	s4 =	sadd.s32 $0x99800, s7;
	s30 =	ssub.s32 s10, s13  }
0xb: {  	s31 =	sadd.s32 s14, s8;
	s13 =	simm.s32 $0x2;
	s14 =	simm.s32 $0x80  }
0xc: {  	s3 =	sshrl.u32 s3, $0x3;
	s6 =	smax.u32 s30, $0x1;
	s8 =	sadd.s32 $0x1F400, s31  }
0xd: {  	s12 =	sadd.s32 s3, s7;
	s3 =	sadd.s32 $0x37C00, s7;
	s7 =	sadd.s32 s9, s7  }
0xe: {  	s9 =	sadd.s32 $0x2B400, s31;
	s7 =	sadd.s32 s11, s7;
	s10 =	sadd.s32 $0x6E00, s12  }
0xf: {  	s11 =	sadd.s32 $0x6800, s12;
	s12 =	sadd.s32 $0xFE600, s12;
	s7 =	sadd.s32 $0x7400, s7  }
.LBB2_1:
0x10: {  	s22 =	sadd.s32 $0x0, s12  }
0x11: {  	[tilespmem:s2], [sflag:$0x2] =	stream.linear.gather [hbm4b:s22+s2], $0x80, $0x38;
	[tilespmem:$0x4200] =	vst v63  }
0x12: {  	_ =	swait.ge [sflag:s13], $0x80  }
0x13: {  	[sflag:s13] =	ssyncset.done $0x0  }
0x14: {  	[sflag:s13] =	ssyncadd.s32 $0xFFFFFF80  }
0x15: {  	v0 =	vld [tilespmem:$0x70]  }
0x16: {  	v1 =	vld [tilespmem:$0x30]  }
0x17: {  	v2 =	vld [tilespmem:$0x50]  }
0x18: {  	v3 =	vld [tilespmem:$0x60]  }
0x19: {  	v4 =	vld [tilespmem:$0x20]  }
0x1a: {  	v5 =	vld [tilespmem:$0x10];
	v0 =	vadd.s32 $0xC380, v0  }
0x1b: {  	v6 =	vld [tilespmem:$0x40];
	v1 =	vadd.s32 $0xC380, v1;
	[tilespmem:$0xF0] =	vst v0  }
0x1c: {  	v58 =	vld [tilespmem:$0x0];
	v59 =	vadd.s32 $0xC380, v2;
	[tilespmem:$0xB0] =	vst v1  }
0x1d: {  	v60 =	vadd.s32 $0xC380, v3;
	[tilespmem:$0xD0] =	vst v59  }
0x1e: {  	v61 =	vadd.s32 $0xC380, v4;
	[tilespmem:$0xE0] =	vst v60  }
0x1f: {  	v62 =	vadd.s32 $0xC380, v5;
	[tilespmem:$0xA0] =	vst v61  }
0x20: {  	v63 =	vadd.s32 $0xC380, v6;
	[tilespmem:$0x90] =	vst v62  }
0x21: {  	v0 =	vadd.s32 $0xC380, v58;
	[tilespmem:$0xC0] =	vst v63  }
0x22: {  	[tilespmem:$0x80] =	vst v0  }
0x23: {  	[tilespmem:s15], [sflag:$0x1] =	stream.indirect.gather [hbm4b:s3+s14], $0x20, s2, s14, $0xb8;
	[tilespmem:$0x4200] =	vst v63  }
0x24: {  	_ = 	snop  }
0x25: {  	[tilespmem:s16], [sflag:$0x1] =	stream.indirect.gather [hbm4b:s3+s14], $0x20, s14, s14, $0xb8;
	[tilespmem:$0x4200] =	vst v63  }
0x26: {  	_ = 	snop  }
0x27: {  	[tilespmem:s17], [sflag:$0x1] =	stream.indirect.gather [hbm4b:s4+s14], $0x1, s2, s14, $0xb8;
	[tilespmem:$0x4200] =	vst v63  }
0x28: {  	_ = 	snop  }
0x29: {  	[tilespmem:s18], [sflag:$0x1] =	stream.indirect.gather [hbm4b:s4+s14], $0x1, s14, s14, $0xb8;
	[tilespmem:$0x4200] =	vst v63  }
0x2a: {  	_ = 	snop  }
0x2b: {  	[tilespmem:s19], [sflag:$0x1] =	stream.indirect.gather [hbm4b:s5+s14], $0x40, s2, s14, $0xb8;
	[tilespmem:$0x4200] =	vst v63  }
0x2c: {  	_ =	swait.ge [sflag:s20], $0x1000  }
0x2d: {  	[sflag:s20] =	ssyncset.done $0x0  }
0x2e: {  	[sflag:s20] =	ssyncadd.s32 $0xFFFFF000  }
0x2f: {  	_ =	swait.ge [sflag:s20], $0x1000  }
0x30: {  	[sflag:s20] =	ssyncset.done $0x0  }
0x31: {  	[sflag:s20] =	ssyncadd.s32 $0xFFFFF000  }
0x32: {  	_ =	swait.ge [sflag:s20], $0x80  }
0x33: {  	[sflag:s20] =	ssyncset.done $0x0  }
0x34: {  	[sflag:s20] =	ssyncadd.s32 $0xFFFFFF80  }
0x35: {  	_ =	swait.ge [sflag:s20], $0x80  }
0x36: {  	[sflag:s20] =	ssyncset.done $0x0  }
0x37: {  	[sflag:s20] =	ssyncadd.s32 $0xFFFFFF80  }
0x38: {  	_ =	swait.ge [sflag:s20], $0x2000  }
0x39: {  	[sflag:s20] =	ssyncset.done $0x0  }
0x3a: {  	[sflag:s20] =	ssyncadd.s32 $0xFFFFE000  }
0x3b: {  	[hbm4b:s9+s2] =	stream.linear.scatter [tilespmem:s15], [sflag:$0x2], $0x1000, $0x38;
	[tilespmem:$0x4200] =	vst v63  }
0x3c: {  	_ =	swait.ge [sflag:s13], $0x1000  }
0x3d: {  	[sflag:s13] =	ssyncset.done $0x0  }
0x3e: {  	[sflag:s13] =	ssyncadd.s32 $0xFFFFF000  }
0x3f: {  	[hbm4b:s8+s2] =	stream.linear.scatter [tilespmem:s16], [sflag:$0x2], $0x1000, $0x38;
	[tilespmem:$0x4200] =	vst v63  }
0x40: {  	_ =	swait.ge [sflag:s13], $0x1000  }
0x41: {  	[sflag:s13] =	ssyncset.done $0x0  }
0x42: {  	s31 =	sadd.s32 $0x0, s11;
	[sflag:s13] =	ssyncadd.s32 $0xFFFFF000  }
0x43: {  	[hbm4b:s31+s2] =	stream.linear.scatter [tilespmem:s17], [sflag:$0x2], $0x80, $0x38;
	[tilespmem:$0x4200] =	vst v63  }
0x44: {  	s23 =	sadd.s32 $0x200, s8;
	s24 =	sadd.s32 $0x200, s9;
	_ =	swait.ge [sflag:s13], $0x80  }
0x45: {  	s28 =	sadd.s32 $0x0, s10;
	s26 =	sadd.s32 $0x400, s7;
	[sflag:s13] =	ssyncset.done $0x0  }
0x46: {  	s25 =	smov.u32 s7;
	s22 =	simm.s32 $0x10;
	[sflag:s13] =	ssyncadd.s32 $0xFFFFFF80  }
.LBB2_2:
0x47: {  	[hbm4b:s28+s2] =	stream.linear.scatter [tilespmem:s18], [sflag:$0x2], $0x80, $0x38;
	[tilespmem:$0x4200] =	vst v63  }
0x48: {  	s28 =	smov.u32 s22  }
0x49: {  	p0 =	sne.s32 s22, $0x20;
	s22 =	sadd.s32 $0x10, s22;
	_ =	swait.ge [sflag:s13], $0x80  }
0x4a: {  	[sflag:s13] =	ssyncset.done $0x0  }
0x4b: {  	[sflag:s13] =	ssyncadd.s32 $0xFFFFFF80  }
0x4c: {  	[hbm4b:s25+s2] =	stream.linear.scatter [tilespmem:s19], [sflag:$0x2], $0x2000, $0x38;
	[tilespmem:$0x4200] =	vst v63  }
0x4d: {  	s25 =	smov.u32 s26;
	_ =	swait.ge [sflag:s13], $0x2000  }
0x4e: {  	[sflag:s13] =	ssyncset.done $0x0  }
0x4f: {  	s29 =	sadd.s32 s28, s12;
	[sflag:s13] =	ssyncadd.s32 $0xFFFFE000  }
0x50: {  	[tilespmem:s2], [sflag:$0x2] =	stream.linear.gather [hbm4b:s29+s2], $0x80, $0x38;
	[tilespmem:$0x4200] =	vst v63  }
0x51: {  	_ =	swait.ge [sflag:s13], $0x80  }
0x52: {  	[sflag:s13] =	ssyncset.done $0x0  }
0x53: {  	[sflag:s13] =	ssyncadd.s32 $0xFFFFFF80  }
0x54: {  	v0 =	vld [tilespmem:$0x70]  }
0x55: {  	v1 =	vld [tilespmem:$0x30]  }
0x56: {  	v2 =	vld [tilespmem:$0x50]  }
0x57: {  	v3 =	vld [tilespmem:$0x60]  }
0x58: {  	v4 =	vld [tilespmem:$0x20]  }
0x59: {  	v5 =	vld [tilespmem:$0x10];
	v0 =	vadd.s32 $0xC380, v0  }
0x5a: {  	v1 =	vadd.s32 $0xC380, v1;
	v6 =	vld [tilespmem:$0x40];
	[tilespmem:$0xF0] =	vst v0  }
0x5b: {  	v0 =	vld [tilespmem:$0x0];
	[tilespmem:$0xB0] =	vst v1;
	v1 =	vadd.s32 $0xC380, v2  }
0x5c: {  	[tilespmem:$0xD0] =	vst v1;
	v1 =	vadd.s32 $0xC380, v3  }
0x5d: {  	v2 =	vadd.s32 $0xC380, v4;
	[tilespmem:$0xE0] =	vst v1  }
0x5e: {  	v1 =	vadd.s32 $0xC380, v5;
	[tilespmem:$0xA0] =	vst v2  }
0x5f: {  	[tilespmem:$0x90] =	vst v1;
	v1 =	vadd.s32 $0xC380, v6  }
0x60: {  	v0 =	vadd.s32 $0xC380, v0;
	[tilespmem:$0xC0] =	vst v1  }
0x61: {  	[tilespmem:$0x80] =	vst v0  }
0x62: {  	[tilespmem:s15], [sflag:$0x1] =	stream.indirect.gather [hbm4b:s3+s14], $0x20, s2, s14, $0xb8;
	[tilespmem:$0x4200] =	vst v63  }
0x63: {  	_ = 	snop  }
0x64: {  	[tilespmem:s16], [sflag:$0x1] =	stream.indirect.gather [hbm4b:s3+s14], $0x20, s14, s14, $0xb8;
	[tilespmem:$0x4200] =	vst v63  }
0x65: {  	_ = 	snop  }
0x66: {  	[tilespmem:s17], [sflag:$0x1] =	stream.indirect.gather [hbm4b:s4+s14], $0x1, s2, s14, $0xb8;
	[tilespmem:$0x4200] =	vst v63  }
0x67: {  	_ = 	snop  }
0x68: {  	[tilespmem:s18], [sflag:$0x1] =	stream.indirect.gather [hbm4b:s4+s14], $0x1, s14, s14, $0xb8;
	[tilespmem:$0x4200] =	vst v63  }
0x69: {  	_ = 	snop  }
0x6a: {  	[tilespmem:s19], [sflag:$0x1] =	stream.indirect.gather [hbm4b:s5+s14], $0x40, s2, s14, $0xb8;
	[tilespmem:$0x4200] =	vst v63  }
0x6b: {  	_ =	swait.ge [sflag:s20], $0x1000  }
0x6c: {  	[sflag:s20] =	ssyncset.done $0x0  }
0x6d: {  	[sflag:s20] =	ssyncadd.s32 $0xFFFFF000  }
0x6e: {  	_ =	swait.ge [sflag:s20], $0x1000  }
0x6f: {  	[sflag:s20] =	ssyncset.done $0x0  }
0x70: {  	[sflag:s20] =	ssyncadd.s32 $0xFFFFF000  }
0x71: {  	_ =	swait.ge [sflag:s20], $0x80  }
0x72: {  	[sflag:s20] =	ssyncset.done $0x0  }
0x73: {  	[sflag:s20] =	ssyncadd.s32 $0xFFFFFF80  }
0x74: {  	_ =	swait.ge [sflag:s20], $0x80  }
0x75: {  	[sflag:s20] =	ssyncset.done $0x0  }
0x76: {  	[sflag:s20] =	ssyncadd.s32 $0xFFFFFF80  }
0x77: {  	_ =	swait.ge [sflag:s20], $0x2000  }
0x78: {  	[sflag:s20] =	ssyncset.done $0x0  }
0x79: {  	[sflag:s20] =	ssyncadd.s32 $0xFFFFE000  }
0x7a: {  	[hbm4b:s24+s2] =	stream.linear.scatter [tilespmem:s15], [sflag:$0x2], $0x1000, $0x38;
	[tilespmem:$0x4200] =	vst v63  }
0x7b: {  	_ =	swait.ge [sflag:s13], $0x1000  }
0x7c: {  	[sflag:s13] =	ssyncset.done $0x0  }
0x7d: {  	[sflag:s13] =	ssyncadd.s32 $0xFFFFF000  }
0x7e: {  	[hbm4b:s23+s2] =	stream.linear.scatter [tilespmem:s16], [sflag:$0x2], $0x1000, $0x38;
	[tilespmem:$0x4200] =	vst v63  }
0x7f: {  	_ =	swait.ge [sflag:s13], $0x1000  }
0x80: {  	[sflag:s13] =	ssyncset.done $0x0  }
.Ltmp0:
0x81: {  	s29 =	sadd.s32 s28, s11;
	[sflag:s13] =	ssyncadd.s32 $0xFFFFF000;
	(pc) =	sbr.rel @p0 .LBB2_2-.Ltmp0, $4  }
0x82: {  	[hbm4b:s29+s2] =	stream.linear.scatter [tilespmem:s17], [sflag:$0x2], $0x80, $0x38;
	[tilespmem:$0x4200] =	vst v63  }
0x83: {  	_ =	swait.ge [sflag:s13], $0x80  }
0x84: {  	s24 =	sadd.s32 $0x200, s24;
	s23 =	sadd.s32 $0x200, s23;
	[sflag:s13] =	ssyncset.done $0x0  }
0x85: {  	s26 =	sadd.s32 $0x400, s26;
	s28 =	sadd.s32 s28, s10;
	[sflag:s13] =	ssyncadd.s32 $0xFFFFFF80  }
0x86: {  	[hbm4b:s28+s2] =	stream.linear.scatter [tilespmem:s18], [sflag:$0x2], $0x80, $0x38;
	[tilespmem:$0x4200] =	vst v63  }
0x87: {  	s21 =	sadd.s32 $0x1, s21;
	_ =	swait.ge [sflag:s13], $0x80  }
0x88: {  	p0 =	sne.s32 s21, s6;
	[sflag:s13] =	ssyncset.done $0x0  }
.Ltmp1:
0x89: {  	[sflag:s13] =	ssyncadd.s32 $0xFFFFFF80;
	(pc) =	sbr.rel @p0 .LBB2_1-.Ltmp1, $4  }
0x8a: {  	[hbm4b:s25+s2] =	stream.linear.scatter [tilespmem:s19], [sflag:$0x2], $0x2000, $0x38;
	[tilespmem:$0x4200] =	vst v63  }
0x8b: {  	_ =	swait.ge [sflag:s13], $0x2000  }
0x8c: {  	[sflag:s13] =	ssyncset.done $0x0  }
0x8d: {  	[sflag:s13] =	ssyncadd.s32 $0xFFFFE000  }
0x8e: {  	_ =	sfence.sel $0x180000  }
0x8f: {  	[bflag:$0x0] =	sbarrier.arrive $0xFFFF  }
0x90: {  	p0 =	sne.s32 s0, $0x0;
	_ =	strace $0x9000004D  }
0x91: {  	s0 =	sadd.s32 @!p0 $0x100000, s1;
	[bflag:$0x2] =	sbarrier.arrive $0xFFFF  }
0x92: {  	[sflag:s0] =	ssyncadd.tile.s32 @!p0 $0x1;
	_ =	shalt  }
.Lfunc_end2:
_tile_overlayer_lowered:
.L_overlay_start_2:
0x93: {  	(tag) =	ssettag $0x2  }
0x94: {  	s0 =	rddreg [dreg:$0x0];
	s2 =	stileid.u32  }
0x95: {  	s1 =	rddreg [dreg:$0x1];
	p0 =	sne.s32 s2, $0x0  }
0x96: {  	s3 =	rddreg [dreg:$0x2];
	[bflag:$0x3] =	sbarrier.arrive $0xFFFF;
	s2 =	simm.s32 @!p0 $0x1C02  }
0x97: {  	[timem:s3], [sflag:s2] =	dma.local @!p0 [hbm:s0], s1  }
0x98: {  	s0 =	simm.s32 @!p0 $0x2  }
0x99: {  	_ =	swait.ge @!p0 [sflag:s0], s1  }
0x9a: {  	s1 =	ssub.s32 @!p0 $0x0, s1;
	[sflag:s0] =	ssyncset.done @!p0 $0x0  }
0x9b: {  	[sflag:s0] =	ssyncadd.s32 @!p0 s1  }
0x9c: {  	[bflag:$0x3] =	sbarrier.arrive $0xFFFF  }
0x9d: {  	_ =	shalt  }

// kernel: kernel.8.cloned.1.call-start
scs
__scs_entry_jumppad:
0x0: {  	(pc) =	sbr.rel $0x88, $3  }
0x1: {  	(tag) =	ssettag $0x0;
	lr =	simm.s32 $0x1  }
0x2: {  	[smem:$0x3F87] =	sst lr;
	_ =	strace $0xD0000000  }
0x3: {  	_ = 	snop  }
0x4: {  	_ = 	snop  }
0x5: {  	_ = 	snop  }
0x6: {  	_ = 	snop  }
0x7: {  	_ = 	snop  }
__scs_overlays_trampoline_lowered:
0x8: {  	[smem:$0x3F96] =	sst s0  }
0x9: {  	[smem:$0x3F97] =	sst s1  }
0xa: {  	[smem:$0x3F98] =	sst s2  }
0xb: {  	[smem:$0x3F99] =	sst s3  }
0xc: {  	[smem:$0x3F9A] =	sst s4  }
0xd: {  	[smem:$0x3F9B] =	sst s5  }
0xe: {  	[smem:$0x3F9C] =	sst s6  }
0xf: {  	[smem:$0x3F9D] =	sst s7  }
0x10: {  	[smem:$0x3F9E] =	sst s8  }
0x11: {  	[smem:$0x3F9F] =	sst s9;
	s0 =	simm.s32 @!p0 $0x0  }
0x12: {  	s1 =	sld [smem:$0x3F85];
	s0 =	simm.s32 @p0 $0x1  }
0x13: {  	[smem:$0x3FA0] =	sst s0;
	s0 =	simm.s32 @!p1 $0x0  }
0x14: {  	s2 =	sld [smem:$0x3F84];
	s0 =	simm.s32 @p1 $0x1  }
0x15: {  	[smem:$0x3FA1] =	sst s0;
	s0 =	simm.s32 @!p2 $0x0  }
0x16: {  	s3 =	sld [smem:$0x3FDB];
	s0 =	simm.s32 @p2 $0x1  }
0x17: {  	s4 =	simm.s32 $0x1BF5;
	[smem:$0x3FA3] =	sst s0  }
0x18: {  	s0 =	sld [smem:$0x3F86];
	_ =	swait.ge [sflag:s4], $0x0  }
0x19: {  	s7 =	sld [smem:$0x3F87]  }
0x1a: {  	s8 =	sadd.s32 $0xFFFFE003, lr  }
0x1b: {  	s9 =	sadd.s32 $0xFFFFFEF7, lr;
	s5 =	simm.s32 $0xFFFFFFFF;
	p2 =	slt.u32 s8, $0xFFFFF086  }
0x1c: {  	p1 =	slt.u32 s9, $0xF7A;
	s5 =	simm.s32 @!p2 $0x0  }
0x1d: {  	s5 =	simm.s32 @p1 $0x1;
	p0 =	seq.s32 s7, s2  }
0x1e: {  	s7 =	smul.u32 @!p0 $0xF7A, s2;
	p2 =	seq.s32 @!p0 s5, $0x0  }
0x1f: {  	s9 =	smul.u32 $0xF7A, s1;
	s8 =	simm.s32 @!p0 $0x1BF5;
	p2 =	por !p2, p0  }
0x20: {  	[sflag:s8] =	ssyncset.s32 @!p0 $0xFFFFF086;
	s6 =	sadd.s32 @!p0 s3, s7;
	s7 =	simm.s32 @!p0 $0x108  }
0x21: {  	s3 =	sadd.s32 s3, s9;
	s6 =	sadd.s32 @!p0 $0x88, s6;
	s7 =	simm.s32 @p2 $0x1082  }
0x22: {  	[simem:s7], [sflag:s8] =	dma.local @!p0 [hbm:s6], $0xF7A  }
0x23: {  	s9 =	sor.u32 $0xD0000000, s2;
	s6 =	simm.s32 $0x108;
	_ =	swait.ge @!p0 [sflag:s8], $0x0  }
0x24: {  	s3 =	sadd.s32 $0x88, s3;
	s6 =	simm.s32 @!p1 $0x1082;
	[sflag:s4] =	ssyncset.s32 $0xFFFFF086  }
0x25: {  	[simem:s6], [sflag:s4] =	dma.local [hbm:s3], $0xF7A  }
0x26: {  	[smem:$0x3F87] =	sst s1;
	(tag) =	ssettag s2;
	_ =	strace s9  }
0x27: {  	s1 =	sld [smem:$0x3F97]  }
0x28: {  	s2 =	sld [smem:$0x3F98]  }
0x29: {  	s4 =	sld [smem:$0x3F9A]  }
0x2a: {  	p0 =	seq.s32 s5, $0x0;
	s5 =	sld [smem:$0x3F9B]  }
0x2b: {  	s6 =	sld [smem:$0x3F9C]  }
0x2c: {  	s7 =	sld [smem:$0x3F9D]  }
0x2d: {  	s3 =	simm.s32 $0x108;
	s8 =	sld [smem:$0x3F9E]  }
0x2e: {  	s3 =	simm.s32 @!p0 $0x1082;
	s9 =	sld [smem:$0x3F9F]  }
0x2f: {  	lr =	sadd.s32 s0, s3;
	s0 =	sld [smem:$0x3F96]  }
0x30: {  	s3 =	sld [smem:$0x3F99]  }
0x31: {  	[smem:$0x3FA2] =	sst s10  }
0x32: {  	s10 =	sld [smem:$0x3FA0];
	_ =	sdelay $0x3  }
0x33: {  	p0 =	seq.s32 s10, $0x1;
	s10 =	sld [smem:$0x3FA2];
	_ =	sdelay $0x3  }
0x34: {  	[smem:$0x3FA2] =	sst s10  }
0x35: {  	s10 =	sld [smem:$0x3FA1];
	_ =	sdelay $0x3  }
0x36: {  	p1 =	seq.s32 s10, $0x1;
	s10 =	sld [smem:$0x3FA2];
	_ =	sdelay $0x3  }
0x37: {  	[smem:$0x3FA2] =	sst s10  }
0x38: {  	s10 =	sld [smem:$0x3FA3]  }
0x39: {  	_ = 	snop;
	(pc) =	sbr.ind lr, $3  }
0x3a: {  	_ = 	snop  }
0x3b: {  	_ = 	snop  }
0x3c: {  	p2 =	seq.s32 s10, $0x1;
	s10 =	sld [smem:$0x3FA2]  }
0x3d: {  	_ =	shalt  }
0x3e: {  	_ =	shalt  }
0x3f: {  	_ =	shalt  }
0x40: {  	_ =	shalt  }
0x41: {  	_ =	shalt  }
0x42: {  	_ =	shalt  }
0x43: {  	_ =	shalt  }
0x44: {  	_ =	shalt  }
0x45: {  	_ =	shalt  }
0x46: {  	_ =	shalt  }
0x47: {  	_ =	shalt  }
0x48: {  	_ =	shalt  }
0x49: {  	_ =	shalt  }
0x4a: {  	_ =	shalt  }
0x4b: {  	_ =	shalt  }
0x4c: {  	_ =	shalt  }
0x4d: {  	_ =	shalt  }
0x4e: {  	_ =	shalt  }
0x4f: {  	_ =	shalt  }
0x50: {  	_ =	shalt  }
0x51: {  	_ =	shalt  }
0x52: {  	_ =	shalt  }
0x53: {  	_ =	shalt  }
0x54: {  	_ =	shalt  }
0x55: {  	_ =	shalt  }
0x56: {  	_ =	shalt  }
0x57: {  	_ =	shalt  }
0x58: {  	_ =	shalt  }
0x59: {  	_ =	shalt  }
0x5a: {  	_ =	shalt  }
0x5b: {  	_ =	shalt  }
0x5c: {  	_ =	shalt  }
0x5d: {  	_ =	shalt  }
0x5e: {  	_ =	shalt  }
0x5f: {  	_ =	shalt  }
0x60: {  	_ =	shalt  }
0x61: {  	_ =	shalt  }
0x62: {  	_ =	shalt  }
0x63: {  	_ =	shalt  }
0x64: {  	_ =	shalt  }
0x65: {  	_ =	shalt  }
0x66: {  	_ =	shalt  }
0x67: {  	_ =	shalt  }
0x68: {  	_ =	shalt  }
0x69: {  	_ =	shalt  }
0x6a: {  	_ =	shalt  }
0x6b: {  	_ =	shalt  }
0x6c: {  	_ =	shalt  }
0x6d: {  	_ =	shalt  }
0x6e: {  	_ =	shalt  }
0x6f: {  	_ =	shalt  }
0x70: {  	_ =	shalt  }
0x71: {  	_ =	shalt  }
0x72: {  	_ =	shalt  }
0x73: {  	_ =	shalt  }
0x74: {  	_ =	shalt  }
0x75: {  	_ =	shalt  }
0x76: {  	_ =	shalt  }
0x77: {  	_ =	shalt  }
0x78: {  	_ =	shalt  }
0x79: {  	_ =	shalt  }
0x7a: {  	_ =	shalt  }
0x7b: {  	_ =	shalt  }
0x7c: {  	_ =	shalt  }
0x7d: {  	_ =	shalt  }
0x7e: {  	_ =	shalt  }
0x7f: {  	_ =	shalt  }
0x80: {  	_ =	shalt  }
0x81: {  	_ =	shalt  }
0x82: {  	_ =	shalt  }
0x83: {  	_ =	shalt  }
0x84: {  	_ =	shalt  }
0x85: {  	_ =	shalt  }
0x86: {  	_ =	shalt  }
0x87: {  	_ =	shalt  }
.Lfunc_end0:
.L_simem_size_0:
called_computation_lowered:
.L_overlay_start_0:
0x88: {  	s2 =	sld [smem:$0x3FD9]  }
0x89: {  	s3 =	sld [smem:$0x3FFE];
	_ =	sdelay $0x1  }
0x8a: {  	s1 =	srdreg.scid  }
0x8b: {  	s0 =	sand.u32 $0x1, s1  }
0x8c: {  	s17 =	sshll.u32 s0, $0xA;
	s2 =	sadd.s32 s3, s2  }
0x8d: {  	s2 =	sadd.s32 s2, s17  }
0x8e: {  	[smem:$0x3FAE] =	sst s2  }
0x8f: {  	_ = 	snop  }
0x90: {  	s2 =	sld [smem:$0x3FC3]  }
0x91: {  	s18 =	sld [smem:$0x3FC1];
	(tm) =	ssettm $0x1  }
0x92: {  	s4 =	sld [smem:$0x3FFB];
	_ =	sdelay $0x3  }
0x93: {  	_ =	strace s4  }
0x94: {  	s4 =	sld [smem:$0x3FFC];
	_ =	sdelay $0x3  }
0x95: {  	_ =	strace s4  }
0x96: {  	s4 =	sld [smem:$0x3FFD];
	_ =	sdelay $0x3  }
0x97: {  	_ =	strace s4  }
0x98: {  	_ =	strace $0x8FFFFFFF  }
0x99: {  	s19 =	sld [smem:$0x3FDB];
	_ =	sdelay $0x1  }
0x9a: {  	s5 =	simm.s32 $_scs_section_size  }
0x9b: {  	s6 =	simm.s32 $_size__tile_overlayer_lowered;
	s7 =	simm.s32 $_tile_overlayer_lowered  }
0x9c: {  	s22 =	simm.s32 $0x1BFF;
	s21 =	sshll.u32 s7, $0x1;
	s4 =	sadd.s32 s5, s19  }
0x9d: {  	s8 =	simm.s32 $0x0;
	s20 =	sshll.u32 s6, $0x1;
	s6 =	sadd.s32 s21, s4  }
0x9e: {  	[timem:s8], [sflag:s22] =	dma.local [hbm:s6], s20  }
0x9f: {  	_ =	swait.ge [sflag:s22], s20  }
0xa0: {  	s5 =	ssub.s32 $0x0, s20;
	[sflag:s22] =	ssyncset.done $0x0  }
0xa1: {  	[sflag:s22] =	ssyncadd.s32 s5;
	_ =	sdelay $0x1  }
0xa2: {  	s23 =	simm.s32 $0x1B8B  }
0xa3: {  	_ =	swait.ge [sflag:s23], $0x1  }
0xa4: {  	[sflag:s23] =	ssyncset.done $0x0  }
0xa5: {  	s25 =	simm.s32 $0x1B8E;
	s24 =	sld [smem:$0x3FFE];
	[sflag:s23] =	ssyncadd.s32 $0xFFFFFFFF  }
0xa6: {  	s26 =	simm.s32 $execute0_lowered;
	[smem:$0x3FD2] =	sst s25  }
0xa7: {  	s6 =	sshll.u32 s26, $0x1;
	_ =	strace $0x80000046;
	[dreg:$0x1] =	wrdreg $0xFFFFFFFF  }
0xa8: {  	s28 =	simm.s32 $_size_execute0_lowered;
	s4 =	sadd.s32 s4, s6;
	[dreg:$0x0] =	wrdreg $0x0  }
0xa9: {  	s6 =	sshll.u32 s28, $0x1;
	[dreg:$0x2] =	wrdreg s4  }
0xaa: {  	[dreg:$0x3] =	wrdreg s6  }
0xab: {  	[dreg:$0x4] =	wrdreg $0xC0  }
0xac: {  	_ =	task [dreg:s8], $0x5FFFF  }
0xad: {  	[dreg:$0x1] =	wrdreg $0xFFFFFFFF  }
0xae: {  	[dreg:$0x0] =	wrdreg $0x60  }
0xaf: {  	[dreg:$0x2] =	wrdreg s24  }
0xb0: {  	[dreg:$0x3] =	wrdreg s18  }
0xb1: {  	[dreg:$0x4] =	wrdreg s2  }
0xb2: {  	[dreg:$0x5] =	wrdreg $0x9  }
0xb3: {  	_ =	task.clear_ibuf [dreg:s8], $0x6FFFF;
	_ =	strace $0x90000046  }
0xb4: {  	s29 =	simm.s32 $0x9;
	_ =	strace $0x80000048  }
0xb5: {  	_ =	swait.ge [sflag:s29], $0x1  }
0xb6: {  	[sflag:s29] =	ssyncadd.s32 $0xFFFFFFFF  }
0xb7: {  	_ =	strace $0x90000048  }
0xb8: {  	_ =	sfence  }
0xb9: {  	s30 =	sld [smem:$0x0];
	_ =	sdelay $0x2  }
0xba: {  	s31 =	sshll.u32 s1, $0xD;
	s1 =	sshrl.u32 s1, $0x2  }
0xbb: {  	s3 =	sand.u32 $0x4000, s31;
	s1 =	sadd.s32 s1, s30  }
0xbc: {  	s0 =	sor.u32 s3, s0;
	s1 =	sshll.u32 s1, $0x11  }
0xbd: {  	s0 =	sor.u32 s1, s0  }
0xbe: {  	s0 =	sadd.s32 $0x8F2B, s0  }
0xbf: {  	[sflag:s0] =	ssyncadd.remote.s32 $0x1  }
0xc0: {  	_ =	sfence.sel $0xFFFF  }
0xc1: {  	[dreg:$0x0] =	wrdreg $0xFFFFFFFF;
	(pc) =	sbr.abs _section_cstart, $3  }
0xc2: {  	[dreg:$0x1] =	wrdreg $0xFFFFFFFF  }
0xc3: {  	_ =	task.clear_ibuf [dreg:s8], $0x2FFFF;
	_ =	strace $0x9FFFFFFF  }
0xc4: {  	(tm) =	ssettm $0x7FFFFFFF  }
0xc5: {  	_ =	shalt  }
tec
execute0_lowered:
.L_overlay_start_1:
0x0: {  	(tag) =	ssettag $0x1  }
0x1: {  	s5 =	rddreg [dreg:$0x0]  }
0x2: {  	s2 =	rddreg [dreg:$0x1]  }
0x3: {  	s3 =	rddreg [dreg:$0x2]  }
0x4: {  	s0 =	rddreg [dreg:$0x3]  }
0x5: {  	s6 =	srdreg.scid;
	s1 =	stileid.u32  }
0x6: {  	s4 =	simm.s32 $0x0;
	s13 =	simm.s32 $0x80;
	s14 =	simm.s32 $0x100  }
0x7: {  	s15 =	simm.s32 $0x180;
	s16 =	simm.s32 $0x200;
	s17 =	simm.s32 $0x1  }
0x8: {  	s18 =	simm.s32 $0x0;
	s6 =	sand.u32 $0x1, s6;
	s7 =	smul.u32 $0xC400, s1  }
0x9: {  	[smem:$0x7FF] =	sst s4;
	s8 =	smul.u32 $0x6200, s6;
	s9 =	ssub.s32 $0x2, s6  }
0xa: {  	s29 =	smul.u32 $0x18800, s1;
	_ =	strace $0x80000047;
	s10 =	sshrl.u32 s9, $0x1  }
0xb: {  	s11 =	smul.u32 $0xC400, s6;
	s7 =	sadd.s32 s8, s7;
	s31 =	ssub.s32 s9, s10  }
0xc: {  	s30 =	sadd.s32 s29, s5;
	s7 =	sshrl.u32 s7, $0x3;
	s6 =	smax.u32 s31, $0x1  }
0xd: {  	s12 =	sadd.s32 s7, s5;
	s5 =	sadd.s32 $0xFAAC00, s5;
	s7 =	sadd.s32 s11, s30  }
0xe: {  	s7 =	sadd.s32 $0xB2000, s7;
	s8 =	sadd.s32 $0x99800, s12;
	s9 =	sadd.s32 $0x81000, s12  }
0xf: {  	s10 =	sadd.s32 $0x68800, s12;
	s11 =	sadd.s32 $0x50000, s12;
	s12 =	simm.s32 $0x2  }
.LBB2_1:
0x10: {  	s19 =	sadd.s32 $0x0, s11  }
0x11: {  	[tilespmem:s4], [sflag:$0x2] =	stream.linear.gather [hbm4b:s19+s4], $0x80, $0x38;
	[tilespmem:$0xA00] =	vst v63  }
0x12: {  	_ =	swait.ge [sflag:s12], $0x80  }
0x13: {  	[sflag:s12] =	ssyncset.done $0x0  }
0x14: {  	s29 =	sadd.s32 $0x0, s10;
	[sflag:s12] =	ssyncadd.s32 $0xFFFFFF80  }
0x15: {  	[tilespmem:s13], [sflag:$0x2] =	stream.linear.gather [hbm4b:s29+s4], $0x80, $0x38;
	[tilespmem:$0xA00] =	vst v63  }
0x16: {  	_ =	swait.ge [sflag:s12], $0x80  }
0x17: {  	[sflag:s12] =	ssyncset.done $0x0  }
0x18: {  	[sflag:s12] =	ssyncadd.s32 $0xFFFFFF80  }
0x19: {  	[tilespmem:s14], [sflag:$0x1] =	stream.indirect.gather [hbm4b:s2+s13], $0x1, s4, s13, $0xb8;
	[tilespmem:$0xA00] =	vst v63  }
0x1a: {  	_ = 	snop  }
0x1b: {  	[tilespmem:s15], [sflag:$0x1] =	stream.indirect.gather [hbm4b:s3+s13], $0x1, s13, s13, $0xb8;
	[tilespmem:$0xA00] =	vst v63  }
0x1c: {  	_ = 	snop  }
0x1d: {  	[tilespmem:s16], [sflag:$0x1] =	stream.indirect.gather [hbm4b:s5+s13], $0x10, s13, s13, $0xb8;
	[tilespmem:$0xA00] =	vst v63  }
0x1e: {  	_ =	swait.ge [sflag:s17], $0x80  }
0x1f: {  	[sflag:s17] =	ssyncset.done $0x0  }
0x20: {  	[sflag:s17] =	ssyncadd.s32 $0xFFFFFF80  }
0x21: {  	_ =	swait.ge [sflag:s17], $0x80  }
0x22: {  	[sflag:s17] =	ssyncset.done $0x0  }
0x23: {  	[sflag:s17] =	ssyncadd.s32 $0xFFFFFF80  }
0x24: {  	_ =	swait.ge [sflag:s17], $0x800  }
0x25: {  	[sflag:s17] =	ssyncset.done $0x0  }
0x26: {  	s30 =	sadd.s32 $0x0, s9;
	[sflag:s17] =	ssyncadd.s32 $0xFFFFF800  }
0x27: {  	[hbm4b:s30+s4] =	stream.linear.scatter [tilespmem:s14], [sflag:$0x2], $0x80, $0x38;
	[tilespmem:$0xA00] =	vst v63  }
0x28: {  	_ =	swait.ge [sflag:s12], $0x80  }
0x29: {  	[sflag:s12] =	ssyncset.done $0x0  }
0x2a: {  	s31 =	sadd.s32 $0x0, s8;
	[sflag:s12] =	ssyncadd.s32 $0xFFFFFF80  }
0x2b: {  	[hbm4b:s31+s4] =	stream.linear.scatter [tilespmem:s15], [sflag:$0x2], $0x80, $0x38;
	[tilespmem:$0xA00] =	vst v63  }
0x2c: {  	_ =	swait.ge [sflag:s12], $0x80  }
0x2d: {  	[sflag:s12] =	ssyncset.done $0x0  }
0x2e: {  	[sflag:s12] =	ssyncadd.s32 $0xFFFFFF80  }
0x2f: {  	[hbm4b:s7+s4] =	stream.linear.scatter [tilespmem:s16], [sflag:$0x2], $0x800, $0x38;
	[tilespmem:$0xA00] =	vst v63  }
0x30: {  	s20 =	simm.s32 $0x10;
	_ =	swait.ge [sflag:s12], $0x800  }
0x31: {  	s22 =	simm.s32 $0x20;
	s19 =	sadd.s32 $0x100, s7;
	[sflag:s12] =	ssyncset.done $0x0  }
.LBB2_2:
0x32: {  	s23 =	sadd.s32 s20, s11  }
0x33: {  	[sflag:s12] =	ssyncadd.s32 $0xFFFFF800;
	s24 =	smov.u32 s22;
	s21 =	sadd.s32 $0x10, s22  }
0x34: {  	[tilespmem:s4], [sflag:$0x2] =	stream.linear.gather [hbm4b:s23+s4], $0x80, $0x38;
	[tilespmem:$0xA00] =	vst v63  }
0x35: {  	p0 =	sne.s32 s22, $0xC30;
	_ =	swait.ge [sflag:s12], $0x80  }
0x36: {  	[sflag:s12] =	ssyncset.done $0x0  }
0x37: {  	s22 =	sadd.s32 s20, s10;
	[sflag:s12] =	ssyncadd.s32 $0xFFFFFF80  }
0x38: {  	[tilespmem:s13], [sflag:$0x2] =	stream.linear.gather [hbm4b:s22+s4], $0x80, $0x38;
	[tilespmem:$0xA00] =	vst v63  }
0x39: {  	_ =	swait.ge [sflag:s12], $0x80  }
0x3a: {  	[sflag:s12] =	ssyncset.done $0x0  }
0x3b: {  	[sflag:s12] =	ssyncadd.s32 $0xFFFFFF80  }
0x3c: {  	[tilespmem:s14], [sflag:$0x1] =	stream.indirect.gather [hbm4b:s2+s13], $0x1, s4, s13, $0xb8;
	[tilespmem:$0xA00] =	vst v63  }
0x3d: {  	_ = 	snop  }
0x3e: {  	[tilespmem:s15], [sflag:$0x1] =	stream.indirect.gather [hbm4b:s3+s13], $0x1, s13, s13, $0xb8;
	[tilespmem:$0xA00] =	vst v63  }
0x3f: {  	_ = 	snop  }
0x40: {  	[tilespmem:s16], [sflag:$0x1] =	stream.indirect.gather [hbm4b:s5+s13], $0x10, s13, s13, $0xb8;
	[tilespmem:$0xA00] =	vst v63  }
0x41: {  	_ =	swait.ge [sflag:s17], $0x80  }
0x42: {  	[sflag:s17] =	ssyncset.done $0x0  }
0x43: {  	[sflag:s17] =	ssyncadd.s32 $0xFFFFFF80  }
0x44: {  	_ =	swait.ge [sflag:s17], $0x80  }
0x45: {  	[sflag:s17] =	ssyncset.done $0x0  }
0x46: {  	[sflag:s17] =	ssyncadd.s32 $0xFFFFFF80  }
0x47: {  	_ =	swait.ge [sflag:s17], $0x800  }
0x48: {  	[sflag:s17] =	ssyncset.done $0x0  }
0x49: {  	s22 =	sadd.s32 s20, s9;
	[sflag:s17] =	ssyncadd.s32 $0xFFFFF800  }
0x4a: {  	[hbm4b:s22+s4] =	stream.linear.scatter [tilespmem:s14], [sflag:$0x2], $0x80, $0x38;
	[tilespmem:$0xA00] =	vst v63  }
0x4b: {  	_ =	swait.ge [sflag:s12], $0x80  }
0x4c: {  	[sflag:s12] =	ssyncset.done $0x0  }
0x4d: {  	s22 =	sadd.s32 s20, s8;
	s20 =	smov.u32 s24;
	[sflag:s12] =	ssyncadd.s32 $0xFFFFFF80  }
0x4e: {  	[hbm4b:s22+s4] =	stream.linear.scatter [tilespmem:s15], [sflag:$0x2], $0x80, $0x38;
	[tilespmem:$0xA00] =	vst v63  }
0x4f: {  	_ =	swait.ge [sflag:s12], $0x80  }
.Ltmp0:
0x50: {  	[sflag:s12] =	ssyncset.done $0x0;
	(pc) =	sbr.rel @p0 .LBB2_2-.Ltmp0, $4  }
0x51: {  	[sflag:s12] =	ssyncadd.s32 $0xFFFFFF80  }
0x52: {  	[hbm4b:s19+s4] =	stream.linear.scatter [tilespmem:s16], [sflag:$0x2], $0x800, $0x38;
	[tilespmem:$0xA00] =	vst v63  }
0x53: {  	_ =	swait.ge [sflag:s12], $0x800  }
0x54: {  	s22 =	smov.u32 s21;
	s19 =	sadd.s32 $0x100, s19;
	[sflag:s12] =	ssyncset.done $0x0  }
0x55: {  	s21 =	sadd.s32 s20, s11;
	[sflag:s12] =	ssyncadd.s32 $0xFFFFF800  }
0x56: {  	[tilespmem:s4], [sflag:$0x2] =	stream.linear.gather [hbm4b:s21+s4], $0x80, $0x38;
	[tilespmem:$0xA00] =	vst v63  }
0x57: {  	_ =	swait.ge [sflag:s12], $0x80  }
0x58: {  	[sflag:s12] =	ssyncset.done $0x0  }
0x59: {  	s29 =	sadd.s32 s20, s10;
	[sflag:s12] =	ssyncadd.s32 $0xFFFFFF80  }
0x5a: {  	[tilespmem:s13], [sflag:$0x2] =	stream.linear.gather [hbm4b:s29+s4], $0x80, $0x38;
	[tilespmem:$0xA00] =	vst v63  }
0x5b: {  	_ =	swait.ge [sflag:s12], $0x80  }
0x5c: {  	[sflag:s12] =	ssyncset.done $0x0  }
0x5d: {  	[sflag:s12] =	ssyncadd.s32 $0xFFFFFF80  }
0x5e: {  	[tilespmem:s14], [sflag:$0x1] =	stream.indirect.gather [hbm4b:s2+s13], $0x1, s4, s13, $0xb8;
	[tilespmem:$0xA00] =	vst v63  }
0x5f: {  	_ = 	snop  }
0x60: {  	[tilespmem:s15], [sflag:$0x1] =	stream.indirect.gather [hbm4b:s3+s13], $0x1, s13, s13, $0xb8;
	[tilespmem:$0xA00] =	vst v63  }
0x61: {  	_ = 	snop  }
0x62: {  	[tilespmem:s16], [sflag:$0x1] =	stream.indirect.gather [hbm4b:s5+s13], $0x10, s13, s13, $0xb8;
	[tilespmem:$0xA00] =	vst v63  }
0x63: {  	_ =	swait.ge [sflag:s17], $0x80  }
0x64: {  	[sflag:s17] =	ssyncset.done $0x0  }
0x65: {  	[sflag:s17] =	ssyncadd.s32 $0xFFFFFF80  }
0x66: {  	_ =	swait.ge [sflag:s17], $0x80  }
0x67: {  	[sflag:s17] =	ssyncset.done $0x0  }
0x68: {  	[sflag:s17] =	ssyncadd.s32 $0xFFFFFF80  }
0x69: {  	_ =	swait.ge [sflag:s17], $0x800  }
0x6a: {  	[sflag:s17] =	ssyncset.done $0x0  }
0x6b: {  	s30 =	sadd.s32 s20, s9;
	[sflag:s17] =	ssyncadd.s32 $0xFFFFF800  }
0x6c: {  	[hbm4b:s30+s4] =	stream.linear.scatter [tilespmem:s14], [sflag:$0x2], $0x80, $0x38;
	[tilespmem:$0xA00] =	vst v63  }
0x6d: {  	_ =	swait.ge [sflag:s12], $0x80  }
0x6e: {  	[sflag:s12] =	ssyncset.done $0x0  }
0x6f: {  	s31 =	sadd.s32 s20, s8;
	[sflag:s12] =	ssyncadd.s32 $0xFFFFFF80  }
0x70: {  	[hbm4b:s31+s4] =	stream.linear.scatter [tilespmem:s15], [sflag:$0x2], $0x80, $0x38;
	[tilespmem:$0xA00] =	vst v63  }
0x71: {  	s18 =	sadd.s32 $0x1, s18;
	_ =	swait.ge [sflag:s12], $0x80  }
0x72: {  	p0 =	sne.s32 s18, s6;
	[sflag:s12] =	ssyncset.done $0x0  }
.Ltmp1:
0x73: {  	[sflag:s12] =	ssyncadd.s32 $0xFFFFFF80;
	(pc) =	sbr.rel @p0 .LBB2_1-.Ltmp1, $4  }
0x74: {  	[hbm4b:s19+s4] =	stream.linear.scatter [tilespmem:s16], [sflag:$0x2], $0x800, $0x38;
	[tilespmem:$0xA00] =	vst v63  }
0x75: {  	_ =	swait.ge [sflag:s12], $0x800  }
0x76: {  	[sflag:s12] =	ssyncset.done $0x0  }
0x77: {  	[sflag:s12] =	ssyncadd.s32 $0xFFFFF800  }
0x78: {  	_ =	sfence.sel $0x180000  }
0x79: {  	[bflag:$0x0] =	sbarrier.arrive $0xFFFF  }
0x7a: {  	p0 =	sne.s32 s1, $0x0;
	_ =	strace $0x90000047  }
0x7b: {  	s0 =	sadd.s32 @!p0 $0x100000, s0;
	[bflag:$0x2] =	sbarrier.arrive $0xFFFF  }
0x7c: {  	[sflag:s0] =	ssyncadd.tile.s32 @!p0 $0x1;
	_ =	shalt  }
.Lfunc_end2:
_tile_overlayer_lowered:
.L_overlay_start_2:
0x7d: {  	(tag) =	ssettag $0x2  }
0x7e: {  	s0 =	rddreg [dreg:$0x0];
	s2 =	stileid.u32  }
0x7f: {  	s1 =	rddreg [dreg:$0x1];
	p0 =	sne.s32 s2, $0x0  }
0x80: {  	s3 =	rddreg [dreg:$0x2];
	[bflag:$0x3] =	sbarrier.arrive $0xFFFF;
	s2 =	simm.s32 @!p0 $0x1C02  }
0x81: {  	[timem:s3], [sflag:s2] =	dma.local @!p0 [hbm:s0], s1  }
0x82: {  	s0 =	simm.s32 @!p0 $0x2  }
0x83: {  	_ =	swait.ge @!p0 [sflag:s0], s1  }
0x84: {  	s1 =	ssub.s32 @!p0 $0x0, s1;
	[sflag:s0] =	ssyncset.done @!p0 $0x0  }
0x85: {  	[sflag:s0] =	ssyncadd.s32 @!p0 s1  }
0x86: {  	[bflag:$0x3] =	sbarrier.arrive $0xFFFF  }
0x87: {  	_ =	shalt  }

</sc_bundles>
